<compile_context>
chip_gen: v7x
topology: tpu7x:2x2x1
jax: 0.10.2.dev20260603
libtpu: 0.0.44.dev20260713+nightly
codegen_flags: <defaults>
</compile_context>

<pallas_src>
import functools
import math

import jax
import jax.numpy as jnp
from jax import lax
from jax.experimental import pallas as pl
from jax.experimental.pallas import tpu as pltpu
from jax.experimental.pallas import tpu_sc as plsc

_K = 8
_NBLK = 2048
_LANES = 16
_NTILES = 32
_PAD_X = 1e9
_NEG = -3.0e38


def _block_scores(x_ref, w_ref, xb_ref, logits2_ref):
    @pl.when(pl.program_id(0) == 0)
    def _():
        logits2_ref[...] = 2.0 * jnp.dot(
            x_ref[...].astype(jnp.bfloat16), w_ref[...].astype(jnp.bfloat16),
            preferred_element_type=jnp.float32)

    xb = xb_ref[...]
    ones = jnp.ones((1, xb.shape[1]), jnp.float32)
    ksq = lax.dot_general(ones, xb * xb, (((1,), (1,)), ((), ())),
                          preferred_element_type=jnp.float32,
                          precision=lax.Precision.HIGHEST)
    return lax.dot_general(logits2_ref[...].astype(jnp.bfloat16),
                           xb.astype(jnp.bfloat16), (((1,), (1,)), ((), ())),
                           preferred_element_type=jnp.float32) - ksq


def _k1_body(nblk, k, x_ref, w_ref, xb_ref, vals_ref, cnts_ref, logits2_ref):
    scores = _block_scores(x_ref, w_ref, xb_ref, logits2_ref)
    half = nblk // 2
    a = scores[:, :half]
    bq = scores[:, half:]
    p = jnp.maximum(a, bq)
    q = jnp.minimum(a, bq)
    vcols, ccols = [], []
    for _ in range(k):
        m = jnp.max(p, axis=1, keepdims=True)
        eqm = p == m
        cnt = jnp.sum(jnp.where(eqm, 1.0, 0.0), axis=1, keepdims=True)
        vcols.append(m)
        ccols.append(cnt)
        p = jnp.where(eqm, q, p)
        q = jnp.where(eqm, _NEG, q)
    vals_ref[0] = jnp.concatenate(vcols, axis=1)
    cnts_ref[0] = jnp.concatenate(ccols, axis=1)


def _k2_body(nblk, nb, k, x_ref, w_ref, xb_ref, yb_ref, t_ref, out_ref,
             logits2_ref, acc_ref):
    scores = _block_scores(x_ref, w_ref, xb_ref, logits2_ref)
    t = t_ref[...]
    yb = yb_ref[...]

    @pl.when(pl.program_id(0) == 0)
    def _():
        acc_ref[...] = jnp.zeros_like(acc_ref)

    gt = scores > t
    eq = scores == t
    lab_gt = jnp.sum(jnp.where(gt, yb, 0.0), axis=1, keepdims=True)
    cnt_gt = jnp.sum(jnp.where(gt, 1.0, 0.0), axis=1, keepdims=True)
    lab_eq = jnp.sum(jnp.where(eq, yb, 0.0), axis=1, keepdims=True)
    cnt_eq = jnp.sum(jnp.where(eq, 1.0, 0.0), axis=1, keepdims=True)
    acc_ref[...] += jnp.concatenate([lab_gt, cnt_gt, lab_eq, cnt_eq], axis=1)

    @pl.when(pl.program_id(0) == nb - 1)
    def _():
        acc = acc_ref[...]
        lg, cg = acc[:, 0:1], acc[:, 1:2]
        le, ce = acc[:, 2:3], acc[:, 3:4]
        out_ref[...] = (lg + (k - cg) * le / jnp.maximum(ce, 1.0)) * (1.0 / k)


def _pad_db(xdb):
    n, d = xdb.shape
    nb = math.ceil(n / _NBLK)
    xp = jnp.concatenate(
        [xdb, jnp.full((nb * _NBLK - n, d), _PAD_X, jnp.float32)], axis=0)
    return xp, nb


def _phase1(x, xp, w, nb):
    b, d = x.shape
    vals, cnts = pl.pallas_call(
        functools.partial(_k1_body, _NBLK, _K),
        grid=(nb,),
        in_specs=[
            pl.BlockSpec((b, d), lambda j: (0, 0)),
            pl.BlockSpec((d, d), lambda j: (0, 0)),
            pl.BlockSpec((_NBLK, d), lambda j: (j, 0)),
        ],
        out_specs=[
            pl.BlockSpec((1, b, _K), lambda j: (j, 0, 0)),
            pl.BlockSpec((1, b, _K), lambda j: (j, 0, 0)),
        ],
        out_shape=[
            jax.ShapeDtypeStruct((nb, b, _K), jnp.float32),
            jax.ShapeDtypeStruct((nb, b, _K), jnp.float32),
        ],
        scratch_shapes=[pltpu.VMEM((b, d), jnp.float32)],
    )(x, w, xp)
    vals = jnp.transpose(vals, (1, 0, 2)).reshape(b, nb * _K)
    cnts = jnp.transpose(cnts, (1, 0, 2)).reshape(b, nb * _K)
    return vals, cnts


def _sc_t_body(qt, cand, vals_hbm, cnts_hbm, out_hbm, vals_v, cnts_v, t_v):
    wid = lax.axis_index("s") * 2 + lax.axis_index("c")
    base = wid * qt
    pltpu.sync_copy(vals_hbm.at[pl.ds(base, qt), :], vals_v)
    pltpu.sync_copy(cnts_hbm.at[pl.ds(base, qt), :], cnts_v)
    lane = lax.iota(jnp.int32, _LANES)

    def q_body(g, i, t_vec):
        q = g * _LANES + i
        r = jnp.full((_LANES,), _NEG, jnp.float32)
        rc = jnp.zeros((_LANES,), jnp.float32)
        for c in range(cand // _LANES):
            v = vals_v[q, pl.ds(c * _LANES, _LANES)]
            cn = cnts_v[q, pl.ds(c * _LANES, _LANES)]
            vs, cs_ = plsc.sort_key_val(v, cn)
            keep = r >= vs
            nv = jnp.where(keep, r, vs)
            nc = jnp.where(keep, rc, cs_)
            r, rc = plsc.sort_key_val(nv, nc, descending=True)
        csum = plsc.cumsum(rc)
        t = jnp.max(jnp.where(csum >= float(_K), r, _NEG), axis=0)
        return jnp.where(lane == i, t, t_vec)

    for g in range(qt // _LANES):
        t_vec = lax.fori_loop(
            0, _LANES, functools.partial(q_body, g),
            jnp.zeros((_LANES,), jnp.float32))
        t_v[pl.ds(g * _LANES, _LANES)] = t_vec
    pltpu.sync_copy(t_v, out_hbm.at[pl.ds(base, qt)])


def _phase2_sc(vals, cnts):
    b, c = vals.shape
    cand = math.ceil(c / _LANES) * _LANES
    vals = jnp.pad(vals, ((0, 0), (0, cand - c)), constant_values=_NEG)
    cnts = jnp.pad(cnts, ((0, 0), (0, cand - c)))
    qt = b // _NTILES
    mesh = plsc.VectorSubcoreMesh(core_axis_name="c", subcore_axis_name="s")
    return pl.kernel(
        functools.partial(_sc_t_body, qt, cand),
        out_type=jax.ShapeDtypeStruct((b,), jnp.float32),
        mesh=mesh,
        scratch_types=[
            pltpu.VMEM((qt, cand), jnp.float32),
            pltpu.VMEM((qt, cand), jnp.float32),
            pltpu.VMEM((qt,), jnp.float32),
        ],
        compiler_params=pltpu.CompilerParams(needs_layout_passes=False),
    )(vals, cnts)


def _phase3(x, xp, y, w, t, nb):
    b, d = x.shape
    npad = nb * _NBLK
    yf = jnp.concatenate(
        [y.astype(jnp.float32), jnp.zeros((npad - y.shape[0],), jnp.float32)]
    ).reshape(1, npad)
    return pl.pallas_call(
        functools.partial(_k2_body, _NBLK, nb, _K),
        grid=(nb,),
        in_specs=[
            pl.BlockSpec((b, d), lambda j: (0, 0)),
            pl.BlockSpec((d, d), lambda j: (0, 0)),
            pl.BlockSpec((_NBLK, d), lambda j: (j, 0)),
            pl.BlockSpec((1, _NBLK), lambda j: (0, j)),
            pl.BlockSpec((b, 1), lambda j: (0, 0)),
        ],
        out_specs=pl.BlockSpec((b, 1), lambda j: (0, 0)),
        out_shape=jax.ShapeDtypeStruct((b, 1), jnp.float32),
        scratch_shapes=[pltpu.VMEM((b, d), jnp.float32),
                        pltpu.VMEM((b, 4), jnp.float32)],
    )(x, w, xp, yf, t)


def kernel(x, X, Y, W):
    xp, nb = _pad_db(X)
    vals, cnts = _phase1(x, xp, W, nb)
    t = _phase2_sc(vals, cnts)
    votes = _phase3(x, xp, Y, W, t[:, None], nb)
    return jnp.pad(votes, ((0, 0), (0, 1)))

# --- scband reference (transcript-rebuilt; emitter-appended) ---
"""Pipeline reference for scband-knn-31104153157973 (READ-ONLY COPY).

The authoritative reference and input builder live on the scoring server;
editing this copy changes nothing except your own understanding.
"""

import jax, jax.numpy as jnp
import numpy as np

K_NEIGHBORS = 8


def setup_inputs(seed: int = 0) -> dict:
    key = jax.random.key(seed)
    k1, k2, k3, k4 = jax.random.split(key, 4)
    # query inputs fed through the wrapped model
    x = jax.random.normal(k1, (1024, 128), dtype=jnp.float32)
    # stored reference embeddings (KNN database)
    X = jax.random.normal(k2, (100000, 128), dtype=jnp.float32)
    # binary labels for stored points (num_classes = 2)
    Y = jax.random.randint(k3, (100000,), 0, 2, dtype=jnp.int32)
    # weight of the wrapped model (single dense projection standing in for model.model)
    W = jax.random.normal(k4, (128, 128), dtype=jnp.float32) * 0.05
    return {"x": x, "X": X, "Y": Y, "W": W}


def reference(x, X, Y, W):
    # logits = self.model(x)
    logits = x @ W
    # knn(logits, X, Y, K): squared-euclidean nearest neighbors
    q_sq = jnp.sum(logits * logits, axis=1, keepdims=True)          # [B,1]
    k_sq = jnp.sum(X * X, axis=1)[None, :]                           # [1,N]
    neg_dist = -(q_sq - 2.0 * (logits @ X.T) + k_sq)                 # [B,N]
    _, idx = jax.lax.top_k(neg_dist, K_NEIGHBORS)                    # [B,K]
    nbr_labels = jnp.take(Y, idx, axis=0).astype(jnp.float32)        # [B,K]
    votes = jnp.mean(nbr_labels, axis=1)                             # [B]
    # tf.pad(tf.expand_dims(votes, 1), [[0,0],[0,1]]) -> [B, 2]
    out = jnp.pad(votes[:, None], ((0, 0), (0, 1)))
    return out

if __name__ == "__main__":
    import jax
    _d = setup_inputs()
    print(jax.jit(kernel)(*tuple(_d.values())))

</pallas_src>

<mosaic_0001>
#map = affine_map<(d0, d1) -> (0, 0)>
#map1 = affine_map<(d0, d1) -> (0)>
module attributes {stable_mosaic.version = 14 : i64} {
  func.func @_sc_t_body(%arg0: i32, %arg1: i32, %arg2: memref<1024x400xf32, #tpu.memory_space<hbm>>, %arg3: memref<1024x400xf32, #tpu.memory_space<hbm>>, %arg4: memref<1024xf32, #tpu.memory_space<hbm>>, %arg5: memref<32x400xf32, #tpu.memory_space<vmem>>, %arg6: memref<32x400xf32, #tpu.memory_space<vmem>>, %arg7: memref<32xf32, #tpu.memory_space<vmem>>) attributes {dimension_semantics = [#tpu.dimension_semantics<core_parallel>, #tpu.dimension_semantics<subcore_parallel>], iteration_bounds = array<i64: 2, 16>, scalar_prefetch = 0 : i64, scratch_operands = 3 : i64, tpu.core_type = #tpu.core_type<sc_vector_subcore>, window_params = [{transform_indices = #map}, {transform_indices = #map}, {transform_indices = #map1}]} {
    %mul3A = arith.constant 2 : i32
    %mul3A_0 = arith.muli %arg1, %mul3A : i32
    %add3A = arith.addi %mul3A_0, %arg0 : i32
    %mul3A_1 = arith.constant 32 : i32
    %mul3A_2 = arith.muli %add3A, %mul3A_1 : i32
    "tpu.region"() ({
      %run_scoped3A = tpu.sem_alloc : memref<!tpu.dma_semaphore, #tpu.memory_space<semaphore_mem>>
      %dma_start3A = arith.constant 0 : i32
      %dma_start3A_20 = tpu.memref_slice %arg2[%mul3A_2, %dma_start3A] : memref<1024x400xf32, #tpu.memory_space<hbm>> -> memref<32x400xf32, #tpu.memory_space<hbm>>
      %dma_start3A_21 = arith.constant 0 : i32
      %dma_start3A_22 = tpu.memref_slice %arg2[%mul3A_2, %dma_start3A_21] : memref<1024x400xf32, #tpu.memory_space<hbm>> -> memref<32x400xf32, #tpu.memory_space<hbm>>
      tpu.enqueue_dma source(%dma_start3A_22 : memref<32x400xf32, #tpu.memory_space<hbm>>) target(%arg5 : memref<32x400xf32, #tpu.memory_space<vmem>>) target_semaphore(%run_scoped3A : memref<!tpu.dma_semaphore, #tpu.memory_space<semaphore_mem>>)
      %dma_wait3A = arith.constant 0 : i32
      %dma_wait3A_23 = tpu.memref_slice %arg2[%mul3A_2, %dma_wait3A] : memref<1024x400xf32, #tpu.memory_space<hbm>> -> memref<32x400xf32, #tpu.memory_space<hbm>>
      %dma_wait3A_24 = arith.constant 0 : i32
      %dma_wait3A_25 = tpu.memref_slice %arg2[%mul3A_2, %dma_wait3A_24] : memref<1024x400xf32, #tpu.memory_space<hbm>> -> memref<32x400xf32, #tpu.memory_space<hbm>>
      tpu.wait_dma2 semaphore(%run_scoped3A : memref<!tpu.dma_semaphore, #tpu.memory_space<semaphore_mem>>) src(%dma_wait3A_25 : memref<32x400xf32, #tpu.memory_space<hbm>>) dst(%arg5 : memref<32x400xf32, #tpu.memory_space<vmem>>)
      tpu.yield
    }) : () -> ()
    "tpu.region"() ({
      %run_scoped3A = tpu.sem_alloc : memref<!tpu.dma_semaphore, #tpu.memory_space<semaphore_mem>>
      %dma_start3A = arith.constant 0 : i32
      %dma_start3A_20 = tpu.memref_slice %arg3[%mul3A_2, %dma_start3A] : memref<1024x400xf32, #tpu.memory_space<hbm>> -> memref<32x400xf32, #tpu.memory_space<hbm>>
      %dma_start3A_21 = arith.constant 0 : i32
      %dma_start3A_22 = tpu.memref_slice %arg3[%mul3A_2, %dma_start3A_21] : memref<1024x400xf32, #tpu.memory_space<hbm>> -> memref<32x400xf32, #tpu.memory_space<hbm>>
      tpu.enqueue_dma source(%dma_start3A_22 : memref<32x400xf32, #tpu.memory_space<hbm>>) target(%arg6 : memref<32x400xf32, #tpu.memory_space<vmem>>) target_semaphore(%run_scoped3A : memref<!tpu.dma_semaphore, #tpu.memory_space<semaphore_mem>>)
      %dma_wait3A = arith.constant 0 : i32
      %dma_wait3A_23 = tpu.memref_slice %arg3[%mul3A_2, %dma_wait3A] : memref<1024x400xf32, #tpu.memory_space<hbm>> -> memref<32x400xf32, #tpu.memory_space<hbm>>
      %dma_wait3A_24 = arith.constant 0 : i32
      %dma_wait3A_25 = tpu.memref_slice %arg3[%mul3A_2, %dma_wait3A_24] : memref<1024x400xf32, #tpu.memory_space<hbm>> -> memref<32x400xf32, #tpu.memory_space<hbm>>
      tpu.wait_dma2 semaphore(%run_scoped3A : memref<!tpu.dma_semaphore, #tpu.memory_space<semaphore_mem>>) src(%dma_wait3A_25 : memref<32x400xf32, #tpu.memory_space<hbm>>) dst(%arg6 : memref<32x400xf32, #tpu.memory_space<vmem>>)
      tpu.yield
    }) : () -> ()
    %iota3A = tpu.iota {dimensions = array<i32: 0>} : vector<16xi32>
    %broadcast_in_dim3A = arith.constant 0.000000e+00 : f32
    %broadcast_in_dim3A_3 = vector.broadcast %broadcast_in_dim3A : f32 to vector<16xf32>
    %scan3A = arith.constant 0 : i32
    %scan3A_4 = arith.constant 16 : i32
    %scan3A_5 = arith.addi %scan3A, %scan3A_4 : i32
    %scan3A_6 = arith.constant 1 : i32
    %scan3A_7 = scf.for %scan3A_20 = %scan3A to %scan3A_5 step %scan3A_6 iter_args(%scan3A_21 = %broadcast_in_dim3A_3) -> (vector<16xf32>)  : i32 {
      %add3A_22 = arith.constant 0 : i32
      %add3A_23 = arith.addi %add3A_22, %scan3A_20 : i32
      %broadcast_in_dim3A_24 = arith.constant -3.000000e+38 : f32
      %broadcast_in_dim3A_25 = vector.broadcast %broadcast_in_dim3A_24 : f32 to vector<16xf32>
      %broadcast_in_dim3A_26 = arith.constant 0.000000e+00 : f32
      %broadcast_in_dim3A_27 = vector.broadcast %broadcast_in_dim3A_26 : f32 to vector<16xf32>
      %get3A = arith.index_cast %add3A_23 : i32 to index
      %get3A_28 = arith.constant 0 : index
      %get3A_29 = tpu.vector_load %arg5[%get3A, %get3A_28] {strides = array<i32>} : memref<32x400xf32, #tpu.memory_space<vmem>>, vector<16xf32>,
      %get3A_30 = arith.index_cast %add3A_23 : i32 to index
      %get3A_31 = arith.constant 0 : index
      %get3A_32 = tpu.vector_load %arg6[%get3A_30, %get3A_31] {strides = array<i32>} : memref<32x400xf32, #tpu.memory_space<vmem>>, vector<16xf32>,
      %masked_sort3A = arith.constant dense<true> : vector<16xi1>
      %masked_sort3A_33, %masked_sort3A_34, %masked_sort3A_35 = tpu.sort %get3A_29, %get3A_32 masked %masked_sort3A : (vector<16xf32>, vector<16xf32>, vector<16xi1>) -> (vector<16xi1>, vector<16xf32>, vector<16xf32>)
      %ge3A = arith.cmpf oge, %broadcast_in_dim3A_25, %masked_sort3A_34 : vector<16xf32>
      %select_n3A = arith.select %ge3A, %broadcast_in_dim3A_25, %masked_sort3A_34 : vector<16xi1>, vector<16xf32>
      %select_n3A_36 = arith.select %ge3A, %broadcast_in_dim3A_27, %masked_sort3A_35 : vector<16xi1>, vector<16xf32>
      %masked_sort3A_37 = arith.constant dense<true> : vector<16xi1>
      %masked_sort3A_38, %masked_sort3A_39, %masked_sort3A_40 = tpu.sort %select_n3A, %select_n3A_36 masked %masked_sort3A_37 {descending = true} : (vector<16xf32>, vector<16xf32>, vector<16xi1>) -> (vector<16xi1>, vector<16xf32>, vector<16xf32>)
      %get3A_41 = arith.index_cast %add3A_23 : i32 to index
      %get3A_42 = arith.constant 16 : index
      %get3A_43 = tpu.vector_load %arg5[%get3A_41, %get3A_42] {strides = array<i32>} : memref<32x400xf32, #tpu.memory_space<vmem>>, vector<16xf32>,
      %get3A_44 = arith.index_cast %add3A_23 : i32 to index
      %get3A_45 = arith.constant 16 : index
      %get3A_46 = tpu.vector_load %arg6[%get3A_44, %get3A_45] {strides = array<i32>} : memref<32x400xf32, #tpu.memory_space<vmem>>, vector<16xf32>,
      %masked_sort3A_47 = arith.constant dense<true> : vector<16xi1>
      %masked_sort3A_48, %masked_sort3A_49, %masked_sort3A_50 = tpu.sort %get3A_43, %get3A_46 masked %masked_sort3A_47 : (vector<16xf32>, vector<16xf32>, vector<16xi1>) -> (vector<16xi1>, vector<16xf32>, vector<16xf32>)
      %ge3A_51 = arith.cmpf oge, %masked_sort3A_39, %masked_sort3A_49 : vector<16xf32>
      %select_n3A_52 = arith.select %ge3A_51, %masked_sort3A_39, %masked_sort3A_49 : vector<16xi1>, vector<16xf32>
      %select_n3A_53 = arith.select %ge3A_51, %masked_sort3A_40, %masked_sort3A_50 : vector<16xi1>, vector<16xf32>
      %masked_sort3A_54 = arith.constant dense<true> : vector<16xi1>
      %masked_sort3A_55, %masked_sort3A_56, %masked_sort3A_57 = tpu.sort %select_n3A_52, %select_n3A_53 masked %masked_sort3A_54 {descending = true} : (vector<16xf32>, vector<16xf32>, vector<16xi1>) -> (vector<16xi1>, vector<16xf32>, vector<16xf32>)
      %get3A_58 = arith.index_cast %add3A_23 : i32 to index
      %get3A_59 = arith.constant 32 : index
      %get3A_60 = tpu.vector_load %arg5[%get3A_58, %get3A_59] {strides = array<i32>} : memref<32x400xf32, #tpu.memory_space<vmem>>, vector<16xf32>,
      %get3A_61 = arith.index_cast %add3A_23 : i32 to index
      %get3A_62 = arith.constant 32 : index
      %get3A_63 = tpu.vector_load %arg6[%get3A_61, %get3A_62] {strides = array<i32>} : memref<32x400xf32, #tpu.memory_space<vmem>>, vector<16xf32>,
      %masked_sort3A_64 = arith.constant dense<true> : vector<16xi1>
      %masked_sort3A_65, %masked_sort3A_66, %masked_sort3A_67 = tpu.sort %get3A_60, %get3A_63 masked %masked_sort3A_64 : (vector<16xf32>, vector<16xf32>, vector<16xi1>) -> (vector<16xi1>, vector<16xf32>, vector<16xf32>)
      %ge3A_68 = arith.cmpf oge, %masked_sort3A_56, %masked_sort3A_66 : vector<16xf32>
      %select_n3A_69 = arith.select %ge3A_68, %masked_sort3A_56, %masked_sort3A_66 : vector<16xi1>, vector<16xf32>
      %select_n3A_70 = arith.select %ge3A_68, %masked_sort3A_57, %masked_sort3A_67 : vector<16xi1>, vector<16xf32>
      %masked_sort3A_71 = arith.constant dense<true> : vector<16xi1>
      %masked_sort3A_72, %masked_sort3A_73, %masked_sort3A_74 = tpu.sort %select_n3A_69, %select_n3A_70 masked %masked_sort3A_71 {descending = true} : (vector<16xf32>, vector<16xf32>, vector<16xi1>) -> (vector<16xi1>, vector<16xf32>, vector<16xf32>)
      %get3A_75 = arith.index_cast %add3A_23 : i32 to index
      %get3A_76 = arith.constant 48 : index
      %get3A_77 = tpu.vector_load %arg5[%get3A_75, %get3A_76] {strides = array<i32>} : memref<32x400xf32, #tpu.memory_space<vmem>>, vector<16xf32>,
      %get3A_78 = arith.index_cast %add3A_23 : i32 to index
      %get3A_79 = arith.constant 48 : index
      %get3A_80 = tpu.vector_load %arg6[%get3A_78, %get3A_79] {strides = array<i32>} : memref<32x400xf32, #tpu.memory_space<vmem>>, vector<16xf32>,
      %masked_sort3A_81 = arith.constant dense<true> : vector<16xi1>
      %masked_sort3A_82, %masked_sort3A_83, %masked_sort3A_84 = tpu.sort %get3A_77, %get3A_80 masked %masked_sort3A_81 : (vector<16xf32>, vector<16xf32>, vector<16xi1>) -> (vector<16xi1>, vector<16xf32>, vector<16xf32>)
      %ge3A_85 = arith.cmpf oge, %masked_sort3A_73, %masked_sort3A_83 : vector<16xf32>
      %select_n3A_86 = arith.select %ge3A_85, %masked_sort3A_73, %masked_sort3A_83 : vector<16xi1>, vector<16xf32>
      %select_n3A_87 = arith.select %ge3A_85, %masked_sort3A_74, %masked_sort3A_84 : vector<16xi1>, vector<16xf32>
      %masked_sort3A_88 = arith.constant dense<true> : vector<16xi1>
      %masked_sort3A_89, %masked_sort3A_90, %masked_sort3A_91 = tpu.sort %select_n3A_86, %select_n3A_87 masked %masked_sort3A_88 {descending = true} : (vector<16xf32>, vector<16xf32>, vector<16xi1>) -> (vector<16xi1>, vector<16xf32>, vector<16xf32>)
      %get3A_92 = arith.index_cast %add3A_23 : i32 to index
      %get3A_93 = arith.constant 64 : index
      %get3A_94 = tpu.vector_load %arg5[%get3A_92, %get3A_93] {strides = array<i32>} : memref<32x400xf32, #tpu.memory_space<vmem>>, vector<16xf32>,
      %get3A_95 = arith.index_cast %add3A_23 : i32 to index
      %get3A_96 = arith.constant 64 : index
      %get3A_97 = tpu.vector_load %arg6[%get3A_95, %get3A_96] {strides = array<i32>} : memref<32x400xf32, #tpu.memory_space<vmem>>, vector<16xf32>,
      %masked_sort3A_98 = arith.constant dense<true> : vector<16xi1>
      %masked_sort3A_99, %masked_sort3A_100, %masked_sort3A_101 = tpu.sort %get3A_94, %get3A_97 masked %masked_sort3A_98 : (vector<16xf32>, vector<16xf32>, vector<16xi1>) -> (vector<16xi1>, vector<16xf32>, vector<16xf32>)
      %ge3A_102 = arith.cmpf oge, %masked_sort3A_90, %masked_sort3A_100 : vector<16xf32>
      %select_n3A_103 = arith.select %ge3A_102, %masked_sort3A_90, %masked_sort3A_100 : vector<16xi1>, vector<16xf32>
      %select_n3A_104 = arith.select %ge3A_102, %masked_sort3A_91, %masked_sort3A_101 : vector<16xi1>, vector<16xf32>
      %masked_sort3A_105 = arith.constant dense<true> : vector<16xi1>
      %masked_sort3A_106, %masked_sort3A_107, %masked_sort3A_108 = tpu.sort %select_n3A_103, %select_n3A_104 masked %masked_sort3A_105 {descending = true} : (vector<16xf32>, vector<16xf32>, vector<16xi1>) -> (vector<16xi1>, vector<16xf32>, vector<16xf32>)
      %get3A_109 = arith.index_cast %add3A_23 : i32 to index
      %get3A_110 = arith.constant 80 : index
      %get3A_111 = tpu.vector_load %arg5[%get3A_109, %get3A_110] {strides = array<i32>} : memref<32x400xf32, #tpu.memory_space<vmem>>, vector<16xf32>,
      %get3A_112 = arith.index_cast %add3A_23 : i32 to index
      %get3A_113 = arith.constant 80 : index
      %get3A_114 = tpu.vector_load %arg6[%get3A_112, %get3A_113] {strides = array<i32>} : memref<32x400xf32, #tpu.memory_space<vmem>>, vector<16xf32>,
      %masked_sort3A_115 = arith.constant dense<true> : vector<16xi1>
      %masked_sort3A_116, %masked_sort3A_117, %masked_sort3A_118 = tpu.sort %get3A_111, %get3A_114 masked %masked_sort3A_115 : (vector<16xf32>, vector<16xf32>, vector<16xi1>) -> (vector<16xi1>, vector<16xf32>, vector<16xf32>)
      %ge3A_119 = arith.cmpf oge, %masked_sort3A_107, %masked_sort3A_117 : vector<16xf32>
      %select_n3A_120 = arith.select %ge3A_119, %masked_sort3A_107, %masked_sort3A_117 : vector<16xi1>, vector<16xf32>
      %select_n3A_121 = arith.select %ge3A_119, %masked_sort3A_108, %masked_sort3A_118 : vector<16xi1>, vector<16xf32>
      %masked_sort3A_122 = arith.constant dense<true> : vector<16xi1>
      %masked_sort3A_123, %masked_sort3A_124, %masked_sort3A_125 = tpu.sort %select_n3A_120, %select_n3A_121 masked %masked_sort3A_122 {descending = true} : (vector<16xf32>, vector<16xf32>, vector<16xi1>) -> (vector<16xi1>, vector<16xf32>, vector<16xf32>)
      %get3A_126 = arith.index_cast %add3A_23 : i32 to index
      %get3A_127 = arith.constant 96 : index
      %get3A_128 = tpu.vector_load %arg5[%get3A_126, %get3A_127] {strides = array<i32>} : memref<32x400xf32, #tpu.memory_space<vmem>>, vector<16xf32>,
      %get3A_129 = arith.index_cast %add3A_23 : i32 to index
      %get3A_130 = arith.constant 96 : index
      %get3A_131 = tpu.vector_load %arg6[%get3A_129, %get3A_130] {strides = array<i32>} : memref<32x400xf32, #tpu.memory_space<vmem>>, vector<16xf32>,
      %masked_sort3A_132 = arith.constant dense<true> : vector<16xi1>
      %masked_sort3A_133, %masked_sort3A_134, %masked_sort3A_135 = tpu.sort %get3A_128, %get3A_131 masked %masked_sort3A_132 : (vector<16xf32>, vector<16xf32>, vector<16xi1>) -> (vector<16xi1>, vector<16xf32>, vector<16xf32>)
      %ge3A_136 = arith.cmpf oge, %masked_sort3A_124, %masked_sort3A_134 : vector<16xf32>
      %select_n3A_137 = arith.select %ge3A_136, %masked_sort3A_124, %masked_sort3A_134 : vector<16xi1>, vector<16xf32>
      %select_n3A_138 = arith.select %ge3A_136, %masked_sort3A_125, %masked_sort3A_135 : vector<16xi1>, vector<16xf32>
      %masked_sort3A_139 = arith.constant dense<true> : vector<16xi1>
      %masked_sort3A_140, %masked_sort3A_141, %masked_sort3A_142 = tpu.sort %select_n3A_137, %select_n3A_138 masked %masked_sort3A_139 {descending = true} : (vector<16xf32>, vector<16xf32>, vector<16xi1>) -> (vector<16xi1>, vector<16xf32>, vector<16xf32>)
      %get3A_143 = arith.index_cast %add3A_23 : i32 to index
      %get3A_144 = arith.constant 112 : index
      %get3A_145 = tpu.vector_load %arg5[%get3A_143, %get3A_144] {strides = array<i32>} : memref<32x400xf32, #tpu.memory_space<vmem>>, vector<16xf32>,
      %get3A_146 = arith.index_cast %add3A_23 : i32 to index
      %get3A_147 = arith.constant 112 : index
      %get3A_148 = tpu.vector_load %arg6[%get3A_146, %get3A_147] {strides = array<i32>} : memref<32x400xf32, #tpu.memory_space<vmem>>, vector<16xf32>,
      %masked_sort3A_149 = arith.constant dense<true> : vector<16xi1>
      %masked_sort3A_150, %masked_sort3A_151, %masked_sort3A_152 = tpu.sort %get3A_145, %get3A_148 masked %masked_sort3A_149 : (vector<16xf32>, vector<16xf32>, vector<16xi1>) -> (vector<16xi1>, vector<16xf32>, vector<16xf32>)
      %ge3A_153 = arith.cmpf oge, %masked_sort3A_141, %masked_sort3A_151 : vector<16xf32>
      %select_n3A_154 = arith.select %ge3A_153, %masked_sort3A_141, %masked_sort3A_151 : vector<16xi1>, vector<16xf32>
      %select_n3A_155 = arith.select %ge3A_153, %masked_sort3A_142, %masked_sort3A_152 : vector<16xi1>, vector<16xf32>
      %masked_sort3A_156 = arith.constant dense<true> : vector<16xi1>
      %masked_sort3A_157, %masked_sort3A_158, %masked_sort3A_159 = tpu.sort %select_n3A_154, %select_n3A_155 masked %masked_sort3A_156 {descending = true} : (vector<16xf32>, vector<16xf32>, vector<16xi1>) -> (vector<16xi1>, vector<16xf32>, vector<16xf32>)
      %get3A_160 = arith.index_cast %add3A_23 : i32 to index
      %get3A_161 = arith.constant 128 : index
      %get3A_162 = tpu.vector_load %arg5[%get3A_160, %get3A_161] {strides = array<i32>} : memref<32x400xf32, #tpu.memory_space<vmem>>, vector<16xf32>,
      %get3A_163 = arith.index_cast %add3A_23 : i32 to index
      %get3A_164 = arith.constant 128 : index
      %get3A_165 = tpu.vector_load %arg6[%get3A_163, %get3A_164] {strides = array<i32>} : memref<32x400xf32, #tpu.memory_space<vmem>>, vector<16xf32>,
      %masked_sort3A_166 = arith.constant dense<true> : vector<16xi1>
      %masked_sort3A_167, %masked_sort3A_168, %masked_sort3A_169 = tpu.sort %get3A_162, %get3A_165 masked %masked_sort3A_166 : (vector<16xf32>, vector<16xf32>, vector<16xi1>) -> (vector<16xi1>, vector<16xf32>, vector<16xf32>)
      %ge3A_170 = arith.cmpf oge, %masked_sort3A_158, %masked_sort3A_168 : vector<16xf32>
      %select_n3A_171 = arith.select %ge3A_170, %masked_sort3A_158, %masked_sort3A_168 : vector<16xi1>, vector<16xf32>
      %select_n3A_172 = arith.select %ge3A_170, %masked_sort3A_159, %masked_sort3A_169 : vector<16xi1>, vector<16xf32>
      %masked_sort3A_173 = arith.constant dense<true> : vector<16xi1>
      %masked_sort3A_174, %masked_sort3A_175, %masked_sort3A_176 = tpu.sort %select_n3A_171, %select_n3A_172 masked %masked_sort3A_173 {descending = true} : (vector<16xf32>, vector<16xf32>, vector<16xi1>) -> (vector<16xi1>, vector<16xf32>, vector<16xf32>)
      %get3A_177 = arith.index_cast %add3A_23 : i32 to index
      %get3A_178 = arith.constant 144 : index
      %get3A_179 = tpu.vector_load %arg5[%get3A_177, %get3A_178] {strides = array<i32>} : memref<32x400xf32, #tpu.memory_space<vmem>>, vector<16xf32>,
      %get3A_180 = arith.index_cast %add3A_23 : i32 to index
      %get3A_181 = arith.constant 144 : index
      %get3A_182 = tpu.vector_load %arg6[%get3A_180, %get3A_181] {strides = array<i32>} : memref<32x400xf32, #tpu.memory_space<vmem>>, vector<16xf32>,
      %masked_sort3A_183 = arith.constant dense<true> : vector<16xi1>
      %masked_sort3A_184, %masked_sort3A_185, %masked_sort3A_186 = tpu.sort %get3A_179, %get3A_182 masked %masked_sort3A_183 : (vector<16xf32>, vector<16xf32>, vector<16xi1>) -> (vector<16xi1>, vector<16xf32>, vector<16xf32>)
      %ge3A_187 = arith.cmpf oge, %masked_sort3A_175, %masked_sort3A_185 : vector<16xf32>
      %select_n3A_188 = arith.select %ge3A_187, %masked_sort3A_175, %masked_sort3A_185 : vector<16xi1>, vector<16xf32>
      %select_n3A_189 = arith.select %ge3A_187, %masked_sort3A_176, %masked_sort3A_186 : vector<16xi1>, vector<16xf32>
      %masked_sort3A_190 = arith.constant dense<true> : vector<16xi1>
      %masked_sort3A_191, %masked_sort3A_192, %masked_sort3A_193 = tpu.sort %select_n3A_188, %select_n3A_189 masked %masked_sort3A_190 {descending = true} : (vector<16xf32>, vector<16xf32>, vector<16xi1>) -> (vector<16xi1>, vector<16xf32>, vector<16xf32>)
      %get3A_194 = arith.index_cast %add3A_23 : i32 to index
      %get3A_195 = arith.constant 160 : index
      %get3A_196 = tpu.vector_load %arg5[%get3A_194, %get3A_195] {strides = array<i32>} : memref<32x400xf32, #tpu.memory_space<vmem>>, vector<16xf32>,
      %get3A_197 = arith.index_cast %add3A_23 : i32 to index
      %get3A_198 = arith.constant 160 : index
      %get3A_199 = tpu.vector_load %arg6[%get3A_197, %get3A_198] {strides = array<i32>} : memref<32x400xf32, #tpu.memory_space<vmem>>, vector<16xf32>,
      %masked_sort3A_200 = arith.constant dense<true> : vector<16xi1>
      %masked_sort3A_201, %masked_sort3A_202, %masked_sort3A_203 = tpu.sort %get3A_196, %get3A_199 masked %masked_sort3A_200 : (vector<16xf32>, vector<16xf32>, vector<16xi1>) -> (vector<16xi1>, vector<16xf32>, vector<16xf32>)
      %ge3A_204 = arith.cmpf oge, %masked_sort3A_192, %masked_sort3A_202 : vector<16xf32>
      %select_n3A_205 = arith.select %ge3A_204, %masked_sort3A_192, %masked_sort3A_202 : vector<16xi1>, vector<16xf32>
      %select_n3A_206 = arith.select %ge3A_204, %masked_sort3A_193, %masked_sort3A_203 : vector<16xi1>, vector<16xf32>
      %masked_sort3A_207 = arith.constant dense<true> : vector<16xi1>
      %masked_sort3A_208, %masked_sort3A_209, %masked_sort3A_210 = tpu.sort %select_n3A_205, %select_n3A_206 masked %masked_sort3A_207 {descending = true} : (vector<16xf32>, vector<16xf32>, vector<16xi1>) -> (vector<16xi1>, vector<16xf32>, vector<16xf32>)
      %get3A_211 = arith.index_cast %add3A_23 : i32 to index
      %get3A_212 = arith.constant 176 : index
      %get3A_213 = tpu.vector_load %arg5[%get3A_211, %get3A_212] {strides = array<i32>} : memref<32x400xf32, #tpu.memory_space<vmem>>, vector<16xf32>,
      %get3A_214 = arith.index_cast %add3A_23 : i32 to index
      %get3A_215 = arith.constant 176 : index
      %get3A_216 = tpu.vector_load %arg6[%get3A_214, %get3A_215] {strides = array<i32>} : memref<32x400xf32, #tpu.memory_space<vmem>>, vector<16xf32>,
      %masked_sort3A_217 = arith.constant dense<true> : vector<16xi1>
      %masked_sort3A_218, %masked_sort3A_219, %masked_sort3A_220 = tpu.sort %get3A_213, %get3A_216 masked %masked_sort3A_217 : (vector<16xf32>, vector<16xf32>, vector<16xi1>) -> (vector<16xi1>, vector<16xf32>, vector<16xf32>)
      %ge3A_221 = arith.cmpf oge, %masked_sort3A_209, %masked_sort3A_219 : vector<16xf32>
      %select_n3A_222 = arith.select %ge3A_221, %masked_sort3A_209, %masked_sort3A_219 : vector<16xi1>, vector<16xf32>
      %select_n3A_223 = arith.select %ge3A_221, %masked_sort3A_210, %masked_sort3A_220 : vector<16xi1>, vector<16xf32>
      %masked_sort3A_224 = arith.constant dense<true> : vector<16xi1>
      %masked_sort3A_225, %masked_sort3A_226, %masked_sort3A_227 = tpu.sort %select_n3A_222, %select_n3A_223 masked %masked_sort3A_224 {descending = true} : (vector<16xf32>, vector<16xf32>, vector<16xi1>) -> (vector<16xi1>, vector<16xf32>, vector<16xf32>)
      %get3A_228 = arith.index_cast %add3A_23 : i32 to index
      %get3A_229 = arith.constant 192 : index
      %get3A_230 = tpu.vector_load %arg5[%get3A_228, %get3A_229] {strides = array<i32>} : memref<32x400xf32, #tpu.memory_space<vmem>>, vector<16xf32>,
      %get3A_231 = arith.index_cast %add3A_23 : i32 to index
      %get3A_232 = arith.constant 192 : index
      %get3A_233 = tpu.vector_load %arg6[%get3A_231, %get3A_232] {strides = array<i32>} : memref<32x400xf32, #tpu.memory_space<vmem>>, vector<16xf32>,
      %masked_sort3A_234 = arith.constant dense<true> : vector<16xi1>
      %masked_sort3A_235, %masked_sort3A_236, %masked_sort3A_237 = tpu.sort %get3A_230, %get3A_233 masked %masked_sort3A_234 : (vector<16xf32>, vector<16xf32>, vector<16xi1>) -> (vector<16xi1>, vector<16xf32>, vector<16xf32>)
      %ge3A_238 = arith.cmpf oge, %masked_sort3A_226, %masked_sort3A_236 : vector<16xf32>
      %select_n3A_239 = arith.select %ge3A_238, %masked_sort3A_226, %masked_sort3A_236 : vector<16xi1>, vector<16xf32>
      %select_n3A_240 = arith.select %ge3A_238, %masked_sort3A_227, %masked_sort3A_237 : vector<16xi1>, vector<16xf32>
      %masked_sort3A_241 = arith.constant dense<true> : vector<16xi1>
      %masked_sort3A_242, %masked_sort3A_243, %masked_sort3A_244 = tpu.sort %select_n3A_239, %select_n3A_240 masked %masked_sort3A_241 {descending = true} : (vector<16xf32>, vector<16xf32>, vector<16xi1>) -> (vector<16xi1>, vector<16xf32>, vector<16xf32>)
      %get3A_245 = arith.index_cast %add3A_23 : i32 to index
      %get3A_246 = arith.constant 208 : index
      %get3A_247 = tpu.vector_load %arg5[%get3A_245, %get3A_246] {strides = array<i32>} : memref<32x400xf32, #tpu.memory_space<vmem>>, vector<16xf32>,
      %get3A_248 = arith.index_cast %add3A_23 : i32 to index
      %get3A_249 = arith.constant 208 : index
      %get3A_250 = tpu.vector_load %arg6[%get3A_248, %get3A_249] {strides = array<i32>} : memref<32x400xf32, #tpu.memory_space<vmem>>, vector<16xf32>,
      %masked_sort3A_251 = arith.constant dense<true> : vector<16xi1>
      %masked_sort3A_252, %masked_sort3A_253, %masked_sort3A_254 = tpu.sort %get3A_247, %get3A_250 masked %masked_sort3A_251 : (vector<16xf32>, vector<16xf32>, vector<16xi1>) -> (vector<16xi1>, vector<16xf32>, vector<16xf32>)
      %ge3A_255 = arith.cmpf oge, %masked_sort3A_243, %masked_sort3A_253 : vector<16xf32>
      %select_n3A_256 = arith.select %ge3A_255, %masked_sort3A_243, %masked_sort3A_253 : vector<16xi1>, vector<16xf32>
      %select_n3A_257 = arith.select %ge3A_255, %masked_sort3A_244, %masked_sort3A_254 : vector<16xi1>, vector<16xf32>
      %masked_sort3A_258 = arith.constant dense<true> : vector<16xi1>
      %masked_sort3A_259, %masked_sort3A_260, %masked_sort3A_261 = tpu.sort %select_n3A_256, %select_n3A_257 masked %masked_sort3A_258 {descending = true} : (vector<16xf32>, vector<16xf32>, vector<16xi1>) -> (vector<16xi1>, vector<16xf32>, vector<16xf32>)
      %get3A_262 = arith.index_cast %add3A_23 : i32 to index
      %get3A_263 = arith.constant 224 : index
      %get3A_264 = tpu.vector_load %arg5[%get3A_262, %get3A_263] {strides = array<i32>} : memref<32x400xf32, #tpu.memory_space<vmem>>, vector<16xf32>,
      %get3A_265 = arith.index_cast %add3A_23 : i32 to index
      %get3A_266 = arith.constant 224 : index
      %get3A_267 = tpu.vector_load %arg6[%get3A_265, %get3A_266] {strides = array<i32>} : memref<32x400xf32, #tpu.memory_space<vmem>>, vector<16xf32>,
      %masked_sort3A_268 = arith.constant dense<true> : vector<16xi1>
      %masked_sort3A_269, %masked_sort3A_270, %masked_sort3A_271 = tpu.sort %get3A_264, %get3A_267 masked %masked_sort3A_268 : (vector<16xf32>, vector<16xf32>, vector<16xi1>) -> (vector<16xi1>, vector<16xf32>, vector<16xf32>)
      %ge3A_272 = arith.cmpf oge, %masked_sort3A_260, %masked_sort3A_270 : vector<16xf32>
      %select_n3A_273 = arith.select %ge3A_272, %masked_sort3A_260, %masked_sort3A_270 : vector<16xi1>, vector<16xf32>
      %select_n3A_274 = arith.select %ge3A_272, %masked_sort3A_261, %masked_sort3A_271 : vector<16xi1>, vector<16xf32>
      %masked_sort3A_275 = arith.constant dense<true> : vector<16xi1>
      %masked_sort3A_276, %masked_sort3A_277, %masked_sort3A_278 = tpu.sort %select_n3A_273, %select_n3A_274 masked %masked_sort3A_275 {descending = true} : (vector<16xf32>, vector<16xf32>, vector<16xi1>) -> (vector<16xi1>, vector<16xf32>, vector<16xf32>)
      %get3A_279 = arith.index_cast %add3A_23 : i32 to index
      %get3A_280 = arith.constant 240 : index
      %get3A_281 = tpu.vector_load %arg5[%get3A_279, %get3A_280] {strides = array<i32>} : memref<32x400xf32, #tpu.memory_space<vmem>>, vector<16xf32>,
      %get3A_282 = arith.index_cast %add3A_23 : i32 to index
      %get3A_283 = arith.constant 240 : index
      %get3A_284 = tpu.vector_load %arg6[%get3A_282, %get3A_283] {strides = array<i32>} : memref<32x400xf32, #tpu.memory_space<vmem>>, vector<16xf32>,
      %masked_sort3A_285 = arith.constant dense<true> : vector<16xi1>
      %masked_sort3A_286, %masked_sort3A_287, %masked_sort3A_288 = tpu.sort %get3A_281, %get3A_284 masked %masked_sort3A_285 : (vector<16xf32>, vector<16xf32>, vector<16xi1>) -> (vector<16xi1>, vector<16xf32>, vector<16xf32>)
      %ge3A_289 = arith.cmpf oge, %masked_sort3A_277, %masked_sort3A_287 : vector<16xf32>
      %select_n3A_290 = arith.select %ge3A_289, %masked_sort3A_277, %masked_sort3A_287 : vector<16xi1>, vector<16xf32>
      %select_n3A_291 = arith.select %ge3A_289, %masked_sort3A_278, %masked_sort3A_288 : vector<16xi1>, vector<16xf32>
      %masked_sort3A_292 = arith.constant dense<true> : vector<16xi1>
      %masked_sort3A_293, %masked_sort3A_294, %masked_sort3A_295 = tpu.sort %select_n3A_290, %select_n3A_291 masked %masked_sort3A_292 {descending = true} : (vector<16xf32>, vector<16xf32>, vector<16xi1>) -> (vector<16xi1>, vector<16xf32>, vector<16xf32>)
      %get3A_296 = arith.index_cast %add3A_23 : i32 to index
      %get3A_297 = arith.constant 256 : index
      %get3A_298 = tpu.vector_load %arg5[%get3A_296, %get3A_297] {strides = array<i32>} : memref<32x400xf32, #tpu.memory_space<vmem>>, vector<16xf32>,
      %get3A_299 = arith.index_cast %add3A_23 : i32 to index
      %get3A_300 = arith.constant 256 : index
      %get3A_301 = tpu.vector_load %arg6[%get3A_299, %get3A_300] {strides = array<i32>} : memref<32x400xf32, #tpu.memory_space<vmem>>, vector<16xf32>,
      %masked_sort3A_302 = arith.constant dense<true> : vector<16xi1>
      %masked_sort3A_303, %masked_sort3A_304, %masked_sort3A_305 = tpu.sort %get3A_298, %get3A_301 masked %masked_sort3A_302 : (vector<16xf32>, vector<16xf32>, vector<16xi1>) -> (vector<16xi1>, vector<16xf32>, vector<16xf32>)
      %ge3A_306 = arith.cmpf oge, %masked_sort3A_294, %masked_sort3A_304 : vector<16xf32>
      %select_n3A_307 = arith.select %ge3A_306, %masked_sort3A_294, %masked_sort3A_304 : vector<16xi1>, vector<16xf32>
      %select_n3A_308 = arith.select %ge3A_306, %masked_sort3A_295, %masked_sort3A_305 : vector<16xi1>, vector<16xf32>
      %masked_sort3A_309 = arith.constant dense<true> : vector<16xi1>
      %masked_sort3A_310, %masked_sort3A_311, %masked_sort3A_312 = tpu.sort %select_n3A_307, %select_n3A_308 masked %masked_sort3A_309 {descending = true} : (vector<16xf32>, vector<16xf32>, vector<16xi1>) -> (vector<16xi1>, vector<16xf32>, vector<16xf32>)
      %get3A_313 = arith.index_cast %add3A_23 : i32 to index
      %get3A_314 = arith.constant 272 : index
      %get3A_315 = tpu.vector_load %arg5[%get3A_313, %get3A_314] {strides = array<i32>} : memref<32x400xf32, #tpu.memory_space<vmem>>, vector<16xf32>,
      %get3A_316 = arith.index_cast %add3A_23 : i32 to index
      %get3A_317 = arith.constant 272 : index
      %get3A_318 = tpu.vector_load %arg6[%get3A_316, %get3A_317] {strides = array<i32>} : memref<32x400xf32, #tpu.memory_space<vmem>>, vector<16xf32>,
      %masked_sort3A_319 = arith.constant dense<true> : vector<16xi1>
      %masked_sort3A_320, %masked_sort3A_321, %masked_sort3A_322 = tpu.sort %get3A_315, %get3A_318 masked %masked_sort3A_319 : (vector<16xf32>, vector<16xf32>, vector<16xi1>) -> (vector<16xi1>, vector<16xf32>, vector<16xf32>)
      %ge3A_323 = arith.cmpf oge, %masked_sort3A_311, %masked_sort3A_321 : vector<16xf32>
      %select_n3A_324 = arith.select %ge3A_323, %masked_sort3A_311, %masked_sort3A_321 : vector<16xi1>, vector<16xf32>
      %select_n3A_325 = arith.select %ge3A_323, %masked_sort3A_312, %masked_sort3A_322 : vector<16xi1>, vector<16xf32>
      %masked_sort3A_326 = arith.constant dense<true> : vector<16xi1>
      %masked_sort3A_327, %masked_sort3A_328, %masked_sort3A_329 = tpu.sort %select_n3A_324, %select_n3A_325 masked %masked_sort3A_326 {descending = true} : (vector<16xf32>, vector<16xf32>, vector<16xi1>) -> (vector<16xi1>, vector<16xf32>, vector<16xf32>)
      %get3A_330 = arith.index_cast %add3A_23 : i32 to index
      %get3A_331 = arith.constant 288 : index
      %get3A_332 = tpu.vector_load %arg5[%get3A_330, %get3A_331] {strides = array<i32>} : memref<32x400xf32, #tpu.memory_space<vmem>>, vector<16xf32>,
      %get3A_333 = arith.index_cast %add3A_23 : i32 to index
      %get3A_334 = arith.constant 288 : index
      %get3A_335 = tpu.vector_load %arg6[%get3A_333, %get3A_334] {strides = array<i32>} : memref<32x400xf32, #tpu.memory_space<vmem>>, vector<16xf32>,
      %masked_sort3A_336 = arith.constant dense<true> : vector<16xi1>
      %masked_sort3A_337, %masked_sort3A_338, %masked_sort3A_339 = tpu.sort %get3A_332, %get3A_335 masked %masked_sort3A_336 : (vector<16xf32>, vector<16xf32>, vector<16xi1>) -> (vector<16xi1>, vector<16xf32>, vector<16xf32>)
      %ge3A_340 = arith.cmpf oge, %masked_sort3A_328, %masked_sort3A_338 : vector<16xf32>
      %select_n3A_341 = arith.select %ge3A_340, %masked_sort3A_328, %masked_sort3A_338 : vector<16xi1>, vector<16xf32>
      %select_n3A_342 = arith.select %ge3A_340, %masked_sort3A_329, %masked_sort3A_339 : vector<16xi1>, vector<16xf32>
      %masked_sort3A_343 = arith.constant dense<true> : vector<16xi1>
      %masked_sort3A_344, %masked_sort3A_345, %masked_sort3A_346 = tpu.sort %select_n3A_341, %select_n3A_342 masked %masked_sort3A_343 {descending = true} : (vector<16xf32>, vector<16xf32>, vector<16xi1>) -> (vector<16xi1>, vector<16xf32>, vector<16xf32>)
      %get3A_347 = arith.index_cast %add3A_23 : i32 to index
      %get3A_348 = arith.constant 304 : index
      %get3A_349 = tpu.vector_load %arg5[%get3A_347, %get3A_348] {strides = array<i32>} : memref<32x400xf32, #tpu.memory_space<vmem>>, vector<16xf32>,
      %get3A_350 = arith.index_cast %add3A_23 : i32 to index
      %get3A_351 = arith.constant 304 : index
      %get3A_352 = tpu.vector_load %arg6[%get3A_350, %get3A_351] {strides = array<i32>} : memref<32x400xf32, #tpu.memory_space<vmem>>, vector<16xf32>,
      %masked_sort3A_353 = arith.constant dense<true> : vector<16xi1>
      %masked_sort3A_354, %masked_sort3A_355, %masked_sort3A_356 = tpu.sort %get3A_349, %get3A_352 masked %masked_sort3A_353 : (vector<16xf32>, vector<16xf32>, vector<16xi1>) -> (vector<16xi1>, vector<16xf32>, vector<16xf32>)
      %ge3A_357 = arith.cmpf oge, %masked_sort3A_345, %masked_sort3A_355 : vector<16xf32>
      %select_n3A_358 = arith.select %ge3A_357, %masked_sort3A_345, %masked_sort3A_355 : vector<16xi1>, vector<16xf32>
      %select_n3A_359 = arith.select %ge3A_357, %masked_sort3A_346, %masked_sort3A_356 : vector<16xi1>, vector<16xf32>
      %masked_sort3A_360 = arith.constant dense<true> : vector<16xi1>
      %masked_sort3A_361, %masked_sort3A_362, %masked_sort3A_363 = tpu.sort %select_n3A_358, %select_n3A_359 masked %masked_sort3A_360 {descending = true} : (vector<16xf32>, vector<16xf32>, vector<16xi1>) -> (vector<16xi1>, vector<16xf32>, vector<16xf32>)
      %get3A_364 = arith.index_cast %add3A_23 : i32 to index
      %get3A_365 = arith.constant 320 : index
      %get3A_366 = tpu.vector_load %arg5[%get3A_364, %get3A_365] {strides = array<i32>} : memref<32x400xf32, #tpu.memory_space<vmem>>, vector<16xf32>,
      %get3A_367 = arith.index_cast %add3A_23 : i32 to index
      %get3A_368 = arith.constant 320 : index
      %get3A_369 = tpu.vector_load %arg6[%get3A_367, %get3A_368] {strides = array<i32>} : memref<32x400xf32, #tpu.memory_space<vmem>>, vector<16xf32>,
      %masked_sort3A_370 = arith.constant dense<true> : vector<16xi1>
      %masked_sort3A_371, %masked_sort3A_372, %masked_sort3A_373 = tpu.sort %get3A_366, %get3A_369 masked %masked_sort3A_370 : (vector<16xf32>, vector<16xf32>, vector<16xi1>) -> (vector<16xi1>, vector<16xf32>, vector<16xf32>)
      %ge3A_374 = arith.cmpf oge, %masked_sort3A_362, %masked_sort3A_372 : vector<16xf32>
      %select_n3A_375 = arith.select %ge3A_374, %masked_sort3A_362, %masked_sort3A_372 : vector<16xi1>, vector<16xf32>
      %select_n3A_376 = arith.select %ge3A_374, %masked_sort3A_363, %masked_sort3A_373 : vector<16xi1>, vector<16xf32>
      %masked_sort3A_377 = arith.constant dense<true> : vector<16xi1>
      %masked_sort3A_378, %masked_sort3A_379, %masked_sort3A_380 = tpu.sort %select_n3A_375, %select_n3A_376 masked %masked_sort3A_377 {descending = true} : (vector<16xf32>, vector<16xf32>, vector<16xi1>) -> (vector<16xi1>, vector<16xf32>, vector<16xf32>)
      %get3A_381 = arith.index_cast %add3A_23 : i32 to index
      %get3A_382 = arith.constant 336 : index
      %get3A_383 = tpu.vector_load %arg5[%get3A_381, %get3A_382] {strides = array<i32>} : memref<32x400xf32, #tpu.memory_space<vmem>>, vector<16xf32>,
      %get3A_384 = arith.index_cast %add3A_23 : i32 to index
      %get3A_385 = arith.constant 336 : index
      %get3A_386 = tpu.vector_load %arg6[%get3A_384, %get3A_385] {strides = array<i32>} : memref<32x400xf32, #tpu.memory_space<vmem>>, vector<16xf32>,
      %masked_sort3A_387 = arith.constant dense<true> : vector<16xi1>
      %masked_sort3A_388, %masked_sort3A_389, %masked_sort3A_390 = tpu.sort %get3A_383, %get3A_386 masked %masked_sort3A_387 : (vector<16xf32>, vector<16xf32>, vector<16xi1>) -> (vector<16xi1>, vector<16xf32>, vector<16xf32>)
      %ge3A_391 = arith.cmpf oge, %masked_sort3A_379, %masked_sort3A_389 : vector<16xf32>
      %select_n3A_392 = arith.select %ge3A_391, %masked_sort3A_379, %masked_sort3A_389 : vector<16xi1>, vector<16xf32>
      %select_n3A_393 = arith.select %ge3A_391, %masked_sort3A_380, %masked_sort3A_390 : vector<16xi1>, vector<16xf32>
      %masked_sort3A_394 = arith.constant dense<true> : vector<16xi1>
      %masked_sort3A_395, %masked_sort3A_396, %masked_sort3A_397 = tpu.sort %select_n3A_392, %select_n3A_393 masked %masked_sort3A_394 {descending = true} : (vector<16xf32>, vector<16xf32>, vector<16xi1>) -> (vector<16xi1>, vector<16xf32>, vector<16xf32>)
      %get3A_398 = arith.index_cast %add3A_23 : i32 to index
      %get3A_399 = arith.constant 352 : index
      %get3A_400 = tpu.vector_load %arg5[%get3A_398, %get3A_399] {strides = array<i32>} : memref<32x400xf32, #tpu.memory_space<vmem>>, vector<16xf32>,
      %get3A_401 = arith.index_cast %add3A_23 : i32 to index
      %get3A_402 = arith.constant 352 : index
      %get3A_403 = tpu.vector_load %arg6[%get3A_401, %get3A_402] {strides = array<i32>} : memref<32x400xf32, #tpu.memory_space<vmem>>, vector<16xf32>,
      %masked_sort3A_404 = arith.constant dense<true> : vector<16xi1>
      %masked_sort3A_405, %masked_sort3A_406, %masked_sort3A_407 = tpu.sort %get3A_400, %get3A_403 masked %masked_sort3A_404 : (vector<16xf32>, vector<16xf32>, vector<16xi1>) -> (vector<16xi1>, vector<16xf32>, vector<16xf32>)
      %ge3A_408 = arith.cmpf oge, %masked_sort3A_396, %masked_sort3A_406 : vector<16xf32>
      %select_n3A_409 = arith.select %ge3A_408, %masked_sort3A_396, %masked_sort3A_406 : vector<16xi1>, vector<16xf32>
      %select_n3A_410 = arith.select %ge3A_408, %masked_sort3A_397, %masked_sort3A_407 : vector<16xi1>, vector<16xf32>
      %masked_sort3A_411 = arith.constant dense<true> : vector<16xi1>
      %masked_sort3A_412, %masked_sort3A_413, %masked_sort3A_414 = tpu.sort %select_n3A_409, %select_n3A_410 masked %masked_sort3A_411 {descending = true} : (vector<16xf32>, vector<16xf32>, vector<16xi1>) -> (vector<16xi1>, vector<16xf32>, vector<16xf32>)
      %get3A_415 = arith.index_cast %add3A_23 : i32 to index
      %get3A_416 = arith.constant 368 : index
      %get3A_417 = tpu.vector_load %arg5[%get3A_415, %get3A_416] {strides = array<i32>} : memref<32x400xf32, #tpu.memory_space<vmem>>, vector<16xf32>,
      %get3A_418 = arith.index_cast %add3A_23 : i32 to index
      %get3A_419 = arith.constant 368 : index
      %get3A_420 = tpu.vector_load %arg6[%get3A_418, %get3A_419] {strides = array<i32>} : memref<32x400xf32, #tpu.memory_space<vmem>>, vector<16xf32>,
      %masked_sort3A_421 = arith.constant dense<true> : vector<16xi1>
      %masked_sort3A_422, %masked_sort3A_423, %masked_sort3A_424 = tpu.sort %get3A_417, %get3A_420 masked %masked_sort3A_421 : (vector<16xf32>, vector<16xf32>, vector<16xi1>) -> (vector<16xi1>, vector<16xf32>, vector<16xf32>)
      %ge3A_425 = arith.cmpf oge, %masked_sort3A_413, %masked_sort3A_423 : vector<16xf32>
      %select_n3A_426 = arith.select %ge3A_425, %masked_sort3A_413, %masked_sort3A_423 : vector<16xi1>, vector<16xf32>
      %select_n3A_427 = arith.select %ge3A_425, %masked_sort3A_414, %masked_sort3A_424 : vector<16xi1>, vector<16xf32>
      %masked_sort3A_428 = arith.constant dense<true> : vector<16xi1>
      %masked_sort3A_429, %masked_sort3A_430, %masked_sort3A_431 = tpu.sort %select_n3A_426, %select_n3A_427 masked %masked_sort3A_428 {descending = true} : (vector<16xf32>, vector<16xf32>, vector<16xi1>) -> (vector<16xi1>, vector<16xf32>, vector<16xf32>)
      %get3A_432 = arith.index_cast %add3A_23 : i32 to index
      %get3A_433 = arith.constant 384 : index
      %get3A_434 = tpu.vector_load %arg5[%get3A_432, %get3A_433] {strides = array<i32>} : memref<32x400xf32, #tpu.memory_space<vmem>>, vector<16xf32>,
      %get3A_435 = arith.index_cast %add3A_23 : i32 to index
      %get3A_436 = arith.constant 384 : index
      %get3A_437 = tpu.vector_load %arg6[%get3A_435, %get3A_436] {strides = array<i32>} : memref<32x400xf32, #tpu.memory_space<vmem>>, vector<16xf32>,
      %masked_sort3A_438 = arith.constant dense<true> : vector<16xi1>
      %masked_sort3A_439, %masked_sort3A_440, %masked_sort3A_441 = tpu.sort %get3A_434, %get3A_437 masked %masked_sort3A_438 : (vector<16xf32>, vector<16xf32>, vector<16xi1>) -> (vector<16xi1>, vector<16xf32>, vector<16xf32>)
      %ge3A_442 = arith.cmpf oge, %masked_sort3A_430, %masked_sort3A_440 : vector<16xf32>
      %select_n3A_443 = arith.select %ge3A_442, %masked_sort3A_430, %masked_sort3A_440 : vector<16xi1>, vector<16xf32>
      %select_n3A_444 = arith.select %ge3A_442, %masked_sort3A_431, %masked_sort3A_441 : vector<16xi1>, vector<16xf32>
      %masked_sort3A_445 = arith.constant dense<true> : vector<16xi1>
      %masked_sort3A_446, %masked_sort3A_447, %masked_sort3A_448 = tpu.sort %select_n3A_443, %select_n3A_444 masked %masked_sort3A_445 {descending = true} : (vector<16xf32>, vector<16xf32>, vector<16xi1>) -> (vector<16xi1>, vector<16xf32>, vector<16xf32>)
      %broadcast_in_dim3A_449 = arith.constant true
      %broadcast_in_dim3A_450 = vector.broadcast %broadcast_in_dim3A_449 : i1 to vector<16xi1>
      %masked_cumsum3A = tpu.scan <sum>, %masked_sort3A_448 masked %broadcast_in_dim3A_450 : vector<16xf32>, vector<16xi1> -> vector<16xf32>
      %ge3A_451 = arith.constant 8.000000e+00 : f32
      %ge3A_452 = vector.broadcast %ge3A_451 : f32 to vector<16xf32>
      %ge3A_453 = arith.cmpf oge, %masked_cumsum3A, %ge3A_452 : vector<16xf32>
      %jit3A = arith.constant -3.000000e+38 : f32
      %broadcast_in_dim3A_454 = vector.broadcast %jit3A : f32 to vector<16xf32>
      %select_n3A_455 = arith.select %ge3A_453, %masked_sort3A_447, %broadcast_in_dim3A_454 : vector<16xi1>, vector<16xf32>
      %reduce_max3A = arith.constant true
      %reduce_max3A_456 = vector.broadcast %reduce_max3A : i1 to vector<16xi1>
      %reduce_max3A_457 = tpu.scan <max>, %select_n3A_455 masked %reduce_max3A_456 : vector<16xf32>, vector<16xi1> -> vector<16xf32>
      %reduce_max3A_458 = vector.extract %reduce_max3A_457[15] : f32 from vector<16xf32>
      %eq3A = vector.broadcast %scan3A_20 : i32 to vector<16xi32>
      %eq3A_459 = arith.cmpi eq, %iota3A, %eq3A : vector<16xi32>
      %broadcast_in_dim3A_460 = vector.broadcast %reduce_max3A_458 : f32 to vector<16xf32>
      %select_n3A_461 = arith.select %eq3A_459, %broadcast_in_dim3A_460, %scan3A_21 : vector<16xi1>, vector<16xf32>
      scf.yield %select_n3A_461 : vector<16xf32>
    }
    %scan3A_8 = arith.constant 16 : i32
    %swap3A = arith.constant 0 : index
    %swap3A_9 = tpu.vector_load %arg7[%swap3A] {strides = array<i32>} : memref<32xf32, #tpu.memory_space<vmem>>, vector<16xf32>,
    tpu.vector_store %arg7[%swap3A], %scan3A_7 {strides = array<i32>} : memref<32xf32, #tpu.memory_space<vmem>>, vector<16xf32>,
    %broadcast_in_dim3A_10 = arith.constant 0.000000e+00 : f32
    %broadcast_in_dim3A_11 = vector.broadcast %broadcast_in_dim3A_10 : f32 to vector<16xf32>
    %scan3A_12 = arith.constant 0 : i32
    %scan3A_13 = arith.constant 16 : i32
    %scan3A_14 = arith.addi %scan3A_12, %scan3A_13 : i32
    %scan3A_15 = arith.constant 1 : i32
    %scan3A_16 = scf.for %scan3A_20 = %scan3A_12 to %scan3A_14 step %scan3A_15 iter_args(%scan3A_21 = %broadcast_in_dim3A_11) -> (vector<16xf32>)  : i32 {
      %add3A_22 = arith.constant 16 : i32
      %add3A_23 = arith.addi %add3A_22, %scan3A_20 : i32
      %broadcast_in_dim3A_24 = arith.constant -3.000000e+38 : f32
      %broadcast_in_dim3A_25 = vector.broadcast %broadcast_in_dim3A_24 : f32 to vector<16xf32>
      %broadcast_in_dim3A_26 = arith.constant 0.000000e+00 : f32
      %broadcast_in_dim3A_27 = vector.broadcast %broadcast_in_dim3A_26 : f32 to vector<16xf32>
      %get3A = arith.index_cast %add3A_23 : i32 to index
      %get3A_28 = arith.constant 0 : index
      %get3A_29 = tpu.vector_load %arg5[%get3A, %get3A_28] {strides = array<i32>} : memref<32x400xf32, #tpu.memory_space<vmem>>, vector<16xf32>,
      %get3A_30 = arith.index_cast %add3A_23 : i32 to index
      %get3A_31 = arith.constant 0 : index
      %get3A_32 = tpu.vector_load %arg6[%get3A_30, %get3A_31] {strides = array<i32>} : memref<32x400xf32, #tpu.memory_space<vmem>>, vector<16xf32>,
      %masked_sort3A = arith.constant dense<true> : vector<16xi1>
      %masked_sort3A_33, %masked_sort3A_34, %masked_sort3A_35 = tpu.sort %get3A_29, %get3A_32 masked %masked_sort3A : (vector<16xf32>, vector<16xf32>, vector<16xi1>) -> (vector<16xi1>, vector<16xf32>, vector<16xf32>)
      %ge3A = arith.cmpf oge, %broadcast_in_dim3A_25, %masked_sort3A_34 : vector<16xf32>
      %select_n3A = arith.select %ge3A, %broadcast_in_dim3A_25, %masked_sort3A_34 : vector<16xi1>, vector<16xf32>
      %select_n3A_36 = arith.select %ge3A, %broadcast_in_dim3A_27, %masked_sort3A_35 : vector<16xi1>, vector<16xf32>
      %masked_sort3A_37 = arith.constant dense<true> : vector<16xi1>
      %masked_sort3A_38, %masked_sort3A_39, %masked_sort3A_40 = tpu.sort %select_n3A, %select_n3A_36 masked %masked_sort3A_37 {descending = true} : (vector<16xf32>, vector<16xf32>, vector<16xi1>) -> (vector<16xi1>, vector<16xf32>, vector<16xf32>)
      %get3A_41 = arith.index_cast %add3A_23 : i32 to index
      %get3A_42 = arith.constant 16 : index
      %get3A_43 = tpu.vector_load %arg5[%get3A_41, %get3A_42] {strides = array<i32>} : memref<32x400xf32, #tpu.memory_space<vmem>>, vector<16xf32>,
      %get3A_44 = arith.index_cast %add3A_23 : i32 to index
      %get3A_45 = arith.constant 16 : index
      %get3A_46 = tpu.vector_load %arg6[%get3A_44, %get3A_45] {strides = array<i32>} : memref<32x400xf32, #tpu.memory_space<vmem>>, vector<16xf32>,
      %masked_sort3A_47 = arith.constant dense<true> : vector<16xi1>
      %masked_sort3A_48, %masked_sort3A_49, %masked_sort3A_50 = tpu.sort %get3A_43, %get3A_46 masked %masked_sort3A_47 : (vector<16xf32>, vector<16xf32>, vector<16xi1>) -> (vector<16xi1>, vector<16xf32>, vector<16xf32>)
      %ge3A_51 = arith.cmpf oge, %masked_sort3A_39, %masked_sort3A_49 : vector<16xf32>
      %select_n3A_52 = arith.select %ge3A_51, %masked_sort3A_39, %masked_sort3A_49 : vector<16xi1>, vector<16xf32>
      %select_n3A_53 = arith.select %ge3A_51, %masked_sort3A_40, %masked_sort3A_50 : vector<16xi1>, vector<16xf32>
      %masked_sort3A_54 = arith.constant dense<true> : vector<16xi1>
      %masked_sort3A_55, %masked_sort3A_56, %masked_sort3A_57 = tpu.sort %select_n3A_52, %select_n3A_53 masked %masked_sort3A_54 {descending = true} : (vector<16xf32>, vector<16xf32>, vector<16xi1>) -> (vector<16xi1>, vector<16xf32>, vector<16xf32>)
      %get3A_58 = arith.index_cast %add3A_23 : i32 to index
      %get3A_59 = arith.constant 32 : index
      %get3A_60 = tpu.vector_load %arg5[%get3A_58, %get3A_59] {strides = array<i32>} : memref<32x400xf32, #tpu.memory_space<vmem>>, vector<16xf32>,
      %get3A_61 = arith.index_cast %add3A_23 : i32 to index
      %get3A_62 = arith.constant 32 : index
      %get3A_63 = tpu.vector_load %arg6[%get3A_61, %get3A_62] {strides = array<i32>} : memref<32x400xf32, #tpu.memory_space<vmem>>, vector<16xf32>,
      %masked_sort3A_64 = arith.constant dense<true> : vector<16xi1>
      %masked_sort3A_65, %masked_sort3A_66, %masked_sort3A_67 = tpu.sort %get3A_60, %get3A_63 masked %masked_sort3A_64 : (vector<16xf32>, vector<16xf32>, vector<16xi1>) -> (vector<16xi1>, vector<16xf32>, vector<16xf32>)
      %ge3A_68 = arith.cmpf oge, %masked_sort3A_56, %masked_sort3A_66 : vector<16xf32>
      %select_n3A_69 = arith.select %ge3A_68, %masked_sort3A_56, %masked_sort3A_66 : vector<16xi1>, vector<16xf32>
      %select_n3A_70 = arith.select %ge3A_68, %masked_sort3A_57, %masked_sort3A_67 : vector<16xi1>, vector<16xf32>
      %masked_sort3A_71 = arith.constant dense<true> : vector<16xi1>
      %masked_sort3A_72, %masked_sort3A_73, %masked_sort3A_74 = tpu.sort %select_n3A_69, %select_n3A_70 masked %masked_sort3A_71 {descending = true} : (vector<16xf32>, vector<16xf32>, vector<16xi1>) -> (vector<16xi1>, vector<16xf32>, vector<16xf32>)
      %get3A_75 = arith.index_cast %add3A_23 : i32 to index
      %get3A_76 = arith.constant 48 : index
      %get3A_77 = tpu.vector_load %arg5[%get3A_75, %get3A_76] {strides = array<i32>} : memref<32x400xf32, #tpu.memory_space<vmem>>, vector<16xf32>,
      %get3A_78 = arith.index_cast %add3A_23 : i32 to index
      %get3A_79 = arith.constant 48 : index
      %get3A_80 = tpu.vector_load %arg6[%get3A_78, %get3A_79] {strides = array<i32>} : memref<32x400xf32, #tpu.memory_space<vmem>>, vector<16xf32>,
      %masked_sort3A_81 = arith.constant dense<true> : vector<16xi1>
      %masked_sort3A_82, %masked_sort3A_83, %masked_sort3A_84 = tpu.sort %get3A_77, %get3A_80 masked %masked_sort3A_81 : (vector<16xf32>, vector<16xf32>, vector<16xi1>) -> (vector<16xi1>, vector<16xf32>, vector<16xf32>)
      %ge3A_85 = arith.cmpf oge, %masked_sort3A_73, %masked_sort3A_83 : vector<16xf32>
      %select_n3A_86 = arith.select %ge3A_85, %masked_sort3A_73, %masked_sort3A_83 : vector<16xi1>, vector<16xf32>
      %select_n3A_87 = arith.select %ge3A_85, %masked_sort3A_74, %masked_sort3A_84 : vector<16xi1>, vector<16xf32>
      %masked_sort3A_88 = arith.constant dense<true> : vector<16xi1>
      %masked_sort3A_89, %masked_sort3A_90, %masked_sort3A_91 = tpu.sort %select_n3A_86, %select_n3A_87 masked %masked_sort3A_88 {descending = true} : (vector<16xf32>, vector<16xf32>, vector<16xi1>) -> (vector<16xi1>, vector<16xf32>, vector<16xf32>)
      %get3A_92 = arith.index_cast %add3A_23 : i32 to index
      %get3A_93 = arith.constant 64 : index
      %get3A_94 = tpu.vector_load %arg5[%get3A_92, %get3A_93] {strides = array<i32>} : memref<32x400xf32, #tpu.memory_space<vmem>>, vector<16xf32>,
      %get3A_95 = arith.index_cast %add3A_23 : i32 to index
      %get3A_96 = arith.constant 64 : index
      %get3A_97 = tpu.vector_load %arg6[%get3A_95, %get3A_96] {strides = array<i32>} : memref<32x400xf32, #tpu.memory_space<vmem>>, vector<16xf32>,
      %masked_sort3A_98 = arith.constant dense<true> : vector<16xi1>
      %masked_sort3A_99, %masked_sort3A_100, %masked_sort3A_101 = tpu.sort %get3A_94, %get3A_97 masked %masked_sort3A_98 : (vector<16xf32>, vector<16xf32>, vector<16xi1>) -> (vector<16xi1>, vector<16xf32>, vector<16xf32>)
      %ge3A_102 = arith.cmpf oge, %masked_sort3A_90, %masked_sort3A_100 : vector<16xf32>
      %select_n3A_103 = arith.select %ge3A_102, %masked_sort3A_90, %masked_sort3A_100 : vector<16xi1>, vector<16xf32>
      %select_n3A_104 = arith.select %ge3A_102, %masked_sort3A_91, %masked_sort3A_101 : vector<16xi1>, vector<16xf32>
      %masked_sort3A_105 = arith.constant dense<true> : vector<16xi1>
      %masked_sort3A_106, %masked_sort3A_107, %masked_sort3A_108 = tpu.sort %select_n3A_103, %select_n3A_104 masked %masked_sort3A_105 {descending = true} : (vector<16xf32>, vector<16xf32>, vector<16xi1>) -> (vector<16xi1>, vector<16xf32>, vector<16xf32>)
      %get3A_109 = arith.index_cast %add3A_23 : i32 to index
      %get3A_110 = arith.constant 80 : index
      %get3A_111 = tpu.vector_load %arg5[%get3A_109, %get3A_110] {strides = array<i32>} : memref<32x400xf32, #tpu.memory_space<vmem>>, vector<16xf32>,
      %get3A_112 = arith.index_cast %add3A_23 : i32 to index
      %get3A_113 = arith.constant 80 : index
      %get3A_114 = tpu.vector_load %arg6[%get3A_112, %get3A_113] {strides = array<i32>} : memref<32x400xf32, #tpu.memory_space<vmem>>, vector<16xf32>,
      %masked_sort3A_115 = arith.constant dense<true> : vector<16xi1>
      %masked_sort3A_116, %masked_sort3A_117, %masked_sort3A_118 = tpu.sort %get3A_111, %get3A_114 masked %masked_sort3A_115 : (vector<16xf32>, vector<16xf32>, vector<16xi1>) -> (vector<16xi1>, vector<16xf32>, vector<16xf32>)
      %ge3A_119 = arith.cmpf oge, %masked_sort3A_107, %masked_sort3A_117 : vector<16xf32>
      %select_n3A_120 = arith.select %ge3A_119, %masked_sort3A_107, %masked_sort3A_117 : vector<16xi1>, vector<16xf32>
      %select_n3A_121 = arith.select %ge3A_119, %masked_sort3A_108, %masked_sort3A_118 : vector<16xi1>, vector<16xf32>
      %masked_sort3A_122 = arith.constant dense<true> : vector<16xi1>
      %masked_sort3A_123, %masked_sort3A_124, %masked_sort3A_125 = tpu.sort %select_n3A_120, %select_n3A_121 masked %masked_sort3A_122 {descending = true} : (vector<16xf32>, vector<16xf32>, vector<16xi1>) -> (vector<16xi1>, vector<16xf32>, vector<16xf32>)
      %get3A_126 = arith.index_cast %add3A_23 : i32 to index
      %get3A_127 = arith.constant 96 : index
      %get3A_128 = tpu.vector_load %arg5[%get3A_126, %get3A_127] {strides = array<i32>} : memref<32x400xf32, #tpu.memory_space<vmem>>, vector<16xf32>,
      %get3A_129 = arith.index_cast %add3A_23 : i32 to index
      %get3A_130 = arith.constant 96 : index
      %get3A_131 = tpu.vector_load %arg6[%get3A_129, %get3A_130] {strides = array<i32>} : memref<32x400xf32, #tpu.memory_space<vmem>>, vector<16xf32>,
      %masked_sort3A_132 = arith.constant dense<true> : vector<16xi1>
      %masked_sort3A_133, %masked_sort3A_134, %masked_sort3A_135 = tpu.sort %get3A_128, %get3A_131 masked %masked_sort3A_132 : (vector<16xf32>, vector<16xf32>, vector<16xi1>) -> (vector<16xi1>, vector<16xf32>, vector<16xf32>)
      %ge3A_136 = arith.cmpf oge, %masked_sort3A_124, %masked_sort3A_134 : vector<16xf32>
      %select_n3A_137 = arith.select %ge3A_136, %masked_sort3A_124, %masked_sort3A_134 : vector<16xi1>, vector<16xf32>
      %select_n3A_138 = arith.select %ge3A_136, %masked_sort3A_125, %masked_sort3A_135 : vector<16xi1>, vector<16xf32>
      %masked_sort3A_139 = arith.constant dense<true> : vector<16xi1>
      %masked_sort3A_140, %masked_sort3A_141, %masked_sort3A_142 = tpu.sort %select_n3A_137, %select_n3A_138 masked %masked_sort3A_139 {descending = true} : (vector<16xf32>, vector<16xf32>, vector<16xi1>) -> (vector<16xi1>, vector<16xf32>, vector<16xf32>)
      %get3A_143 = arith.index_cast %add3A_23 : i32 to index
      %get3A_144 = arith.constant 112 : index
      %get3A_145 = tpu.vector_load %arg5[%get3A_143, %get3A_144] {strides = array<i32>} : memref<32x400xf32, #tpu.memory_space<vmem>>, vector<16xf32>,
      %get3A_146 = arith.index_cast %add3A_23 : i32 to index
      %get3A_147 = arith.constant 112 : index
      %get3A_148 = tpu.vector_load %arg6[%get3A_146, %get3A_147] {strides = array<i32>} : memref<32x400xf32, #tpu.memory_space<vmem>>, vector<16xf32>,
      %masked_sort3A_149 = arith.constant dense<true> : vector<16xi1>
      %masked_sort3A_150, %masked_sort3A_151, %masked_sort3A_152 = tpu.sort %get3A_145, %get3A_148 masked %masked_sort3A_149 : (vector<16xf32>, vector<16xf32>, vector<16xi1>) -> (vector<16xi1>, vector<16xf32>, vector<16xf32>)
      %ge3A_153 = arith.cmpf oge, %masked_sort3A_141, %masked_sort3A_151 : vector<16xf32>
      %select_n3A_154 = arith.select %ge3A_153, %masked_sort3A_141, %masked_sort3A_151 : vector<16xi1>, vector<16xf32>
      %select_n3A_155 = arith.select %ge3A_153, %masked_sort3A_142, %masked_sort3A_152 : vector<16xi1>, vector<16xf32>
      %masked_sort3A_156 = arith.constant dense<true> : vector<16xi1>
      %masked_sort3A_157, %masked_sort3A_158, %masked_sort3A_159 = tpu.sort %select_n3A_154, %select_n3A_155 masked %masked_sort3A_156 {descending = true} : (vector<16xf32>, vector<16xf32>, vector<16xi1>) -> (vector<16xi1>, vector<16xf32>, vector<16xf32>)
      %get3A_160 = arith.index_cast %add3A_23 : i32 to index
      %get3A_161 = arith.constant 128 : index
      %get3A_162 = tpu.vector_load %arg5[%get3A_160, %get3A_161] {strides = array<i32>} : memref<32x400xf32, #tpu.memory_space<vmem>>, vector<16xf32>,
      %get3A_163 = arith.index_cast %add3A_23 : i32 to index
      %get3A_164 = arith.constant 128 : index
      %get3A_165 = tpu.vector_load %arg6[%get3A_163, %get3A_164] {strides = array<i32>} : memref<32x400xf32, #tpu.memory_space<vmem>>, vector<16xf32>,
      %masked_sort3A_166 = arith.constant dense<true> : vector<16xi1>
      %masked_sort3A_167, %masked_sort3A_168, %masked_sort3A_169 = tpu.sort %get3A_162, %get3A_165 masked %masked_sort3A_166 : (vector<16xf32>, vector<16xf32>, vector<16xi1>) -> (vector<16xi1>, vector<16xf32>, vector<16xf32>)
      %ge3A_170 = arith.cmpf oge, %masked_sort3A_158, %masked_sort3A_168 : vector<16xf32>
      %select_n3A_171 = arith.select %ge3A_170, %masked_sort3A_158, %masked_sort3A_168 : vector<16xi1>, vector<16xf32>
      %select_n3A_172 = arith.select %ge3A_170, %masked_sort3A_159, %masked_sort3A_169 : vector<16xi1>, vector<16xf32>
      %masked_sort3A_173 = arith.constant dense<true> : vector<16xi1>
      %masked_sort3A_174, %masked_sort3A_175, %masked_sort3A_176 = tpu.sort %select_n3A_171, %select_n3A_172 masked %masked_sort3A_173 {descending = true} : (vector<16xf32>, vector<16xf32>, vector<16xi1>) -> (vector<16xi1>, vector<16xf32>, vector<16xf32>)
      %get3A_177 = arith.index_cast %add3A_23 : i32 to index
      %get3A_178 = arith.constant 144 : index
      %get3A_179 = tpu.vector_load %arg5[%get3A_177, %get3A_178] {strides = array<i32>} : memref<32x400xf32, #tpu.memory_space<vmem>>, vector<16xf32>,
      %get3A_180 = arith.index_cast %add3A_23 : i32 to index
      %get3A_181 = arith.constant 144 : index
      %get3A_182 = tpu.vector_load %arg6[%get3A_180, %get3A_181] {strides = array<i32>} : memref<32x400xf32, #tpu.memory_space<vmem>>, vector<16xf32>,
      %masked_sort3A_183 = arith.constant dense<true> : vector<16xi1>
      %masked_sort3A_184, %masked_sort3A_185, %masked_sort3A_186 = tpu.sort %get3A_179, %get3A_182 masked %masked_sort3A_183 : (vector<16xf32>, vector<16xf32>, vector<16xi1>) -> (vector<16xi1>, vector<16xf32>, vector<16xf32>)
      %ge3A_187 = arith.cmpf oge, %masked_sort3A_175, %masked_sort3A_185 : vector<16xf32>
      %select_n3A_188 = arith.select %ge3A_187, %masked_sort3A_175, %masked_sort3A_185 : vector<16xi1>, vector<16xf32>
      %select_n3A_189 = arith.select %ge3A_187, %masked_sort3A_176, %masked_sort3A_186 : vector<16xi1>, vector<16xf32>
      %masked_sort3A_190 = arith.constant dense<true> : vector<16xi1>
      %masked_sort3A_191, %masked_sort3A_192, %masked_sort3A_193 = tpu.sort %select_n3A_188, %select_n3A_189 masked %masked_sort3A_190 {descending = true} : (vector<16xf32>, vector<16xf32>, vector<16xi1>) -> (vector<16xi1>, vector<16xf32>, vector<16xf32>)
      %get3A_194 = arith.index_cast %add3A_23 : i32 to index
      %get3A_195 = arith.constant 160 : index
      %get3A_196 = tpu.vector_load %arg5[%get3A_194, %get3A_195] {strides = array<i32>} : memref<32x400xf32, #tpu.memory_space<vmem>>, vector<16xf32>,
      %get3A_197 = arith.index_cast %add3A_23 : i32 to index
      %get3A_198 = arith.constant 160 : index
      %get3A_199 = tpu.vector_load %arg6[%get3A_197, %get3A_198] {strides = array<i32>} : memref<32x400xf32, #tpu.memory_space<vmem>>, vector<16xf32>,
      %masked_sort3A_200 = arith.constant dense<true> : vector<16xi1>
      %masked_sort3A_201, %masked_sort3A_202, %masked_sort3A_203 = tpu.sort %get3A_196, %get3A_199 masked %masked_sort3A_200 : (vector<16xf32>, vector<16xf32>, vector<16xi1>) -> (vector<16xi1>, vector<16xf32>, vector<16xf32>)
      %ge3A_204 = arith.cmpf oge, %masked_sort3A_192, %masked_sort3A_202 : vector<16xf32>
      %select_n3A_205 = arith.select %ge3A_204, %masked_sort3A_192, %masked_sort3A_202 : vector<16xi1>, vector<16xf32>
      %select_n3A_206 = arith.select %ge3A_204, %masked_sort3A_193, %masked_sort3A_203 : vector<16xi1>, vector<16xf32>
      %masked_sort3A_207 = arith.constant dense<true> : vector<16xi1>
      %masked_sort3A_208, %masked_sort3A_209, %masked_sort3A_210 = tpu.sort %select_n3A_205, %select_n3A_206 masked %masked_sort3A_207 {descending = true} : (vector<16xf32>, vector<16xf32>, vector<16xi1>) -> (vector<16xi1>, vector<16xf32>, vector<16xf32>)
      %get3A_211 = arith.index_cast %add3A_23 : i32 to index
      %get3A_212 = arith.constant 176 : index
      %get3A_213 = tpu.vector_load %arg5[%get3A_211, %get3A_212] {strides = array<i32>} : memref<32x400xf32, #tpu.memory_space<vmem>>, vector<16xf32>,
      %get3A_214 = arith.index_cast %add3A_23 : i32 to index
      %get3A_215 = arith.constant 176 : index
      %get3A_216 = tpu.vector_load %arg6[%get3A_214, %get3A_215] {strides = array<i32>} : memref<32x400xf32, #tpu.memory_space<vmem>>, vector<16xf32>,
      %masked_sort3A_217 = arith.constant dense<true> : vector<16xi1>
      %masked_sort3A_218, %masked_sort3A_219, %masked_sort3A_220 = tpu.sort %get3A_213, %get3A_216 masked %masked_sort3A_217 : (vector<16xf32>, vector<16xf32>, vector<16xi1>) -> (vector<16xi1>, vector<16xf32>, vector<16xf32>)
      %ge3A_221 = arith.cmpf oge, %masked_sort3A_209, %masked_sort3A_219 : vector<16xf32>
      %select_n3A_222 = arith.select %ge3A_221, %masked_sort3A_209, %masked_sort3A_219 : vector<16xi1>, vector<16xf32>
      %select_n3A_223 = arith.select %ge3A_221, %masked_sort3A_210, %masked_sort3A_220 : vector<16xi1>, vector<16xf32>
      %masked_sort3A_224 = arith.constant dense<true> : vector<16xi1>
      %masked_sort3A_225, %masked_sort3A_226, %masked_sort3A_227 = tpu.sort %select_n3A_222, %select_n3A_223 masked %masked_sort3A_224 {descending = true} : (vector<16xf32>, vector<16xf32>, vector<16xi1>) -> (vector<16xi1>, vector<16xf32>, vector<16xf32>)
      %get3A_228 = arith.index_cast %add3A_23 : i32 to index
      %get3A_229 = arith.constant 192 : index
      %get3A_230 = tpu.vector_load %arg5[%get3A_228, %get3A_229] {strides = array<i32>} : memref<32x400xf32, #tpu.memory_space<vmem>>, vector<16xf32>,
      %get3A_231 = arith.index_cast %add3A_23 : i32 to index
      %get3A_232 = arith.constant 192 : index
      %get3A_233 = tpu.vector_load %arg6[%get3A_231, %get3A_232] {strides = array<i32>} : memref<32x400xf32, #tpu.memory_space<vmem>>, vector<16xf32>,
      %masked_sort3A_234 = arith.constant dense<true> : vector<16xi1>
      %masked_sort3A_235, %masked_sort3A_236, %masked_sort3A_237 = tpu.sort %get3A_230, %get3A_233 masked %masked_sort3A_234 : (vector<16xf32>, vector<16xf32>, vector<16xi1>) -> (vector<16xi1>, vector<16xf32>, vector<16xf32>)
      %ge3A_238 = arith.cmpf oge, %masked_sort3A_226, %masked_sort3A_236 : vector<16xf32>
      %select_n3A_239 = arith.select %ge3A_238, %masked_sort3A_226, %masked_sort3A_236 : vector<16xi1>, vector<16xf32>
      %select_n3A_240 = arith.select %ge3A_238, %masked_sort3A_227, %masked_sort3A_237 : vector<16xi1>, vector<16xf32>
      %masked_sort3A_241 = arith.constant dense<true> : vector<16xi1>
      %masked_sort3A_242, %masked_sort3A_243, %masked_sort3A_244 = tpu.sort %select_n3A_239, %select_n3A_240 masked %masked_sort3A_241 {descending = true} : (vector<16xf32>, vector<16xf32>, vector<16xi1>) -> (vector<16xi1>, vector<16xf32>, vector<16xf32>)
      %get3A_245 = arith.index_cast %add3A_23 : i32 to index
      %get3A_246 = arith.constant 208 : index
      %get3A_247 = tpu.vector_load %arg5[%get3A_245, %get3A_246] {strides = array<i32>} : memref<32x400xf32, #tpu.memory_space<vmem>>, vector<16xf32>,
      %get3A_248 = arith.index_cast %add3A_23 : i32 to index
      %get3A_249 = arith.constant 208 : index
      %get3A_250 = tpu.vector_load %arg6[%get3A_248, %get3A_249] {strides = array<i32>} : memref<32x400xf32, #tpu.memory_space<vmem>>, vector<16xf32>,
      %masked_sort3A_251 = arith.constant dense<true> : vector<16xi1>
      %masked_sort3A_252, %masked_sort3A_253, %masked_sort3A_254 = tpu.sort %get3A_247, %get3A_250 masked %masked_sort3A_251 : (vector<16xf32>, vector<16xf32>, vector<16xi1>) -> (vector<16xi1>, vector<16xf32>, vector<16xf32>)
      %ge3A_255 = arith.cmpf oge, %masked_sort3A_243, %masked_sort3A_253 : vector<16xf32>
      %select_n3A_256 = arith.select %ge3A_255, %masked_sort3A_243, %masked_sort3A_253 : vector<16xi1>, vector<16xf32>
      %select_n3A_257 = arith.select %ge3A_255, %masked_sort3A_244, %masked_sort3A_254 : vector<16xi1>, vector<16xf32>
      %masked_sort3A_258 = arith.constant dense<true> : vector<16xi1>
      %masked_sort3A_259, %masked_sort3A_260, %masked_sort3A_261 = tpu.sort %select_n3A_256, %select_n3A_257 masked %masked_sort3A_258 {descending = true} : (vector<16xf32>, vector<16xf32>, vector<16xi1>) -> (vector<16xi1>, vector<16xf32>, vector<16xf32>)
      %get3A_262 = arith.index_cast %add3A_23 : i32 to index
      %get3A_263 = arith.constant 224 : index
      %get3A_264 = tpu.vector_load %arg5[%get3A_262, %get3A_263] {strides = array<i32>} : memref<32x400xf32, #tpu.memory_space<vmem>>, vector<16xf32>,
      %get3A_265 = arith.index_cast %add3A_23 : i32 to index
      %get3A_266 = arith.constant 224 : index
      %get3A_267 = tpu.vector_load %arg6[%get3A_265, %get3A_266] {strides = array<i32>} : memref<32x400xf32, #tpu.memory_space<vmem>>, vector<16xf32>,
      %masked_sort3A_268 = arith.constant dense<true> : vector<16xi1>
      %masked_sort3A_269, %masked_sort3A_270, %masked_sort3A_271 = tpu.sort %get3A_264, %get3A_267 masked %masked_sort3A_268 : (vector<16xf32>, vector<16xf32>, vector<16xi1>) -> (vector<16xi1>, vector<16xf32>, vector<16xf32>)
      %ge3A_272 = arith.cmpf oge, %masked_sort3A_260, %masked_sort3A_270 : vector<16xf32>
      %select_n3A_273 = arith.select %ge3A_272, %masked_sort3A_260, %masked_sort3A_270 : vector<16xi1>, vector<16xf32>
      %select_n3A_274 = arith.select %ge3A_272, %masked_sort3A_261, %masked_sort3A_271 : vector<16xi1>, vector<16xf32>
      %masked_sort3A_275 = arith.constant dense<true> : vector<16xi1>
      %masked_sort3A_276, %masked_sort3A_277, %masked_sort3A_278 = tpu.sort %select_n3A_273, %select_n3A_274 masked %masked_sort3A_275 {descending = true} : (vector<16xf32>, vector<16xf32>, vector<16xi1>) -> (vector<16xi1>, vector<16xf32>, vector<16xf32>)
      %get3A_279 = arith.index_cast %add3A_23 : i32 to index
      %get3A_280 = arith.constant 240 : index
      %get3A_281 = tpu.vector_load %arg5[%get3A_279, %get3A_280] {strides = array<i32>} : memref<32x400xf32, #tpu.memory_space<vmem>>, vector<16xf32>,
      %get3A_282 = arith.index_cast %add3A_23 : i32 to index
      %get3A_283 = arith.constant 240 : index
      %get3A_284 = tpu.vector_load %arg6[%get3A_282, %get3A_283] {strides = array<i32>} : memref<32x400xf32, #tpu.memory_space<vmem>>, vector<16xf32>,
      %masked_sort3A_285 = arith.constant dense<true> : vector<16xi1>
      %masked_sort3A_286, %masked_sort3A_287, %masked_sort3A_288 = tpu.sort %get3A_281, %get3A_284 masked %masked_sort3A_285 : (vector<16xf32>, vector<16xf32>, vector<16xi1>) -> (vector<16xi1>, vector<16xf32>, vector<16xf32>)
      %ge3A_289 = arith.cmpf oge, %masked_sort3A_277, %masked_sort3A_287 : vector<16xf32>
      %select_n3A_290 = arith.select %ge3A_289, %masked_sort3A_277, %masked_sort3A_287 : vector<16xi1>, vector<16xf32>
      %select_n3A_291 = arith.select %ge3A_289, %masked_sort3A_278, %masked_sort3A_288 : vector<16xi1>, vector<16xf32>
      %masked_sort3A_292 = arith.constant dense<true> : vector<16xi1>
      %masked_sort3A_293, %masked_sort3A_294, %masked_sort3A_295 = tpu.sort %select_n3A_290, %select_n3A_291 masked %masked_sort3A_292 {descending = true} : (vector<16xf32>, vector<16xf32>, vector<16xi1>) -> (vector<16xi1>, vector<16xf32>, vector<16xf32>)
      %get3A_296 = arith.index_cast %add3A_23 : i32 to index
      %get3A_297 = arith.constant 256 : index
      %get3A_298 = tpu.vector_load %arg5[%get3A_296, %get3A_297] {strides = array<i32>} : memref<32x400xf32, #tpu.memory_space<vmem>>, vector<16xf32>,
      %get3A_299 = arith.index_cast %add3A_23 : i32 to index
      %get3A_300 = arith.constant 256 : index
      %get3A_301 = tpu.vector_load %arg6[%get3A_299, %get3A_300] {strides = array<i32>} : memref<32x400xf32, #tpu.memory_space<vmem>>, vector<16xf32>,
      %masked_sort3A_302 = arith.constant dense<true> : vector<16xi1>
      %masked_sort3A_303, %masked_sort3A_304, %masked_sort3A_305 = tpu.sort %get3A_298, %get3A_301 masked %masked_sort3A_302 : (vector<16xf32>, vector<16xf32>, vector<16xi1>) -> (vector<16xi1>, vector<16xf32>, vector<16xf32>)
      %ge3A_306 = arith.cmpf oge, %masked_sort3A_294, %masked_sort3A_304 : vector<16xf32>
      %select_n3A_307 = arith.select %ge3A_306, %masked_sort3A_294, %masked_sort3A_304 : vector<16xi1>, vector<16xf32>
      %select_n3A_308 = arith.select %ge3A_306, %masked_sort3A_295, %masked_sort3A_305 : vector<16xi1>, vector<16xf32>
      %masked_sort3A_309 = arith.constant dense<true> : vector<16xi1>
      %masked_sort3A_310, %masked_sort3A_311, %masked_sort3A_312 = tpu.sort %select_n3A_307, %select_n3A_308 masked %masked_sort3A_309 {descending = true} : (vector<16xf32>, vector<16xf32>, vector<16xi1>) -> (vector<16xi1>, vector<16xf32>, vector<16xf32>)
      %get3A_313 = arith.index_cast %add3A_23 : i32 to index
      %get3A_314 = arith.constant 272 : index
      %get3A_315 = tpu.vector_load %arg5[%get3A_313, %get3A_314] {strides = array<i32>} : memref<32x400xf32, #tpu.memory_space<vmem>>, vector<16xf32>,
      %get3A_316 = arith.index_cast %add3A_23 : i32 to index
      %get3A_317 = arith.constant 272 : index
      %get3A_318 = tpu.vector_load %arg6[%get3A_316, %get3A_317] {strides = array<i32>} : memref<32x400xf32, #tpu.memory_space<vmem>>, vector<16xf32>,
      %masked_sort3A_319 = arith.constant dense<true> : vector<16xi1>
      %masked_sort3A_320, %masked_sort3A_321, %masked_sort3A_322 = tpu.sort %get3A_315, %get3A_318 masked %masked_sort3A_319 : (vector<16xf32>, vector<16xf32>, vector<16xi1>) -> (vector<16xi1>, vector<16xf32>, vector<16xf32>)
      %ge3A_323 = arith.cmpf oge, %masked_sort3A_311, %masked_sort3A_321 : vector<16xf32>
      %select_n3A_324 = arith.select %ge3A_323, %masked_sort3A_311, %masked_sort3A_321 : vector<16xi1>, vector<16xf32>
      %select_n3A_325 = arith.select %ge3A_323, %masked_sort3A_312, %masked_sort3A_322 : vector<16xi1>, vector<16xf32>
      %masked_sort3A_326 = arith.constant dense<true> : vector<16xi1>
      %masked_sort3A_327, %masked_sort3A_328, %masked_sort3A_329 = tpu.sort %select_n3A_324, %select_n3A_325 masked %masked_sort3A_326 {descending = true} : (vector<16xf32>, vector<16xf32>, vector<16xi1>) -> (vector<16xi1>, vector<16xf32>, vector<16xf32>)
      %get3A_330 = arith.index_cast %add3A_23 : i32 to index
      %get3A_331 = arith.constant 288 : index
      %get3A_332 = tpu.vector_load %arg5[%get3A_330, %get3A_331] {strides = array<i32>} : memref<32x400xf32, #tpu.memory_space<vmem>>, vector<16xf32>,
      %get3A_333 = arith.index_cast %add3A_23 : i32 to index
      %get3A_334 = arith.constant 288 : index
      %get3A_335 = tpu.vector_load %arg6[%get3A_333, %get3A_334] {strides = array<i32>} : memref<32x400xf32, #tpu.memory_space<vmem>>, vector<16xf32>,
      %masked_sort3A_336 = arith.constant dense<true> : vector<16xi1>
      %masked_sort3A_337, %masked_sort3A_338, %masked_sort3A_339 = tpu.sort %get3A_332, %get3A_335 masked %masked_sort3A_336 : (vector<16xf32>, vector<16xf32>, vector<16xi1>) -> (vector<16xi1>, vector<16xf32>, vector<16xf32>)
      %ge3A_340 = arith.cmpf oge, %masked_sort3A_328, %masked_sort3A_338 : vector<16xf32>
      %select_n3A_341 = arith.select %ge3A_340, %masked_sort3A_328, %masked_sort3A_338 : vector<16xi1>, vector<16xf32>
      %select_n3A_342 = arith.select %ge3A_340, %masked_sort3A_329, %masked_sort3A_339 : vector<16xi1>, vector<16xf32>
      %masked_sort3A_343 = arith.constant dense<true> : vector<16xi1>
      %masked_sort3A_344, %masked_sort3A_345, %masked_sort3A_346 = tpu.sort %select_n3A_341, %select_n3A_342 masked %masked_sort3A_343 {descending = true} : (vector<16xf32>, vector<16xf32>, vector<16xi1>) -> (vector<16xi1>, vector<16xf32>, vector<16xf32>)
      %get3A_347 = arith.index_cast %add3A_23 : i32 to index
      %get3A_348 = arith.constant 304 : index
      %get3A_349 = tpu.vector_load %arg5[%get3A_347, %get3A_348] {strides = array<i32>} : memref<32x400xf32, #tpu.memory_space<vmem>>, vector<16xf32>,
      %get3A_350 = arith.index_cast %add3A_23 : i32 to index
      %get3A_351 = arith.constant 304 : index
      %get3A_352 = tpu.vector_load %arg6[%get3A_350, %get3A_351] {strides = array<i32>} : memref<32x400xf32, #tpu.memory_space<vmem>>, vector<16xf32>,
      %masked_sort3A_353 = arith.constant dense<true> : vector<16xi1>
      %masked_sort3A_354, %masked_sort3A_355, %masked_sort3A_356 = tpu.sort %get3A_349, %get3A_352 masked %masked_sort3A_353 : (vector<16xf32>, vector<16xf32>, vector<16xi1>) -> (vector<16xi1>, vector<16xf32>, vector<16xf32>)
      %ge3A_357 = arith.cmpf oge, %masked_sort3A_345, %masked_sort3A_355 : vector<16xf32>
      %select_n3A_358 = arith.select %ge3A_357, %masked_sort3A_345, %masked_sort3A_355 : vector<16xi1>, vector<16xf32>
      %select_n3A_359 = arith.select %ge3A_357, %masked_sort3A_346, %masked_sort3A_356 : vector<16xi1>, vector<16xf32>
      %masked_sort3A_360 = arith.constant dense<true> : vector<16xi1>
      %masked_sort3A_361, %masked_sort3A_362, %masked_sort3A_363 = tpu.sort %select_n3A_358, %select_n3A_359 masked %masked_sort3A_360 {descending = true} : (vector<16xf32>, vector<16xf32>, vector<16xi1>) -> (vector<16xi1>, vector<16xf32>, vector<16xf32>)
      %get3A_364 = arith.index_cast %add3A_23 : i32 to index
      %get3A_365 = arith.constant 320 : index
      %get3A_366 = tpu.vector_load %arg5[%get3A_364, %get3A_365] {strides = array<i32>} : memref<32x400xf32, #tpu.memory_space<vmem>>, vector<16xf32>,
      %get3A_367 = arith.index_cast %add3A_23 : i32 to index
      %get3A_368 = arith.constant 320 : index
      %get3A_369 = tpu.vector_load %arg6[%get3A_367, %get3A_368] {strides = array<i32>} : memref<32x400xf32, #tpu.memory_space<vmem>>, vector<16xf32>,
      %masked_sort3A_370 = arith.constant dense<true> : vector<16xi1>
      %masked_sort3A_371, %masked_sort3A_372, %masked_sort3A_373 = tpu.sort %get3A_366, %get3A_369 masked %masked_sort3A_370 : (vector<16xf32>, vector<16xf32>, vector<16xi1>) -> (vector<16xi1>, vector<16xf32>, vector<16xf32>)
      %ge3A_374 = arith.cmpf oge, %masked_sort3A_362, %masked_sort3A_372 : vector<16xf32>
      %select_n3A_375 = arith.select %ge3A_374, %masked_sort3A_362, %masked_sort3A_372 : vector<16xi1>, vector<16xf32>
      %select_n3A_376 = arith.select %ge3A_374, %masked_sort3A_363, %masked_sort3A_373 : vector<16xi1>, vector<16xf32>
      %masked_sort3A_377 = arith.constant dense<true> : vector<16xi1>
      %masked_sort3A_378, %masked_sort3A_379, %masked_sort3A_380 = tpu.sort %select_n3A_375, %select_n3A_376 masked %masked_sort3A_377 {descending = true} : (vector<16xf32>, vector<16xf32>, vector<16xi1>) -> (vector<16xi1>, vector<16xf32>, vector<16xf32>)
      %get3A_381 = arith.index_cast %add3A_23 : i32 to index
      %get3A_382 = arith.constant 336 : index
      %get3A_383 = tpu.vector_load %arg5[%get3A_381, %get3A_382] {strides = array<i32>} : memref<32x400xf32, #tpu.memory_space<vmem>>, vector<16xf32>,
      %get3A_384 = arith.index_cast %add3A_23 : i32 to index
      %get3A_385 = arith.constant 336 : index
      %get3A_386 = tpu.vector_load %arg6[%get3A_384, %get3A_385] {strides = array<i32>} : memref<32x400xf32, #tpu.memory_space<vmem>>, vector<16xf32>,
      %masked_sort3A_387 = arith.constant dense<true> : vector<16xi1>
      %masked_sort3A_388, %masked_sort3A_389, %masked_sort3A_390 = tpu.sort %get3A_383, %get3A_386 masked %masked_sort3A_387 : (vector<16xf32>, vector<16xf32>, vector<16xi1>) -> (vector<16xi1>, vector<16xf32>, vector<16xf32>)
      %ge3A_391 = arith.cmpf oge, %masked_sort3A_379, %masked_sort3A_389 : vector<16xf32>
      %select_n3A_392 = arith.select %ge3A_391, %masked_sort3A_379, %masked_sort3A_389 : vector<16xi1>, vector<16xf32>
      %select_n3A_393 = arith.select %ge3A_391, %masked_sort3A_380, %masked_sort3A_390 : vector<16xi1>, vector<16xf32>
      %masked_sort3A_394 = arith.constant dense<true> : vector<16xi1>
      %masked_sort3A_395, %masked_sort3A_396, %masked_sort3A_397 = tpu.sort %select_n3A_392, %select_n3A_393 masked %masked_sort3A_394 {descending = true} : (vector<16xf32>, vector<16xf32>, vector<16xi1>) -> (vector<16xi1>, vector<16xf32>, vector<16xf32>)
      %get3A_398 = arith.index_cast %add3A_23 : i32 to index
      %get3A_399 = arith.constant 352 : index
      %get3A_400 = tpu.vector_load %arg5[%get3A_398, %get3A_399] {strides = array<i32>} : memref<32x400xf32, #tpu.memory_space<vmem>>, vector<16xf32>,
      %get3A_401 = arith.index_cast %add3A_23 : i32 to index
      %get3A_402 = arith.constant 352 : index
      %get3A_403 = tpu.vector_load %arg6[%get3A_401, %get3A_402] {strides = array<i32>} : memref<32x400xf32, #tpu.memory_space<vmem>>, vector<16xf32>,
      %masked_sort3A_404 = arith.constant dense<true> : vector<16xi1>
      %masked_sort3A_405, %masked_sort3A_406, %masked_sort3A_407 = tpu.sort %get3A_400, %get3A_403 masked %masked_sort3A_404 : (vector<16xf32>, vector<16xf32>, vector<16xi1>) -> (vector<16xi1>, vector<16xf32>, vector<16xf32>)
      %ge3A_408 = arith.cmpf oge, %masked_sort3A_396, %masked_sort3A_406 : vector<16xf32>
      %select_n3A_409 = arith.select %ge3A_408, %masked_sort3A_396, %masked_sort3A_406 : vector<16xi1>, vector<16xf32>
      %select_n3A_410 = arith.select %ge3A_408, %masked_sort3A_397, %masked_sort3A_407 : vector<16xi1>, vector<16xf32>
      %masked_sort3A_411 = arith.constant dense<true> : vector<16xi1>
      %masked_sort3A_412, %masked_sort3A_413, %masked_sort3A_414 = tpu.sort %select_n3A_409, %select_n3A_410 masked %masked_sort3A_411 {descending = true} : (vector<16xf32>, vector<16xf32>, vector<16xi1>) -> (vector<16xi1>, vector<16xf32>, vector<16xf32>)
      %get3A_415 = arith.index_cast %add3A_23 : i32 to index
      %get3A_416 = arith.constant 368 : index
      %get3A_417 = tpu.vector_load %arg5[%get3A_415, %get3A_416] {strides = array<i32>} : memref<32x400xf32, #tpu.memory_space<vmem>>, vector<16xf32>,
      %get3A_418 = arith.index_cast %add3A_23 : i32 to index
      %get3A_419 = arith.constant 368 : index
      %get3A_420 = tpu.vector_load %arg6[%get3A_418, %get3A_419] {strides = array<i32>} : memref<32x400xf32, #tpu.memory_space<vmem>>, vector<16xf32>,
      %masked_sort3A_421 = arith.constant dense<true> : vector<16xi1>
      %masked_sort3A_422, %masked_sort3A_423, %masked_sort3A_424 = tpu.sort %get3A_417, %get3A_420 masked %masked_sort3A_421 : (vector<16xf32>, vector<16xf32>, vector<16xi1>) -> (vector<16xi1>, vector<16xf32>, vector<16xf32>)
      %ge3A_425 = arith.cmpf oge, %masked_sort3A_413, %masked_sort3A_423 : vector<16xf32>
      %select_n3A_426 = arith.select %ge3A_425, %masked_sort3A_413, %masked_sort3A_423 : vector<16xi1>, vector<16xf32>
      %select_n3A_427 = arith.select %ge3A_425, %masked_sort3A_414, %masked_sort3A_424 : vector<16xi1>, vector<16xf32>
      %masked_sort3A_428 = arith.constant dense<true> : vector<16xi1>
      %masked_sort3A_429, %masked_sort3A_430, %masked_sort3A_431 = tpu.sort %select_n3A_426, %select_n3A_427 masked %masked_sort3A_428 {descending = true} : (vector<16xf32>, vector<16xf32>, vector<16xi1>) -> (vector<16xi1>, vector<16xf32>, vector<16xf32>)
      %get3A_432 = arith.index_cast %add3A_23 : i32 to index
      %get3A_433 = arith.constant 384 : index
      %get3A_434 = tpu.vector_load %arg5[%get3A_432, %get3A_433] {strides = array<i32>} : memref<32x400xf32, #tpu.memory_space<vmem>>, vector<16xf32>,
      %get3A_435 = arith.index_cast %add3A_23 : i32 to index
      %get3A_436 = arith.constant 384 : index
      %get3A_437 = tpu.vector_load %arg6[%get3A_435, %get3A_436] {strides = array<i32>} : memref<32x400xf32, #tpu.memory_space<vmem>>, vector<16xf32>,
      %masked_sort3A_438 = arith.constant dense<true> : vector<16xi1>
      %masked_sort3A_439, %masked_sort3A_440, %masked_sort3A_441 = tpu.sort %get3A_434, %get3A_437 masked %masked_sort3A_438 : (vector<16xf32>, vector<16xf32>, vector<16xi1>) -> (vector<16xi1>, vector<16xf32>, vector<16xf32>)
      %ge3A_442 = arith.cmpf oge, %masked_sort3A_430, %masked_sort3A_440 : vector<16xf32>
      %select_n3A_443 = arith.select %ge3A_442, %masked_sort3A_430, %masked_sort3A_440 : vector<16xi1>, vector<16xf32>
      %select_n3A_444 = arith.select %ge3A_442, %masked_sort3A_431, %masked_sort3A_441 : vector<16xi1>, vector<16xf32>
      %masked_sort3A_445 = arith.constant dense<true> : vector<16xi1>
      %masked_sort3A_446, %masked_sort3A_447, %masked_sort3A_448 = tpu.sort %select_n3A_443, %select_n3A_444 masked %masked_sort3A_445 {descending = true} : (vector<16xf32>, vector<16xf32>, vector<16xi1>) -> (vector<16xi1>, vector<16xf32>, vector<16xf32>)
      %broadcast_in_dim3A_449 = arith.constant true
      %broadcast_in_dim3A_450 = vector.broadcast %broadcast_in_dim3A_449 : i1 to vector<16xi1>
      %masked_cumsum3A = tpu.scan <sum>, %masked_sort3A_448 masked %broadcast_in_dim3A_450 : vector<16xf32>, vector<16xi1> -> vector<16xf32>
      %ge3A_451 = arith.constant 8.000000e+00 : f32
      %ge3A_452 = vector.broadcast %ge3A_451 : f32 to vector<16xf32>
      %ge3A_453 = arith.cmpf oge, %masked_cumsum3A, %ge3A_452 : vector<16xf32>
      %jit3A = arith.constant -3.000000e+38 : f32
      %broadcast_in_dim3A_454 = vector.broadcast %jit3A : f32 to vector<16xf32>
      %select_n3A_455 = arith.select %ge3A_453, %masked_sort3A_447, %broadcast_in_dim3A_454 : vector<16xi1>, vector<16xf32>
      %reduce_max3A = arith.constant true
      %reduce_max3A_456 = vector.broadcast %reduce_max3A : i1 to vector<16xi1>
      %reduce_max3A_457 = tpu.scan <max>, %select_n3A_455 masked %reduce_max3A_456 : vector<16xf32>, vector<16xi1> -> vector<16xf32>
      %reduce_max3A_458 = vector.extract %reduce_max3A_457[15] : f32 from vector<16xf32>
      %eq3A = vector.broadcast %scan3A_20 : i32 to vector<16xi32>
      %eq3A_459 = arith.cmpi eq, %iota3A, %eq3A : vector<16xi32>
      %broadcast_in_dim3A_460 = vector.broadcast %reduce_max3A_458 : f32 to vector<16xf32>
      %select_n3A_461 = arith.select %eq3A_459, %broadcast_in_dim3A_460, %scan3A_21 : vector<16xi1>, vector<16xf32>
      scf.yield %select_n3A_461 : vector<16xf32>
    }
    %scan3A_17 = arith.constant 16 : i32
    %swap3A_18 = arith.constant 16 : index
    %swap3A_19 = tpu.vector_load %arg7[%swap3A_18] {strides = array<i32>} : memref<32xf32, #tpu.memory_space<vmem>>, vector<16xf32>,
    tpu.vector_store %arg7[%swap3A_18], %scan3A_16 {strides = array<i32>} : memref<32xf32, #tpu.memory_space<vmem>>, vector<16xf32>,
    "tpu.region"() ({
      %run_scoped3A = tpu.sem_alloc : memref<!tpu.dma_semaphore, #tpu.memory_space<semaphore_mem>>
      %dma_start3A = tpu.memref_slice %arg4[%mul3A_2] : memref<1024xf32, #tpu.memory_space<hbm>> -> memref<32xf32, #tpu.memory_space<hbm>>
      %dma_start3A_20 = tpu.memref_slice %arg4[%mul3A_2] : memref<1024xf32, #tpu.memory_space<hbm>> -> memref<32xf32, #tpu.memory_space<hbm>>
      tpu.enqueue_dma source(%arg7 : memref<32xf32, #tpu.memory_space<vmem>>) target(%dma_start3A_20 : memref<32xf32, #tpu.memory_space<hbm>>) target_semaphore(%run_scoped3A : memref<!tpu.dma_semaphore, #tpu.memory_space<semaphore_mem>>)
      %dma_wait3A = tpu.memref_slice %arg4[%mul3A_2] : memref<1024xf32, #tpu.memory_space<hbm>> -> memref<32xf32, #tpu.memory_space<hbm>>
      %dma_wait3A_21 = tpu.memref_slice %arg4[%mul3A_2] : memref<1024xf32, #tpu.memory_space<hbm>> -> memref<32xf32, #tpu.memory_space<hbm>>
      tpu.wait_dma2 semaphore(%run_scoped3A : memref<!tpu.dma_semaphore, #tpu.memory_space<semaphore_mem>>) src(%arg7 : memref<32xf32, #tpu.memory_space<vmem>>) dst(%dma_wait3A_21 : memref<32xf32, #tpu.memory_space<hbm>>)
      tpu.yield
    }) : () -> ()
    return
  }
}

module attributes {stable_mosaic.version = 14 : i64} {
  func.func @_k1_body(%arg0: i32, %arg1: memref<1024x128xf32, #tpu.memory_space<vmem>>, %arg2: memref<128x128xf32, #tpu.memory_space<vmem>>, %arg3: memref<2048x128xf32, #tpu.memory_space<vmem>>, %arg4: memref<1x1024x8xf32, #tpu.memory_space<vmem>>, %arg5: memref<1x1024x8xf32, #tpu.memory_space<vmem>>, %arg6: memref<1024x128xf32, #tpu.memory_space<vmem>>) attributes {dimension_semantics = [#tpu.dimension_semantics<arbitrary>], iteration_bounds = array<i64: 49>, scalar_prefetch = 0 : i64, scratch_operands = 1 : i64, tpu.core_type = #tpu.core_type<tc>, window_params = [{pipeline_mode = #tpu.pipeline_mode<synchronous>, transform_indices = @transform_0, window_bounds = array<i64: 1024, 128>}, {pipeline_mode = #tpu.pipeline_mode<synchronous>, transform_indices = @transform_1, window_bounds = array<i64: 128, 128>}, {transform_indices = @transform_2, window_bounds = array<i64: 2048, 128>}, {transform_indices = @transform_3, window_bounds = array<i64: 1, 1024, 8>}, {transform_indices = @transform_4, window_bounds = array<i64: 1, 1024, 8>}]} {
    %eq3A = arith.constant 0 : i32
    %eq3A_0 = arith.cmpi eq, %arg0, %eq3A : i32
    %convert_element_type3A = arith.extui %eq3A_0 : i1 to i32
    %cond3A = arith.constant 0 : i32
    %cond3A_1 = arith.cmpi ne, %convert_element_type3A, %cond3A : i32
    scf.if %cond3A_1 {
      %get3A_152 = arith.constant 0 : index
      %get3A_153 = arith.constant 0 : index
      %get3A_154 = vector.load %arg1[%get3A_152, %get3A_153] : memref<1024x128xf32, #tpu.memory_space<vmem>>, vector<1024x128xf32>
      %convert_element_type3A_155 = arith.truncf %get3A_154 : vector<1024x128xf32> to vector<1024x128xbf16>
      %get3A_156 = arith.constant 0 : index
      %get3A_157 = arith.constant 0 : index
      %get3A_158 = vector.load %arg2[%get3A_156, %get3A_157] : memref<128x128xf32, #tpu.memory_space<vmem>>, vector<128x128xf32>
      %convert_element_type3A_159 = arith.truncf %get3A_158 : vector<128x128xf32> to vector<128x128xbf16>
      %dot_general3A_160 = arith.constant dense<0.000000e+00> : vector<1024x128xf32>
      %dot_general3A_161 = tpu.matmul %convert_element_type3A_155, %convert_element_type3A_159, %dot_general3A_160 {dimension_numbers = #tpu.dot_dimension_numbers<[1], [0], [0], [1], [0, 0, 1, 1], [], []>, transpose_lhs_hint = false} : vector<1024x128xbf16>, vector<128x128xbf16>, vector<1024x128xf32> -> vector<1024x128xf32>
      %mul3A_162 = arith.constant 2.000000e+00 : f32
      %mul3A_163 = vector.broadcast %mul3A_162 : f32 to vector<1024x128xf32>
      %mul3A_164 = arith.mulf %mul3A_163, %dot_general3A_161 : vector<1024x128xf32>
      %swap3A_165 = arith.constant 0 : index
      %swap3A_166 = arith.constant 0 : index
      %swap3A_167 = vector.load %arg6[%swap3A_165, %swap3A_166] : memref<1024x128xf32, #tpu.memory_space<vmem>>, vector<1024x128xf32>
      tpu.vector_store %arg6[%swap3A_165, %swap3A_166], %mul3A_164 {strides = array<i32>} : memref<1024x128xf32, #tpu.memory_space<vmem>>, vector<1024x128xf32>,
    } else {
    }
    %get3A = arith.constant 0 : index
    %get3A_2 = arith.constant 0 : index
    %get3A_3 = vector.load %arg3[%get3A, %get3A_2] : memref<2048x128xf32, #tpu.memory_space<vmem>>, vector<2048x128xf32>
    %broadcast_in_dim3A = arith.constant 1.000000e+00 : f32
    %broadcast_in_dim3A_4 = vector.broadcast %broadcast_in_dim3A : f32 to vector<1x128xf32>
    %mul3A = arith.mulf %get3A_3, %get3A_3 : vector<2048x128xf32>
    %dot_general3A = arith.constant dense<0.000000e+00> : vector<1x2048xf32>
    %dot_general3A_5 = tpu.matmul %broadcast_in_dim3A_4, %mul3A, %dot_general3A {dimension_numbers = #tpu.dot_dimension_numbers<[1], [1], [0], [0], [0, 0, 1, 0], [], []>, precision = #tpu.contract_precision<fp32>, transpose_lhs_hint = false} : vector<1x128xf32>, vector<2048x128xf32>, vector<1x2048xf32> -> vector<1x2048xf32>
    %get3A_6 = arith.constant 0 : index
    %get3A_7 = arith.constant 0 : index
    %get3A_8 = vector.load %arg6[%get3A_6, %get3A_7] : memref<1024x128xf32, #tpu.memory_space<vmem>>, vector<1024x128xf32>
    %convert_element_type3A_9 = arith.truncf %get3A_8 : vector<1024x128xf32> to vector<1024x128xbf16>
    %convert_element_type3A_10 = arith.truncf %get3A_3 : vector<2048x128xf32> to vector<2048x128xbf16>
    %dot_general3A_11 = arith.constant dense<0.000000e+00> : vector<1024x2048xf32>
    %dot_general3A_12 = tpu.matmul %convert_element_type3A_9, %convert_element_type3A_10, %dot_general3A_11 {dimension_numbers = #tpu.dot_dimension_numbers<[1], [1], [0], [0], [0, 0, 1, 0], [], []>, transpose_lhs_hint = false} : vector<1024x128xbf16>, vector<2048x128xbf16>, vector<1024x2048xf32> -> vector<1024x2048xf32>
    %sub3A = vector.broadcast %dot_general3A_5 : vector<1x2048xf32> to vector<1024x2048xf32>
    %sub3A_13 = arith.subf %dot_general3A_12, %sub3A : vector<1024x2048xf32>
    %slice3A = vector.extract_strided_slice %sub3A_13 {offsets = [0, 0], sizes = [1024, 1024], strides = [1, 1]} : vector<1024x2048xf32> to vector<1024x1024xf32>
    %slice3A_14 = vector.extract_strided_slice %sub3A_13 {offsets = [0, 1024], sizes = [1024, 1024], strides = [1, 1]} : vector<1024x2048xf32> to vector<1024x1024xf32>
    %max3A = arith.maximumf %slice3A, %slice3A_14 : vector<1024x1024xf32>
    %min3A = arith.minimumf %slice3A, %slice3A_14 : vector<1024x1024xf32>
    %reduce_max3A = arith.constant dense<0xFF800000> : vector<1024xf32>
    %reduce_max3A_15 = vector.multi_reduction <maximumf>, %max3A, %reduce_max3A [1] : vector<1024x1024xf32> to vector<1024xf32>
    %broadcast_in_dim3A_16 = vector.shape_cast %reduce_max3A_15 : vector<1024xf32> to vector<1024x1xf32>
    %eq3A_17 = vector.broadcast %broadcast_in_dim3A_16 : vector<1024x1xf32> to vector<1024x1024xf32>
    %eq3A_18 = arith.cmpf oeq, %max3A, %eq3A_17 : vector<1024x1024xf32>
    %jit3A = arith.constant 1.000000e+00 : f32
    %jit3A_19 = arith.constant 0.000000e+00 : f32
    %broadcast_in_dim3A_20 = vector.broadcast %jit3A : f32 to vector<1024x1024xf32>
    %broadcast_in_dim3A_21 = vector.broadcast %jit3A_19 : f32 to vector<1024x1024xf32>
    %select_n3A = arith.select %eq3A_18, %broadcast_in_dim3A_20, %broadcast_in_dim3A_21 : vector<1024x1024xi1>, vector<1024x1024xf32>
    %reduce_sum3A = arith.constant dense<0.000000e+00> : vector<1024xf32>
    %reduce_sum3A_22 = vector.multi_reduction <add>, %select_n3A, %reduce_sum3A [1] : vector<1024x1024xf32> to vector<1024xf32>
    %broadcast_in_dim3A_23 = vector.shape_cast %reduce_sum3A_22 : vector<1024xf32> to vector<1024x1xf32>
    %select_n3A_24 = arith.select %eq3A_18, %min3A, %max3A : vector<1024x1024xi1>, vector<1024x1024xf32>
    %jit3A_25 = arith.constant -3.000000e+38 : f32
    %broadcast_in_dim3A_26 = vector.broadcast %jit3A_25 : f32 to vector<1024x1024xf32>
    %select_n3A_27 = arith.select %eq3A_18, %broadcast_in_dim3A_26, %min3A : vector<1024x1024xi1>, vector<1024x1024xf32>
    %reduce_max3A_28 = arith.constant dense<0xFF800000> : vector<1024xf32>
    %reduce_max3A_29 = vector.multi_reduction <maximumf>, %select_n3A_24, %reduce_max3A_28 [1] : vector<1024x1024xf32> to vector<1024xf32>
    %broadcast_in_dim3A_30 = vector.shape_cast %reduce_max3A_29 : vector<1024xf32> to vector<1024x1xf32>
    %eq3A_31 = vector.broadcast %broadcast_in_dim3A_30 : vector<1024x1xf32> to vector<1024x1024xf32>
    %eq3A_32 = arith.cmpf oeq, %select_n3A_24, %eq3A_31 : vector<1024x1024xf32>
    %jit3A_33 = arith.constant 1.000000e+00 : f32
    %jit3A_34 = arith.constant 0.000000e+00 : f32
    %broadcast_in_dim3A_35 = vector.broadcast %jit3A_33 : f32 to vector<1024x1024xf32>
    %broadcast_in_dim3A_36 = vector.broadcast %jit3A_34 : f32 to vector<1024x1024xf32>
    %select_n3A_37 = arith.select %eq3A_32, %broadcast_in_dim3A_35, %broadcast_in_dim3A_36 : vector<1024x1024xi1>, vector<1024x1024xf32>
    %reduce_sum3A_38 = arith.constant dense<0.000000e+00> : vector<1024xf32>
    %reduce_sum3A_39 = vector.multi_reduction <add>, %select_n3A_37, %reduce_sum3A_38 [1] : vector<1024x1024xf32> to vector<1024xf32>
    %broadcast_in_dim3A_40 = vector.shape_cast %reduce_sum3A_39 : vector<1024xf32> to vector<1024x1xf32>
    %select_n3A_41 = arith.select %eq3A_32, %select_n3A_27, %select_n3A_24 : vector<1024x1024xi1>, vector<1024x1024xf32>
    %jit3A_42 = arith.constant -3.000000e+38 : f32
    %broadcast_in_dim3A_43 = vector.broadcast %jit3A_42 : f32 to vector<1024x1024xf32>
    %select_n3A_44 = arith.select %eq3A_32, %broadcast_in_dim3A_43, %select_n3A_27 : vector<1024x1024xi1>, vector<1024x1024xf32>
    %reduce_max3A_45 = arith.constant dense<0xFF800000> : vector<1024xf32>
    %reduce_max3A_46 = vector.multi_reduction <maximumf>, %select_n3A_41, %reduce_max3A_45 [1] : vector<1024x1024xf32> to vector<1024xf32>
    %broadcast_in_dim3A_47 = vector.shape_cast %reduce_max3A_46 : vector<1024xf32> to vector<1024x1xf32>
    %eq3A_48 = vector.broadcast %broadcast_in_dim3A_47 : vector<1024x1xf32> to vector<1024x1024xf32>
    %eq3A_49 = arith.cmpf oeq, %select_n3A_41, %eq3A_48 : vector<1024x1024xf32>
    %jit3A_50 = arith.constant 1.000000e+00 : f32
    %jit3A_51 = arith.constant 0.000000e+00 : f32
    %broadcast_in_dim3A_52 = vector.broadcast %jit3A_50 : f32 to vector<1024x1024xf32>
    %broadcast_in_dim3A_53 = vector.broadcast %jit3A_51 : f32 to vector<1024x1024xf32>
    %select_n3A_54 = arith.select %eq3A_49, %broadcast_in_dim3A_52, %broadcast_in_dim3A_53 : vector<1024x1024xi1>, vector<1024x1024xf32>
    %reduce_sum3A_55 = arith.constant dense<0.000000e+00> : vector<1024xf32>
    %reduce_sum3A_56 = vector.multi_reduction <add>, %select_n3A_54, %reduce_sum3A_55 [1] : vector<1024x1024xf32> to vector<1024xf32>
    %broadcast_in_dim3A_57 = vector.shape_cast %reduce_sum3A_56 : vector<1024xf32> to vector<1024x1xf32>
    %select_n3A_58 = arith.select %eq3A_49, %select_n3A_44, %select_n3A_41 : vector<1024x1024xi1>, vector<1024x1024xf32>
    %jit3A_59 = arith.constant -3.000000e+38 : f32
    %broadcast_in_dim3A_60 = vector.broadcast %jit3A_59 : f32 to vector<1024x1024xf32>
    %select_n3A_61 = arith.select %eq3A_49, %broadcast_in_dim3A_60, %select_n3A_44 : vector<1024x1024xi1>, vector<1024x1024xf32>
    %reduce_max3A_62 = arith.constant dense<0xFF800000> : vector<1024xf32>
    %reduce_max3A_63 = vector.multi_reduction <maximumf>, %select_n3A_58, %reduce_max3A_62 [1] : vector<1024x1024xf32> to vector<1024xf32>
    %broadcast_in_dim3A_64 = vector.shape_cast %reduce_max3A_63 : vector<1024xf32> to vector<1024x1xf32>
    %eq3A_65 = vector.broadcast %broadcast_in_dim3A_64 : vector<1024x1xf32> to vector<1024x1024xf32>
    %eq3A_66 = arith.cmpf oeq, %select_n3A_58, %eq3A_65 : vector<1024x1024xf32>
    %jit3A_67 = arith.constant 1.000000e+00 : f32
    %jit3A_68 = arith.constant 0.000000e+00 : f32
    %broadcast_in_dim3A_69 = vector.broadcast %jit3A_67 : f32 to vector<1024x1024xf32>
    %broadcast_in_dim3A_70 = vector.broadcast %jit3A_68 : f32 to vector<1024x1024xf32>
    %select_n3A_71 = arith.select %eq3A_66, %broadcast_in_dim3A_69, %broadcast_in_dim3A_70 : vector<1024x1024xi1>, vector<1024x1024xf32>
    %reduce_sum3A_72 = arith.constant dense<0.000000e+00> : vector<1024xf32>
    %reduce_sum3A_73 = vector.multi_reduction <add>, %select_n3A_71, %reduce_sum3A_72 [1] : vector<1024x1024xf32> to vector<1024xf32>
    %broadcast_in_dim3A_74 = vector.shape_cast %reduce_sum3A_73 : vector<1024xf32> to vector<1024x1xf32>
    %select_n3A_75 = arith.select %eq3A_66, %select_n3A_61, %select_n3A_58 : vector<1024x1024xi1>, vector<1024x1024xf32>
    %jit3A_76 = arith.constant -3.000000e+38 : f32
    %broadcast_in_dim3A_77 = vector.broadcast %jit3A_76 : f32 to vector<1024x1024xf32>
    %select_n3A_78 = arith.select %eq3A_66, %broadcast_in_dim3A_77, %select_n3A_61 : vector<1024x1024xi1>, vector<1024x1024xf32>
    %reduce_max3A_79 = arith.constant dense<0xFF800000> : vector<1024xf32>
    %reduce_max3A_80 = vector.multi_reduction <maximumf>, %select_n3A_75, %reduce_max3A_79 [1] : vector<1024x1024xf32> to vector<1024xf32>
    %broadcast_in_dim3A_81 = vector.shape_cast %reduce_max3A_80 : vector<1024xf32> to vector<1024x1xf32>
    %eq3A_82 = vector.broadcast %broadcast_in_dim3A_81 : vector<1024x1xf32> to vector<1024x1024xf32>
    %eq3A_83 = arith.cmpf oeq, %select_n3A_75, %eq3A_82 : vector<1024x1024xf32>
    %jit3A_84 = arith.constant 1.000000e+00 : f32
    %jit3A_85 = arith.constant 0.000000e+00 : f32
    %broadcast_in_dim3A_86 = vector.broadcast %jit3A_84 : f32 to vector<1024x1024xf32>
    %broadcast_in_dim3A_87 = vector.broadcast %jit3A_85 : f32 to vector<1024x1024xf32>
    %select_n3A_88 = arith.select %eq3A_83, %broadcast_in_dim3A_86, %broadcast_in_dim3A_87 : vector<1024x1024xi1>, vector<1024x1024xf32>
    %reduce_sum3A_89 = arith.constant dense<0.000000e+00> : vector<1024xf32>
    %reduce_sum3A_90 = vector.multi_reduction <add>, %select_n3A_88, %reduce_sum3A_89 [1] : vector<1024x1024xf32> to vector<1024xf32>
    %broadcast_in_dim3A_91 = vector.shape_cast %reduce_sum3A_90 : vector<1024xf32> to vector<1024x1xf32>
    %select_n3A_92 = arith.select %eq3A_83, %select_n3A_78, %select_n3A_75 : vector<1024x1024xi1>, vector<1024x1024xf32>
    %jit3A_93 = arith.constant -3.000000e+38 : f32
    %broadcast_in_dim3A_94 = vector.broadcast %jit3A_93 : f32 to vector<1024x1024xf32>
    %select_n3A_95 = arith.select %eq3A_83, %broadcast_in_dim3A_94, %select_n3A_78 : vector<1024x1024xi1>, vector<1024x1024xf32>
    %reduce_max3A_96 = arith.constant dense<0xFF800000> : vector<1024xf32>
    %reduce_max3A_97 = vector.multi_reduction <maximumf>, %select_n3A_92, %reduce_max3A_96 [1] : vector<1024x1024xf32> to vector<1024xf32>
    %broadcast_in_dim3A_98 = vector.shape_cast %reduce_max3A_97 : vector<1024xf32> to vector<1024x1xf32>
    %eq3A_99 = vector.broadcast %broadcast_in_dim3A_98 : vector<1024x1xf32> to vector<1024x1024xf32>
    %eq3A_100 = arith.cmpf oeq, %select_n3A_92, %eq3A_99 : vector<1024x1024xf32>
    %jit3A_101 = arith.constant 1.000000e+00 : f32
    %jit3A_102 = arith.constant 0.000000e+00 : f32
    %broadcast_in_dim3A_103 = vector.broadcast %jit3A_101 : f32 to vector<1024x1024xf32>
    %broadcast_in_dim3A_104 = vector.broadcast %jit3A_102 : f32 to vector<1024x1024xf32>
    %select_n3A_105 = arith.select %eq3A_100, %broadcast_in_dim3A_103, %broadcast_in_dim3A_104 : vector<1024x1024xi1>, vector<1024x1024xf32>
    %reduce_sum3A_106 = arith.constant dense<0.000000e+00> : vector<1024xf32>
    %reduce_sum3A_107 = vector.multi_reduction <add>, %select_n3A_105, %reduce_sum3A_106 [1] : vector<1024x1024xf32> to vector<1024xf32>
    %broadcast_in_dim3A_108 = vector.shape_cast %reduce_sum3A_107 : vector<1024xf32> to vector<1024x1xf32>
    %select_n3A_109 = arith.select %eq3A_100, %select_n3A_95, %select_n3A_92 : vector<1024x1024xi1>, vector<1024x1024xf32>
    %jit3A_110 = arith.constant -3.000000e+38 : f32
    %broadcast_in_dim3A_111 = vector.broadcast %jit3A_110 : f32 to vector<1024x1024xf32>
    %select_n3A_112 = arith.select %eq3A_100, %broadcast_in_dim3A_111, %select_n3A_95 : vector<1024x1024xi1>, vector<1024x1024xf32>
    %reduce_max3A_113 = arith.constant dense<0xFF800000> : vector<1024xf32>
    %reduce_max3A_114 = vector.multi_reduction <maximumf>, %select_n3A_109, %reduce_max3A_113 [1] : vector<1024x1024xf32> to vector<1024xf32>
    %broadcast_in_dim3A_115 = vector.shape_cast %reduce_max3A_114 : vector<1024xf32> to vector<1024x1xf32>
    %eq3A_116 = vector.broadcast %broadcast_in_dim3A_115 : vector<1024x1xf32> to vector<1024x1024xf32>
    %eq3A_117 = arith.cmpf oeq, %select_n3A_109, %eq3A_116 : vector<1024x1024xf32>
    %jit3A_118 = arith.constant 1.000000e+00 : f32
    %jit3A_119 = arith.constant 0.000000e+00 : f32
    %broadcast_in_dim3A_120 = vector.broadcast %jit3A_118 : f32 to vector<1024x1024xf32>
    %broadcast_in_dim3A_121 = vector.broadcast %jit3A_119 : f32 to vector<1024x1024xf32>
    %select_n3A_122 = arith.select %eq3A_117, %broadcast_in_dim3A_120, %broadcast_in_dim3A_121 : vector<1024x1024xi1>, vector<1024x1024xf32>
    %reduce_sum3A_123 = arith.constant dense<0.000000e+00> : vector<1024xf32>
    %reduce_sum3A_124 = vector.multi_reduction <add>, %select_n3A_122, %reduce_sum3A_123 [1] : vector<1024x1024xf32> to vector<1024xf32>
    %broadcast_in_dim3A_125 = vector.shape_cast %reduce_sum3A_124 : vector<1024xf32> to vector<1024x1xf32>
    %select_n3A_126 = arith.select %eq3A_117, %select_n3A_112, %select_n3A_109 : vector<1024x1024xi1>, vector<1024x1024xf32>
    %reduce_max3A_127 = arith.constant dense<0xFF800000> : vector<1024xf32>
    %reduce_max3A_128 = vector.multi_reduction <maximumf>, %select_n3A_126, %reduce_max3A_127 [1] : vector<1024x1024xf32> to vector<1024xf32>
    %broadcast_in_dim3A_129 = vector.shape_cast %reduce_max3A_128 : vector<1024xf32> to vector<1024x1xf32>
    %eq3A_130 = vector.broadcast %broadcast_in_dim3A_129 : vector<1024x1xf32> to vector<1024x1024xf32>
    %eq3A_131 = arith.cmpf oeq, %select_n3A_126, %eq3A_130 : vector<1024x1024xf32>
    %jit3A_132 = arith.constant 1.000000e+00 : f32
    %jit3A_133 = arith.constant 0.000000e+00 : f32
    %broadcast_in_dim3A_134 = vector.broadcast %jit3A_132 : f32 to vector<1024x1024xf32>
    %broadcast_in_dim3A_135 = vector.broadcast %jit3A_133 : f32 to vector<1024x1024xf32>
    %select_n3A_136 = arith.select %eq3A_131, %broadcast_in_dim3A_134, %broadcast_in_dim3A_135 : vector<1024x1024xi1>, vector<1024x1024xf32>
    %reduce_sum3A_137 = arith.constant dense<0.000000e+00> : vector<1024xf32>
    %reduce_sum3A_138 = vector.multi_reduction <add>, %select_n3A_136, %reduce_sum3A_137 [1] : vector<1024x1024xf32> to vector<1024xf32>
    %broadcast_in_dim3A_139 = vector.shape_cast %reduce_sum3A_138 : vector<1024xf32> to vector<1024x1xf32>
    %concatenate3A = tpu.concatenate %broadcast_in_dim3A_16, %broadcast_in_dim3A_30, %broadcast_in_dim3A_47, %broadcast_in_dim3A_64, %broadcast_in_dim3A_81, %broadcast_in_dim3A_98, %broadcast_in_dim3A_115, %broadcast_in_dim3A_129 in 1 : vector<1024x1xf32>, vector<1024x1xf32>, vector<1024x1xf32>, vector<1024x1xf32>, vector<1024x1xf32>, vector<1024x1xf32>, vector<1024x1xf32>, vector<1024x1xf32> -> vector<1024x8xf32>
    %swap3A = arith.constant 0 : index
    %swap3A_140 = arith.constant 0 : index
    %swap3A_141 = arith.constant 0 : index
    %swap3A_142 = vector.load %arg4[%swap3A, %swap3A_140, %swap3A_141] : memref<1x1024x8xf32, #tpu.memory_space<vmem>>, vector<1x1024x8xf32>
    %swap3A_143 = vector.shape_cast %swap3A_142 : vector<1x1024x8xf32> to vector<1024x8xf32>
    %swap3A_144 = vector.shape_cast %concatenate3A : vector<1024x8xf32> to vector<1x1024x8xf32>
    tpu.vector_store %arg4[%swap3A, %swap3A_140, %swap3A_141], %swap3A_144 {strides = array<i32>} : memref<1x1024x8xf32, #tpu.memory_space<vmem>>, vector<1x1024x8xf32>,
    %concatenate3A_145 = tpu.concatenate %broadcast_in_dim3A_23, %broadcast_in_dim3A_40, %broadcast_in_dim3A_57, %broadcast_in_dim3A_74, %broadcast_in_dim3A_91, %broadcast_in_dim3A_108, %broadcast_in_dim3A_125, %broadcast_in_dim3A_139 in 1 : vector<1024x1xf32>, vector<1024x1xf32>, vector<1024x1xf32>, vector<1024x1xf32>, vector<1024x1xf32>, vector<1024x1xf32>, vector<1024x1xf32>, vector<1024x1xf32> -> vector<1024x8xf32>
    %swap3A_146 = arith.constant 0 : index
    %swap3A_147 = arith.constant 0 : index
    %swap3A_148 = arith.constant 0 : index
    %swap3A_149 = vector.load %arg5[%swap3A_146, %swap3A_147, %swap3A_148] : memref<1x1024x8xf32, #tpu.memory_space<vmem>>, vector<1x1024x8xf32>
    %swap3A_150 = vector.shape_cast %swap3A_149 : vector<1x1024x8xf32> to vector<1024x8xf32>
    %swap3A_151 = vector.shape_cast %concatenate3A_145 : vector<1024x8xf32> to vector<1x1024x8xf32>
    tpu.vector_store %arg5[%swap3A_146, %swap3A_147, %swap3A_148], %swap3A_151 {strides = array<i32>} : memref<1x1024x8xf32, #tpu.memory_space<vmem>>, vector<1x1024x8xf32>,
    return
  }
  func.func @transform_0(%arg0: i32) -> (i32, i32) {
    %c0_i32 = arith.constant 0 : i32
    %c0_i32_0 = arith.constant 0 : i32
    %c0_i32_1 = arith.constant 0 : i32
    return %c0_i32, %c0_i32_0 : i32, i32
  }
  func.func @transform_1(%arg0: i32) -> (i32, i32) {
    %c0_i32 = arith.constant 0 : i32
    %c0_i32_0 = arith.constant 0 : i32
    %c0_i32_1 = arith.constant 0 : i32
    return %c0_i32, %c0_i32_0 : i32, i32
  }
  func.func @transform_2(%arg0: i32) -> (i32, i32) {
    %c0_i32 = arith.constant 0 : i32
    %c0_i32_0 = arith.constant 0 : i32
    return %arg0, %c0_i32 : i32, i32
  }
  func.func @transform_3(%arg0: i32) -> (i32, i32, i32) {
    %c0_i32 = arith.constant 0 : i32
    %c0_i32_0 = arith.constant 0 : i32
    %c0_i32_1 = arith.constant 0 : i32
    return %arg0, %c0_i32, %c0_i32_0 : i32, i32, i32
  }
  func.func @transform_4(%arg0: i32) -> (i32, i32, i32) {
    %c0_i32 = arith.constant 0 : i32
    %c0_i32_0 = arith.constant 0 : i32
    %c0_i32_1 = arith.constant 0 : i32
    return %arg0, %c0_i32, %c0_i32_0 : i32, i32, i32
  }
}

module attributes {stable_mosaic.version = 14 : i64} {
  func.func @_k2_body(%arg0: i32, %arg1: memref<1024x128xf32, #tpu.memory_space<vmem>>, %arg2: memref<128x128xf32, #tpu.memory_space<vmem>>, %arg3: memref<2048x128xf32, #tpu.memory_space<vmem>>, %arg4: memref<1x2048xf32, #tpu.memory_space<vmem>>, %arg5: memref<1024x1xf32, #tpu.memory_space<vmem>>, %arg6: memref<1024x1xf32, #tpu.memory_space<vmem>>, %arg7: memref<1024x128xf32, #tpu.memory_space<vmem>>, %arg8: memref<1024x4xf32, #tpu.memory_space<vmem>>) attributes {dimension_semantics = [#tpu.dimension_semantics<arbitrary>], iteration_bounds = array<i64: 49>, scalar_prefetch = 0 : i64, scratch_operands = 2 : i64, tpu.core_type = #tpu.core_type<tc>, window_params = [{pipeline_mode = #tpu.pipeline_mode<synchronous>, transform_indices = @transform_0, window_bounds = array<i64: 1024, 128>}, {pipeline_mode = #tpu.pipeline_mode<synchronous>, transform_indices = @transform_1, window_bounds = array<i64: 128, 128>}, {transform_indices = @transform_2, window_bounds = array<i64: 2048, 128>}, {transform_indices = @transform_3, window_bounds = array<i64: 1, 2048>}, {pipeline_mode = #tpu.pipeline_mode<synchronous>, transform_indices = @transform_4, window_bounds = array<i64: 1024, 1>}, {pipeline_mode = #tpu.pipeline_mode<synchronous>, transform_indices = @transform_5, window_bounds = array<i64: 1024, 1>}]} {
    %eq3A = arith.constant 0 : i32
    %eq3A_0 = arith.cmpi eq, %arg0, %eq3A : i32
    %convert_element_type3A = arith.extui %eq3A_0 : i1 to i32
    %cond3A = arith.constant 0 : i32
    %cond3A_1 = arith.cmpi ne, %convert_element_type3A, %cond3A : i32
    scf.if %cond3A_1 {
      %get3A_67 = arith.constant 0 : index
      %get3A_68 = arith.constant 0 : index
      %get3A_69 = vector.load %arg1[%get3A_67, %get3A_68] : memref<1024x128xf32, #tpu.memory_space<vmem>>, vector<1024x128xf32>
      %convert_element_type3A_70 = arith.truncf %get3A_69 : vector<1024x128xf32> to vector<1024x128xbf16>
      %get3A_71 = arith.constant 0 : index
      %get3A_72 = arith.constant 0 : index
      %get3A_73 = vector.load %arg2[%get3A_71, %get3A_72] : memref<128x128xf32, #tpu.memory_space<vmem>>, vector<128x128xf32>
      %convert_element_type3A_74 = arith.truncf %get3A_73 : vector<128x128xf32> to vector<128x128xbf16>
      %dot_general3A_75 = arith.constant dense<0.000000e+00> : vector<1024x128xf32>
      %dot_general3A_76 = tpu.matmul %convert_element_type3A_70, %convert_element_type3A_74, %dot_general3A_75 {dimension_numbers = #tpu.dot_dimension_numbers<[1], [0], [0], [1], [0, 0, 1, 1], [], []>, transpose_lhs_hint = false} : vector<1024x128xbf16>, vector<128x128xbf16>, vector<1024x128xf32> -> vector<1024x128xf32>
      %mul3A_77 = arith.constant 2.000000e+00 : f32
      %mul3A_78 = vector.broadcast %mul3A_77 : f32 to vector<1024x128xf32>
      %mul3A_79 = arith.mulf %mul3A_78, %dot_general3A_76 : vector<1024x128xf32>
      %swap3A_80 = arith.constant 0 : index
      %swap3A_81 = arith.constant 0 : index
      %swap3A_82 = vector.load %arg7[%swap3A_80, %swap3A_81] : memref<1024x128xf32, #tpu.memory_space<vmem>>, vector<1024x128xf32>
      tpu.vector_store %arg7[%swap3A_80, %swap3A_81], %mul3A_79 {strides = array<i32>} : memref<1024x128xf32, #tpu.memory_space<vmem>>, vector<1024x128xf32>,
    } else {
    }
    %get3A = arith.constant 0 : index
    %get3A_2 = arith.constant 0 : index
    %get3A_3 = vector.load %arg3[%get3A, %get3A_2] : memref<2048x128xf32, #tpu.memory_space<vmem>>, vector<2048x128xf32>
    %broadcast_in_dim3A = arith.constant 1.000000e+00 : f32
    %broadcast_in_dim3A_4 = vector.broadcast %broadcast_in_dim3A : f32 to vector<1x128xf32>
    %mul3A = arith.mulf %get3A_3, %get3A_3 : vector<2048x128xf32>
    %dot_general3A = arith.constant dense<0.000000e+00> : vector<1x2048xf32>
    %dot_general3A_5 = tpu.matmul %broadcast_in_dim3A_4, %mul3A, %dot_general3A {dimension_numbers = #tpu.dot_dimension_numbers<[1], [1], [0], [0], [0, 0, 1, 0], [], []>, precision = #tpu.contract_precision<fp32>, transpose_lhs_hint = false} : vector<1x128xf32>, vector<2048x128xf32>, vector<1x2048xf32> -> vector<1x2048xf32>
    %get3A_6 = arith.constant 0 : index
    %get3A_7 = arith.constant 0 : index
    %get3A_8 = vector.load %arg7[%get3A_6, %get3A_7] : memref<1024x128xf32, #tpu.memory_space<vmem>>, vector<1024x128xf32>
    %convert_element_type3A_9 = arith.truncf %get3A_8 : vector<1024x128xf32> to vector<1024x128xbf16>
    %convert_element_type3A_10 = arith.truncf %get3A_3 : vector<2048x128xf32> to vector<2048x128xbf16>
    %dot_general3A_11 = arith.constant dense<0.000000e+00> : vector<1024x2048xf32>
    %dot_general3A_12 = tpu.matmul %convert_element_type3A_9, %convert_element_type3A_10, %dot_general3A_11 {dimension_numbers = #tpu.dot_dimension_numbers<[1], [1], [0], [0], [0, 0, 1, 0], [], []>, transpose_lhs_hint = false} : vector<1024x128xbf16>, vector<2048x128xbf16>, vector<1024x2048xf32> -> vector<1024x2048xf32>
    %sub3A = vector.broadcast %dot_general3A_5 : vector<1x2048xf32> to vector<1024x2048xf32>
    %sub3A_13 = arith.subf %dot_general3A_12, %sub3A : vector<1024x2048xf32>
    %get3A_14 = arith.constant 0 : index
    %get3A_15 = arith.constant 0 : index
    %get3A_16 = vector.load %arg5[%get3A_14, %get3A_15] : memref<1024x1xf32, #tpu.memory_space<vmem>>, vector<1024x1xf32>
    %get3A_17 = arith.constant 0 : index
    %get3A_18 = arith.constant 0 : index
    %get3A_19 = vector.load %arg4[%get3A_17, %get3A_18] : memref<1x2048xf32, #tpu.memory_space<vmem>>, vector<1x2048xf32>
    %eq3A_20 = arith.constant 0 : i32
    %eq3A_21 = arith.cmpi eq, %arg0, %eq3A_20 : i32
    %convert_element_type3A_22 = arith.extui %eq3A_21 : i1 to i32
    %cond3A_23 = arith.constant 0 : i32
    %cond3A_24 = arith.cmpi ne, %convert_element_type3A_22, %cond3A_23 : i32
    scf.if %cond3A_24 {
      %broadcast_in_dim3A_67 = arith.constant 0.000000e+00 : f32
      %broadcast_in_dim3A_68 = vector.broadcast %broadcast_in_dim3A_67 : f32 to vector<1024x4xf32>
      %swap3A_69 = arith.constant 0 : index
      %swap3A_70 = arith.constant 0 : index
      %swap3A_71 = vector.load %arg8[%swap3A_69, %swap3A_70] : memref<1024x4xf32, #tpu.memory_space<vmem>>, vector<1024x4xf32>
      tpu.vector_store %arg8[%swap3A_69, %swap3A_70], %broadcast_in_dim3A_68 {strides = array<i32>} : memref<1024x4xf32, #tpu.memory_space<vmem>>, vector<1024x4xf32>,
    } else {
    }
    %gt3A = vector.broadcast %get3A_16 : vector<1024x1xf32> to vector<1024x2048xf32>
    %gt3A_25 = arith.cmpf ogt, %sub3A_13, %gt3A : vector<1024x2048xf32>
    %eq3A_26 = vector.broadcast %get3A_16 : vector<1024x1xf32> to vector<1024x2048xf32>
    %eq3A_27 = arith.cmpf oeq, %sub3A_13, %eq3A_26 : vector<1024x2048xf32>
    %jit3A = arith.constant 0.000000e+00 : f32
    %broadcast_in_dim3A_28 = vector.shape_cast %get3A_19 : vector<1x2048xf32> to vector<1x2048xf32>
    %broadcast_in_dim3A_29 = vector.broadcast %broadcast_in_dim3A_28 : vector<1x2048xf32> to vector<1024x2048xf32>
    %broadcast_in_dim3A_30 = vector.broadcast %jit3A : f32 to vector<1024x2048xf32>
    %select_n3A = arith.select %gt3A_25, %broadcast_in_dim3A_29, %broadcast_in_dim3A_30 : vector<1024x2048xi1>, vector<1024x2048xf32>
    %reduce_sum3A = arith.constant dense<0.000000e+00> : vector<1024xf32>
    %reduce_sum3A_31 = vector.multi_reduction <add>, %select_n3A, %reduce_sum3A [1] : vector<1024x2048xf32> to vector<1024xf32>
    %broadcast_in_dim3A_32 = vector.shape_cast %reduce_sum3A_31 : vector<1024xf32> to vector<1024x1xf32>
    %jit3A_33 = arith.constant 1.000000e+00 : f32
    %jit3A_34 = arith.constant 0.000000e+00 : f32
    %broadcast_in_dim3A_35 = vector.broadcast %jit3A_33 : f32 to vector<1024x2048xf32>
    %broadcast_in_dim3A_36 = vector.broadcast %jit3A_34 : f32 to vector<1024x2048xf32>
    %select_n3A_37 = arith.select %gt3A_25, %broadcast_in_dim3A_35, %broadcast_in_dim3A_36 : vector<1024x2048xi1>, vector<1024x2048xf32>
    %reduce_sum3A_38 = arith.constant dense<0.000000e+00> : vector<1024xf32>
    %reduce_sum3A_39 = vector.multi_reduction <add>, %select_n3A_37, %reduce_sum3A_38 [1] : vector<1024x2048xf32> to vector<1024xf32>
    %broadcast_in_dim3A_40 = vector.shape_cast %reduce_sum3A_39 : vector<1024xf32> to vector<1024x1xf32>
    %jit3A_41 = arith.constant 0.000000e+00 : f32
    %broadcast_in_dim3A_42 = vector.shape_cast %get3A_19 : vector<1x2048xf32> to vector<1x2048xf32>
    %broadcast_in_dim3A_43 = vector.broadcast %broadcast_in_dim3A_42 : vector<1x2048xf32> to vector<1024x2048xf32>
    %broadcast_in_dim3A_44 = vector.broadcast %jit3A_41 : f32 to vector<1024x2048xf32>
    %select_n3A_45 = arith.select %eq3A_27, %broadcast_in_dim3A_43, %broadcast_in_dim3A_44 : vector<1024x2048xi1>, vector<1024x2048xf32>
    %reduce_sum3A_46 = arith.constant dense<0.000000e+00> : vector<1024xf32>
    %reduce_sum3A_47 = vector.multi_reduction <add>, %select_n3A_45, %reduce_sum3A_46 [1] : vector<1024x2048xf32> to vector<1024xf32>
    %broadcast_in_dim3A_48 = vector.shape_cast %reduce_sum3A_47 : vector<1024xf32> to vector<1024x1xf32>
    %jit3A_49 = arith.constant 1.000000e+00 : f32
    %jit3A_50 = arith.constant 0.000000e+00 : f32
    %broadcast_in_dim3A_51 = vector.broadcast %jit3A_49 : f32 to vector<1024x2048xf32>
    %broadcast_in_dim3A_52 = vector.broadcast %jit3A_50 : f32 to vector<1024x2048xf32>
    %select_n3A_53 = arith.select %eq3A_27, %broadcast_in_dim3A_51, %broadcast_in_dim3A_52 : vector<1024x2048xi1>, vector<1024x2048xf32>
    %reduce_sum3A_54 = arith.constant dense<0.000000e+00> : vector<1024xf32>
    %reduce_sum3A_55 = vector.multi_reduction <add>, %select_n3A_53, %reduce_sum3A_54 [1] : vector<1024x2048xf32> to vector<1024xf32>
    %broadcast_in_dim3A_56 = vector.shape_cast %reduce_sum3A_55 : vector<1024xf32> to vector<1024x1xf32>
    %get3A_57 = arith.constant 0 : index
    %get3A_58 = arith.constant 0 : index
    %get3A_59 = vector.load %arg8[%get3A_57, %get3A_58] : memref<1024x4xf32, #tpu.memory_space<vmem>>, vector<1024x4xf32>
    %concatenate3A = tpu.concatenate %broadcast_in_dim3A_32, %broadcast_in_dim3A_40, %broadcast_in_dim3A_48, %broadcast_in_dim3A_56 in 1 : vector<1024x1xf32>, vector<1024x1xf32>, vector<1024x1xf32>, vector<1024x1xf32> -> vector<1024x4xf32>
    %add3A = arith.addf %get3A_59, %concatenate3A : vector<1024x4xf32>
    %swap3A = arith.constant 0 : index
    %swap3A_60 = arith.constant 0 : index
    %swap3A_61 = vector.load %arg8[%swap3A, %swap3A_60] : memref<1024x4xf32, #tpu.memory_space<vmem>>, vector<1024x4xf32>
    tpu.vector_store %arg8[%swap3A, %swap3A_60], %add3A {strides = array<i32>} : memref<1024x4xf32, #tpu.memory_space<vmem>>, vector<1024x4xf32>,
    %eq3A_62 = arith.constant 48 : i32
    %eq3A_63 = arith.cmpi eq, %arg0, %eq3A_62 : i32
    %convert_element_type3A_64 = arith.extui %eq3A_63 : i1 to i32
    %cond3A_65 = arith.constant 0 : i32
    %cond3A_66 = arith.cmpi ne, %convert_element_type3A_64, %cond3A_65 : i32
    scf.if %cond3A_66 {
      %get3A_67 = arith.constant 0 : index
      %get3A_68 = arith.constant 0 : index
      %get3A_69 = vector.load %arg8[%get3A_67, %get3A_68] : memref<1024x4xf32, #tpu.memory_space<vmem>>, vector<1024x4xf32>
      %slice3A = vector.extract_strided_slice %get3A_69 {offsets = [0, 0], sizes = [1024, 1], strides = [1, 1]} : vector<1024x4xf32> to vector<1024x1xf32>
      %slice3A_70 = vector.extract_strided_slice %get3A_69 {offsets = [0, 1], sizes = [1024, 1], strides = [1, 1]} : vector<1024x4xf32> to vector<1024x1xf32>
      %slice3A_71 = vector.extract_strided_slice %get3A_69 {offsets = [0, 2], sizes = [1024, 1], strides = [1, 1]} : vector<1024x4xf32> to vector<1024x1xf32>
      %slice3A_72 = vector.extract_strided_slice %get3A_69 {offsets = [0, 3], sizes = [1024, 1], strides = [1, 1]} : vector<1024x4xf32> to vector<1024x1xf32>
      %sub3A_73 = arith.constant 8.000000e+00 : f32
      %sub3A_74 = vector.broadcast %sub3A_73 : f32 to vector<1024x1xf32>
      %sub3A_75 = arith.subf %sub3A_74, %slice3A_70 : vector<1024x1xf32>
      %mul3A_76 = arith.mulf %sub3A_75, %slice3A_71 : vector<1024x1xf32>
      %max3A = arith.constant 1.000000e+00 : f32
      %max3A_77 = vector.broadcast %max3A : f32 to vector<1024x1xf32>
      %max3A_78 = arith.maximumf %slice3A_72, %max3A_77 : vector<1024x1xf32>
      %div3A = arith.divf %mul3A_76, %max3A_78 : vector<1024x1xf32>
      %add3A_79 = arith.addf %slice3A, %div3A : vector<1024x1xf32>
      %mul3A_80 = arith.constant 1.250000e-01 : f32
      %mul3A_81 = vector.broadcast %mul3A_80 : f32 to vector<1024x1xf32>
      %mul3A_82 = arith.mulf %add3A_79, %mul3A_81 : vector<1024x1xf32>
      %swap3A_83 = arith.constant 0 : index
      %swap3A_84 = arith.constant 0 : index
      %swap3A_85 = vector.load %arg6[%swap3A_83, %swap3A_84] : memref<1024x1xf32, #tpu.memory_space<vmem>>, vector<1024x1xf32>
      tpu.vector_store %arg6[%swap3A_83, %swap3A_84], %mul3A_82 {strides = array<i32>} : memref<1024x1xf32, #tpu.memory_space<vmem>>, vector<1024x1xf32>,
    } else {
    }
    return
  }
  func.func @transform_0(%arg0: i32) -> (i32, i32) {
    %c0_i32 = arith.constant 0 : i32
    %c0_i32_0 = arith.constant 0 : i32
    %c0_i32_1 = arith.constant 0 : i32
    return %c0_i32, %c0_i32_0 : i32, i32
  }
  func.func @transform_1(%arg0: i32) -> (i32, i32) {
    %c0_i32 = arith.constant 0 : i32
    %c0_i32_0 = arith.constant 0 : i32
    %c0_i32_1 = arith.constant 0 : i32
    return %c0_i32, %c0_i32_0 : i32, i32
  }
  func.func @transform_2(%arg0: i32) -> (i32, i32) {
    %c0_i32 = arith.constant 0 : i32
    %c0_i32_0 = arith.constant 0 : i32
    return %arg0, %c0_i32 : i32, i32
  }
  func.func @transform_3(%arg0: i32) -> (i32, i32) {
    %c0_i32 = arith.constant 0 : i32
    %c0_i32_0 = arith.constant 0 : i32
    return %c0_i32, %arg0 : i32, i32
  }
  func.func @transform_4(%arg0: i32) -> (i32, i32) {
    %c0_i32 = arith.constant 0 : i32
    %c0_i32_0 = arith.constant 0 : i32
    %c0_i32_1 = arith.constant 0 : i32
    return %c0_i32, %c0_i32_0 : i32, i32
  }
  func.func @transform_5(%arg0: i32) -> (i32, i32) {
    %c0_i32 = arith.constant 0 : i32
    %c0_i32_0 = arith.constant 0 : i32
    %c0_i32_1 = arith.constant 0 : i32
    return %c0_i32, %c0_i32_0 : i32, i32
  }
}

</mosaic_0001>

<sc_bundles>
// kernel: kernel.5.cloned.1.call-start
scs
__scs_entry_jumppad:
0x0: {  	(pc) =	sbr.rel $0x88, $3  }
0x1: {  	(tag) =	ssettag $0x0;
	lr =	simm.s32 $0x1  }
0x2: {  	[smem:$0x3F9D] =	sst lr;
	_ =	strace $0xD0000000  }
0x3: {  	_ = 	snop  }
0x4: {  	_ = 	snop  }
0x5: {  	_ = 	snop  }
0x6: {  	_ = 	snop  }
0x7: {  	_ = 	snop  }
__scs_overlays_trampoline_lowered:
0x8: {  	[smem:$0x3FAC] =	sst s0  }
0x9: {  	[smem:$0x3FAD] =	sst s1  }
0xa: {  	[smem:$0x3FAE] =	sst s2  }
0xb: {  	[smem:$0x3FAF] =	sst s3  }
0xc: {  	[smem:$0x3FB0] =	sst s4  }
0xd: {  	[smem:$0x3FB1] =	sst s5  }
0xe: {  	[smem:$0x3FB2] =	sst s6  }
0xf: {  	[smem:$0x3FB3] =	sst s7  }
0x10: {  	[smem:$0x3FB4] =	sst s8  }
0x11: {  	[smem:$0x3FB5] =	sst s9;
	s0 =	simm.s32 @!p0 $0x0  }
0x12: {  	s1 =	sld [smem:$0x3F9B];
	s0 =	simm.s32 @p0 $0x1  }
0x13: {  	[smem:$0x3FB6] =	sst s0;
	s0 =	simm.s32 @!p1 $0x0  }
0x14: {  	s2 =	sld [smem:$0x3F9A];
	s0 =	simm.s32 @p1 $0x1  }
0x15: {  	[smem:$0x3FB7] =	sst s0;
	s0 =	simm.s32 @!p2 $0x0  }
0x16: {  	s3 =	sld [smem:$0x3FDB];
	s0 =	simm.s32 @p2 $0x1  }
0x17: {  	s4 =	simm.s32 $0x1BF5;
	[smem:$0x3FB9] =	sst s0  }
0x18: {  	s0 =	sld [smem:$0x3F9C];
	_ =	swait.ge [sflag:s4], $0x0  }
0x19: {  	s7 =	sld [smem:$0x3F9D]  }
0x1a: {  	s8 =	sadd.s32 $0xFFFFE003, lr  }
0x1b: {  	s9 =	sadd.s32 $0xFFFFFEF7, lr;
	s5 =	simm.s32 $0xFFFFFFFF;
	p2 =	slt.u32 s8, $0xFFFFF086  }
0x1c: {  	p1 =	slt.u32 s9, $0xF7A;
	s5 =	simm.s32 @!p2 $0x0  }
0x1d: {  	s5 =	simm.s32 @p1 $0x1;
	p0 =	seq.s32 s7, s2  }
0x1e: {  	s7 =	smul.u32 @!p0 $0xF7A, s2;
	p2 =	seq.s32 @!p0 s5, $0x0  }
0x1f: {  	s9 =	smul.u32 $0xF7A, s1;
	s8 =	simm.s32 @!p0 $0x1BF5;
	p2 =	por !p2, p0  }
0x20: {  	[sflag:s8] =	ssyncset.s32 @!p0 $0xFFFFF086;
	s6 =	sadd.s32 @!p0 s3, s7;
	s7 =	simm.s32 @!p0 $0x108  }
0x21: {  	s3 =	sadd.s32 s3, s9;
	s6 =	sadd.s32 @!p0 $0x88, s6;
	s7 =	simm.s32 @p2 $0x1082  }
0x22: {  	[simem:s7], [sflag:s8] =	dma.local @!p0 [hbm:s6], $0xF7A  }
0x23: {  	s9 =	sor.u32 $0xD0000000, s2;
	s6 =	simm.s32 $0x108;
	_ =	swait.ge @!p0 [sflag:s8], $0x0  }
0x24: {  	s3 =	sadd.s32 $0x88, s3;
	s6 =	simm.s32 @!p1 $0x1082;
	[sflag:s4] =	ssyncset.s32 $0xFFFFF086  }
0x25: {  	[simem:s6], [sflag:s4] =	dma.local [hbm:s3], $0xF7A  }
0x26: {  	[smem:$0x3F9D] =	sst s1;
	(tag) =	ssettag s2;
	_ =	strace s9  }
0x27: {  	s1 =	sld [smem:$0x3FAD]  }
0x28: {  	s2 =	sld [smem:$0x3FAE]  }
0x29: {  	s4 =	sld [smem:$0x3FB0]  }
0x2a: {  	p0 =	seq.s32 s5, $0x0;
	s5 =	sld [smem:$0x3FB1]  }
0x2b: {  	s6 =	sld [smem:$0x3FB2]  }
0x2c: {  	s7 =	sld [smem:$0x3FB3]  }
0x2d: {  	s3 =	simm.s32 $0x108;
	s8 =	sld [smem:$0x3FB4]  }
0x2e: {  	s3 =	simm.s32 @!p0 $0x1082;
	s9 =	sld [smem:$0x3FB5]  }
0x2f: {  	lr =	sadd.s32 s0, s3;
	s0 =	sld [smem:$0x3FAC]  }
0x30: {  	s3 =	sld [smem:$0x3FAF]  }
0x31: {  	[smem:$0x3FB8] =	sst s10  }
0x32: {  	s10 =	sld [smem:$0x3FB6];
	_ =	sdelay $0x3  }
0x33: {  	p0 =	seq.s32 s10, $0x1;
	s10 =	sld [smem:$0x3FB8];
	_ =	sdelay $0x3  }
0x34: {  	[smem:$0x3FB8] =	sst s10  }
0x35: {  	s10 =	sld [smem:$0x3FB7];
	_ =	sdelay $0x3  }
0x36: {  	p1 =	seq.s32 s10, $0x1;
	s10 =	sld [smem:$0x3FB8];
	_ =	sdelay $0x3  }
0x37: {  	[smem:$0x3FB8] =	sst s10  }
0x38: {  	s10 =	sld [smem:$0x3FB9]  }
0x39: {  	_ = 	snop;
	(pc) =	sbr.ind lr, $3  }
0x3a: {  	_ = 	snop  }
0x3b: {  	_ = 	snop  }
0x3c: {  	p2 =	seq.s32 s10, $0x1;
	s10 =	sld [smem:$0x3FB8]  }
0x3d: {  	_ =	shalt  }
0x3e: {  	_ =	shalt  }
0x3f: {  	_ =	shalt  }
0x40: {  	_ =	shalt  }
0x41: {  	_ =	shalt  }
0x42: {  	_ =	shalt  }
0x43: {  	_ =	shalt  }
0x44: {  	_ =	shalt  }
0x45: {  	_ =	shalt  }
0x46: {  	_ =	shalt  }
0x47: {  	_ =	shalt  }
0x48: {  	_ =	shalt  }
0x49: {  	_ =	shalt  }
0x4a: {  	_ =	shalt  }
0x4b: {  	_ =	shalt  }
0x4c: {  	_ =	shalt  }
0x4d: {  	_ =	shalt  }
0x4e: {  	_ =	shalt  }
0x4f: {  	_ =	shalt  }
0x50: {  	_ =	shalt  }
0x51: {  	_ =	shalt  }
0x52: {  	_ =	shalt  }
0x53: {  	_ =	shalt  }
0x54: {  	_ =	shalt  }
0x55: {  	_ =	shalt  }
0x56: {  	_ =	shalt  }
0x57: {  	_ =	shalt  }
0x58: {  	_ =	shalt  }
0x59: {  	_ =	shalt  }
0x5a: {  	_ =	shalt  }
0x5b: {  	_ =	shalt  }
0x5c: {  	_ =	shalt  }
0x5d: {  	_ =	shalt  }
0x5e: {  	_ =	shalt  }
0x5f: {  	_ =	shalt  }
0x60: {  	_ =	shalt  }
0x61: {  	_ =	shalt  }
0x62: {  	_ =	shalt  }
0x63: {  	_ =	shalt  }
0x64: {  	_ =	shalt  }
0x65: {  	_ =	shalt  }
0x66: {  	_ =	shalt  }
0x67: {  	_ =	shalt  }
0x68: {  	_ =	shalt  }
0x69: {  	_ =	shalt  }
0x6a: {  	_ =	shalt  }
0x6b: {  	_ =	shalt  }
0x6c: {  	_ =	shalt  }
0x6d: {  	_ =	shalt  }
0x6e: {  	_ =	shalt  }
0x6f: {  	_ =	shalt  }
0x70: {  	_ =	shalt  }
0x71: {  	_ =	shalt  }
0x72: {  	_ =	shalt  }
0x73: {  	_ =	shalt  }
0x74: {  	_ =	shalt  }
0x75: {  	_ =	shalt  }
0x76: {  	_ =	shalt  }
0x77: {  	_ =	shalt  }
0x78: {  	_ =	shalt  }
0x79: {  	_ =	shalt  }
0x7a: {  	_ =	shalt  }
0x7b: {  	_ =	shalt  }
0x7c: {  	_ =	shalt  }
0x7d: {  	_ =	shalt  }
0x7e: {  	_ =	shalt  }
0x7f: {  	_ =	shalt  }
0x80: {  	_ =	shalt  }
0x81: {  	_ =	shalt  }
0x82: {  	_ =	shalt  }
0x83: {  	_ =	shalt  }
0x84: {  	_ =	shalt  }
0x85: {  	_ =	shalt  }
0x86: {  	_ =	shalt  }
0x87: {  	_ =	shalt  }
.Lfunc_end0:
.L_simem_size_0:
called_computation_lowered:
.L_overlay_start_0:
0x88: {  	s2 =	sld [smem:$0x3FD9]  }
0x89: {  	s3 =	sld [smem:$0x3FFE];
	_ =	sdelay $0x1  }
0x8a: {  	s1 =	srdreg.scid  }
0x8b: {  	s0 =	sand.u32 $0x1, s1  }
0x8c: {  	s17 =	sshll.u32 s0, $0xA;
	s2 =	sadd.s32 s3, s2  }
0x8d: {  	s2 =	sadd.s32 s2, s17  }
0x8e: {  	[smem:$0x3FC4] =	sst s2  }
0x8f: {  	_ = 	snop  }
0x90: {  	s2 =	sld [smem:$0x3FD0];
	(tm) =	ssettm $0x1  }
0x91: {  	s18 =	sld [smem:$0x3FFB];
	_ =	sdelay $0x3  }
0x92: {  	_ =	strace s18  }
0x93: {  	s3 =	sld [smem:$0x3FFC];
	_ =	sdelay $0x3  }
0x94: {  	_ =	strace s3  }
0x95: {  	s3 =	sld [smem:$0x3FFD];
	_ =	sdelay $0x3  }
0x96: {  	_ =	strace s3  }
0x97: {  	_ =	strace $0x8FFFFFFF  }
0x98: {  	s19 =	sld [smem:$0x3FDB];
	_ =	sdelay $0x1  }
0x99: {  	s4 =	simm.s32 $_scs_section_size  }
0x9a: {  	s5 =	simm.s32 $_size__tile_overlayer_lowered;
	s6 =	simm.s32 $_tile_overlayer_lowered  }
0x9b: {  	s22 =	simm.s32 $0x1BFF;
	s21 =	sshll.u32 s6, $0x1;
	s3 =	sadd.s32 s4, s19  }
0x9c: {  	s7 =	simm.s32 $0x0;
	s20 =	sshll.u32 s5, $0x1;
	s5 =	sadd.s32 s21, s3  }
0x9d: {  	[timem:s7], [sflag:s22] =	dma.local [hbm:s5], s20  }
0x9e: {  	_ =	swait.ge [sflag:s22], s20  }
0x9f: {  	s4 =	ssub.s32 $0x0, s20;
	[sflag:s22] =	ssyncset.done $0x0  }
0xa0: {  	[sflag:s22] =	ssyncadd.s32 s4;
	_ =	sdelay $0x1  }
0xa1: {  	s23 =	simm.s32 $0x1B8B  }
0xa2: {  	_ =	swait.ge [sflag:s23], $0x1  }
0xa3: {  	[sflag:s23] =	ssyncset.done $0x0  }
0xa4: {  	s25 =	simm.s32 $0x1B8E;
	s24 =	sld [smem:$0x3FFE];
	[sflag:s23] =	ssyncadd.s32 $0xFFFFFFFF  }
0xa5: {  	s26 =	simm.s32 $execute0_lowered;
	[smem:$0x3FD2] =	sst s25  }
0xa6: {  	s5 =	sshll.u32 s26, $0x1;
	_ =	strace $0x80000046;
	[dreg:$0x1] =	wrdreg $0xFFFFFFFF  }
0xa7: {  	s28 =	simm.s32 $_size_execute0_lowered;
	s3 =	sadd.s32 s3, s5;
	[dreg:$0x0] =	wrdreg $0x0  }
0xa8: {  	s5 =	sshll.u32 s28, $0x1;
	[dreg:$0x2] =	wrdreg s3  }
0xa9: {  	[dreg:$0x3] =	wrdreg s5  }
0xaa: {  	[dreg:$0x4] =	wrdreg $0xC0  }
0xab: {  	_ =	task [dreg:s7], $0x5FFFF  }
0xac: {  	[dreg:$0x1] =	wrdreg $0xFFFFFFFF  }
0xad: {  	[dreg:$0x0] =	wrdreg $0x60  }
0xae: {  	[dreg:$0x2] =	wrdreg s24  }
0xaf: {  	[dreg:$0x3] =	wrdreg s2  }
0xb0: {  	[dreg:$0x4] =	wrdreg $0x9  }
0xb1: {  	_ =	task.clear_ibuf [dreg:s7], $0x5FFFF;
	_ =	strace $0x90000046  }
0xb2: {  	s29 =	simm.s32 $0x9;
	_ =	strace $0x80000048  }
0xb3: {  	_ =	swait.ge [sflag:s29], $0x1  }
0xb4: {  	[sflag:s29] =	ssyncadd.s32 $0xFFFFFFFF  }
0xb5: {  	_ =	strace $0x90000048  }
0xb6: {  	_ =	sfence  }
0xb7: {  	s30 =	sld [smem:$0x0];
	_ =	sdelay $0x2  }
0xb8: {  	s31 =	sshll.u32 s1, $0xD;
	s1 =	sshrl.u32 s1, $0x2  }
0xb9: {  	s3 =	sand.u32 $0x4000, s31;
	s1 =	sadd.s32 s1, s30  }
0xba: {  	s0 =	sor.u32 s3, s0;
	s1 =	sshll.u32 s1, $0x11  }
0xbb: {  	s0 =	sor.u32 s1, s0  }
0xbc: {  	s0 =	sadd.s32 $0x8F2B, s0  }
0xbd: {  	[sflag:s0] =	ssyncadd.remote.s32 $0x1  }
0xbe: {  	_ =	sfence.sel $0xFFFF  }
0xbf: {  	[dreg:$0x0] =	wrdreg $0xFFFFFFFF;
	(pc) =	sbr.abs _section_cstart, $3  }
0xc0: {  	[dreg:$0x1] =	wrdreg $0xFFFFFFFF  }
0xc1: {  	_ =	task.clear_ibuf [dreg:s7], $0x2FFFF;
	_ =	strace $0x9FFFFFFF  }
0xc2: {  	(tm) =	ssettm $0x7FFFFFFF  }
0xc3: {  	_ =	shalt  }
tec
execute0_lowered:
.L_overlay_start_1:
0x0: {  	(tag) =	ssettag $0x1  }
0x1: {  	s1 =	srdreg.scid  }
0x2: {  	s0 =	rddreg [dreg:$0x0];
	s3 =	stileid.u32;
	s1 =	sand.u32 $0x1, s1  }
0x3: {  	s3 =	sshll.u32 s3, $0x6;
	s4 =	sshll.u32 s1, $0x5;
	s1 =	ssub.s32 $0x2, s1  }
0x4: {  	s2 =	rddreg [dreg:$0x1];
	s3 =	sor.u32 s4, s3;
	s5 =	sshrl.u32 s1, $0x1  }
0x5: {  	s6 =	simm.s32 $0x0;
	s4 =	sshll.u32 s3, $0x6;
	s1 =	ssub.s32 s1, s5  }
0x6: {  	[smem:$0x7FF] =	sst s6;
	s0 =	sadd.s32 s4, s0;
	s31 =	smax.u32 s1, $0x1  }
0x7: {  	_ =	strace $0x80000047;
	s4 =	sadd.s32 $0x188E00, s0;
	[dreg:$0xb] =	wrdreg s31  }
0x8: {  	s30 =	sshrl.u32 s3, $0x3;
	s0 =	sadd.s32 $0x198E00, s0;
	[dreg:$0x8] =	wrdreg s4  }
0x9: {  	[dreg:$0x9] =	wrdreg s0;
	s0 =	sadd.s32 s2, s30  }
0xa: {  	v0 =	vlaneseq.u32;
	s1 =	simm.s32 $0x0;
	s2 =	simm.s32 $0x1;
	[dreg:$0xa] =	wrdreg s0  }
.LBB2_1:
0xb: {  	[dreg:$0xc] =	wrdreg s1  }
0xc: {  	s0 =	rddreg [dreg:$0x8]  }
0xd: {  	[tilespmem:s6], [sflag:$0x1] =	stream.linear.gather [hbm4b:s0+s6], $0x4000, $0x38;
	[tilespmem:$0x8080] =	vst v63  }
0xe: {  	_ =	swait.ge [sflag:s2], $0x4000  }
0xf: {  	[sflag:s2] =	ssyncset.done $0x0  }
0x10: {  	s9 =	simm.s32 $0x4000;
	s8 =	rddreg [dreg:$0x9];
	[sflag:s2] =	ssyncadd.s32 $0xFFFFC000  }
0x11: {  	[tilespmem:s9], [sflag:$0x1] =	stream.linear.gather [hbm4b:s8+s6], $0x4000, $0x38;
	[tilespmem:$0x8080] =	vst v63  }
0x12: {  	_ =	swait.ge [sflag:s2], $0x4000  }
0x13: {  	s1 =	sand.u32 $0x1000, s6;
	s10 =	sand.u32 $0x380, s6;
	[sflag:s2] =	ssyncset.done $0x0  }
0x14: {  	[sflag:s2] =	ssyncadd.s32 $0xFFFFC000;
	s2 =	sor.u32 s10, s1  }
0x15: {  	v1 =	vld [tilespmem:s2+$0x0]  }
0x16: {  	v2 =	vld [tilespmem:s2+$0x4000];
	_ =	sdelay $0x4  }
0x17: {  	(xrf1) =	vsort.ascd.msk.f32 $0xffff, v1, v2;
	_ =	sdelay $0x9  }
0x18: {  	v1 =	vld [tilespmem:s2+$0x10]  }
0x19: {  	v2 =	vld [tilespmem:s2+$0x4010];
	_ =	sdelay $0x2  }
0x1a: {  	v3, v4, _ =	vpop (xrf1)  }
0x1b: {  	vm0 =	vle.f32 v3, $-3.000000010e+38  }
0x1c: {  	(xrf1) =	vsort.ascd.msk.f32 $0xffff, v1, v2;
	v1 =	vsel vm0, $0xFF61B1E6, v3;
	v2 =	vsel vm0, $0x0, v4  }
0x1d: {  	(xrf1) =	vsort.dscd.msk.f32 $0xffff, v1, v2;
	_ =	sdelay $0x9  }
0x1e: {  	v1 =	vld [tilespmem:s2+$0x20]  }
0x1f: {  	v2 =	vld [tilespmem:s2+$0x4020];
	_ =	sdelay $0x1  }
0x20: {  	v3, v4, _ =	vpop (xrf1)  }
0x21: {  	v5, v6, _ =	vpop (xrf1)  }
0x22: {  	vm13 =	vge.f32 v5, v3  }
0x23: {  	(xrf1) =	vsort.ascd.msk.f32 $0xffff, v1, v2;
	v1 =	vsel vm13, v5, v3;
	v2 =	vsel vm13, v6, v4  }
0x24: {  	(xrf1) =	vsort.dscd.msk.f32 $0xffff, v1, v2;
	_ =	sdelay $0x9  }
0x25: {  	v1 =	vld [tilespmem:s2+$0x30]  }
0x26: {  	v2 =	vld [tilespmem:s2+$0x4030];
	_ =	sdelay $0x1  }
0x27: {  	v3, v4, _ =	vpop (xrf1)  }
0x28: {  	v5, v6, _ =	vpop (xrf1)  }
0x29: {  	s30 =	simm.s32 $0x80;
	s11 =	simm.s32 $0x200;
	vm14 =	vge.f32 v5, v3  }
0x2a: {  	s4 =	sand.u32 $0x1000, s11;
	s12 =	sand.u32 $0x380, s30;
	(xrf1) =	vsort.ascd.msk.f32 $0xffff, v1, v2;
	v3 =	vsel vm14, v5, v3;
	v4 =	vsel vm14, v6, v4  }
0x2b: {  	s0 =	sor.u32 s12, s4;
	(xrf1) =	vsort.dscd.msk.f32 $0xffff, v3, v4  }
0x2c: {  	v7 =	vld [tilespmem:s0+$0x0]  }
0x2d: {  	v1 =	vld [tilespmem:s0+$0x4000];
	_ =	sdelay $0x4  }
0x2e: {  	(xrf1) =	vsort.ascd.msk.f32 $0xffff, v7, v1;
	_ =	sdelay $0x2  }
0x2f: {  	v2 =	vld [tilespmem:s2+$0x4040]  }
0x30: {  	v1 =	vld [tilespmem:s2+$0x40];
	_ =	sdelay $0x1  }
0x31: {  	v3, v4, _ =	vpop (xrf1)  }
0x32: {  	v5, v6, _ =	vpop (xrf1)  }
0x33: {  	vm15 =	vge.f32 v5, v3  }
0x34: {  	(xrf1) =	vsort.ascd.msk.f32 $0xffff, v1, v2;
	v3 =	vsel vm15, v5, v3;
	v4 =	vsel vm15, v6, v4  }
0x35: {  	v8 =	vld [tilespmem:s0+$0x4010];
	(xrf1) =	vsort.dscd.msk.f32 $0xffff, v3, v4  }
0x36: {  	v7 =	vld [tilespmem:s0+$0x10];
	_ =	sdelay $0x2  }
0x37: {  	v1, v2, _ =	vpop (xrf1)  }
0x38: {  	vm4 =	vle.f32 v1, $-3.000000010e+38  }
0x39: {  	v1 =	vsel vm4, $0xFF61B1E6, v1;
	v2 =	vsel vm4, $0x0, v2;
	(xrf1) =	vsort.ascd.msk.f32 $0xffff, v7, v8  }
0x3a: {  	(xrf1) =	vsort.dscd.msk.f32 $0xffff, v1, v2;
	_ =	sdelay $0x2  }
0x3b: {  	v1 =	vld [tilespmem:s2+$0x50]  }
0x3c: {  	v2 =	vld [tilespmem:s2+$0x4050];
	_ =	sdelay $0x1  }
0x3d: {  	v3, v4, _ =	vpop (xrf1)  }
0x3e: {  	v5, v6, _ =	vpop (xrf1)  }
0x3f: {  	vm5 =	vge.f32 v5, v3  }
0x40: {  	(xrf1) =	vsort.ascd.msk.f32 $0xffff, v1, v2;
	v3 =	vsel vm5, v5, v3;
	v4 =	vsel vm5, v6, v4  }
0x41: {  	v7 =	vld [tilespmem:s0+$0x20];
	(xrf1) =	vsort.dscd.msk.f32 $0xffff, v3, v4  }
0x42: {  	v8 =	vld [tilespmem:s0+$0x4020];
	_ =	sdelay $0x1  }
0x43: {  	v1, v2, _ =	vpop (xrf1)  }
0x44: {  	v3, v4, _ =	vpop (xrf1)  }
0x45: {  	vm6 =	vge.f32 v3, v1  }
0x46: {  	(xrf1) =	vsort.ascd.msk.f32 $0xffff, v7, v8;
	v1 =	vsel vm6, v3, v1;
	v2 =	vsel vm6, v4, v2  }
0x47: {  	(xrf1) =	vsort.dscd.msk.f32 $0xffff, v1, v2;
	_ =	sdelay $0x2  }
0x48: {  	v1 =	vld [tilespmem:s2+$0x60]  }
0x49: {  	v2 =	vld [tilespmem:s2+$0x4060];
	_ =	sdelay $0x1  }
0x4a: {  	v3, v4, _ =	vpop (xrf1)  }
0x4b: {  	v5, v6, _ =	vpop (xrf1)  }
0x4c: {  	vm7 =	vge.f32 v5, v3  }
0x4d: {  	(xrf1) =	vsort.ascd.msk.f32 $0xffff, v1, v2;
	v2 =	vsel vm7, v5, v3;
	v3 =	vsel vm7, v6, v4  }
0x4e: {  	v7 =	vld [tilespmem:s0+$0x30];
	(xrf1) =	vsort.dscd.msk.f32 $0xffff, v2, v3  }
0x4f: {  	v1 =	vld [tilespmem:s0+$0x4030]  }
0x50: {  	s23 =	simm.s32 $0x100;
	s3 =	simm.s32 $0x400  }
0x51: {  	s24 =	sand.u32 $0x1000, s3;
	s13 =	sand.u32 $0x380, s23;
	v2, v3, _ =	vpop (xrf1)  }
0x52: {  	s29 =	sor.u32 s13, s24;
	v4, v5, _ =	vpop (xrf1)  }
0x53: {  	v6 =	vld [tilespmem:s29+$0x0];
	vm8 =	vge.f32 v4, v2  }
0x54: {  	(xrf1) =	vsort.ascd.msk.f32 $0xffff, v7, v1;
	v1 =	vld [tilespmem:s29+$0x4000];
	v2 =	vsel vm8, v4, v2;
	v3 =	vsel vm8, v5, v3  }
0x55: {  	(xrf1) =	vsort.dscd.msk.f32 $0xffff, v2, v3;
	_ =	sdelay $0x2  }
0x56: {  	v2 =	vld [tilespmem:s2+$0x4070]  }
0x57: {  	(xrf1) =	vsort.ascd.msk.f32 $0xffff, v6, v1;
	v1 =	vld [tilespmem:s2+$0x70];
	_ =	sdelay $0x1  }
0x58: {  	v3, v4, _ =	vpop (xrf1)  }
0x59: {  	v5, v6, _ =	vpop (xrf1)  }
0x5a: {  	vm9 =	vge.f32 v5, v3  }
0x5b: {  	(xrf1) =	vsort.ascd.msk.f32 $0xffff, v1, v2;
	v2 =	vsel vm9, v5, v3;
	v3 =	vsel vm9, v6, v4  }
0x5c: {  	v7 =	vld [tilespmem:s0+$0x40]  }
0x5d: {  	v1 =	vld [tilespmem:s0+$0x4040];
	(xrf1) =	vsort.dscd.msk.f32 $0xffff, v2, v3;
	_ =	sdelay $0x1  }
0x5e: {  	v2, v3, _ =	vpop (xrf1)  }
0x5f: {  	v4, v5, _ =	vpop (xrf1)  }
0x60: {  	vm10 =	vge.f32 v4, v2  }
0x61: {  	(xrf1) =	vsort.ascd.msk.f32 $0xffff, v7, v1;
	v2 =	vsel vm10, v4, v2;
	v3 =	vsel vm10, v5, v3  }
0x62: {  	v8 =	vld [tilespmem:s29+$0x4010];
	(xrf1) =	vsort.dscd.msk.f32 $0xffff, v2, v3  }
0x63: {  	v6 =	vld [tilespmem:s29+$0x10];
	_ =	sdelay $0x2  }
0x64: {  	v1, v2, _ =	vpop (xrf1)  }
0x65: {  	vm11 =	vle.f32 v1, $-3.000000010e+38  }
0x66: {  	(xrf1) =	vsort.ascd.msk.f32 $0xffff, v6, v8;
	v1 =	vsel vm11, $0xFF61B1E6, v1;
	v2 =	vsel vm11, $0x0, v2  }
0x67: {  	v3, v4, _ =	vpop (xrf1);
	(xrf1) =	vsort.dscd.msk.f32 $0xffff, v1, v2;
	v1 =	vld [tilespmem:s2+$0x400]  }
0x68: {  	v2 =	vld [tilespmem:s2+$0x4400];
	v5, v6, _ =	vpop (xrf1)  }
0x69: {  	vm12 =	vge.f32 v5, v3  }
0x6a: {  	v4 =	vsel vm12, v6, v4  }
0x6b: {  	v3 =	vsel vm12, v5, v3;
	_ =	sdelay $0x1  }
0x6c: {  	v7 =	vld [tilespmem:s0+$0x50];
	(xrf1) =	vsort.ascd.msk.f32 $0xffff, v1, v2;
	v1, v2, _ =	vpop (xrf1)  }
0x6d: {  	v8 =	vld [tilespmem:s0+$0x4050];
	(xrf1) =	vsort.dscd.msk.f32 $0xffff, v3, v4;
	v3, v4, _ =	vpop (xrf1)  }
0x6e: {  	vm13 =	vge.f32 v3, v1  }
0x6f: {  	v2 =	vsel vm13, v4, v2  }
0x70: {  	v5 =	vld [tilespmem:s29+$0x20];
	v1 =	vsel vm13, v3, v1  }
0x71: {  	v6 =	vld [tilespmem:s29+$0x4020]  }
0x72: {  	(xrf1) =	vsort.ascd.msk.f32 $0xffff, v7, v8  }
0x73: {  	(xrf1) =	vsort.dscd.msk.f32 $0xffff, v1, v2;
	v1, v2, _ =	vpop (xrf1)  }
0x74: {  	v3, v4, _ =	vpop (xrf1)  }
0x75: {  	vm14 =	vge.f32 v3, v1  }
0x76: {  	(xrf1) =	vsort.ascd.msk.f32 $0xffff, v5, v6;
	v1 =	vsel vm14, v3, v1;
	v2 =	vsel vm14, v4, v2  }
0x77: {  	(xrf1) =	vsort.dscd.msk.f32 $0xffff, v1, v2;
	v1 =	vld [tilespmem:s2+$0x410]  }
0x78: {  	v2 =	vld [tilespmem:s2+$0x4410];
	_ =	sdelay $0x1  }
0x79: {  	v3, v4, _ =	vpop (xrf1)  }
0x7a: {  	v5, v6, _ =	vpop (xrf1)  }
0x7b: {  	vm15 =	vge.f32 v5, v3  }
0x7c: {  	v7 =	vld [tilespmem:s0+$0x60];
	v3 =	vsel vm15, v5, v3;
	v4 =	vsel vm15, v6, v4;
	(xrf1) =	vsort.ascd.msk.f32 $0xffff, v1, v2  }
0x7d: {  	v8 =	vld [tilespmem:s0+$0x4060];
	(xrf1) =	vsort.dscd.msk.f32 $0xffff, v3, v4;
	_ =	sdelay $0x1  }
0x7e: {  	v1, v2, _ =	vpop (xrf1)  }
0x7f: {  	v3, v4, _ =	vpop (xrf1)  }
0x80: {  	vm4 =	vge.f32 v3, v1  }
0x81: {  	(xrf1) =	vsort.ascd.msk.f32 $0xffff, v7, v8;
	v1 =	vsel vm4, v3, v1;
	v2 =	vsel vm4, v4, v2  }
0x82: {  	v5 =	vld [tilespmem:s29+$0x30];
	(xrf1) =	vsort.dscd.msk.f32 $0xffff, v1, v2  }
0x83: {  	v6 =	vld [tilespmem:s29+$0x4030]  }
0x84: {  	s18 =	simm.s32 $0x180;
	s14 =	simm.s32 $0x600  }
0x85: {  	s5 =	sand.u32 $0x1000, s14;
	s15 =	sand.u32 $0x380, s18;
	v1, v2, _ =	vpop (xrf1)  }
0x86: {  	s22 =	sor.u32 s15, s5;
	v3, v4, _ =	vpop (xrf1)  }
0x87: {  	v7 =	vld [tilespmem:s22+$0x0];
	vm5 =	vge.f32 v3, v1  }
0x88: {  	v8 =	vld [tilespmem:s22+$0x4000];
	(xrf1) =	vsort.ascd.msk.f32 $0xffff, v5, v6;
	v1 =	vsel vm5, v3, v1;
	v2 =	vsel vm5, v4, v2  }
0x89: {  	(xrf1) =	vsort.dscd.msk.f32 $0xffff, v1, v2;
	v1 =	vld [tilespmem:s2+$0x420];
	v3, v4, _ =	vpop (xrf1)  }
0x8a: {  	v2 =	vld [tilespmem:s2+$0x4420];
	v5, v6, _ =	vpop (xrf1)  }
0x8b: {  	vm6 =	vge.f32 v5, v3  }
0x8c: {  	v4 =	vsel vm6, v6, v4  }
0x8d: {  	v3 =	vsel vm6, v5, v3  }
0x8e: {  	(xrf1) =	vsort.ascd.msk.f32 $0xffff, v7, v8  }
0x8f: {  	v7 =	vld [tilespmem:s0+$0x70];
	(xrf1) =	vsort.ascd.msk.f32 $0xffff, v1, v2;
	v1, v2, _ =	vpop (xrf1)  }
0x90: {  	v8 =	vld [tilespmem:s0+$0x4070];
	(xrf1) =	vsort.dscd.msk.f32 $0xffff, v3, v4;
	v3, v4, _ =	vpop (xrf1)  }
0x91: {  	vm7 =	vge.f32 v3, v1  }
0x92: {  	v2 =	vsel vm7, v4, v2  }
0x93: {  	v1 =	vsel vm7, v3, v1;
	_ =	sdelay $0x1  }
0x94: {  	v5 =	vld [tilespmem:s29+$0x40];
	(xrf1) =	vsort.ascd.msk.f32 $0xffff, v7, v8  }
0x95: {  	v6 =	vld [tilespmem:s29+$0x4040];
	(xrf1) =	vsort.dscd.msk.f32 $0xffff, v1, v2;
	v1, v2, _ =	vpop (xrf1)  }
0x96: {  	v4, v7, _ =	vpop (xrf1)  }
0x97: {  	v8 =	vld [tilespmem:s22+$0x4010];
	vm8 =	vge.f32 v4, v1  }
0x98: {  	v3 =	vld [tilespmem:s22+$0x10];
	v2 =	vsel vm8, v7, v2;
	_ =	sdelay $0x1  }
0x99: {  	(xrf1) =	vsort.ascd.msk.f32 $0xffff, v5, v6;
	v1 =	vsel vm8, v4, v1  }
0x9a: {  	(xrf1) =	vsort.dscd.msk.f32 $0xffff, v1, v2;
	v2, v4, _ =	vpop (xrf1)  }
0x9b: {  	vm9 =	vle.f32 v2, $-3.000000010e+38  }
0x9c: {  	(xrf1) =	vsort.ascd.msk.f32 $0xffff, v3, v8;
	v3 =	vsel vm9, $0x0, v4  }
0x9d: {  	v2 =	vsel vm9, $0xFF61B1E6, v2;
	_ =	sdelay $0x1  }
0x9e: {  	v5 =	vld [tilespmem:s2+$0x4430];
	v4, v6, _ =	vpop (xrf1)  }
0x9f: {  	v1 =	vld [tilespmem:s2+$0x430];
	(xrf1) =	vsort.dscd.msk.f32 $0xffff, v2, v3;
	v2, v3, _ =	vpop (xrf1)  }
0xa0: {  	vm10 =	vge.f32 v2, v4  }
0xa1: {  	v2 =	vsel vm10, v2, v4;
	_ =	sdelay $0x1  }
0xa2: {  	v3 =	vsel vm10, v3, v6  }
0xa3: {  	(xrf1) =	vsort.ascd.msk.f32 $0xffff, v1, v5  }
0xa4: {  	v7 =	vld [tilespmem:s0+$0x400];
	(xrf1) =	vsort.dscd.msk.f32 $0xffff, v2, v3;
	v1, v2, _ =	vpop (xrf1)  }
0xa5: {  	v8 =	vld [tilespmem:s0+$0x4400];
	v3, v4, _ =	vpop (xrf1)  }
0xa6: {  	vm11 =	vge.f32 v3, v1  }
0xa7: {  	v2 =	vsel vm11, v4, v2  }
0xa8: {  	v1 =	vsel vm11, v3, v1;
	_ =	sdelay $0x1  }
0xa9: {  	v5 =	vld [tilespmem:s29+$0x50];
	(xrf1) =	vsort.ascd.msk.f32 $0xffff, v7, v8  }
0xaa: {  	v6 =	vld [tilespmem:s29+$0x4050];
	(xrf1) =	vsort.dscd.msk.f32 $0xffff, v1, v2;
	v1, v2, _ =	vpop (xrf1)  }
0xab: {  	v4, v7, _ =	vpop (xrf1)  }
0xac: {  	v8 =	vld [tilespmem:s22+$0x4020];
	vm12 =	vge.f32 v4, v1  }
0xad: {  	v3 =	vld [tilespmem:s22+$0x20];
	v2 =	vsel vm12, v7, v2;
	_ =	sdelay $0x1  }
0xae: {  	(xrf1) =	vsort.ascd.msk.f32 $0xffff, v5, v6;
	v1 =	vsel vm12, v4, v1;
	v4, v5, _ =	vpop (xrf1)  }
0xaf: {  	(xrf1) =	vsort.dscd.msk.f32 $0xffff, v1, v2;
	v2, v6, _ =	vpop (xrf1)  }
0xb0: {  	vm13 =	vge.f32 v2, v4  }
0xb1: {  	(xrf1) =	vsort.ascd.msk.f32 $0xffff, v3, v8;
	v3 =	vsel vm13, v6, v5  }
0xb2: {  	v2 =	vsel vm13, v2, v4;
	_ =	sdelay $0x1  }
0xb3: {  	v7 =	vld [tilespmem:s2+$0x4440];
	v4, v5, _ =	vpop (xrf1)  }
0xb4: {  	v1 =	vld [tilespmem:s2+$0x440];
	(xrf1) =	vsort.dscd.msk.f32 $0xffff, v2, v3;
	v2, v3, _ =	vpop (xrf1)  }
0xb5: {  	vm14 =	vge.f32 v2, v4  }
0xb6: {  	v2 =	vsel vm14, v2, v4;
	_ =	sdelay $0x1  }
0xb7: {  	v3 =	vsel vm14, v3, v5  }
0xb8: {  	v8 =	vld [tilespmem:s0+$0x4410];
	(xrf1) =	vsort.ascd.msk.f32 $0xffff, v1, v7  }
0xb9: {  	v6 =	vld [tilespmem:s0+$0x410];
	(xrf1) =	vsort.dscd.msk.f32 $0xffff, v2, v3;
	v1, v2, _ =	vpop (xrf1)  }
0xba: {  	v3, v4, _ =	vpop (xrf1)  }
0xbb: {  	vm15 =	vge.f32 v3, v1  }
0xbc: {  	v7 =	vld [tilespmem:s29+$0x4060];
	v2 =	vsel vm15, v4, v2  }
0xbd: {  	v5 =	vld [tilespmem:s29+$0x60]  }
0xbe: {  	(xrf1) =	vsort.ascd.msk.f32 $0xffff, v6, v8;
	v1 =	vsel vm15, v3, v1  }
0xbf: {  	(xrf1) =	vsort.dscd.msk.f32 $0xffff, v1, v2;
	v2, v3, _ =	vpop (xrf1)  }
0xc0: {  	v4 =	vld [tilespmem:s2+$0x4450];
	v6, v8, _ =	vpop (xrf1)  }
0xc1: {  	v1 =	vld [tilespmem:s2+$0x450];
	vm4 =	vge.f32 v6, v2  }
0xc2: {  	s16 =	simm.s32 $0x200;
	s17 =	simm.s32 $0x800;
	(xrf1) =	vsort.ascd.msk.f32 $0xffff, v5, v7;
	v2 =	vsel vm4, v6, v2;
	v3 =	vsel vm4, v8, v3  }
0xc3: {  	s17 =	sand.u32 $0x1000, s17;
	s20 =	sand.u32 $0x380, s16;
	v9 =	vld [tilespmem:s22+$0x30];
	(xrf1) =	vsort.dscd.msk.f32 $0xffff, v2, v3  }
0xc4: {  	s15 =	sor.u32 s20, s17;
	v10 =	vld [tilespmem:s22+$0x4030];
	v6, v7, _ =	vpop (xrf1)  }
0xc5: {  	v5 =	vld [tilespmem:s15+$0x0];
	v3, v8, _ =	vpop (xrf1)  }
0xc6: {  	v2 =	vld [tilespmem:s15+$0x4000];
	(xrf1) =	vsort.ascd.msk.f32 $0xffff, v1, v4;
	vm5 =	vge.f32 v3, v6;
	v1, v4, _ =	vpop (xrf1)  }
0xc7: {  	v3 =	vsel vm5, v3, v6;
	v6 =	vsel vm5, v8, v7;
	v7, v8, _ =	vpop (xrf1)  }
0xc8: {  	vm6 =	vge.f32 v7, v1  }
0xc9: {  	(xrf1) =	vsort.ascd.msk.f32 $0xffff, v9, v10;
	v4 =	vsel vm6, v8, v4  }
0xca: {  	(xrf1) =	vsort.dscd.msk.f32 $0xffff, v3, v6;
	v3 =	vld [tilespmem:s0+$0x420];
	v1 =	vsel vm6, v7, v1  }
0xcb: {  	s19 =	simm.s32 $0x200;
	[dreg:$0x7] =	wrdreg s5;
	(xrf1) =	vsort.ascd.msk.f32 $0xffff, v5, v2;
	v2 =	vld [tilespmem:s0+$0x4420]  }
0xcc: {  	[dreg:$0x3] =	wrdreg s19;
	(xrf1) =	vsort.dscd.msk.f32 $0xffff, v1, v4  }
0xcd: {  	v1, v4, _ =	vpop (xrf1)  }
0xce: {  	v7 =	vld [tilespmem:s29+$0x70]  }
0xcf: {  	v5, v6, _ =	vpop (xrf1);
	v8 =	vld [tilespmem:s29+$0x4070]  }
0xd0: {  	(xrf1) =	vsort.ascd.msk.f32 $0xffff, v3, v2;
	vm7 =	vge.f32 v5, v1;
	v2, v3, _ =	vpop (xrf1)  }
0xd1: {  	v1 =	vsel vm7, v5, v1;
	v4 =	vsel vm7, v6, v4;
	v5, v6, _ =	vpop (xrf1)  }
0xd2: {  	v9 =	vld [tilespmem:s22+$0x40];
	vm8 =	vge.f32 v5, v2  }
0xd3: {  	(xrf1) =	vsort.dscd.msk.f32 $0xffff, v1, v4;
	v1 =	vld [tilespmem:s2+$0x460];
	v3 =	vsel vm8, v6, v3  }
0xd4: {  	v4 =	vld [tilespmem:s2+$0x4460];
	(xrf1) =	vsort.ascd.msk.f32 $0xffff, v7, v8;
	v2 =	vsel vm8, v5, v2  }
0xd5: {  	v10 =	vld [tilespmem:s22+$0x4040];
	(xrf1) =	vsort.dscd.msk.f32 $0xffff, v2, v3  }
0xd6: {  	v7, v8, _ =	vpop (xrf1);
	v5 =	vld [tilespmem:s15+$0x10]  }
0xd7: {  	v6 =	vld [tilespmem:s15+$0x4010];
	v2, v3, _ =	vpop (xrf1)  }
0xd8: {  	v11, v12, _ =	vpop (xrf1)  }
0xd9: {  	(xrf1) =	vsort.ascd.msk.f32 $0xffff, v1, v4;
	vm9 =	vge.f32 v11, v2;
	v1, v4, _ =	vpop (xrf1)  }
0xda: {  	(xrf1) =	vsort.ascd.msk.f32 $0xffff, v9, v10;
	v2 =	vsel vm9, v11, v2;
	v3 =	vsel vm9, v12, v3;
	v9, v10, _ =	vpop (xrf1)  }
0xdb: {  	(xrf1) =	vsort.dscd.msk.f32 $0xffff, v2, v3;
	vm10 =	vge.f32 v9, v7  }
0xdc: {  	vm11 =	vle.f32 v1, $-3.000000010e+38;
	v2 =	vld [tilespmem:s0+$0x430];
	(xrf1) =	vsort.ascd.msk.f32 $0xffff, v5, v6;
	v6 =	vsel vm10, v10, v8  }
0xdd: {  	v3 =	vld [tilespmem:s0+$0x4430];
	v4 =	vsel vm11, $0x0, v4;
	v5 =	vsel vm10, v9, v7  }
0xde: {  	v1 =	vsel vm11, $0xFF61B1E6, v1;
	_ =	sdelay $0x1  }
0xdf: {  	(xrf1) =	vsort.dscd.msk.f32 $0xffff, v5, v6;
	v5, v6, _ =	vpop (xrf1)  }
0xe0: {  	(xrf1) =	vsort.dscd.msk.f32 $0xffff, v1, v4;
	v1, v4, _ =	vpop (xrf1)  }
0xe1: {  	v7 =	vld [tilespmem:s29+$0x400];
	(xrf1) =	vsort.ascd.msk.f32 $0xffff, v2, v3;
	vm12 =	vge.f32 v1, v5;
	v2, v3, _ =	vpop (xrf1)  }
0xe2: {  	v8 =	vld [tilespmem:s29+$0x4400];
	v1 =	vsel vm12, v1, v5;
	v4 =	vsel vm12, v4, v6;
	v5, v6, _ =	vpop (xrf1)  }
0xe3: {  	vm13 =	vge.f32 v5, v2  }
0xe4: {  	v3 =	vsel vm13, v6, v3  }
0xe5: {  	v9 =	vld [tilespmem:s22+$0x50];
	v2 =	vsel vm13, v5, v2  }
0xe6: {  	(xrf1) =	vsort.dscd.msk.f32 $0xffff, v1, v4;
	v1 =	vld [tilespmem:s2+$0x470]  }
0xe7: {  	v4 =	vld [tilespmem:s2+$0x4470];
	(xrf1) =	vsort.ascd.msk.f32 $0xffff, v7, v8;
	v5, v6, _ =	vpop (xrf1)  }
0xe8: {  	v10 =	vld [tilespmem:s22+$0x4050];
	(xrf1) =	vsort.dscd.msk.f32 $0xffff, v2, v3;
	v2, v3, _ =	vpop (xrf1)  }
0xe9: {  	v11, v12, _ =	vpop (xrf1)  }
0xea: {  	vm14 =	vge.f32 v11, v2  }
0xeb: {  	v3 =	vsel vm14, v12, v3  }
0xec: {  	v7 =	vld [tilespmem:s15+$0x20];
	(xrf1) =	vsort.ascd.msk.f32 $0xffff, v1, v4;
	v1, v4, _ =	vpop (xrf1)  }
0xed: {  	v8 =	vld [tilespmem:s15+$0x4020];
	(xrf1) =	vsort.ascd.msk.f32 $0xffff, v9, v10;
	v2 =	vsel vm14, v11, v2;
	v9, v10, _ =	vpop (xrf1)  }
0xee: {  	(xrf1) =	vsort.dscd.msk.f32 $0xffff, v2, v3;
	vm15 =	vge.f32 v9, v5;
	v3, v11, _ =	vpop (xrf1)  }
0xef: {  	v5 =	vsel vm15, v9, v5;
	vm4 =	vge.f32 v3, v1  }
0xf0: {  	v1 =	vsel vm4, v3, v1;
	v3 =	vsel vm4, v11, v4;
	_ =	sdelay $0x1  }
0xf1: {  	v2 =	vld [tilespmem:s0+$0x440];
	(xrf1) =	vsort.ascd.msk.f32 $0xffff, v7, v8;
	v6 =	vsel vm15, v10, v6  }
0xf2: {  	v7 =	vld [tilespmem:s0+$0x4440];
	(xrf1) =	vsort.dscd.msk.f32 $0xffff, v5, v6;
	v4, v5, _ =	vpop (xrf1)  }
0xf3: {  	(xrf1) =	vsort.dscd.msk.f32 $0xffff, v1, v3;
	v1, v3, _ =	vpop (xrf1)  }
0xf4: {  	vm5 =	vge.f32 v1, v4  }
0xf5: {  	v3 =	vsel vm5, v3, v5  }
0xf6: {  	v8 =	vld [tilespmem:s29+$0x4410]  }
0xf7: {  	v10 =	vld [tilespmem:s22+$0x4060];
	(xrf1) =	vsort.ascd.msk.f32 $0xffff, v2, v7;
	v1 =	vsel vm5, v1, v4  }
0xf8: {  	v6 =	vld [tilespmem:s29+$0x410];
	(xrf1) =	vsort.dscd.msk.f32 $0xffff, v1, v3;
	v3, v4, _ =	vpop (xrf1)  }
0xf9: {  	v2 =	vld [tilespmem:s2+$0x800];
	v7, v9, _ =	vpop (xrf1)  }
0xfa: {  	v1 =	vld [tilespmem:s2+$0x4800];
	vm6 =	vge.f32 v7, v3  }
0xfb: {  	v5 =	vld [tilespmem:s22+$0x60];
	v4 =	vsel vm6, v9, v4;
	_ =	sdelay $0x1  }
0xfc: {  	(xrf1) =	vsort.ascd.msk.f32 $0xffff, v6, v8;
	v3 =	vsel vm6, v7, v3;
	v6, v7, _ =	vpop (xrf1);
	v9 =	vld [tilespmem:s0+$0x4450]  }
0xfd: {  	(xrf1) =	vsort.dscd.msk.f32 $0xffff, v3, v4;
	v3 =	vld [tilespmem:s0+$0x450];
	v4, v8, _ =	vpop (xrf1)  }
0xfe: {  	(xrf1) =	vsort.ascd.msk.f32 $0xffff, v2, v1;
	v11, v12, _ =	vpop (xrf1)  }
0xff: {  	(xrf1) =	vsort.ascd.msk.f32 $0xffff, v5, v10;
	vm7 =	vge.f32 v11, v4;
	v2, v5, _ =	vpop (xrf1)  }
0x100: {  	v4 =	vsel vm7, v11, v4;
	v8 =	vsel vm7, v12, v8;
	v11, v12, _ =	vpop (xrf1)  }
0x101: {  	v1 =	vld [tilespmem:s15+$0x30];
	(xrf1) =	vsort.dscd.msk.f32 $0xffff, v4, v8;
	vm8 =	vge.f32 v11, v6  }
0x102: {  	s7 =	simm.s32 $0x280;
	s21 =	simm.s32 $0xA00;
	v10 =	vld [tilespmem:s15+$0x4030];
	(xrf1) =	vsort.ascd.msk.f32 $0xffff, v3, v9;
	v3 =	vsel vm8, v11, v6;
	v6 =	vsel vm8, v12, v7  }
0x103: {  	s25 =	sand.u32 $0x1000, s21;
	s8 =	sand.u32 $0x380, s7  }
0x104: {  	s16 =	sor.u32 s8, s25  }
0x105: {  	v4 =	vld [tilespmem:s16+$0x0];
	v13, v14, _ =	vpop (xrf1)  }
0x106: {  	v8 =	vld [tilespmem:s16+$0x4000];
	(xrf1) =	vsort.dscd.msk.f32 $0xffff, v3, v6;
	v3, v6, _ =	vpop (xrf1)  }
0x107: {  	vm9 =	vge.f32 v13, v2;
	(xrf1) =	vsort.ascd.msk.f32 $0xffff, v1, v10;
	v1, v7, _ =	vpop (xrf1)  }
0x108: {  	v5 =	vsel vm9, v14, v5;
	vm10 =	vge.f32 v1, v3  }
0x109: {  	v2 =	vsel vm9, v13, v2;
	v1 =	vsel vm10, v1, v3;
	v3 =	vsel vm10, v7, v6  }
0x10a: {  	(xrf1) =	vsort.dscd.msk.f32 $0xffff, v2, v5  }
0x10b: {  	v2 =	vld [tilespmem:s29+$0x420];
	(xrf1) =	vsort.ascd.msk.f32 $0xffff, v4, v8  }
0x10c: {  	v4 =	vld [tilespmem:s29+$0x4420];
	(xrf1) =	vsort.dscd.msk.f32 $0xffff, v1, v3;
	v3, v5, _ =	vpop (xrf1)  }
0x10d: {  	v9 =	vld [tilespmem:s2+$0x810];
	v7, v8, _ =	vpop (xrf1)  }
0x10e: {  	v6 =	vld [tilespmem:s22+$0x4070];
	vm11 =	vge.f32 v7, v3  }
0x10f: {  	v1 =	vld [tilespmem:s22+$0x70];
	v5 =	vsel vm11, v8, v5  }
0x110: {  	v12 =	vld [tilespmem:s0+$0x4460];
	v10, v11, _ =	vpop (xrf1)  }
0x111: {  	(xrf1) =	vsort.ascd.msk.f32 $0xffff, v2, v4;
	v2 =	vld [tilespmem:s2+$0x4810];
	v3 =	vsel vm11, v7, v3;
	v4, v7, _ =	vpop (xrf1)  }
0x112: {  	(xrf1) =	vsort.dscd.msk.f32 $0xffff, v3, v5;
	v3 =	vld [tilespmem:s0+$0x460];
	v5, v8, _ =	vpop (xrf1)  }
0x113: {  	vm12 =	vge.f32 v5, v4  }
0x114: {  	(xrf1) =	vsort.ascd.msk.f32 $0xffff, v1, v6;
	v1, v6, _ =	vpop (xrf1);
	v4 =	vsel vm12, v5, v4;
	v5 =	vsel vm12, v8, v7  }
0x115: {  	v7, v8, _ =	vpop (xrf1);
	(xrf1) =	vsort.dscd.msk.f32 $0xffff, v4, v5  }
0x116: {  	v13 =	vld [tilespmem:s15+$0x40];
	vm13 =	vge.f32 v7, v10;
	(xrf1) =	vsort.ascd.msk.f32 $0xffff, v9, v2  }
0x117: {  	v14 =	vld [tilespmem:s15+$0x4040];
	(xrf1) =	vsort.ascd.msk.f32 $0xffff, v3, v12;
	v3 =	vsel vm13, v7, v10;
	v7 =	vsel vm13, v8, v11  }
0x118: {  	v4 =	vld [tilespmem:s16+$0x10]  }
0x119: {  	v2 =	vld [tilespmem:s16+$0x4010];
	v5, v15, _ =	vpop (xrf1)  }
0x11a: {  	v9, v16, _ =	vpop (xrf1)  }
0x11b: {  	(xrf1) =	vsort.dscd.msk.f32 $0xffff, v3, v7;
	vm14 =	vge.f32 v9, v5;
	v3, v7, _ =	vpop (xrf1)  }
0x11c: {  	(xrf1) =	vsort.ascd.msk.f32 $0xffff, v13, v14;
	v5 =	vsel vm14, v9, v5;
	v8 =	vsel vm14, v16, v15;
	v9, v10, _ =	vpop (xrf1)  }
0x11d: {  	(xrf1) =	vsort.dscd.msk.f32 $0xffff, v5, v8;
	vm15 =	vge.f32 v9, v1  }
0x11e: {  	(xrf1) =	vsort.ascd.msk.f32 $0xffff, v4, v2;
	vm4 =	vle.f32 v3, $-3.000000010e+38;
	v1 =	vsel vm15, v9, v1;
	v4 =	vsel vm15, v10, v6  }
0x11f: {  	(xrf1) =	vsort.dscd.msk.f32 $0xffff, v1, v4;
	v1 =	vsel vm4, $0xFF61B1E6, v3;
	v3 =	vsel vm4, $0x0, v7;
	_ =	sdelay $0x1  }
0x120: {  	v5 =	vld [tilespmem:s29+$0x430]  }
0x121: {  	v2 =	vld [tilespmem:s29+$0x4430];
	v4, v6, _ =	vpop (xrf1)  }
0x122: {  	(xrf1) =	vsort.dscd.msk.f32 $0xffff, v1, v3;
	v1, v3, _ =	vpop (xrf1)  }
0x123: {  	vm5 =	vge.f32 v1, v4  }
0x124: {  	v3 =	vsel vm5, v3, v6  }
0x125: {  	v8 =	vld [tilespmem:s22+$0x400]  }
0x126: {  	v9 =	vld [tilespmem:s22+$0x4400];
	(xrf1) =	vsort.ascd.msk.f32 $0xffff, v5, v2;
	v1 =	vsel vm5, v1, v4;
	v4, v5, _ =	vpop (xrf1)  }
0x127: {  	v10 =	vld [tilespmem:s0+$0x4470];
	(xrf1) =	vsort.dscd.msk.f32 $0xffff, v1, v3;
	v3, v6, _ =	vpop (xrf1)  }
0x128: {  	v7 =	vld [tilespmem:s2+$0x820];
	vm6 =	vge.f32 v3, v4  }
0x129: {  	v2 =	vld [tilespmem:s2+$0x4820];
	v3 =	vsel vm6, v3, v4;
	v4 =	vsel vm6, v6, v5  }
0x12a: {  	v1 =	vld [tilespmem:s0+$0x470]  }
0x12b: {  	v12, v13, _ =	vpop (xrf1)  }
0x12c: {  	(xrf1) =	vsort.ascd.msk.f32 $0xffff, v8, v9;
	v5, v6, _ =	vpop (xrf1)  }
0x12d: {  	(xrf1) =	vsort.dscd.msk.f32 $0xffff, v3, v4;
	v3, v4, _ =	vpop (xrf1)  }
0x12e: {  	v11 =	vld [tilespmem:s15+$0x50];
	(xrf1) =	vsort.ascd.msk.f32 $0xffff, v7, v2;
	vm7 =	vge.f32 v3, v12  }
0x12f: {  	v14 =	vld [tilespmem:s15+$0x4050];
	(xrf1) =	vsort.ascd.msk.f32 $0xffff, v1, v10;
	v1 =	vsel vm7, v3, v12;
	v3 =	vsel vm7, v4, v13  }
0x130: {  	v8 =	vld [tilespmem:s16+$0x20]  }
0x131: {  	v2 =	vld [tilespmem:s16+$0x4020];
	v9, v15, _ =	vpop (xrf1)  }
0x132: {  	v7, v55, _ =	vpop (xrf1)  }
0x133: {  	vm8 =	vge.f32 v7, v9;
	(xrf1) =	vsort.dscd.msk.f32 $0xffff, v1, v3;
	v1, v3, _ =	vpop (xrf1)  }
0x134: {  	v4 =	vsel vm8, v7, v9;
	v7 =	vsel vm8, v55, v15;
	(xrf1) =	vsort.ascd.msk.f32 $0xffff, v11, v14;
	v9, v10, _ =	vpop (xrf1)  }
0x135: {  	(xrf1) =	vsort.dscd.msk.f32 $0xffff, v4, v7;
	v11, v12, _ =	vpop (xrf1)  }
0x136: {  	(xrf1) =	vsort.ascd.msk.f32 $0xffff, v8, v2;
	vm9 =	vge.f32 v9, v5;
	vm10 =	vge.f32 v11, v1  }
0x137: {  	v2 =	vsel vm9, v9, v5;
	v5 =	vsel vm9, v10, v6;
	v3 =	vsel vm10, v12, v3  }
0x138: {  	v1 =	vsel vm10, v11, v1  }
0x139: {  	v4 =	vld [tilespmem:s29+$0x440]  }
0x13a: {  	v7 =	vld [tilespmem:s29+$0x4440];
	(xrf1) =	vsort.dscd.msk.f32 $0xffff, v2, v5;
	v5, v8, _ =	vpop (xrf1)  }
0x13b: {  	(xrf1) =	vsort.dscd.msk.f32 $0xffff, v1, v3;
	v1, v3, _ =	vpop (xrf1)  }
0x13c: {  	vm11 =	vge.f32 v1, v5  }
0x13d: {  	v6 =	vld [tilespmem:s2+$0x830];
	v3 =	vsel vm11, v3, v8  }
0x13e: {  	v9 =	vld [tilespmem:s0+$0x800]  }
0x13f: {  	v10 =	vld [tilespmem:s22+$0x410];
	(xrf1) =	vsort.ascd.msk.f32 $0xffff, v4, v7;
	v1 =	vsel vm11, v1, v5  }
0x140: {  	v2 =	vld [tilespmem:s2+$0x4830];
	(xrf1) =	vsort.dscd.msk.f32 $0xffff, v1, v3;
	v3, v5, _ =	vpop (xrf1)  }
0x141: {  	v11 =	vld [tilespmem:s22+$0x4410];
	v8, v12, _ =	vpop (xrf1)  }
0x142: {  	v4 =	vld [tilespmem:s0+$0x4800];
	vm12 =	vge.f32 v8, v3  }
0x143: {  	v7 =	vld [tilespmem:s15+$0x4060];
	v5 =	vsel vm12, v12, v5  }
0x144: {  	v1 =	vld [tilespmem:s15+$0x60];
	v3 =	vsel vm12, v8, v3  }
0x145: {  	(xrf1) =	vsort.ascd.msk.f32 $0xffff, v6, v2;
	v2, v6, _ =	vpop (xrf1)  }
0x146: {  	(xrf1) =	vsort.ascd.msk.f32 $0xffff, v10, v11;
	v8, v10, _ =	vpop (xrf1)  }
0x147: {  	(xrf1) =	vsort.dscd.msk.f32 $0xffff, v3, v5;
	v3, v5, _ =	vpop (xrf1)  }
0x148: {  	(xrf1) =	vsort.ascd.msk.f32 $0xffff, v9, v4;
	vm13 =	vge.f32 v3, v2  }
0x149: {  	v12, v13, _ =	vpop (xrf1);
	(xrf1) =	vsort.ascd.msk.f32 $0xffff, v1, v7;
	v1 =	vsel vm13, v3, v2;
	v2 =	vsel vm13, v5, v6  }
0x14a: {  	v11 =	vld [tilespmem:s29+$0x450]  }
0x14b: {  	v4 =	vld [tilespmem:s29+$0x4450]  }
0x14c: {  	v9, v14, _ =	vpop (xrf1)  }
0x14d: {  	vm14 =	vge.f32 v9, v12;
	(xrf1) =	vsort.dscd.msk.f32 $0xffff, v1, v2;
	v1, v2, _ =	vpop (xrf1)  }
0x14e: {  	v6 =	vsel vm14, v9, v12;
	v7 =	vsel vm14, v14, v13;
	v9, v12, _ =	vpop (xrf1)  }
0x14f: {  	v3 =	vld [tilespmem:s16+$0x30];
	(xrf1) =	vsort.dscd.msk.f32 $0xffff, v6, v7;
	vm15 =	vge.f32 v9, v8  }
0x150: {  	s9 =	simm.s32 $0x300;
	s10 =	simm.s32 $0xC00;
	v5 =	vld [tilespmem:s16+$0x4030];
	(xrf1) =	vsort.ascd.msk.f32 $0xffff, v11, v4;
	v4 =	vsel vm15, v9, v8;
	v8 =	vsel vm15, v12, v10  }
0x151: {  	s12 =	sand.u32 $0x380, s9;
	s19 =	sand.u32 $0x1000, s10  }
0x152: {  	s21 =	sor.u32 s12, s19  }
0x153: {  	v6 =	vld [tilespmem:s21+$0x0];
	v13, v14, _ =	vpop (xrf1)  }
0x154: {  	v7 =	vld [tilespmem:s21+$0x4000];
	(xrf1) =	vsort.dscd.msk.f32 $0xffff, v4, v8;
	v4, v8, _ =	vpop (xrf1)  }
0x155: {  	vm4 =	vge.f32 v13, v1;
	(xrf1) =	vsort.ascd.msk.f32 $0xffff, v3, v5;
	v5, v9, _ =	vpop (xrf1)  }
0x156: {  	v1 =	vsel vm4, v13, v1;
	vm5 =	vge.f32 v5, v4  }
0x157: {  	v2 =	vsel vm4, v14, v2;
	v4 =	vsel vm5, v5, v4;
	v5 =	vsel vm5, v9, v8  }
0x158: {  	(xrf1) =	vsort.dscd.msk.f32 $0xffff, v1, v2  }
0x159: {  	(xrf1) =	vsort.ascd.msk.f32 $0xffff, v6, v7;
	v6, v7, _ =	vpop (xrf1)  }
0x15a: {  	v1 =	vld [tilespmem:s22+$0x420];
	(xrf1) =	vsort.dscd.msk.f32 $0xffff, v4, v5;
	v5, v9, _ =	vpop (xrf1)  }
0x15b: {  	v2 =	vld [tilespmem:s22+$0x4420];
	v11, v12, _ =	vpop (xrf1)  }
0x15c: {  	vm6 =	vge.f32 v11, v5  }
0x15d: {  	v10 =	vld [tilespmem:s15+$0x4070];
	v9 =	vsel vm6, v12, v9  }
0x15e: {  	v3 =	vld [tilespmem:s2+$0x840];
	v5 =	vsel vm6, v11, v5  }
0x15f: {  	v8 =	vld [tilespmem:s2+$0x4840];
	v13, v14, _ =	vpop (xrf1)  }
0x160: {  	v4 =	vld [tilespmem:s15+$0x70];
	(xrf1) =	vsort.ascd.msk.f32 $0xffff, v1, v2;
	v15, v16, _ =	vpop (xrf1)  }
0x161: {  	(xrf1) =	vsort.dscd.msk.f32 $0xffff, v5, v9;
	v5, v9, _ =	vpop (xrf1)  }
0x162: {  	v1 =	vld [tilespmem:s0+$0x810];
	vm7 =	vge.f32 v5, v6  }
0x163: {  	v2 =	vld [tilespmem:s0+$0x4810];
	v5 =	vsel vm7, v5, v6;
	v6 =	vsel vm7, v9, v7  }
0x164: {  	v11 =	vld [tilespmem:s29+$0x460];
	(xrf1) =	vsort.ascd.msk.f32 $0xffff, v3, v8  }
0x165: {  	(xrf1) =	vsort.ascd.msk.f32 $0xffff, v4, v10;
	v4 =	vld [tilespmem:s29+$0x4460];
	v3, v8, _ =	vpop (xrf1)  }
0x166: {  	vm8 =	vge.f32 v3, v15  }
0x167: {  	(xrf1) =	vsort.dscd.msk.f32 $0xffff, v5, v6;
	v3 =	vsel vm8, v3, v15;
	v8 =	vsel vm8, v8, v16;
	v5, v6, _ =	vpop (xrf1)  }
0x168: {  	(xrf1) =	vsort.dscd.msk.f32 $0xffff, v3, v8;
	v10, v12, _ =	vpop (xrf1)  }
0x169: {  	v7 =	vld [tilespmem:s16+$0x40];
	(xrf1) =	vsort.ascd.msk.f32 $0xffff, v1, v2;
	vm9 =	vge.f32 v10, v13  }
0x16a: {  	v9 =	vld [tilespmem:s16+$0x4040];
	(xrf1) =	vsort.ascd.msk.f32 $0xffff, v11, v4;
	v4 =	vsel vm9, v10, v13;
	v10 =	vsel vm9, v12, v14  }
0x16b: {  	v3 =	vld [tilespmem:s21+$0x10]  }
0x16c: {  	v1 =	vld [tilespmem:s21+$0x4010];
	v8, v15, _ =	vpop (xrf1)  }
0x16d: {  	v2, v56, _ =	vpop (xrf1)  }
0x16e: {  	vm10 =	vge.f32 v2, v8;
	(xrf1) =	vsort.dscd.msk.f32 $0xffff, v4, v10;
	v4, v10, _ =	vpop (xrf1)  }
0x16f: {  	v2 =	vsel vm10, v2, v8;
	v8 =	vsel vm10, v56, v15;
	(xrf1) =	vsort.ascd.msk.f32 $0xffff, v7, v9;
	v7, v9, _ =	vpop (xrf1)  }
0x170: {  	(xrf1) =	vsort.dscd.msk.f32 $0xffff, v2, v8;
	vm11 =	vge.f32 v7, v5  }
0x171: {  	(xrf1) =	vsort.ascd.msk.f32 $0xffff, v3, v1;
	v3 =	vsel vm11, v9, v6  }
0x172: {  	v1 =	vsel vm11, v7, v5;
	_ =	sdelay $0x2  }
0x173: {  	v2 =	vld [tilespmem:s22+$0x430];
	vm12 =	vle.f32 v4, $-3.000000010e+38;
	(xrf1) =	vsort.dscd.msk.f32 $0xffff, v1, v3;
	v1, v3, _ =	vpop (xrf1)  }
0x174: {  	v8 =	vld [tilespmem:s22+$0x4430];
	v7 =	vsel vm12, $0x0, v10;
	v9, v10, _ =	vpop (xrf1)  }
0x175: {  	v5 =	vld [tilespmem:s2+$0x850];
	vm13 =	vge.f32 v9, v1  }
0x176: {  	v6 =	vld [tilespmem:s2+$0x4850];
	v3 =	vsel vm13, v10, v3  }
0x177: {  	v4 =	vsel vm12, $0xFF61B1E6, v4  }
0x178: {  	(xrf1) =	vsort.dscd.msk.f32 $0xffff, v4, v7;
	v7, v12, _ =	vpop (xrf1)  }
0x179: {  	(xrf1) =	vsort.ascd.msk.f32 $0xffff, v2, v8;
	v14, v15, _ =	vpop (xrf1);
	v1 =	vsel vm13, v9, v1  }
0x17a: {  	v13 =	vld [tilespmem:s15+$0x4400];
	(xrf1) =	vsort.dscd.msk.f32 $0xffff, v1, v3;
	v2, v3, _ =	vpop (xrf1)  }
0x17b: {  	v4 =	vld [tilespmem:s15+$0x400];
	(xrf1) =	vsort.ascd.msk.f32 $0xffff, v5, v6;
	vm14 =	vge.f32 v2, v7;
	v9, v10, _ =	vpop (xrf1)  }
0x17c: {  	v2 =	vsel vm14, v2, v7;
	v3 =	vsel vm14, v3, v12;
	vm15 =	vge.f32 v9, v14  }
0x17d: {  	v57 =	vld [tilespmem:s29+$0x4470];
	(xrf1) =	vsort.dscd.msk.f32 $0xffff, v2, v3;
	v3 =	vsel vm15, v9, v14;
	v9 =	vsel vm15, v10, v15  }
0x17e: {  	v11 =	vld [tilespmem:s0+$0x820]  }
0x17f: {  	v1 =	vld [tilespmem:s0+$0x4820];
	v6, v7, _ =	vpop (xrf1)  }
0x180: {  	v8 =	vld [tilespmem:s29+$0x470];
	(xrf1) =	vsort.ascd.msk.f32 $0xffff, v4, v13;
	v4, v10, _ =	vpop (xrf1)  }
0x181: {  	v5 =	vld [tilespmem:s16+$0x50];
	(xrf1) =	vsort.dscd.msk.f32 $0xffff, v3, v9;
	v3, v9, _ =	vpop (xrf1)  }
0x182: {  	v2 =	vld [tilespmem:s16+$0x4050];
	vm4 =	vge.f32 v3, v6  }
0x183: {  	v12 =	vld [tilespmem:s21+$0x20];
	v3 =	vsel vm4, v3, v6;
	v6 =	vsel vm4, v9, v7  }
0x184: {  	(xrf1) =	vsort.ascd.msk.f32 $0xffff, v11, v1;
	v1 =	vld [tilespmem:s21+$0x4020];
	v13, v14, _ =	vpop (xrf1)  }
0x185: {  	(xrf1) =	vsort.ascd.msk.f32 $0xffff, v8, v57;
	v11, v15, _ =	vpop (xrf1)  }
0x186: {  	vm5 =	vge.f32 v11, v13;
	(xrf1) =	vsort.dscd.msk.f32 $0xffff, v3, v6;
	v6, v7, _ =	vpop (xrf1)  }
0x187: {  	v8 =	vsel vm5, v11, v13;
	v9 =	vsel vm5, v15, v14;
	(xrf1) =	vsort.ascd.msk.f32 $0xffff, v5, v2;
	v5, v11, _ =	vpop (xrf1)  }
0x188: {  	(xrf1) =	vsort.dscd.msk.f32 $0xffff, v8, v9;
	vm6 =	vge.f32 v5, v4  }
0x189: {  	(xrf1) =	vsort.ascd.msk.f32 $0xffff, v12, v1;
	v1 =	vsel vm6, v5, v4;
	v4 =	vsel vm6, v11, v10;
	_ =	sdelay $0x1  }
0x18a: {  	v3 =	vld [tilespmem:s2+$0x860]  }
0x18b: {  	v8 =	vld [tilespmem:s22+$0x440];
	v13, v14, _ =	vpop (xrf1)  }
0x18c: {  	v9 =	vld [tilespmem:s22+$0x4440];
	(xrf1) =	vsort.dscd.msk.f32 $0xffff, v1, v4;
	v1, v4, _ =	vpop (xrf1)  }
0x18d: {  	v2 =	vld [tilespmem:s2+$0x4860];
	v11, v12, _ =	vpop (xrf1)  }
0x18e: {  	v5 =	vld [tilespmem:s0+$0x830];
	vm7 =	vge.f32 v13, v6;
	vm8 =	vge.f32 v11, v1  }
0x18f: {  	v10 =	vld [tilespmem:s0+$0x4830];
	v6 =	vsel vm7, v13, v6;
	v7 =	vsel vm7, v14, v7;
	v4 =	vsel vm8, v12, v4  }
0x190: {  	(xrf1) =	vsort.dscd.msk.f32 $0xffff, v6, v7  }
0x191: {  	(xrf1) =	vsort.ascd.msk.f32 $0xffff, v8, v9;
	v8, v9, _ =	vpop (xrf1);
	v1 =	vsel vm8, v11, v1  }
0x192: {  	v13 =	vld [tilespmem:s29+$0x800];
	(xrf1) =	vsort.dscd.msk.f32 $0xffff, v1, v4;
	v4, v11, _ =	vpop (xrf1)  }
0x193: {  	v6 =	vld [tilespmem:s15+$0x410];
	(xrf1) =	vsort.ascd.msk.f32 $0xffff, v3, v2;
	v14, v15, _ =	vpop (xrf1)  }
0x194: {  	v7 =	vld [tilespmem:s15+$0x4410];
	(xrf1) =	vsort.ascd.msk.f32 $0xffff, v5, v10;
	vm9 =	vge.f32 v4, v8;
	v3, v58, _ =	vpop (xrf1)  }
0x195: {  	v12 =	vld [tilespmem:s16+$0x60];
	v4 =	vsel vm9, v4, v8;
	v5 =	vsel vm9, v11, v9;
	vm10 =	vge.f32 v3, v14  }
0x196: {  	v1 =	vld [tilespmem:s29+$0x4800];
	(xrf1) =	vsort.dscd.msk.f32 $0xffff, v4, v5;
	v4 =	vsel vm10, v58, v15  }
0x197: {  	v2 =	vld [tilespmem:s16+$0x4060];
	v3 =	vsel vm10, v3, v14  }
0x198: {  	v8, v9, _ =	vpop (xrf1)  }
0x199: {  	(xrf1) =	vsort.ascd.msk.f32 $0xffff, v6, v7;
	v5, v6, _ =	vpop (xrf1)  }
0x19a: {  	(xrf1) =	vsort.dscd.msk.f32 $0xffff, v3, v4;
	v3, v4, _ =	vpop (xrf1)  }
0x19b: {  	(xrf1) =	vsort.ascd.msk.f32 $0xffff, v13, v1;
	vm11 =	vge.f32 v3, v8  }
0x19c: {  	v10, v11, _ =	vpop (xrf1);
	(xrf1) =	vsort.ascd.msk.f32 $0xffff, v12, v2;
	v2 =	vsel vm11, v3, v8;
	v3 =	vsel vm11, v4, v9  }
0x19d: {  	v7 =	vld [tilespmem:s22+$0x450]  }
0x19e: {  	v1 =	vld [tilespmem:s22+$0x4450];
	v13, v14, _ =	vpop (xrf1)  }
0x19f: {  	vm12 =	vge.f32 v13, v10  }
0x1a0: {  	(xrf1) =	vsort.dscd.msk.f32 $0xffff, v2, v3;
	v9 =	vsel vm12, v13, v10;
	v10 =	vsel vm12, v14, v11;
	v2, v3, _ =	vpop (xrf1)  }
0x1a1: {  	v11, v12, _ =	vpop (xrf1)  }
0x1a2: {  	s26 =	simm.s32 $0x280;
	v4 =	vld [tilespmem:s21+$0x30];
	(xrf1) =	vsort.dscd.msk.f32 $0xffff, v9, v10;
	vm13 =	vge.f32 v11, v5  }
0x1a3: {  	s13 =	simm.s32 $0xE00;
	[dreg:$0x4] =	wrdreg s25;
	s25 =	simm.s32 $0x380;
	v8 =	vld [tilespmem:s21+$0x4030];
	v10, v14, _ =	vpop (xrf1);
	(xrf1) =	vsort.ascd.msk.f32 $0xffff, v7, v1;
	v1 =	vsel vm13, v11, v5;
	v5 =	vsel vm13, v12, v6  }
0x1a4: {  	[dreg:$0x5] =	wrdreg s26;
	s26 =	sand.u32 $0x1000, s13;
	s14 =	sand.u32 $0x380, s25  }
0x1a5: {  	s28 =	sor.u32 s14, s26  }
0x1a6: {  	v13 =	vld [tilespmem:s28+$0x0]  }
0x1a7: {  	v9 =	vld [tilespmem:s28+$0x4000];
	vm14 =	vge.f32 v10, v2;
	(xrf1) =	vsort.dscd.msk.f32 $0xffff, v1, v5;
	v1, v5, _ =	vpop (xrf1)  }
0x1a8: {  	v3 =	vsel vm14, v14, v3;
	(xrf1) =	vsort.ascd.msk.f32 $0xffff, v4, v8;
	v4, v8, _ =	vpop (xrf1)  }
0x1a9: {  	vm15 =	vge.f32 v4, v1  }
0x1aa: {  	v2 =	vsel vm14, v10, v2;
	v1 =	vsel vm15, v4, v1;
	v4 =	vsel vm15, v8, v5  }
0x1ab: {  	(xrf1) =	vsort.dscd.msk.f32 $0xffff, v2, v3;
	v3, v11, _ =	vpop (xrf1)  }
0x1ac: {  	v7 =	vld [tilespmem:s2+$0x4870];
	(xrf1) =	vsort.ascd.msk.f32 $0xffff, v13, v9;
	v5, v8, _ =	vpop (xrf1)  }
0x1ad: {  	v6 =	vld [tilespmem:s2+$0x870];
	(xrf1) =	vsort.dscd.msk.f32 $0xffff, v1, v4;
	v4, v12, _ =	vpop (xrf1)  }
0x1ae: {  	v2 =	vld [tilespmem:s15+$0x420];
	v14, v15, _ =	vpop (xrf1)  }
0x1af: {  	v9 =	vld [tilespmem:s15+$0x4420];
	vm4 =	vge.f32 v4, v3;
	v17, v18, _ =	vpop (xrf1)  }
0x1b0: {  	v3 =	vsel vm4, v4, v3;
	v4 =	vsel vm4, v12, v11;
	vm5 =	vge.f32 v17, v14  }
0x1b1: {  	v12 =	vsel vm5, v18, v15  }
0x1b2: {  	v59 =	vld [tilespmem:s16+$0x4070];
	(xrf1) =	vsort.ascd.msk.f32 $0xffff, v6, v7;
	v11 =	vsel vm5, v17, v14  }
0x1b3: {  	v10 =	vld [tilespmem:s0+$0x840];
	v6, v7, _ =	vpop (xrf1);
	(xrf1) =	vsort.dscd.msk.f32 $0xffff, v3, v4  }
0x1b4: {  	v1 =	vld [tilespmem:s0+$0x4840];
	(xrf1) =	vsort.ascd.msk.f32 $0xffff, v2, v9;
	v3, v4, _ =	vpop (xrf1)  }
0x1b5: {  	v13 =	vld [tilespmem:s16+$0x70];
	(xrf1) =	vsort.dscd.msk.f32 $0xffff, v11, v12;
	v11, v12, _ =	vpop (xrf1)  }
0x1b6: {  	vm6 =	vge.f32 v11, v5  }
0x1b7: {  	v8 =	vsel vm6, v12, v8  }
0x1b8: {  	v2 =	vld [tilespmem:s29+$0x810];
	v5 =	vsel vm6, v11, v5  }
0x1b9: {  	v9 =	vld [tilespmem:s29+$0x4810];
	(xrf1) =	vsort.ascd.msk.f32 $0xffff, v10, v1;
	v1, v10, _ =	vpop (xrf1)  }
0x1ba: {  	v14 =	vld [tilespmem:s22+$0x460];
	(xrf1) =	vsort.ascd.msk.f32 $0xffff, v13, v59;
	vm7 =	vge.f32 v1, v3  }
0x1bb: {  	v13 =	vld [tilespmem:s22+$0x4460];
	(xrf1) =	vsort.dscd.msk.f32 $0xffff, v5, v8;
	v1 =	vsel vm7, v1, v3;
	v3 =	vsel vm7, v10, v4;
	v5, v8, _ =	vpop (xrf1)  }
0x1bc: {  	v11 =	vld [tilespmem:s21+$0x40];
	v4, v10, _ =	vpop (xrf1)  }
0x1bd: {  	v12 =	vld [tilespmem:s21+$0x4040];
	vm8 =	vge.f32 v4, v6  }
0x1be: {  	(xrf1) =	vsort.dscd.msk.f32 $0xffff, v1, v3;
	v3, v60, _ =	vpop (xrf1);
	v4 =	vsel vm8, v4, v6;
	v6 =	vsel vm8, v10, v7  }
0x1bf: {  	v15 =	vld [tilespmem:s28+$0x10];
	(xrf1) =	vsort.ascd.msk.f32 $0xffff, v2, v9;
	v2, v9, _ =	vpop (xrf1)  }
0x1c0: {  	s1 =	sor.u32 s1, s6;
	v1 =	vld [tilespmem:s28+$0x4010];
	(xrf1) =	vsort.ascd.msk.f32 $0xffff, v14, v13;
	v10, v13, _ =	vpop (xrf1);
	vm9 =	vge.f32 v2, v3  }
0x1c1: {  	s1 =	sor.u32 $0xC00, s1;
	(xrf1) =	vsort.dscd.msk.f32 $0xffff, v4, v6;
	v2 =	vsel vm9, v2, v3;
	v3 =	vsel vm9, v9, v60;
	v6, v9, _ =	vpop (xrf1)  }
0x1c2: {  	v7 =	vld [tilespmem:s1+$0x0];
	(xrf1) =	vsort.ascd.msk.f32 $0xffff, v11, v12;
	vm10 =	vge.f32 v6, v5  }
0x1c3: {  	v4 =	vld [tilespmem:s1+$0x4000];
	(xrf1) =	vsort.dscd.msk.f32 $0xffff, v2, v3;
	v3 =	vsel vm10, v6, v5;
	v5 =	vsel vm10, v9, v8;
	_ =	sdelay $0x1  }
0x1c4: {  	(xrf1) =	vsort.ascd.msk.f32 $0xffff, v15, v1;
	v6, v8, _ =	vpop (xrf1)  }
0x1c5: {  	vm11 =	vle.f32 v10, $-3.000000010e+38;
	(xrf1) =	vsort.dscd.msk.f32 $0xffff, v3, v5;
	v5, v9, _ =	vpop (xrf1)  }
0x1c6: {  	v2 =	vld [tilespmem:s15+$0x430];
	v11 =	vsel vm11, $0x0, v13;
	v12, v13, _ =	vpop (xrf1)  }
0x1c7: {  	v1 =	vld [tilespmem:s15+$0x4430];
	(xrf1) =	vsort.ascd.msk.f32 $0xffff, v7, v4;
	v4, v7, _ =	vpop (xrf1)  }
0x1c8: {  	v14 =	vld [tilespmem:s0+$0x4850];
	v10 =	vsel vm11, $0xFF61B1E6, v10;
	vm12 =	vge.f32 v5, v6;
	vm13 =	vge.f32 v4, v12  }
0x1c9: {  	v3 =	vld [tilespmem:s0+$0x850];
	v5 =	vsel vm12, v5, v6;
	v6 =	vsel vm12, v9, v8;
	v4 =	vsel vm13, v4, v12  }
0x1ca: {  	(xrf1) =	vsort.dscd.msk.f32 $0xffff, v10, v11  }
0x1cb: {  	v9, v11, _ =	vpop (xrf1);
	(xrf1) =	vsort.dscd.msk.f32 $0xffff, v5, v6  }
0x1cc: {  	v61 =	vld [tilespmem:s22+$0x4470];
	v7 =	vsel vm13, v7, v13;
	(xrf1) =	vsort.ascd.msk.f32 $0xffff, v2, v1;
	v6, v15, _ =	vpop (xrf1)  }
0x1cd: {  	v8 =	vld [tilespmem:s16+$0x400];
	(xrf1) =	vsort.dscd.msk.f32 $0xffff, v4, v7;
	v2, v4, _ =	vpop (xrf1)  }
0x1ce: {  	v5 =	vld [tilespmem:s16+$0x4400];
	vm14 =	vge.f32 v2, v9;
	v12, v13, _ =	vpop (xrf1);
	(xrf1) =	vsort.ascd.msk.f32 $0xffff, v3, v14  }
0x1cf: {  	v10 =	vld [tilespmem:s29+$0x820];
	v2 =	vsel vm14, v2, v9;
	v4 =	vsel vm14, v4, v11;
	vm15 =	vge.f32 v12, v6  }
0x1d0: {  	v1 =	vld [tilespmem:s29+$0x4820];
	v9, v11, _ =	vpop (xrf1);
	(xrf1) =	vsort.dscd.msk.f32 $0xffff, v2, v4;
	v4 =	vsel vm15, v12, v6;
	v6 =	vsel vm15, v13, v15  }
0x1d1: {  	v7 =	vld [tilespmem:s22+$0x470];
	_ =	sdelay $0x1  }
0x1d2: {  	(xrf1) =	vsort.ascd.msk.f32 $0xffff, v8, v5;
	v5, v8, _ =	vpop (xrf1)  }
0x1d3: {  	v3 =	vld [tilespmem:s21+$0x50];
	(xrf1) =	vsort.dscd.msk.f32 $0xffff, v4, v6;
	v4, v6, _ =	vpop (xrf1)  }
0x1d4: {  	v2 =	vld [tilespmem:s21+$0x4050];
	(xrf1) =	vsort.ascd.msk.f32 $0xffff, v10, v1;
	v14, v15, _ =	vpop (xrf1)  }
0x1d5: {  	vm4 =	vge.f32 v4, v9;
	(xrf1) =	vsort.ascd.msk.f32 $0xffff, v7, v61;
	v1, v10, _ =	vpop (xrf1)  }
0x1d6: {  	v4 =	vsel vm4, v4, v9;
	v6 =	vsel vm4, v6, v11;
	vm5 =	vge.f32 v1, v14  }
0x1d7: {  	v7, v9, _ =	vpop (xrf1);
	(xrf1) =	vsort.dscd.msk.f32 $0xffff, v4, v6;
	v6 =	vsel vm5, v10, v15  }
0x1d8: {  	v12 =	vld [tilespmem:s28+$0x20]  }
0x1d9: {  	v13 =	vld [tilespmem:s28+$0x4020];
	v1 =	vsel vm5, v1, v14;
	(xrf1) =	vsort.ascd.msk.f32 $0xffff, v3, v2;
	v2, v3, _ =	vpop (xrf1)  }
0x1da: {  	(xrf1) =	vsort.dscd.msk.f32 $0xffff, v1, v6;
	v6, v11, _ =	vpop (xrf1)  }
0x1db: {  	vm6 =	vge.f32 v2, v5;
	v14, v15, _ =	vpop (xrf1)  }
0x1dc: {  	v3 =	vsel vm6, v3, v8;
	vm7 =	vge.f32 v14, v7  }
0x1dd: {  	v8 =	vsel vm7, v15, v9  }
0x1de: {  	v4 =	vld [tilespmem:s0+$0x860];
	v2 =	vsel vm6, v2, v5;
	(xrf1) =	vsort.ascd.msk.f32 $0xffff, v12, v13;
	v7 =	vsel vm7, v14, v7  }
0x1df: {  	v1 =	vld [tilespmem:s15+$0x440];
	(xrf1) =	vsort.dscd.msk.f32 $0xffff, v2, v3;
	v3, v5, _ =	vpop (xrf1)  }
0x1e0: {  	v12 =	vld [tilespmem:s15+$0x4440];
	v9, v13, _ =	vpop (xrf1)  }
0x1e1: {  	v10 =	vld [tilespmem:s0+$0x4860];
	vm8 =	vge.f32 v3, v6;
	(xrf1) =	vsort.dscd.msk.f32 $0xffff, v7, v8;
	v7, v8, _ =	vpop (xrf1)  }
0x1e2: {  	v2 =	vld [tilespmem:s29+$0x830];
	v3 =	vsel vm8, v3, v6;
	v5 =	vsel vm8, v5, v11;
	vm9 =	vge.f32 v7, v9  }
0x1e3: {  	v14 =	vld [tilespmem:s29+$0x4830];
	(xrf1) =	vsort.dscd.msk.f32 $0xffff, v3, v5;
	v5 =	vsel vm9, v7, v9;
	v7 =	vsel vm9, v8, v13;
	_ =	sdelay $0x1  }
0x1e4: {  	v15 =	vld [tilespmem:s22+$0x800];
	(xrf1) =	vsort.ascd.msk.f32 $0xffff, v1, v12;
	v1, v8, _ =	vpop (xrf1)  }
0x1e5: {  	v6 =	vld [tilespmem:s16+$0x410];
	(xrf1) =	vsort.dscd.msk.f32 $0xffff, v5, v7;
	v7, v9, _ =	vpop (xrf1)  }
0x1e6: {  	v3 =	vld [tilespmem:s16+$0x4410];
	(xrf1) =	vsort.ascd.msk.f32 $0xffff, v4, v10;
	v12, v13, _ =	vpop (xrf1)  }
0x1e7: {  	v11 =	vld [tilespmem:s21+$0x60];
	(xrf1) =	vsort.ascd.msk.f32 $0xffff, v2, v14;
	vm10 =	vge.f32 v7, v1;
	v10, v62, _ =	vpop (xrf1)  }
0x1e8: {  	v5 =	vld [tilespmem:s22+$0x4800];
	v1 =	vsel vm10, v7, v1;
	v2 =	vsel vm10, v9, v8;
	vm11 =	vge.f32 v10, v12  }
0x1e9: {  	v4 =	vld [tilespmem:s21+$0x4060];
	(xrf1) =	vsort.dscd.msk.f32 $0xffff, v1, v2;
	v2 =	vsel vm11, v62, v13  }
0x1ea: {  	v7, v8, _ =	vpop (xrf1)  }
0x1eb: {  	v1 =	vsel vm11, v10, v12;
	(xrf1) =	vsort.ascd.msk.f32 $0xffff, v6, v3;
	v6, v9, _ =	vpop (xrf1)  }
0x1ec: {  	v13 =	vld [tilespmem:s15+$0x4450];
	(xrf1) =	vsort.dscd.msk.f32 $0xffff, v1, v2;
	v2, v3, _ =	vpop (xrf1)  }
0x1ed: {  	v1 =	vld [tilespmem:s15+$0x450];
	(xrf1) =	vsort.ascd.msk.f32 $0xffff, v15, v5;
	v10, v12, _ =	vpop (xrf1)  }
0x1ee: {  	(xrf1) =	vsort.ascd.msk.f32 $0xffff, v11, v4;
	vm12 =	vge.f32 v2, v7;
	v5, v14, _ =	vpop (xrf1)  }
0x1ef: {  	v2 =	vsel vm12, v2, v7;
	v3 =	vsel vm12, v3, v8;
	v11, v15, _ =	vpop (xrf1);
	vm13 =	vge.f32 v5, v10  }
0x1f0: {  	(xrf1) =	vsort.dscd.msk.f32 $0xffff, v2, v3;
	v2 =	vsel vm13, v5, v10;
	v3 =	vsel vm13, v14, v12;
	v5, v7, _ =	vpop (xrf1)  }
0x1f1: {  	v63 =	vld [tilespmem:s28+$0x4030];
	(xrf1) =	vsort.dscd.msk.f32 $0xffff, v2, v3;
	vm14 =	vge.f32 v5, v6  }
0x1f2: {  	s12 =	simm.s32 $0x1000;
	s2 =	simm.s32 $0x400;
	v4 =	vld [tilespmem:s28+$0x30];
	(xrf1) =	vsort.ascd.msk.f32 $0xffff, v1, v13;
	v1 =	vsel vm14, v5, v6  }
0x1f3: {  	s11 =	simm.s32 $0x300;
	s10 =	sand.u32 $0x1000, s12;
	s20 =	sand.u32 $0x380, s2;
	v2 =	vsel vm14, v7, v9  }
0x1f4: {  	[dreg:$0x6] =	wrdreg s11;
	s11 =	sor.u32 s20, s10;
	v3 =	vld [tilespmem:s0+$0x870]  }
0x1f5: {  	s31 =	simm.s32 $0x7;
	v10, v14, _ =	vpop (xrf1);
	v6 =	vld [tilespmem:s11+$0x0]  }
0x1f6: {  	s3 =	simm.s32 $0x5;
	s7 =	simm.s32 $0x0;
	s5 =	simm.s32 $0x1;
	v7 =	vld [tilespmem:s11+$0x4000];
	(xrf1) =	vsort.dscd.msk.f32 $0xffff, v1, v2;
	v2, v1, _ =	vpop (xrf1)  }
0x1f7: {  	s9 =	simm.s32 $0x3;
	s8 =	simm.s32 $0x8;
	s6 =	simm.s32 $0x2;
	v5 =	vld [tilespmem:s0+$0x4870];
	vm15 =	vge.f32 v10, v11;
	(xrf1) =	vsort.ascd.msk.f32 $0xffff, v4, v63;
	v9, v8, _ =	vpop (xrf1)  }
0x1f8: {  	s13 =	simm.s32 $0x9;
	s1 =	simm.s32 $0x4;
	s0 =	simm.s32 $0x6;
	v12 =	vsel vm15, v10, v11;
	v13 =	vsel vm15, v14, v15;
	v4 =	vld [tilespmem:s29+$0x840];
	(xrf2) =	vadd.scan.msk.f32 $0xffff, v1;
	v1 =	vimm.f32 $0.0e+00;
	v11, v10, _ =	vpop (xrf1)  }
.LBB2_2:
0x1f9: {  	_ = 	snop  }
0x1fa: {  	(xrf1) =	vsort.dscd.msk.f32 $0xffff, v12, v13;
	v12 =	vld [tilespmem:s16+$0x420];
	vm0 =	vge.f32 v11, v9;
	v13, v14, _ =	vpop (xrf1)  }
0x1fb: {  	v15 =	vsel vm0, v10, v8;
	(xrf1) =	vsort.ascd.msk.f32 $0xffff, v6, v7;
	v6 =	vld [tilespmem:s16+$0x4420];
	v7 =	vsel vm0, v11, v9;
	v9, v10, _ =	vpop (xrf1)  }
0x1fc: {  	v8, v11, _ =	vpop (xrf1)  }
0x1fd: {  	(xrf1) =	vsort.dscd.msk.f32 $0xffff, v7, v15;
	v7 =	vld [tilespmem:s29+$0x4840];
	v16, v17, _ =	vpop (xrf1);
	vm15 =	vge.f32 v8, v13  }
0x1fe: {  	v18 =	vld [tilespmem:s21+$0x4070];
	v19, v20, _ =	vpop (xrf1);
	v21 =	vsel vm15, v8, v13;
	v13 =	vsel vm15, v11, v14;
	(xrf1) =	vsort.ascd.msk.f32 $0xffff, v3, v5  }
0x1ff: {  	v15 =	vld [tilespmem:s21+$0x70];
	vm4 =	vge.f32 v19, v16;
	v3, v5, _ =	vpop (xrf1);
	(xrf1) =	vsort.dscd.msk.f32 $0xffff, v21, v13  }
0x200: {  	v8, v11, _ =	vpop (xrf1);
	v19 =	vsel vm4, v19, v16;
	v45 =	vsel vm4, v20, v17;
	(xrf1) =	vsort.ascd.msk.f32 $0xffff, v12, v6  }
0x201: {  	v46 =	vld [tilespmem:s15+$0x460];
	(xrf1) =	vsort.dscd.msk.f32 $0xffff, v19, v45;
	v13, v14, _ =	vpop (xrf1)  }
0x202: {  	v6 =	vld [tilespmem:s22+$0x810];
	vm5 =	vge.f32 v13, v9;
	(xrf1) =	vsort.ascd.msk.f32 $0xffff, v4, v7;
	v4, _, _ =	vpop (xrf2)  }
0x203: {  	v12 =	vld [tilespmem:s22+$0x4810];
	v7, v47, _ =	vpop (xrf1);
	v9 =	vsel vm5, v13, v9  }
0x204: {  	s14 =	smov.u32 s28;
	(xrf1) =	vsort.ascd.msk.f32 $0xffff, v15, v18;
	v15 =	vld [tilespmem:s15+$0x4460];
	v48 =	vsel vm5, v14, v10;
	vm6 =	vge.f32 v4, $8.000000000e+00;
	vm1 =	vge.f32 v7, v8  }
0x205: {  	v4 =	vld [tilespmem:s14+$0x40];
	v13, v14, _ =	vpop (xrf1);
	(xrf1) =	vsort.dscd.msk.f32 $0xffff, v9, v48;
	v2 =	vnsel vm6, $0xFF61B1E6, v2;
	v7 =	vsel vm1, v7, v8;
	v8 =	vsel vm1, v47, v11  }
0x206: {  	s28 =	smov.u32 s11;
	v9 =	vld [tilespmem:s14+$0x4040];
	(xrf0) =	vmax.scan.msk.f32 $0xffff, v2  }
0x207: {  	s4 =	sor.u32 s4, s30;
	v10, v11, _ =	vpop (xrf1);
	v2 =	vld [tilespmem:s28+$0x10];
	(xrf1) =	vsort.dscd.msk.f32 $0xffff, v7, v8  }
0x208: {  	s4 =	sor.u32 $0xC00, s4;
	v7 =	vld [tilespmem:s28+$0x4010];
	vm7 =	vge.f32 v10, v3;
	v8, v17, _ =	vpop (xrf1);
	(xrf1) =	vsort.ascd.msk.f32 $0xffff, v6, v12  }
0x209: {  	v3 =	vsel vm7, v10, v3;
	v5 =	vsel vm7, v11, v5;
	v10 =	vld [tilespmem:s4+$0x0];
	v6, v12, _ =	vpop (xrf1);
	(xrf1) =	vsort.ascd.msk.f32 $0xffff, v46, v15  }
0x20a: {  	v11, v15, _ =	vpop (xrf1);
	vm8 =	vge.f32 v6, v8;
	(xrf1) =	vsort.dscd.msk.f32 $0xffff, v3, v5;
	v3 =	vld [tilespmem:s4+$0x4000]  }
0x20b: {  	v5 =	vsel vm8, v6, v8;
	v6 =	vsel vm8, v12, v17;
	(xrf1) =	vsort.ascd.msk.f32 $0xffff, v4, v9;
	v4, v8, _ =	vpop (xrf1)  }
0x20c: {  	(xrf1) =	vsort.dscd.msk.f32 $0xffff, v5, v6;
	v5 =	vld [tilespmem:s16+$0x430];
	vm10 =	vge.f32 v4, v13;
	v6 =	vmov s7;
	v9, _, _ =	vpop (xrf0)  }
0x20d: {  	vm9 =	vle.f32 v11, $-3.000000010e+38;
	(xrf1) =	vsort.ascd.msk.f32 $0xffff, v2, v7;
	v2 =	vld [tilespmem:s16+$0x4430];
	v4 =	vsel vm10, v4, v13;
	v49 =	vsel vm10, v8, v14;
	v8, v12, _ =	vpop (xrf1)  }
0x20e: {  	v51 =	vld [tilespmem:s29+$0x4850];
	v11 =	vsel vm9, $0xFF61B1E6, v11;
	(xrf1) =	vsort.dscd.msk.f32 $0xffff, v4, v49;
	v7, v13, _ =	vpop (xrf1)  }
0x20f: {  	v53 =	vld [tilespmem:s15+$0x4470];
	v50 =	vsel vm9, $0x0, v15;
	vm11 =	veq.s32 v6, v0;
	v14, v15, _ =	vpop (xrf1);
	vm12 =	vge.f32 v7, v8;
	(xrf1) =	vsort.ascd.msk.f32 $0xffff, v10, v3  }
0x210: {  	v4 =	vld [tilespmem:s29+$0x850];
	(xrf1) =	vsort.dscd.msk.f32 $0xffff, v11, v50;
	v3, v6, _ =	vpop (xrf1);
	v7 =	vsel vm12, v7, v8;
	v52 =	vsel vm12, v13, v12  }
0x211: {  	v9 =	vbroadcast v9, $0xF;
	v10 =	vld [tilespmem:s21+$0x400];
	vm13 =	vge.f32 v3, v14;
	v11, v12, _ =	vpop (xrf1);
	(xrf1) =	vsort.dscd.msk.f32 $0xffff, v7, v52  }
0x212: {  	v7 =	vld [tilespmem:s21+$0x4400];
	v8, v13, _ =	vpop (xrf1);
	v14 =	vsel vm13, v3, v14;
	v6 =	vsel vm13, v6, v15;
	(xrf1) =	vsort.ascd.msk.f32 $0xffff, v5, v2  }
0x213: {  	v1 =	vsel vm11, v9, v1;
	v9 =	vld [tilespmem:s22+$0x820];
	(xrf1) =	vsort.dscd.msk.f32 $0xffff, v14, v6;
	v3, v5, _ =	vpop (xrf1)  }
0x214: {  	v2 =	vld [tilespmem:s22+$0x4820];
	vm14 =	vge.f32 v3, v11  }
0x215: {  	v6 =	vld [tilespmem:s15+$0x470];
	v14, v15, _ =	vpop (xrf1);
	v3 =	vsel vm14, v3, v11;
	v5 =	vsel vm14, v5, v12;
	(xrf1) =	vsort.ascd.msk.f32 $0xffff, v4, v51  }
0x216: {  	v4 =	vld [tilespmem:s14+$0x50];
	vm15 =	vge.f32 v14, v8;
	v11, v12, _ =	vpop (xrf1);
	(xrf1) =	vsort.dscd.msk.f32 $0xffff, v3, v5  }
0x217: {  	v3 =	vld [tilespmem:s14+$0x4050];
	v54 =	vsel vm15, v14, v8;
	v14 =	vsel vm15, v15, v13;
	(xrf1) =	vsort.ascd.msk.f32 $0xffff, v10, v7;
	v7, v10, _ =	vpop (xrf1)  }
0x218: {  	v13 =	vld [tilespmem:s28+$0x20];
	(xrf1) =	vsort.dscd.msk.f32 $0xffff, v54, v14;
	v5, v8, _ =	vpop (xrf1)  }
0x219: {  	v14 =	vld [tilespmem:s28+$0x4020];
	v15, v55, _ =	vpop (xrf1);
	vm4 =	vge.f32 v5, v11;
	(xrf1) =	vsort.ascd.msk.f32 $0xffff, v9, v2  }
0x21a: {  	v2, v9, _ =	vpop (xrf1);
	(xrf1) =	vsort.ascd.msk.f32 $0xffff, v6, v53;
	v5 =	vsel vm4, v5, v11;
	v6 =	vsel vm4, v8, v12  }
0x21b: {  	v8, v11, _ =	vpop (xrf1);
	vm5 =	vge.f32 v2, v15;
	(xrf1) =	vsort.dscd.msk.f32 $0xffff, v5, v6  }
0x21c: {  	v5 =	vld [tilespmem:s29+$0x860];
	v2 =	vsel vm5, v2, v15;
	v56 =	vsel vm5, v9, v55;
	(xrf1) =	vsort.ascd.msk.f32 $0xffff, v4, v3;
	v3, v4, _ =	vpop (xrf1)  }
0x21d: {  	(xrf1) =	vsort.dscd.msk.f32 $0xffff, v2, v56;
	v2 =	vld [tilespmem:s16+$0x440];
	vm6 =	vge.f32 v3, v7;
	v6, v12, _ =	vpop (xrf1)  }
0x21e: {  	v15, v57, _ =	vpop (xrf1);
	(xrf1) =	vsort.ascd.msk.f32 $0xffff, v13, v14;
	v13 =	vld [tilespmem:s16+$0x4440];
	v3 =	vsel vm6, v3, v7;
	v58 =	vsel vm6, v4, v10  }
0x21f: {  	v9 =	vld [tilespmem:s29+$0x4860];
	vm7 =	vge.f32 v15, v8;
	(xrf1) =	vsort.dscd.msk.f32 $0xffff, v3, v58;
	v4, v7, _ =	vpop (xrf1)  }
0x220: {  	v3 =	vld [tilespmem:s22+$0x830];
	v59 =	vsel vm7, v15, v8;
	v16 =	vsel vm7, v57, v11;
	v11, v14, _ =	vpop (xrf1);
	vm8 =	vge.f32 v4, v6  }
0x221: {  	v15 =	vld [tilespmem:s22+$0x4830];
	(xrf1) =	vsort.dscd.msk.f32 $0xffff, v59, v16;
	v8, v10, _ =	vpop (xrf1);
	v4 =	vsel vm8, v4, v6;
	v6 =	vsel vm8, v7, v12  }
0x222: {  	vm9 =	vge.f32 v8, v11;
	(xrf1) =	vsort.dscd.msk.f32 $0xffff, v4, v6  }
0x223: {  	s30 =	smov.u32 s23;
	s23 =	smov.u32 s18;
	s18 =	rddreg [dreg:$0x3];
	v7 =	vld [tilespmem:s21+$0x410];
	v6 =	vsel vm9, v8, v11;
	v12 =	vsel vm9, v10, v14;
	(xrf1) =	vsort.ascd.msk.f32 $0xffff, v2, v13;
	v2, v10, _ =	vpop (xrf1)  }
0x224: {  	s20 =	smov.u32 s18;
	s18 =	smov.u32 s17;
	s17 =	rddreg [dreg:$0x5];
	v4 =	vld [tilespmem:s21+$0x4410];
	(xrf1) =	vsort.dscd.msk.f32 $0xffff, v6, v12;
	v8, v11, _ =	vpop (xrf1)  }
0x225: {  	v60 =	vld [tilespmem:s15+$0x800];
	s11 =	smov.u32 s17;
	s17 =	rddreg [dreg:$0x6];
	v13, v14, _ =	vpop (xrf1);
	(xrf1) =	vsort.ascd.msk.f32 $0xffff, v5, v9  }
0x226: {  	[dreg:$0x3] =	wrdreg s11;
	s11 =	smov.u32 s17;
	s17 =	smov.u32 s25;
	v6 =	vld [tilespmem:s15+$0x4800];
	vm10 =	vge.f32 v8, v2;
	v9, v61, _ =	vpop (xrf1);
	(xrf1) =	vsort.ascd.msk.f32 $0xffff, v3, v15  }
0x227: {  	[dreg:$0x6] =	wrdreg s17;
	v12 =	vld [tilespmem:s14+$0x60];
	v2 =	vsel vm10, v8, v2;
	v3 =	vsel vm10, v11, v10;
	vm11 =	vge.f32 v9, v13  }
0x228: {  	p0 =	sne.s32 s13, $0xF;
	s12 =	sadd.s32 $0x200, s12;
	s17 =	rddreg [dreg:$0x7];
	v5 =	vld [tilespmem:s14+$0x4060];
	v8, v10, _ =	vpop (xrf1);
	(xrf1) =	vsort.dscd.msk.f32 $0xffff, v2, v3;
	v11 =	vsel vm11, v61, v14  }
0x229: {  	s25 =	smov.u32 s2;
	s4 =	smov.u32 s24;
	s24 =	smov.u32 s17;
	v2 =	vsel vm11, v9, v13;
	(xrf1) =	vsort.ascd.msk.f32 $0xffff, v7, v4;
	v4, v9, _ =	vpop (xrf1)  }
0x22a: {  	s17 =	smov.u32 s18;
	s18 =	smov.u32 s20;
	s20 =	rddreg [dreg:$0x4];
	v14 =	vld [tilespmem:s16+$0x4450];
	v3, v7, _ =	vpop (xrf1)  }
0x22b: {  	s2 =	sadd.s32 $0x80, s2;
	[dreg:$0x7] =	wrdreg s17;
	s17 =	smov.u32 s20;
	(xrf1) =	vsort.dscd.msk.f32 $0xffff, v2, v11;
	v2 =	vld [tilespmem:s16+$0x450];
	vm12 =	vge.f32 v3, v8;
	v11, v13, _ =	vpop (xrf1)  }
0x22c: {  	s20 =	smov.u32 s19;
	s19 =	smov.u32 s26;
	s26 =	smov.u32 s10;
	(xrf1) =	vsort.ascd.msk.f32 $0xffff, v60, v6;
	v3 =	vsel vm12, v3, v8;
	v6, v15, _ =	vpop (xrf1)  }
0x22d: {  	v63 =	vld [tilespmem:s28+$0x4030];
	s10 =	sand.u32 $0x1000, s12;
	[dreg:$0x4] =	wrdreg s20;
	s20 =	sand.u32 $0x380, s2;
	(xrf1) =	vsort.ascd.msk.f32 $0xffff, v12, v5;
	v5 =	vsel vm12, v7, v10;
	v12, v62, _ =	vpop (xrf1);
	vm13 =	vge.f32 v6, v11  }
0x22e: {  	[dreg:$0x5] =	wrdreg s11;
	s7 =	smov.u32 s5;
	s11 =	sor.u32 s20, s10;
	v10 =	vld [tilespmem:s28+$0x30];
	(xrf1) =	vsort.dscd.msk.f32 $0xffff, v3, v5;
	v3 =	vsel vm13, v6, v11;
	v5 =	vsel vm13, v15, v13;
	v8, v11, _ =	vpop (xrf1)  }
.Ltmp0:
0x22f: {  	s5 =	smov.u32 s6;
	s6 =	smov.u32 s9;
	v7 =	vld [tilespmem:s11+$0x4000];
	(xrf1) =	vsort.dscd.msk.f32 $0xffff, v3, v5;
	vm14 =	vge.f32 v8, v4;
	(pc) =	sbr.rel @p0 .LBB2_2-.Ltmp0, $4  }
0x230: {  	s9 =	smov.u32 s1;
	s1 =	smov.u32 s3;
	s3 =	smov.u32 s0;
	v6 =	vld [tilespmem:s11+$0x0];
	v13, v15, _ =	vpop (xrf1);
	(xrf1) =	vsort.ascd.msk.f32 $0xffff, v2, v14;
	v5 =	vsel vm14, v8, v4;
	v3 =	vsel vm14, v11, v9  }
0x231: {  	s0 =	smov.u32 s31;
	s31 =	smov.u32 s8;
	s8 =	smov.u32 s13;
	v2, v4, _ =	vpop (xrf1);
	(xrf1) =	vsort.dscd.msk.f32 $0xffff, v5, v3;
	v3 =	vld [tilespmem:s29+$0x870]  }
0x232: {  	s13 =	sadd.s32 $0x1, s13;
	vm15 =	vge.f32 v13, v12;
	v9, v8, _ =	vpop (xrf1);
	v5 =	vld [tilespmem:s29+$0x4870];
	(xrf2) =	vadd.scan.msk.f32 $0xffff, v4;
	s29 =	smov.u32 s22;
	s22 =	smov.u32 s15  }
0x233: {  	s15 =	smov.u32 s16;
	v12 =	vsel vm15, v13, v12;
	v13 =	vsel vm15, v15, v62;
	s16 =	smov.u32 s21;
	s21 =	smov.u32 s14;
	(xrf1) =	vsort.ascd.msk.f32 $0xffff, v10, v63;
	v11, v10, _ =	vpop (xrf1);
	v4 =	vld [tilespmem:s29+$0x840]  }
0x234: {  	vm0 =	vge.f32 v11, v9  }
0x235: {  	v8 =	vsel vm0, v10, v8  }
0x236: {  	(xrf1) =	vsort.dscd.msk.f32 $0xffff, v12, v13;
	v13, v14, _ =	vpop (xrf1)  }
0x237: {  	(xrf1) =	vsort.ascd.msk.f32 $0xffff, v6, v7;
	v7 =	vsel vm0, v11, v9;
	v9, v10, _ =	vpop (xrf1)  }
0x238: {  	(xrf1) =	vsort.dscd.msk.f32 $0xffff, v7, v8;
	v8, v11, _ =	vpop (xrf1)  }
0x239: {  	v12 =	vld [tilespmem:s16+$0x420];
	v16, v17, _ =	vpop (xrf1)  }
0x23a: {  	v6 =	vld [tilespmem:s16+$0x4420];
	vm15 =	vge.f32 v8, v13;
	v19, v20, _ =	vpop (xrf1)  }
0x23b: {  	v11 =	vsel vm15, v11, v14;
	vm4 =	vge.f32 v19, v16  }
0x23c: {  	v8 =	vsel vm15, v8, v13;
	v14 =	vsel vm4, v20, v17  }
0x23d: {  	v15 =	vld [tilespmem:s21+$0x70];
	(xrf1) =	vsort.ascd.msk.f32 $0xffff, v3, v5;
	v13 =	vsel vm4, v19, v16  }
0x23e: {  	v7 =	vld [tilespmem:s29+$0x4840];
	v3, v5, _ =	vpop (xrf1);
	(xrf1) =	vsort.dscd.msk.f32 $0xffff, v8, v11  }
0x23f: {  	v18 =	vld [tilespmem:s21+$0x4070];
	v8, v11, _ =	vpop (xrf1);
	(xrf1) =	vsort.ascd.msk.f32 $0xffff, v12, v6  }
0x240: {  	(xrf1) =	vsort.dscd.msk.f32 $0xffff, v13, v14;
	v13, v14, _ =	vpop (xrf1)  }
0x241: {  	v38 =	vld [tilespmem:s15+$0x460];
	vm5 =	vge.f32 v13, v9  }
0x242: {  	v6 =	vld [tilespmem:s22+$0x810];
	v10 =	vsel vm5, v14, v10  }
0x243: {  	v12 =	vld [tilespmem:s22+$0x4810];
	(xrf1) =	vsort.ascd.msk.f32 $0xffff, v4, v7;
	v4, v7, _ =	vpop (xrf1);
	v9 =	vsel vm5, v13, v9  }
0x244: {  	(xrf1) =	vsort.ascd.msk.f32 $0xffff, v15, v18;
	v15 =	vld [tilespmem:s15+$0x4460];
	vm6 =	vge.f32 v4, v8  }
0x245: {  	v7 =	vsel vm6, v7, v11  }
0x246: {  	v13 =	vld [tilespmem:s28+$0x40];
	(xrf1) =	vsort.dscd.msk.f32 $0xffff, v9, v10;
	v4 =	vsel vm6, v4, v8;
	v9, v10, _ =	vpop (xrf1)  }
0x247: {  	v14 =	vld [tilespmem:s28+$0x4040];
	(xrf1) =	vsort.dscd.msk.f32 $0xffff, v4, v7;
	v8, v11, _ =	vpop (xrf1)  }
0x248: {  	(xrf1) =	vsort.ascd.msk.f32 $0xffff, v6, v12;
	v7, v40, _ =	vpop (xrf1)  }
0x249: {  	v39 =	vld [tilespmem:s11+$0x10];
	vm7 =	vge.f32 v8, v3;
	(xrf1) =	vsort.ascd.msk.f32 $0xffff, v38, v15;
	v6, v12, _ =	vpop (xrf1)  }
0x24a: {  	s4 =	sor.u32 s4, s30;
	v4 =	vld [tilespmem:s11+$0x4010];
	v3 =	vsel vm7, v8, v3;
	v5 =	vsel vm7, v11, v5;
	v15, v16, _ =	vpop (xrf1);
	vm8 =	vge.f32 v6, v7  }
0x24b: {  	s4 =	sor.u32 $0xC00, s4;
	(xrf1) =	vsort.dscd.msk.f32 $0xffff, v3, v5;
	v3 =	vsel vm8, v6, v7;
	v6, v7, _ =	vpop (xrf1)  }
0x24c: {  	v8 =	vld [tilespmem:s4+$0x0];
	v5 =	vsel vm8, v12, v40;
	(xrf1) =	vsort.ascd.msk.f32 $0xffff, v13, v14;
	vm9 =	vge.f32 v6, v9  }
0x24d: {  	v11 =	vld [tilespmem:s4+$0x4000];
	(xrf1) =	vsort.dscd.msk.f32 $0xffff, v3, v5;
	v5 =	vsel vm9, v6, v9;
	v6 =	vsel vm9, v7, v10;
	_ =	sdelay $0x1  }
0x24e: {  	(xrf1) =	vsort.ascd.msk.f32 $0xffff, v39, v4;
	v7, v9, _ =	vpop (xrf1)  }
0x24f: {  	vm10 =	vle.f32 v15, $-3.000000010e+38;
	(xrf1) =	vsort.dscd.msk.f32 $0xffff, v5, v6;
	v6, v10, _ =	vpop (xrf1)  }
0x250: {  	v3 =	vld [tilespmem:s16+$0x430];
	v12 =	vsel vm10, $0xFF61B1E6, v15;
	v14, v15, _ =	vpop (xrf1)  }
0x251: {  	v13 =	vsel vm10, $0x0, v16;
	v4 =	vld [tilespmem:s16+$0x4430];
	(xrf1) =	vsort.ascd.msk.f32 $0xffff, v8, v11;
	v8, v11, _ =	vpop (xrf1)  }
0x252: {  	v41 =	vld [tilespmem:s29+$0x4850];
	vm11 =	vge.f32 v6, v7;
	vm12 =	vge.f32 v8, v14  }
0x253: {  	v5 =	vld [tilespmem:s29+$0x850];
	v6 =	vsel vm11, v6, v7;
	v7 =	vsel vm11, v10, v9;
	v8 =	vsel vm12, v8, v14  }
0x254: {  	(xrf1) =	vsort.dscd.msk.f32 $0xffff, v12, v13  }
0x255: {  	v10, v13, _ =	vpop (xrf1);
	(xrf1) =	vsort.dscd.msk.f32 $0xffff, v6, v7  }
0x256: {  	v43 =	vld [tilespmem:s15+$0x4470];
	v11 =	vsel vm12, v11, v15;
	(xrf1) =	vsort.ascd.msk.f32 $0xffff, v3, v4;
	v7, v42, _ =	vpop (xrf1)  }
0x257: {  	v9 =	vld [tilespmem:s21+$0x400];
	(xrf1) =	vsort.dscd.msk.f32 $0xffff, v8, v11;
	v4, v8, _ =	vpop (xrf1)  }
0x258: {  	v6 =	vld [tilespmem:s21+$0x4400];
	vm13 =	vge.f32 v4, v10;
	v14, v15, _ =	vpop (xrf1);
	(xrf1) =	vsort.ascd.msk.f32 $0xffff, v5, v41  }
0x259: {  	v12 =	vld [tilespmem:s22+$0x820];
	v4 =	vsel vm13, v4, v10;
	v8 =	vsel vm13, v8, v13;
	vm14 =	vge.f32 v14, v7  }
0x25a: {  	v3 =	vld [tilespmem:s22+$0x4820];
	v10, v13, _ =	vpop (xrf1);
	(xrf1) =	vsort.dscd.msk.f32 $0xffff, v4, v8;
	v8 =	vsel vm14, v15, v42  }
0x25b: {  	v11 =	vld [tilespmem:s15+$0x470];
	v7 =	vsel vm14, v14, v7;
	_ =	sdelay $0x1  }
0x25c: {  	(xrf1) =	vsort.ascd.msk.f32 $0xffff, v9, v6;
	v6, v9, _ =	vpop (xrf1)  }
0x25d: {  	v5 =	vld [tilespmem:s28+$0x50];
	(xrf1) =	vsort.dscd.msk.f32 $0xffff, v7, v8;
	v7, v8, _ =	vpop (xrf1)  }
0x25e: {  	v4 =	vld [tilespmem:s28+$0x4050];
	v44, v45, _ =	vpop (xrf1);
	(xrf1) =	vsort.ascd.msk.f32 $0xffff, v12, v3  }
0x25f: {  	vm15 =	vge.f32 v7, v10;
	v3, v12, _ =	vpop (xrf1);
	(xrf1) =	vsort.ascd.msk.f32 $0xffff, v11, v43  }
0x260: {  	v7 =	vsel vm15, v7, v10;
	v8 =	vsel vm15, v8, v13;
	vm4 =	vge.f32 v3, v44  }
0x261: {  	v10, v11, _ =	vpop (xrf1);
	(xrf1) =	vsort.dscd.msk.f32 $0xffff, v7, v8;
	v8 =	vsel vm4, v12, v45  }
0x262: {  	v14 =	vld [tilespmem:s11+$0x20]  }
0x263: {  	v15 =	vld [tilespmem:s11+$0x4020];
	v3 =	vsel vm4, v3, v44;
	(xrf1) =	vsort.ascd.msk.f32 $0xffff, v5, v4;
	v4, v5, _ =	vpop (xrf1)  }
0x264: {  	(xrf1) =	vsort.dscd.msk.f32 $0xffff, v3, v8;
	v8, v13, _ =	vpop (xrf1)  }
0x265: {  	vm5 =	vge.f32 v4, v6;
	v46, v47, _ =	vpop (xrf1)  }
0x266: {  	v5 =	vsel vm5, v5, v9;
	vm6 =	vge.f32 v46, v10  }
0x267: {  	v9 =	vsel vm6, v46, v10;
	v10 =	vsel vm6, v47, v11  }
0x268: {  	v48 =	vld [tilespmem:s22+$0x4830];
	v4 =	vsel vm5, v4, v6;
	(xrf1) =	vsort.ascd.msk.f32 $0xffff, v14, v15  }
0x269: {  	v3 =	vld [tilespmem:s16+$0x440];
	(xrf1) =	vsort.dscd.msk.f32 $0xffff, v4, v5;
	v5, v6, _ =	vpop (xrf1)  }
0x26a: {  	v14 =	vld [tilespmem:s16+$0x4440];
	v11, v15, _ =	vpop (xrf1)  }
0x26b: {  	v7 =	vld [tilespmem:s29+$0x860];
	vm7 =	vge.f32 v5, v8;
	(xrf1) =	vsort.dscd.msk.f32 $0xffff, v9, v10;
	v9, v10, _ =	vpop (xrf1)  }
0x26c: {  	v12 =	vld [tilespmem:s29+$0x4860];
	v5 =	vsel vm7, v5, v8;
	v6 =	vsel vm7, v6, v13;
	vm8 =	vge.f32 v9, v11  }
0x26d: {  	v4 =	vld [tilespmem:s22+$0x830];
	(xrf1) =	vsort.dscd.msk.f32 $0xffff, v5, v6;
	v6 =	vsel vm8, v9, v11;
	v9 =	vsel vm8, v10, v15;
	_ =	sdelay $0x1  }
0x26e: {  	(xrf1) =	vsort.ascd.msk.f32 $0xffff, v3, v14;
	v3, v10, _ =	vpop (xrf1)  }
0x26f: {  	v49 =	vld [tilespmem:s15+$0x800];
	(xrf1) =	vsort.dscd.msk.f32 $0xffff, v6, v9;
	v9, v11, _ =	vpop (xrf1)  }
0x270: {  	v8 =	vld [tilespmem:s21+$0x410];
	(xrf1) =	vsort.ascd.msk.f32 $0xffff, v7, v12;
	v14, v15, _ =	vpop (xrf1)  }
0x271: {  	v5 =	vld [tilespmem:s21+$0x4410];
	vm9 =	vge.f32 v9, v3;
	(xrf1) =	vsort.ascd.msk.f32 $0xffff, v4, v48;
	v12, v50, _ =	vpop (xrf1)  }
0x272: {  	v13 =	vld [tilespmem:s28+$0x60];
	v3 =	vsel vm9, v9, v3;
	v4 =	vsel vm9, v11, v10;
	vm10 =	vge.f32 v12, v14  }
0x273: {  	v6 =	vld [tilespmem:s15+$0x4800];
	v9, v10, _ =	vpop (xrf1);
	(xrf1) =	vsort.dscd.msk.f32 $0xffff, v3, v4;
	v4 =	vsel vm10, v50, v15  }
0x274: {  	v7 =	vld [tilespmem:s28+$0x4060];
	v3 =	vsel vm10, v12, v14;
	_ =	sdelay $0x1  }
0x275: {  	(xrf1) =	vsort.ascd.msk.f32 $0xffff, v8, v5;
	v5, v8, _ =	vpop (xrf1)  }
0x276: {  	v11 =	vld [tilespmem:s16+$0x450];
	(xrf1) =	vsort.dscd.msk.f32 $0xffff, v3, v4;
	v3, v4, _ =	vpop (xrf1)  }
0x277: {  	v12, v14, _ =	vpop (xrf1);
	(xrf1) =	vsort.ascd.msk.f32 $0xffff, v49, v6;
	v6 =	vld [tilespmem:s16+$0x4450]  }
0x278: {  	vm11 =	vge.f32 v3, v9;
	v15, v51, _ =	vpop (xrf1);
	(xrf1) =	vsort.ascd.msk.f32 $0xffff, v13, v7  }
0x279: {  	v3 =	vsel vm11, v3, v9;
	v4 =	vsel vm11, v4, v10;
	vm12 =	vge.f32 v15, v12;
	v9, v10, _ =	vpop (xrf1)  }
0x27a: {  	(xrf1) =	vsort.dscd.msk.f32 $0xffff, v3, v4;
	v3 =	vsel vm12, v15, v12;
	v4 =	vsel vm12, v51, v14;
	v12, v14, _ =	vpop (xrf1)  }
0x27b: {  	v7 =	vld [tilespmem:s11+$0x30];
	(xrf1) =	vsort.dscd.msk.f32 $0xffff, v3, v4;
	vm13 =	vge.f32 v12, v5  }
0x27c: {  	v13 =	vld [tilespmem:s11+$0x4030];
	v15, v52, _ =	vpop (xrf1);
	(xrf1) =	vsort.ascd.msk.f32 $0xffff, v11, v6;
	v6 =	vsel vm13, v14, v8  }
0x27d: {  	v5 =	vsel vm13, v12, v5;
	_ =	sdelay $0x1  }
0x27e: {  	vm14 =	vge.f32 v15, v9;
	v3, v4, _ =	vpop (xrf1)  }
0x27f: {  	v10 =	vsel vm14, v52, v10;
	(xrf1) =	vsort.dscd.msk.f32 $0xffff, v5, v6;
	v5, v6, _ =	vpop (xrf1)  }
0x280: {  	(xrf1) =	vsort.ascd.msk.f32 $0xffff, v7, v13;
	v7, v12, _ =	vpop (xrf1)  }
0x281: {  	v9 =	vsel vm14, v15, v9;
	vm15 =	vge.f32 v7, v5  }
0x282: {  	v8 =	vld [tilespmem:s29+$0x870];
	(xrf1) =	vsort.dscd.msk.f32 $0xffff, v9, v10;
	v10, v14, _ =	vpop (xrf1);
	v6 =	vsel vm15, v12, v6  }
0x283: {  	v11 =	vld [tilespmem:s29+$0x4870];
	v54, v53, _ =	vpop (xrf1)  }
0x284: {  	v15 =	vld [tilespmem:s21+$0x4420];
	v5 =	vsel vm15, v7, v5;
	v12, v55, _ =	vpop (xrf1)  }
0x285: {  	v9 =	vld [tilespmem:s21+$0x420];
	(xrf1) =	vsort.dscd.msk.f32 $0xffff, v5, v6;
	vm4 =	vge.f32 v12, v10;
	v6, v56, _ =	vpop (xrf1)  }
0x286: {  	v10 =	vsel vm4, v12, v10;
	v12 =	vsel vm4, v55, v14;
	v21, v22, _ =	vpop (xrf1)  }
0x287: {  	v57 =	vld [tilespmem:s28+$0x4070];
	vm5 =	vge.f32 v21, v6  }
0x288: {  	v13 =	vld [tilespmem:s22+$0x840];
	(xrf1) =	vsort.ascd.msk.f32 $0xffff, v8, v11;
	v14 =	vsel vm5, v22, v56  }
0x289: {  	v7 =	vld [tilespmem:s22+$0x4840];
	v8, v11, _ =	vpop (xrf1);
	(xrf1) =	vsort.dscd.msk.f32 $0xffff, v10, v12  }
0x28a: {  	v5 =	vld [tilespmem:s28+$0x70];
	v6 =	vsel vm5, v21, v6;
	v10, v12, _ =	vpop (xrf1);
	(xrf1) =	vsort.ascd.msk.f32 $0xffff, v9, v15  }
0x28b: {  	(xrf1) =	vsort.dscd.msk.f32 $0xffff, v6, v14;
	v14, v15, _ =	vpop (xrf1)  }
0x28c: {  	v58 =	vld [tilespmem:s16+$0x460];
	vm6 =	vge.f32 v14, v54  }
0x28d: {  	v9 =	vld [tilespmem:s15+$0x810];
	v15 =	vsel vm6, v15, v53  }
0x28e: {  	v6 =	vld [tilespmem:s15+$0x4810];
	(xrf1) =	vsort.ascd.msk.f32 $0xffff, v13, v7;
	v7, v13, _ =	vpop (xrf1);
	v14 =	vsel vm6, v14, v54  }
0x28f: {  	(xrf1) =	vsort.ascd.msk.f32 $0xffff, v5, v57;
	v5 =	vld [tilespmem:s16+$0x4460];
	vm7 =	vge.f32 v7, v10  }
0x290: {  	v7 =	vsel vm7, v7, v10;
	v10 =	vsel vm7, v13, v12  }
0x291: {  	(xrf1) =	vsort.dscd.msk.f32 $0xffff, v14, v15;
	v14, v15, _ =	vpop (xrf1)  }
0x292: {  	(xrf1) =	vsort.dscd.msk.f32 $0xffff, v7, v10;
	v12, v13, _ =	vpop (xrf1)  }
0x293: {  	v59 =	vld [tilespmem:s11+$0x40];
	(xrf1) =	vsort.ascd.msk.f32 $0xffff, v9, v6;
	vm8 =	vge.f32 v12, v8  }
0x294: {  	v60 =	vld [tilespmem:s11+$0x4040];
	(xrf1) =	vsort.ascd.msk.f32 $0xffff, v58, v5;
	v7, v10, _ =	vpop (xrf1);
	v5 =	vsel vm8, v12, v8;
	v8 =	vsel vm8, v13, v11  }
0x295: {  	v6, v9, _ =	vpop (xrf1)  }
0x296: {  	s14 =	sor.u32 s24, s23;
	vm9 =	vge.f32 v6, v7  }
0x297: {  	s4 =	sor.u32 $0xC00, s14;
	(xrf1) =	vsort.dscd.msk.f32 $0xffff, v5, v8;
	v6 =	vsel vm9, v6, v7;
	v7 =	vsel vm9, v9, v10;
	v8, v9, _ =	vpop (xrf1)  }
0x298: {  	v11 =	vld [tilespmem:s4+$0x0];
	vm10 =	vge.f32 v8, v14  }
0x299: {  	v5 =	vld [tilespmem:s4+$0x4000];
	(xrf1) =	vsort.ascd.msk.f32 $0xffff, v59, v60;
	v9 =	vsel vm10, v9, v15  }
0x29a: {  	(xrf1) =	vsort.dscd.msk.f32 $0xffff, v6, v7;
	v6 =	vld [tilespmem:s21+$0x430];
	v10, v12, _ =	vpop (xrf1);
	v8 =	vsel vm10, v8, v14  }
0x29b: {  	v7 =	vld [tilespmem:s21+$0x4430];
	v14, v15, _ =	vpop (xrf1)  }
0x29c: {  	v61 =	vld [tilespmem:s22+$0x4850];
	vm11 =	vge.f32 v14, v10  }
0x29d: {  	v13 =	vld [tilespmem:s22+$0x850];
	(xrf1) =	vsort.dscd.msk.f32 $0xffff, v8, v9;
	v12 =	vsel vm11, v15, v12;
	v8, v9, _ =	vpop (xrf1)  }
0x29e: {  	v10 =	vsel vm11, v14, v10;
	(xrf1) =	vsort.ascd.msk.f32 $0xffff, v11, v5;
	v5, v11, _ =	vpop (xrf1)  }
0x29f: {  	(xrf1) =	vsort.dscd.msk.f32 $0xffff, v10, v12;
	vm12 =	vge.f32 v5, v8;
	v15, v63, _ =	vpop (xrf1)  }
0x2a0: {  	v62 =	vld [tilespmem:s15+$0x820];
	(xrf1) =	vsort.ascd.msk.f32 $0xffff, v6, v7;
	v12, v24, _ =	vpop (xrf1);
	v5 =	vsel vm12, v5, v8;
	v8 =	vsel vm12, v11, v9  }
0x2a1: {  	v14 =	vld [tilespmem:s28+$0x400];
	(xrf1) =	vsort.dscd.msk.f32 $0xffff, v5, v8;
	v6, v7, _ =	vpop (xrf1)  }
0x2a2: {  	v10 =	vld [tilespmem:s28+$0x4400];
	vm13 =	vge.f32 v6, v15;
	v9, v11, _ =	vpop (xrf1);
	(xrf1) =	vsort.ascd.msk.f32 $0xffff, v13, v61  }
0x2a3: {  	v25 =	vld [tilespmem:s16+$0x4470];
	v6 =	vsel vm13, v6, v15;
	v7 =	vsel vm13, v7, v63;
	vm14 =	vge.f32 v9, v12  }
0x2a4: {  	v5 =	vld [tilespmem:s15+$0x4820];
	(xrf1) =	vsort.dscd.msk.f32 $0xffff, v6, v7;
	v7 =	vsel vm14, v9, v12;
	v9 =	vsel vm14, v11, v24  }
0x2a5: {  	v8 =	vld [tilespmem:s16+$0x470]  }
0x2a6: {  	v15, v26, _ =	vpop (xrf1)  }
0x2a7: {  	(xrf1) =	vsort.ascd.msk.f32 $0xffff, v14, v10;
	v10, v11, _ =	vpop (xrf1)  }
0x2a8: {  	v13 =	vld [tilespmem:s11+$0x50];
	(xrf1) =	vsort.dscd.msk.f32 $0xffff, v7, v9;
	v7, v9, _ =	vpop (xrf1)  }
0x2a9: {  	v6 =	vld [tilespmem:s11+$0x4050];
	(xrf1) =	vsort.ascd.msk.f32 $0xffff, v62, v5;
	v12, v14, _ =	vpop (xrf1)  }
0x2aa: {  	(xrf1) =	vsort.ascd.msk.f32 $0xffff, v8, v25;
	vm15 =	vge.f32 v7, v15;
	v5, v17, _ =	vpop (xrf1)  }
0x2ab: {  	v7 =	vsel vm15, v7, v15;
	v8 =	vsel vm15, v9, v26;
	vm4 =	vge.f32 v5, v12  }
0x2ac: {  	(xrf1) =	vsort.dscd.msk.f32 $0xffff, v7, v8;
	v5 =	vsel vm4, v5, v12;
	v8 =	vsel vm4, v17, v14;
	v9, v12, _ =	vpop (xrf1)  }
0x2ad: {  	vm5 =	vge.f32 v9, v10  }
0x2ae: {  	(xrf1) =	vsort.ascd.msk.f32 $0xffff, v13, v6;
	v9 =	vsel vm5, v9, v10;
	v10 =	vsel vm5, v12, v11  }
0x2af: {  	v29 =	vld [tilespmem:s15+$0x4830];
	(xrf1) =	vsort.dscd.msk.f32 $0xffff, v5, v8;
	v8, v13, _ =	vpop (xrf1)  }
0x2b0: {  	v14 =	vld [tilespmem:s21+$0x4440];
	v27, v28, _ =	vpop (xrf1)  }
0x2b1: {  	v5 =	vld [tilespmem:s21+$0x440];
	v11, v12, _ =	vpop (xrf1)  }
0x2b2: {  	v7 =	vld [tilespmem:s22+$0x860];
	(xrf1) =	vsort.dscd.msk.f32 $0xffff, v9, v10;
	v9, v10, _ =	vpop (xrf1)  }
0x2b3: {  	v6 =	vld [tilespmem:s22+$0x4860];
	vm6 =	vge.f32 v27, v8;
	vm7 =	vge.f32 v9, v11  }
0x2b4: {  	v15 =	vld [tilespmem:s15+$0x830];
	v8 =	vsel vm6, v27, v8;
	v13 =	vsel vm6, v28, v13;
	v10 =	vsel vm7, v10, v12  }
0x2b5: {  	(xrf1) =	vsort.dscd.msk.f32 $0xffff, v8, v13  }
0x2b6: {  	v9 =	vsel vm7, v9, v11;
	(xrf1) =	vsort.ascd.msk.f32 $0xffff, v5, v14;
	v5, v11, _ =	vpop (xrf1)  }
0x2b7: {  	(xrf1) =	vsort.dscd.msk.f32 $0xffff, v9, v10;
	v10, v12, _ =	vpop (xrf1)  }
0x2b8: {  	v31 =	vld [tilespmem:s28+$0x410];
	(xrf1) =	vsort.ascd.msk.f32 $0xffff, v7, v6;
	v14, v32, _ =	vpop (xrf1)  }
0x2b9: {  	v8 =	vld [tilespmem:s28+$0x4410];
	(xrf1) =	vsort.ascd.msk.f32 $0xffff, v15, v29;
	vm8 =	vge.f32 v10, v5;
	v7, v33, _ =	vpop (xrf1)  }
0x2ba: {  	v30 =	vld [tilespmem:s16+$0x800];
	v5 =	vsel vm8, v10, v5;
	v10 =	vsel vm8, v12, v11;
	vm9 =	vge.f32 v7, v14  }
0x2bb: {  	v13 =	vld [tilespmem:s11+$0x60];
	(xrf1) =	vsort.dscd.msk.f32 $0xffff, v5, v10;
	v5 =	vsel vm9, v7, v14;
	v7 =	vsel vm9, v33, v32  }
0x2bc: {  	v9 =	vld [tilespmem:s16+$0x4800]  }
0x2bd: {  	v6 =	vld [tilespmem:s11+$0x4060];
	v11, v12, _ =	vpop (xrf1)  }
0x2be: {  	(xrf1) =	vsort.ascd.msk.f32 $0xffff, v31, v8;
	v8, v10, _ =	vpop (xrf1)  }
0x2bf: {  	(xrf1) =	vsort.dscd.msk.f32 $0xffff, v5, v7;
	v5, v7, _ =	vpop (xrf1)  }
0x2c0: {  	v14, v15, _ =	vpop (xrf1)  }
0x2c1: {  	(xrf1) =	vsort.ascd.msk.f32 $0xffff, v30, v9;
	v9, v34, _ =	vpop (xrf1)  }
0x2c2: {  	(xrf1) =	vsort.ascd.msk.f32 $0xffff, v13, v6;
	vm10 =	vge.f32 v5, v11;
	vm11 =	vge.f32 v9, v14  }
0x2c3: {  	v5 =	vsel vm10, v5, v11;
	v6 =	vsel vm10, v7, v12;
	v7 =	vsel vm11, v34, v15  }
0x2c4: {  	(xrf1) =	vsort.dscd.msk.f32 $0xffff, v5, v6;
	v6 =	vsel vm11, v9, v14  }
0x2c5: {  	v5 =	vld [tilespmem:s21+$0x450]  }
0x2c6: {  	v9 =	vld [tilespmem:s21+$0x4450]  }
0x2c7: {  	(xrf1) =	vsort.dscd.msk.f32 $0xffff, v6, v7;
	v6, v7, _ =	vpop (xrf1)  }
0x2c8: {  	v12, v13, _ =	vpop (xrf1)  }
0x2c9: {  	vm12 =	vge.f32 v6, v8;
	v15, v16, _ =	vpop (xrf1)  }
0x2ca: {  	(xrf2) =	vadd.scan.msk.f32 $0xffff, v4;
	v4 =	vsel vm12, v6, v8;
	v36, v35, _ =	vpop (xrf1)  }
0x2cb: {  	v6 =	vsel vm12, v7, v10;
	(xrf1) =	vsort.ascd.msk.f32 $0xffff, v5, v9;
	vm13 =	vge.f32 v36, v15  }
0x2cc: {  	v37 =	vld [tilespmem:s15+$0x840];
	v9, v38, _ =	vpop (xrf1);
	(xrf1) =	vsort.dscd.msk.f32 $0xffff, v4, v6;
	v6 =	vsel vm13, v35, v16  }
0x2cd: {  	v11 =	vld [tilespmem:s22+$0x870];
	v8, v10, _ =	vpop (xrf1)  }
0x2ce: {  	v14 =	vld [tilespmem:s22+$0x4870];
	v4 =	vsel vm13, v36, v15;
	v40, v39, _ =	vpop (xrf1)  }
0x2cf: {  	v7 =	vld [tilespmem:s28+$0x4420];
	(xrf1) =	vsort.dscd.msk.f32 $0xffff, v4, v6;
	v6, v18, _ =	vpop (xrf1)  }
0x2d0: {  	v5 =	vld [tilespmem:s28+$0x420];
	vm14 =	vge.f32 v40, v9;
	v43, v42, _ =	vpop (xrf1)  }
0x2d1: {  	v41 =	vld [tilespmem:s11+$0x4070];
	v17 =	vsel vm14, v39, v38;
	vm15 =	vge.f32 v43, v6  }
0x2d2: {  	v15 =	vld [tilespmem:s15+$0x4840];
	v9 =	vsel vm14, v40, v9;
	v6 =	vsel vm15, v43, v6  }
0x2d3: {  	v4 =	vld [tilespmem:s11+$0x70];
	(xrf1) =	vsort.ascd.msk.f32 $0xffff, v11, v14  }
0x2d4: {  	(xrf1) =	vsort.dscd.msk.f32 $0xffff, v9, v17;
	v11, v14, _ =	vpop (xrf1)  }
0x2d5: {  	(xrf1) =	vsort.ascd.msk.f32 $0xffff, v5, v7;
	v44 =	vsel vm15, v42, v18;
	v9, v17, _ =	vpop (xrf1)  }
0x2d6: {  	(xrf1) =	vsort.dscd.msk.f32 $0xffff, v6, v44;
	v5, v6, _ =	vpop (xrf1)  }
0x2d7: {  	(xrf1) =	vsort.ascd.msk.f32 $0xffff, v37, v15;
	vm4 =	vge.f32 v5, v8  }
0x2d8: {  	(xrf1) =	vsort.ascd.msk.f32 $0xffff, v4, v41;
	v4 =	vsel vm4, v5, v8;
	_ =	sdelay $0x1  }
0x2d9: {  	v15, v45, _ =	vpop (xrf1);
	v5 =	vsel vm4, v6, v10  }
0x2da: {  	v7 =	vld [tilespmem:s16+$0x810];
	(xrf1) =	vsort.dscd.msk.f32 $0xffff, v4, v5;
	v4, _, _ =	vpop (xrf2)  }
0x2db: {  	v6 =	vld [tilespmem:s16+$0x4810];
	vm6 =	vge.f32 v4, $8.000000000e+00;
	v4, _, _ =	vpop (xrf2)  }
0x2dc: {  	vm5 =	vge.f32 v15, v9;
	v10 =	vld [tilespmem:s21+$0x4460];
	v2 =	vnsel vm6, $0xFF61B1E6, v2;
	vm7 =	vge.f32 v4, $8.000000000e+00  }
0x2dd: {  	v5 =	vld [tilespmem:s21+$0x460];
	v8 =	vsel vm5, v15, v9;
	v9 =	vsel vm5, v45, v17;
	(xrf0) =	vmax.scan.msk.f32 $0xffff, v2;
	v2 =	vnsel vm7, $0xFF61B1E6, v3;
	_ =	sdelay $0x1  }
0x2de: {  	(xrf1) =	vsort.dscd.msk.f32 $0xffff, v8, v9  }
0x2df: {  	s20 =	rddreg [dreg:$0x7];
	(xrf0) =	vmax.scan.msk.f32 $0xffff, v2;
	v2, v3, _ =	vpop (xrf1)  }
0x2e0: {  	s4 =	sor.u32 s20, s18;
	(xrf1) =	vsort.ascd.msk.f32 $0xffff, v7, v6;
	v8, v9, _ =	vpop (xrf1)  }
0x2e1: {  	s4 =	sor.u32 $0xC00, s4;
	(xrf1) =	vsort.ascd.msk.f32 $0xffff, v5, v10;
	vm8 =	vge.f32 v8, v11;
	v5, v7, _ =	vpop (xrf1)  }
0x2e2: {  	v4 =	vld [tilespmem:s4+$0x0];
	v8 =	vsel vm8, v8, v11;
	vm9 =	vge.f32 v5, v2  }
0x2e3: {  	v6 =	vld [tilespmem:s4+$0x4000];
	v3 =	vsel vm9, v7, v3  }
0x2e4: {  	v2 =	vsel vm9, v5, v2  }
0x2e5: {  	(xrf2) =	vadd.scan.msk.f32 $0xffff, v13;
	v9 =	vsel vm8, v9, v14;
	v13, v14, _ =	vpop (xrf1)  }
0x2e6: {  	(xrf1) =	vsort.dscd.msk.f32 $0xffff, v8, v9;
	v7, v8, _ =	vpop (xrf1)  }
0x2e7: {  	v10 =	vld [tilespmem:s28+$0x430];
	(xrf1) =	vsort.dscd.msk.f32 $0xffff, v2, v3;
	v2, v3, _ =	vpop (xrf1)  }
0x2e8: {  	v11 =	vld [tilespmem:s28+$0x4430];
	(xrf1) =	vsort.ascd.msk.f32 $0xffff, v4, v6;
	v4, v6, _ =	vpop (xrf1)  }
0x2e9: {  	vm10 =	vge.f32 v7, v13;
	vm11 =	vge.f32 v4, v2  }
0x2ea: {  	v5 =	vld [tilespmem:s15+$0x850];
	v8 =	vsel vm10, v8, v14;
	v3 =	vsel vm11, v6, v3  }
0x2eb: {  	v9 =	vld [tilespmem:s15+$0x4850];
	v7 =	vsel vm10, v7, v13;
	v2 =	vsel vm11, v4, v2  }
0x2ec: {  	v48 =	vld [tilespmem:s21+$0x4470];
	v14, v46, _ =	vpop (xrf1);
	(xrf1) =	vsort.dscd.msk.f32 $0xffff, v7, v8  }
0x2ed: {  	v13 =	vld [tilespmem:s11+$0x400];
	(xrf1) =	vsort.ascd.msk.f32 $0xffff, v10, v11;
	v8, v47, _ =	vpop (xrf1)  }
0x2ee: {  	v7 =	vld [tilespmem:s11+$0x4400];
	(xrf1) =	vsort.dscd.msk.f32 $0xffff, v2, v3;
	v2, v3, _ =	vpop (xrf1)  }
0x2ef: {  	v15 =	vld [tilespmem:s16+$0x820];
	v10, v11, _ =	vpop (xrf1)  }
0x2f0: {  	v4 =	vld [tilespmem:s16+$0x4820];
	(xrf1) =	vsort.ascd.msk.f32 $0xffff, v5, v9;
	vm12 =	vge.f32 v2, v14;
	vm13 =	vge.f32 v10, v8  }
0x2f1: {  	v6 =	vld [tilespmem:s21+$0x470];
	v2 =	vsel vm12, v2, v14;
	v3 =	vsel vm12, v3, v46;
	v5 =	vsel vm13, v10, v8  }
0x2f2: {  	(xrf1) =	vsort.dscd.msk.f32 $0xffff, v2, v3  }
0x2f3: {  	v8 =	vsel vm13, v11, v47;
	(xrf1) =	vsort.ascd.msk.f32 $0xffff, v13, v7  }
0x2f4: {  	(xrf1) =	vsort.dscd.msk.f32 $0xffff, v5, v8;
	v5, _, _ =	vpop (xrf2)  }
0x2f5: {  	(xrf1) =	vsort.ascd.msk.f32 $0xffff, v15, v4;
	vm14 =	vge.f32 v5, $8.000000000e+00  }
0x2f6: {  	v4, v5, _ =	vpop (xrf1);
	(xrf1) =	vsort.ascd.msk.f32 $0xffff, v6, v48;
	v6 =	vnsel vm14, $0xFF61B1E6, v12;
	_ =	sdelay $0x1  }
0x2f7: {  	v7, v8, _ =	vpop (xrf1)  }
0x2f8: {  	(xrf0) =	vmax.scan.msk.f32 $0xffff, v6;
	v6, v9, _ =	vpop (xrf1)  }
0x2f9: {  	vm15 =	vge.f32 v6, v4  }
0x2fa: {  	v11, v12, _ =	vpop (xrf1);
	v4 =	vsel vm15, v6, v4  }
0x2fb: {  	vm4 =	vge.f32 v11, v7  }
0x2fc: {  	v5 =	vsel vm15, v9, v5;
	v6, v9, _ =	vpop (xrf1);
	v8 =	vsel vm4, v12, v8  }
0x2fd: {  	v14 =	vld [tilespmem:s28+$0x4440];
	(xrf1) =	vsort.dscd.msk.f32 $0xffff, v4, v5;
	v4, v15, _ =	vpop (xrf1)  }
0x2fe: {  	v13 =	vld [tilespmem:s28+$0x440];
	v7 =	vsel vm4, v11, v7;
	v12, v49, _ =	vpop (xrf1)  }
0x2ff: {  	v10 =	vld [tilespmem:s15+$0x860];
	(xrf1) =	vsort.dscd.msk.f32 $0xffff, v7, v8;
	vm5 =	vge.f32 v4, v6;
	v8, v50, _ =	vpop (xrf1)  }
0x300: {  	v5 =	vld [tilespmem:s15+$0x4860];
	v6 =	vsel vm5, v4, v6;
	v9 =	vsel vm5, v15, v9;
	vm6 =	vge.f32 v8, v12  }
0x301: {  	v11 =	vld [tilespmem:s16+$0x830];
	(xrf1) =	vsort.dscd.msk.f32 $0xffff, v6, v9;
	v9 =	vsel vm6, v50, v49  }
0x302: {  	v7 =	vld [tilespmem:s16+$0x4830];
	v8 =	vsel vm6, v8, v12  }
0x303: {  	v3, _, _ =	vpop (xrf0);
	(xrf1) =	vsort.ascd.msk.f32 $0xffff, v13, v14  }
0x304: {  	v15 =	vld [tilespmem:s11+$0x410];
	v12, v13, _ =	vpop (xrf1);
	(xrf1) =	vsort.dscd.msk.f32 $0xffff, v8, v9  }
0x305: {  	v6 =	vld [tilespmem:s11+$0x4410];
	v8, v9, _ =	vpop (xrf1)  }
0x306: {  	(xrf1) =	vsort.ascd.msk.f32 $0xffff, v10, v5;
	v14, v51, _ =	vpop (xrf1)  }
0x307: {  	(xrf1) =	vsort.ascd.msk.f32 $0xffff, v11, v7;
	vm7 =	vge.f32 v8, v12;
	v5, v10, _ =	vpop (xrf1)  }
0x308: {  	v2, _, _ =	vpop (xrf0);
	v7 =	vsel vm7, v8, v12;
	v8 =	vsel vm7, v9, v13;
	v9 =	vld [tilespmem:s21+$0x800];
	vm8 =	vge.f32 v5, v14  }
0x309: {  	v4, _, _ =	vpop (xrf0);
	(xrf1) =	vsort.dscd.msk.f32 $0xffff, v7, v8;
	v7 =	vld [tilespmem:s21+$0x4800];
	v5 =	vsel vm8, v5, v14  }
0x30a: {  	v11, v12, _ =	vpop (xrf1);
	v8 =	vsel vm8, v10, v51;
	(xrf1) =	vsort.ascd.msk.f32 $0xffff, v15, v6  }
0x30b: {  	v10, v13, _ =	vpop (xrf1);
	(xrf1) =	vsort.dscd.msk.f32 $0xffff, v5, v8  }
0x30c: {  	v14 =	vld [tilespmem:s28+$0x4450];
	v5, v6, _ =	vpop (xrf1)  }
0x30d: {  	v8 =	vld [tilespmem:s28+$0x450];
	vm9 =	vge.f32 v5, v11;
	v15, v52, _ =	vpop (xrf1)  }
0x30e: {  	(xrf1) =	vsort.ascd.msk.f32 $0xffff, v9, v7;
	v9 =	vsel vm9, v6, v12;
	_ =	sdelay $0x1  }
0x30f: {  	v7 =	vsel vm9, v5, v11;
	v5, v6, _ =	vpop (xrf1)  }
0x310: {  	vm10 =	vge.f32 v15, v10;
	(xrf1) =	vsort.dscd.msk.f32 $0xffff, v7, v9;
	v9, v11, _ =	vpop (xrf1)  }
0x311: {  	v10 =	vsel vm10, v15, v10;
	v54, v53, _ =	vpop (xrf1)  }
0x312: {  	v12 =	vld [tilespmem:s15+$0x4870];
	v13 =	vsel vm10, v52, v13;
	(xrf1) =	vsort.ascd.msk.f32 $0xffff, v8, v14;
	vm11 =	vge.f32 v54, v9  }
0x313: {  	v7 =	vld [tilespmem:s15+$0x870];
	(xrf1) =	vsort.dscd.msk.f32 $0xffff, v10, v13;
	v10 =	vsel vm11, v53, v11  }
0x314: {  	v15 =	vld [tilespmem:s11+$0x4420];
	v14, v55, _ =	vpop (xrf1);
	v9 =	vsel vm11, v54, v9  }
0x315: {  	v8 =	vld [tilespmem:s11+$0x420];
	v57, v56, _ =	vpop (xrf1)  }
0x316: {  	(xrf1) =	vsort.dscd.msk.f32 $0xffff, v9, v10;
	v11, v13, _ =	vpop (xrf1)  }
0x317: {  	vm12 =	vge.f32 v11, v14;
	v9, v10, _ =	vpop (xrf1)  }
0x318: {  	(xrf1) =	vsort.ascd.msk.f32 $0xffff, v7, v12;
	v11 =	vsel vm12, v11, v14;
	v13 =	vsel vm12, v13, v55;
	v58, v59, _ =	vpop (xrf1)  }
0x319: {  	(xrf1) =	vsort.dscd.msk.f32 $0xffff, v11, v13;
	vm13 =	vge.f32 v58, v9  }
0x31a: {  	(xrf1) =	vsort.ascd.msk.f32 $0xffff, v8, v15;
	v8 =	vld [tilespmem:s16+$0x840];
	v7 =	vsel vm13, v58, v9;
	v9 =	vsel vm13, v59, v10  }
0x31b: {  	(xrf1) =	vsort.dscd.msk.f32 $0xffff, v7, v9;
	v7 =	vld [tilespmem:s16+$0x4840]  }
0x31c: {  	v60 =	vld [tilespmem:s28+$0x4460]  }
0x31d: {  	v10 =	vld [tilespmem:s21+$0x4810];
	v11, v12, _ =	vpop (xrf1)  }
0x31e: {  	v9 =	vld [tilespmem:s21+$0x810];
	v14, v15, _ =	vpop (xrf1)  }
0x31f: {  	v13 =	vld [tilespmem:s28+$0x460];
	vm14 =	vge.f32 v14, v57  }
0x320: {  	(xrf1) =	vsort.ascd.msk.f32 $0xffff, v8, v7;
	v7 =	vsel vm14, v14, v57;
	v8 =	vsel vm14, v15, v56  }
0x321: {  	(xrf1) =	vsort.dscd.msk.f32 $0xffff, v7, v8  }
0x322: {  	s22 =	rddreg [dreg:$0x3];
	v14, v15, _ =	vpop (xrf1)  }
0x323: {  	s4 =	sor.u32 s17, s22;
	(xrf1) =	vsort.ascd.msk.f32 $0xffff, v9, v10;
	v8, v61, _ =	vpop (xrf1)  }
0x324: {  	s4 =	sor.u32 $0xC00, s4;
	(xrf1) =	vsort.ascd.msk.f32 $0xffff, v13, v60;
	vm15 =	vge.f32 v8, v11;
	v10, v13, _ =	vpop (xrf1)  }
0x325: {  	v7 =	vld [tilespmem:s4+$0x0];
	v8 =	vsel vm15, v8, v11;
	v11 =	vsel vm15, v61, v12;
	vm4 =	vge.f32 v10, v14  }
0x326: {  	v9 =	vld [tilespmem:s4+$0x4000];
	(xrf1) =	vsort.dscd.msk.f32 $0xffff, v8, v11;
	v8 =	vsel vm4, v10, v14;
	v10 =	vsel vm4, v13, v15  }
0x327: {  	v62 =	vld [tilespmem:s11+$0x430]  }
0x328: {  	v12 =	vld [tilespmem:s11+$0x4430];
	v21, v63, _ =	vpop (xrf1)  }
0x329: {  	(xrf1) =	vsort.dscd.msk.f32 $0xffff, v8, v10;
	v11, v13, _ =	vpop (xrf1)  }
0x32a: {  	vm5 =	vge.f32 v11, v21;
	v8, v10, _ =	vpop (xrf1)  }
0x32b: {  	(xrf1) =	vsort.ascd.msk.f32 $0xffff, v7, v9;
	v11 =	vsel vm5, v11, v21;
	v13 =	vsel vm5, v13, v63;
	v7, v9, _ =	vpop (xrf1)  }
0x32c: {  	(xrf1) =	vsort.dscd.msk.f32 $0xffff, v11, v13;
	vm6 =	vge.f32 v7, v8  }
0x32d: {  	(xrf1) =	vsort.ascd.msk.f32 $0xffff, v62, v12;
	v7 =	vsel vm6, v7, v8;
	v8 =	vsel vm6, v9, v10  }
0x32e: {  	(xrf1) =	vsort.dscd.msk.f32 $0xffff, v7, v8;
	v7 =	vld [tilespmem:s16+$0x850];
	v11, v12, _ =	vpop (xrf1)  }
0x32f: {  	v8 =	vld [tilespmem:s16+$0x4850];
	v14, v15, _ =	vpop (xrf1)  }
0x330: {  	vm7 =	vge.f32 v14, v11  }
0x331: {  	v9 =	vld [tilespmem:s21+$0x820];
	v12 =	vsel vm7, v15, v12  }
0x332: {  	v10 =	vld [tilespmem:s21+$0x4820];
	v11 =	vsel vm7, v14, v11  }
0x333: {  	v24, v23, _ =	vpop (xrf1)  }
0x334: {  	v22 =	vld [tilespmem:s28+$0x4470];
	(xrf1) =	vsort.ascd.msk.f32 $0xffff, v7, v8;
	v7, v8, _ =	vpop (xrf1)  }
0x335: {  	v13 =	vld [tilespmem:s28+$0x470];
	(xrf1) =	vsort.dscd.msk.f32 $0xffff, v11, v12;
	v11, v12, _ =	vpop (xrf1)  }
0x336: {  	vm8 =	vge.f32 v11, v24  }
0x337: {  	(xrf1) =	vsort.ascd.msk.f32 $0xffff, v9, v10;
	v9, v10, _ =	vpop (xrf1);
	v12 =	vsel vm8, v12, v23  }
0x338: {  	v11 =	vsel vm8, v11, v24;
	vm9 =	vge.f32 v9, v7  }
0x339: {  	v8 =	vsel vm9, v10, v8  }
0x33a: {  	v25 =	vld [tilespmem:s11+$0x4440];
	(xrf1) =	vsort.ascd.msk.f32 $0xffff, v13, v22;
	v13, v15, _ =	vpop (xrf1);
	v7 =	vsel vm9, v9, v7  }
0x33b: {  	v14 =	vld [tilespmem:s11+$0x440];
	(xrf1) =	vsort.dscd.msk.f32 $0xffff, v11, v12;
	v11, v12, _ =	vpop (xrf1)  }
0x33c: {  	v9, v10, _ =	vpop (xrf1)  }
0x33d: {  	(xrf1) =	vsort.dscd.msk.f32 $0xffff, v7, v8;
	vm10 =	vge.f32 v11, v13;
	v7, v8, _ =	vpop (xrf1)  }
0x33e: {  	v11 =	vsel vm10, v11, v13;
	v12 =	vsel vm10, v12, v15;
	vm11 =	vge.f32 v7, v9  }
0x33f: {  	(xrf1) =	vsort.dscd.msk.f32 $0xffff, v11, v12;
	v7 =	vsel vm11, v7, v9;
	v9 =	vld [tilespmem:s16+$0x860]  }
0x340: {  	v8 =	vsel vm11, v8, v10;
	(xrf1) =	vsort.ascd.msk.f32 $0xffff, v14, v25;
	v10 =	vld [tilespmem:s21+$0x4830]  }
0x341: {  	(xrf1) =	vsort.dscd.msk.f32 $0xffff, v7, v8;
	v7 =	vld [tilespmem:s16+$0x4860]  }
0x342: {  	v8 =	vld [tilespmem:s21+$0x830];
	_ =	sdelay $0x1  }
0x343: {  	v12, v13, _ =	vpop (xrf1)  }
0x344: {  	v15, v26, _ =	vpop (xrf1)  }
0x345: {  	vm12 =	vge.f32 v15, v12;
	(xrf1) =	vsort.ascd.msk.f32 $0xffff, v9, v7  }
0x346: {  	(xrf1) =	vsort.ascd.msk.f32 $0xffff, v8, v10;
	v10 =	vsel vm12, v26, v13  }
0x347: {  	v11 =	vld [tilespmem:s28+$0x800];
	v8 =	vsel vm12, v15, v12  }
0x348: {  	v14 =	vld [tilespmem:s28+$0x4800];
	v7, v9, _ =	vpop (xrf1);
	(xrf1) =	vsort.dscd.msk.f32 $0xffff, v8, v10  }
0x349: {  	v12, v13, _ =	vpop (xrf1)  }
0x34a: {  	v8, v10, _ =	vpop (xrf1)  }
0x34b: {  	vm13 =	vge.f32 v8, v7  }
0x34c: {  	v7 =	vsel vm13, v8, v7;
	v8 =	vsel vm13, v10, v9  }
0x34d: {  	v27 =	vld [tilespmem:s11+$0x4450];
	(xrf1) =	vsort.ascd.msk.f32 $0xffff, v11, v14  }
0x34e: {  	v15 =	vld [tilespmem:s11+$0x450];
	(xrf1) =	vsort.dscd.msk.f32 $0xffff, v7, v8  }
0x34f: {  	v9, v10, _ =	vpop (xrf1)  }
0x350: {  	v7, v8, _ =	vpop (xrf1)  }
0x351: {  	vm14 =	vge.f32 v9, v12;
	v11, v14, _ =	vpop (xrf1)  }
0x352: {  	v9 =	vsel vm14, v9, v12;
	v10 =	vsel vm14, v10, v13;
	v12, v13, _ =	vpop (xrf1)  }
0x353: {  	(xrf1) =	vsort.ascd.msk.f32 $0xffff, v15, v27;
	vm15 =	vge.f32 v12, v11  }
0x354: {  	(xrf1) =	vsort.dscd.msk.f32 $0xffff, v9, v10;
	v9 =	vsel vm15, v12, v11;
	v10 =	vsel vm15, v13, v14;
	v12, v13, _ =	vpop (xrf1)  }
0x355: {  	(xrf1) =	vsort.dscd.msk.f32 $0xffff, v9, v10;
	v9 =	vld [tilespmem:s16+$0x870];
	v14, v15, _ =	vpop (xrf1)  }
0x356: {  	v10 =	vld [tilespmem:s16+$0x4870];
	v29, v30, _ =	vpop (xrf1)  }
0x357: {  	vm4 =	vge.f32 v29, v12  }
0x358: {  	v28 =	vld [tilespmem:s21+$0x4840];
	v13 =	vsel vm4, v30, v13  }
0x359: {  	v11 =	vld [tilespmem:s21+$0x840];
	v12 =	vsel vm4, v29, v12;
	_ =	sdelay $0x1  }
0x35a: {  	(xrf1) =	vsort.ascd.msk.f32 $0xffff, v9, v10;
	v9, v10, _ =	vpop (xrf1)  }
0x35b: {  	(xrf1) =	vsort.dscd.msk.f32 $0xffff, v12, v13;
	v12, v13, _ =	vpop (xrf1)  }
0x35c: {  	v31 =	vld [tilespmem:s28+$0x810];
	vm5 =	vge.f32 v12, v14  }
0x35d: {  	v32 =	vld [tilespmem:s28+$0x4810];
	(xrf1) =	vsort.ascd.msk.f32 $0xffff, v11, v28;
	v11 =	vsel vm5, v12, v14;
	v12 =	vsel vm5, v13, v15  }
0x35e: {  	v33 =	vld [tilespmem:s11+$0x460]  }
0x35f: {  	v34 =	vld [tilespmem:s11+$0x4460]  }
0x360: {  	v13, v14, _ =	vpop (xrf1)  }
0x361: {  	(xrf1) =	vsort.dscd.msk.f32 $0xffff, v11, v12;
	v11, v12, _ =	vpop (xrf1)  }
0x362: {  	s23 =	rddreg [dreg:$0x4];
	vm6 =	vge.f32 v11, v9  }
0x363: {  	s12 =	rddreg [dreg:$0x5];
	(xrf1) =	vsort.ascd.msk.f32 $0xffff, v31, v32;
	v9 =	vsel vm6, v11, v9;
	v10 =	vsel vm6, v12, v10;
	v11, v12, _ =	vpop (xrf1)  }
0x364: {  	s4 =	sor.u32 s23, s12;
	(xrf1) =	vsort.ascd.msk.f32 $0xffff, v33, v34;
	vm7 =	vge.f32 v11, v13  }
0x365: {  	s4 =	sor.u32 $0xC00, s4;
	(xrf1) =	vsort.dscd.msk.f32 $0xffff, v9, v10;
	v9 =	vsel vm7, v11, v13;
	v10 =	vsel vm7, v12, v14  }
0x366: {  	(xrf1) =	vsort.dscd.msk.f32 $0xffff, v9, v10;
	v9 =	vld [tilespmem:s4+$0x0]  }
0x367: {  	v10 =	vld [tilespmem:s4+$0x4000];
	_ =	sdelay $0x1  }
0x368: {  	v12, v13, _ =	vpop (xrf1)  }
0x369: {  	v15, v35, _ =	vpop (xrf1)  }
0x36a: {  	vm8 =	vge.f32 v15, v12  }
0x36b: {  	v11 =	vld [tilespmem:s21+$0x850];
	(xrf1) =	vsort.ascd.msk.f32 $0xffff, v9, v10;
	v10 =	vsel vm8, v35, v13  }
0x36c: {  	v14 =	vld [tilespmem:s21+$0x4850];
	v9 =	vsel vm8, v15, v12  }
0x36d: {  	(xrf1) =	vsort.dscd.msk.f32 $0xffff, v9, v10  }
0x36e: {  	v12, v13, _ =	vpop (xrf1)  }
0x36f: {  	v36 =	vld [tilespmem:s28+$0x820];
	v9, v10, _ =	vpop (xrf1)  }
0x370: {  	v37 =	vld [tilespmem:s28+$0x4820];
	vm9 =	vge.f32 v9, v12  }
0x371: {  	v38 =	vld [tilespmem:s11+$0x4470];
	(xrf1) =	vsort.ascd.msk.f32 $0xffff, v11, v14;
	v9 =	vsel vm9, v9, v12;
	v10 =	vsel vm9, v10, v13  }
0x372: {  	v15 =	vld [tilespmem:s11+$0x470];
	(xrf1) =	vsort.dscd.msk.f32 $0xffff, v9, v10  }
0x373: {  	v19, v20, _ =	vpop (xrf1)  }
0x374: {  	v11, v12, _ =	vpop (xrf1)  }
0x375: {  	v9, v10, _ =	vpop (xrf1)  }
0x376: {  	(xrf1) =	vsort.ascd.msk.f32 $0xffff, v36, v37;
	vm10 =	vge.f32 v9, v19  }
0x377: {  	(xrf1) =	vsort.ascd.msk.f32 $0xffff, v15, v38;
	v13, v14, _ =	vpop (xrf1);
	v9 =	vsel vm10, v9, v19;
	v10 =	vsel vm10, v10, v20  }
0x378: {  	vm11 =	vge.f32 v13, v11;
	(xrf1) =	vsort.dscd.msk.f32 $0xffff, v9, v10  }
0x379: {  	v9 =	vsel vm11, v13, v11;
	v10 =	vsel vm11, v14, v12  }
0x37a: {  	v39 =	vld [tilespmem:s28+$0x4830];
	(xrf1) =	vsort.dscd.msk.f32 $0xffff, v9, v10;
	v11, v12, _ =	vpop (xrf1)  }
0x37b: {  	v9 =	vld [tilespmem:s21+$0x860];
	v14, v15, _ =	vpop (xrf1)  }
0x37c: {  	v10 =	vld [tilespmem:s21+$0x4860];
	vm12 =	vge.f32 v14, v11  }
0x37d: {  	v13 =	vld [tilespmem:s28+$0x830];
	v12 =	vsel vm12, v15, v12;
	_ =	sdelay $0x1  }
0x37e: {  	v11 =	vsel vm12, v14, v11;
	v14, v15, _ =	vpop (xrf1)  }
0x37f: {  	(xrf1) =	vsort.dscd.msk.f32 $0xffff, v11, v12;
	v12, v41, _ =	vpop (xrf1)  }
0x380: {  	(xrf1) =	vsort.ascd.msk.f32 $0xffff, v9, v10;
	vm13 =	vge.f32 v12, v14  }
0x381: {  	v40 =	vld [tilespmem:s11+$0x800];
	(xrf1) =	vsort.ascd.msk.f32 $0xffff, v13, v39;
	v12 =	vsel vm13, v12, v14;
	v13 =	vsel vm13, v41, v15  }
0x382: {  	v11 =	vld [tilespmem:s11+$0x4800];
	(xrf1) =	vsort.dscd.msk.f32 $0xffff, v12, v13  }
0x383: {  	v9, v10, _ =	vpop (xrf1)  }
0x384: {  	v14, v15, _ =	vpop (xrf1)  }
0x385: {  	v12, v13, _ =	vpop (xrf1)  }
0x386: {  	vm14 =	vge.f32 v12, v9  }
0x387: {  	(xrf1) =	vsort.ascd.msk.f32 $0xffff, v40, v11;
	v9 =	vsel vm14, v12, v9;
	v10 =	vsel vm14, v13, v10;
	v11, v12, _ =	vpop (xrf1)  }
0x388: {  	(xrf1) =	vsort.dscd.msk.f32 $0xffff, v9, v10;
	vm15 =	vge.f32 v11, v14  }
0x389: {  	v9 =	vsel vm15, v11, v14;
	v10 =	vsel vm15, v12, v15  }
0x38a: {  	(xrf1) =	vsort.dscd.msk.f32 $0xffff, v9, v10;
	_ =	sdelay $0x1  }
0x38b: {  	v11 =	vld [tilespmem:s21+$0x870]  }
0x38c: {  	v12 =	vld [tilespmem:s21+$0x4870];
	v9, v10, _ =	vpop (xrf1)  }
0x38d: {  	v13, v14, _ =	vpop (xrf1)  }
0x38e: {  	v16, v42, _ =	vpop (xrf1)  }
0x38f: {  	v44, v45, _ =	vpop (xrf1)  }
0x390: {  	vm4 =	vge.f32 v44, v13  }
0x391: {  	v43 =	vld [tilespmem:s28+$0x4840];
	(xrf1) =	vsort.ascd.msk.f32 $0xffff, v11, v12;
	v13 =	vsel vm4, v44, v13;
	v14 =	vsel vm4, v45, v14  }
0x392: {  	v15 =	vld [tilespmem:s28+$0x840];
	(xrf1) =	vsort.dscd.msk.f32 $0xffff, v13, v14  }
0x393: {  	v46 =	vld [tilespmem:s11+$0x810]  }
0x394: {  	v47 =	vld [tilespmem:s11+$0x4810];
	v11, v12, _ =	vpop (xrf1)  }
0x395: {  	v13, v14, _ =	vpop (xrf1)  }
0x396: {  	vm5 =	vge.f32 v13, v16  }
0x397: {  	(xrf1) =	vsort.ascd.msk.f32 $0xffff, v15, v43;
	v13 =	vsel vm5, v13, v16;
	v14 =	vsel vm5, v14, v42;
	v15, v48, _ =	vpop (xrf1)  }
0x398: {  	(xrf1) =	vsort.dscd.msk.f32 $0xffff, v13, v14;
	vm6 =	vge.f32 v15, v11  }
0x399: {  	s24 =	rddreg [dreg:$0x6];
	(xrf1) =	vsort.ascd.msk.f32 $0xffff, v46, v47;
	v11 =	vsel vm6, v15, v11;
	v12 =	vsel vm6, v48, v12  }
0x39a: {  	s4 =	sor.u32 s19, s24;
	(xrf1) =	vsort.dscd.msk.f32 $0xffff, v11, v12  }
0x39b: {  	s4 =	sor.u32 $0xC00, s4  }
0x39c: {  	v11 =	vld [tilespmem:s4+$0x0]  }
0x39d: {  	v12 =	vld [tilespmem:s4+$0x4000];
	_ =	sdelay $0x1  }
0x39e: {  	v13, v14, _ =	vpop (xrf1)  }
0x39f: {  	v50, v49, _ =	vpop (xrf1)  }
0x3a0: {  	vm7 =	vge.f32 v50, v13  }
0x3a1: {  	v51 =	vld [tilespmem:s28+$0x4850];
	(xrf1) =	vsort.ascd.msk.f32 $0xffff, v11, v12;
	v11 =	vsel vm7, v50, v13;
	v12 =	vsel vm7, v49, v14  }
0x3a2: {  	v15 =	vld [tilespmem:s28+$0x850];
	(xrf1) =	vsort.dscd.msk.f32 $0xffff, v11, v12  }
0x3a3: {  	v52 =	vld [tilespmem:s11+$0x820]  }
0x3a4: {  	v53 =	vld [tilespmem:s11+$0x4820];
	v13, v14, _ =	vpop (xrf1)  }
0x3a5: {  	v11, v12, _ =	vpop (xrf1)  }
0x3a6: {  	vm8 =	vge.f32 v11, v13;
	v55, v54, _ =	vpop (xrf1)  }
0x3a7: {  	(xrf1) =	vsort.ascd.msk.f32 $0xffff, v15, v51;
	v11 =	vsel vm8, v11, v13;
	v12 =	vsel vm8, v12, v14;
	v13, v14, _ =	vpop (xrf1)  }
0x3a8: {  	(xrf1) =	vsort.dscd.msk.f32 $0xffff, v11, v12;
	vm9 =	vge.f32 v13, v55  }
0x3a9: {  	(xrf1) =	vsort.ascd.msk.f32 $0xffff, v52, v53;
	v11 =	vsel vm9, v13, v55;
	v12 =	vsel vm9, v14, v54  }
0x3aa: {  	(xrf1) =	vsort.dscd.msk.f32 $0xffff, v11, v12;
	_ =	sdelay $0x4  }
0x3ab: {  	v13, v14, _ =	vpop (xrf1)  }
0x3ac: {  	v58 =	vld [tilespmem:s11+$0x4830];
	v56, v57, _ =	vpop (xrf1)  }
0x3ad: {  	v11 =	vld [tilespmem:s28+$0x860];
	vm10 =	vge.f32 v56, v13  }
0x3ae: {  	v12 =	vld [tilespmem:s28+$0x4860];
	v14 =	vsel vm10, v57, v14  }
0x3af: {  	v15 =	vld [tilespmem:s11+$0x830];
	v13 =	vsel vm10, v56, v13;
	_ =	sdelay $0x1  }
0x3b0: {  	v59, v60, _ =	vpop (xrf1)  }
0x3b1: {  	(xrf1) =	vsort.dscd.msk.f32 $0xffff, v13, v14;
	v13, v14, _ =	vpop (xrf1)  }
0x3b2: {  	(xrf1) =	vsort.ascd.msk.f32 $0xffff, v11, v12;
	vm11 =	vge.f32 v13, v59;
	v11, v12, _ =	vpop (xrf1)  }
0x3b3: {  	(xrf1) =	vsort.ascd.msk.f32 $0xffff, v15, v58;
	v13 =	vsel vm11, v13, v59;
	v14 =	vsel vm11, v14, v60;
	v15, v61, _ =	vpop (xrf1)  }
0x3b4: {  	(xrf1) =	vsort.dscd.msk.f32 $0xffff, v13, v14;
	vm12 =	vge.f32 v15, v11  }
0x3b5: {  	v11 =	vsel vm12, v15, v11;
	v12 =	vsel vm12, v61, v12  }
0x3b6: {  	(xrf1) =	vsort.dscd.msk.f32 $0xffff, v11, v12;
	_ =	sdelay $0x7  }
0x3b7: {  	v14 =	vld [tilespmem:s28+$0x4870]  }
0x3b8: {  	v11 =	vld [tilespmem:s28+$0x870];
	v12, v13, _ =	vpop (xrf1)  }
0x3b9: {  	v25 =	vld [tilespmem:s11+$0x4840];
	v63, v62, _ =	vpop (xrf1)  }
0x3ba: {  	v15 =	vld [tilespmem:s11+$0x840];
	v18, v24, _ =	vpop (xrf1)  }
0x3bb: {  	v27, v26, _ =	vpop (xrf1)  }
0x3bc: {  	vm13 =	vge.f32 v27, v63  }
0x3bd: {  	(xrf1) =	vsort.ascd.msk.f32 $0xffff, v11, v14;
	v16 =	vsel vm13, v27, v63;
	v17 =	vsel vm13, v26, v62;
	v11, v14, _ =	vpop (xrf1)  }
0x3be: {  	(xrf1) =	vsort.dscd.msk.f32 $0xffff, v16, v17;
	vm14 =	vge.f32 v11, v18  }
0x3bf: {  	(xrf1) =	vsort.ascd.msk.f32 $0xffff, v15, v25;
	v11 =	vsel vm14, v11, v18;
	v14 =	vsel vm14, v14, v24  }
0x3c0: {  	(xrf1) =	vsort.dscd.msk.f32 $0xffff, v11, v14;
	_ =	sdelay $0x5  }
0x3c1: {  	s29 =	sor.u32 s26, s25  }
0x3c2: {  	s4 =	sor.u32 $0xC00, s29  }
0x3c3: {  	v11 =	vld [tilespmem:s4+$0x0]  }
0x3c4: {  	v14 =	vld [tilespmem:s4+$0x4000]  }
0x3c5: {  	v28 =	vld [tilespmem:s11+$0x4850]  }
0x3c6: {  	v15 =	vld [tilespmem:s11+$0x850];
	v16, v17, _ =	vpop (xrf1)  }
0x3c7: {  	v30, v29, _ =	vpop (xrf1)  }
0x3c8: {  	vm15 =	vge.f32 v30, v16;
	v31, v32, _ =	vpop (xrf1)  }
0x3c9: {  	(xrf1) =	vsort.ascd.msk.f32 $0xffff, v11, v14;
	v11 =	vsel vm15, v30, v16;
	v14 =	vsel vm15, v29, v17;
	v33, v34, _ =	vpop (xrf1)  }
0x3ca: {  	(xrf1) =	vsort.dscd.msk.f32 $0xffff, v11, v14;
	vm4 =	vge.f32 v33, v31  }
0x3cb: {  	v11 =	vsel vm4, v33, v31;
	v14 =	vsel vm4, v34, v32;
	(xrf1) =	vsort.ascd.msk.f32 $0xffff, v15, v28  }
0x3cc: {  	(xrf1) =	vsort.dscd.msk.f32 $0xffff, v11, v14;
	_ =	sdelay $0x9  }
0x3cd: {  	v11 =	vld [tilespmem:s11+$0x860]  }
0x3ce: {  	v14 =	vld [tilespmem:s11+$0x4860];
	v15, v35, _ =	vpop (xrf1)  }
0x3cf: {  	v36, v37, _ =	vpop (xrf1)  }
0x3d0: {  	vm5 =	vge.f32 v36, v15;
	v38, v39, _ =	vpop (xrf1)  }
0x3d1: {  	v15 =	vsel vm5, v36, v15;
	v16 =	vsel vm5, v37, v35;
	v40, v41, _ =	vpop (xrf1)  }
0x3d2: {  	(xrf1) =	vsort.dscd.msk.f32 $0xffff, v15, v16;
	vm6 =	vge.f32 v40, v38  }
0x3d3: {  	(xrf1) =	vsort.ascd.msk.f32 $0xffff, v11, v14;
	v11 =	vsel vm6, v40, v38;
	v14 =	vsel vm6, v41, v39  }
0x3d4: {  	(xrf1) =	vsort.dscd.msk.f32 $0xffff, v11, v14;
	_ =	sdelay $0x9  }
0x3d5: {  	v11 =	vld [tilespmem:s11+$0x870]  }
0x3d6: {  	v14 =	vld [tilespmem:s11+$0x4870]  }
0x3d7: {  	v15, v16, _ =	vpop (xrf1)  }
0x3d8: {  	v42, v43, _ =	vpop (xrf1)  }
0x3d9: {  	v44, v45, _ =	vpop (xrf1)  }
0x3da: {  	vm7 =	vge.f32 v44, v42  }
0x3db: {  	(xrf1) =	vsort.ascd.msk.f32 $0xffff, v11, v14;
	v17 =	vsel vm7, v44, v42;
	v18 =	vsel vm7, v45, v43  }
0x3dc: {  	(xrf1) =	vsort.dscd.msk.f32 $0xffff, v17, v18;
	_ =	sdelay $0x7  }
0x3dd: {  	s2 =	sor.u32 s10, s2  }
0x3de: {  	s2 =	sor.u32 $0xC00, s2  }
0x3df: {  	v11 =	vld [tilespmem:s2+$0x0]  }
0x3e0: {  	v14 =	vld [tilespmem:s2+$0x4000];
	_ =	sdelay $0x1  }
0x3e1: {  	v17, v18, _ =	vpop (xrf1)  }
0x3e2: {  	v46, v47, _ =	vpop (xrf1)  }
0x3e3: {  	vm8 =	vge.f32 v46, v17  }
0x3e4: {  	(xrf1) =	vsort.ascd.msk.f32 $0xffff, v11, v14;
	v11 =	vsel vm8, v46, v17;
	v14 =	vsel vm8, v47, v18  }
0x3e5: {  	(xrf1) =	vsort.dscd.msk.f32 $0xffff, v11, v14;
	_ =	sdelay $0xc  }
0x3e6: {  	v11, v14, _ =	vpop (xrf1)  }
0x3e7: {  	v48, v49, _ =	vpop (xrf1)  }
0x3e8: {  	vm9 =	vge.f32 v48, v11  }
0x3e9: {  	v11 =	vsel vm9, v48, v11;
	v14 =	vsel vm9, v49, v14  }
0x3ea: {  	(xrf1) =	vsort.dscd.msk.f32 $0xffff, v11, v14;
	_ =	sdelay $0x5  }
0x3eb: {  	(xrf2) =	vadd.scan.msk.f32 $0xffff, v6  }
0x3ec: {  	(xrf2) =	vadd.scan.msk.f32 $0xffff, v8;
	_ =	sdelay $0x1  }
0x3ed: {  	(xrf2) =	vadd.scan.msk.f32 $0xffff, v10  }
0x3ee: {  	(xrf2) =	vadd.scan.msk.f32 $0xffff, v13;
	_ =	sdelay $0x1  }
0x3ef: {  	(xrf2) =	vadd.scan.msk.f32 $0xffff, v16;
	_ =	sdelay $0x1  }
0x3f0: {  	v6, v8, _ =	vpop (xrf1)  }
0x3f1: {  	(xrf2) =	vadd.scan.msk.f32 $0xffff, v8  }
0x3f2: {  	v8, _, _ =	vpop (xrf2)  }
0x3f3: {  	v10, _, _ =	vpop (xrf2);
	vm10 =	vge.f32 v8, $8.000000000e+00  }
0x3f4: {  	v5 =	vnsel vm10, $0xFF61B1E6, v5;
	vm11 =	vge.f32 v10, $8.000000000e+00  }
0x3f5: {  	v3 =	vbroadcast v3, $0xF;
	v8, _, _ =	vpop (xrf2);
	v10 =	vmov s7;
	(xrf0) =	vmax.scan.msk.f32 $0xffff, v5;
	v5 =	vnsel vm11, $0xFF61B1E6, v7  }
0x3f6: {  	v7, _, _ =	vpop (xrf2);
	vm12 =	veq.s32 v10, v0;
	vm1 =	vge.f32 v8, $8.000000000e+00  }
0x3f7: {  	(xrf0) =	vmax.scan.msk.f32 $0xffff, v5;
	v1 =	vsel vm12, v3, v1;
	v3 =	vnsel vm1, $0xFF61B1E6, v9;
	vm13 =	vge.f32 v7, $8.000000000e+00  }
0x3f8: {  	v2 =	vbroadcast v2, $0xF;
	(xrf0) =	vmax.scan.msk.f32 $0xffff, v3;
	v3 =	vnsel vm13, $0xFF61B1E6, v12;
	v5, _, _ =	vpop (xrf2)  }
0x3f9: {  	v4 =	vbroadcast v4, $0xF;
	v7 =	vmov s5;
	vm15 =	vge.f32 v5, $8.000000000e+00  }
0x3fa: {  	vm14 =	veq.s32 v7, v0;
	v7 =	vmov s6;
	v5 =	vnsel vm15, $0xFF61B1E6, v15  }
0x3fb: {  	(xrf0) =	vmax.scan.msk.f32 $0xffff, v3;
	v1 =	vsel vm14, v2, v1;
	vm5 =	veq.s32 v7, v0;
	v3, _, _ =	vpop (xrf2)  }
0x3fc: {  	v1 =	vsel vm5, v4, v1;
	v2, _, _ =	vpop (xrf0);
	vm4 =	vge.f32 v3, $8.000000000e+00  }
0x3fd: {  	v4 =	vmov s9;
	(xrf0) =	vmax.scan.msk.f32 $0xffff, v5;
	v2 =	vbroadcast v2, $0xF;
	v5, _, _ =	vpop (xrf0);
	v3 =	vnsel vm4, $0xFF61B1E6, v6  }
0x3fe: {  	vm6 =	veq.s32 v4, v0;
	v4 =	vbroadcast v5, $0xF;
	(xrf0) =	vmax.scan.msk.f32 $0xffff, v3;
	v3 =	vmov s1  }
0x3ff: {  	v5, _, _ =	vpop (xrf0);
	v1 =	vsel vm6, v2, v1;
	vm7 =	veq.s32 v3, v0  }
0x400: {  	v1 =	vsel vm7, v4, v1;
	v4 =	vbroadcast v5, $0xF  }
0x401: {  	v2, _, _ =	vpop (xrf0);
	v3 =	vmov s3  }
0x402: {  	vm8 =	veq.s32 v3, v0;
	v3 =	vmov s0;
	v2 =	vbroadcast v2, $0xF  }
0x403: {  	v5, _, _ =	vpop (xrf0);
	vm9 =	veq.s32 v3, v0;
	v1 =	vsel vm8, v4, v1  }
0x404: {  	v3 =	vbroadcast v5, $0xF;
	v1 =	vsel vm9, v2, v1;
	v2 =	vmov s31;
	v4, _, _ =	vpop (xrf0)  }
0x405: {  	vm10 =	veq.s32 v2, v0;
	v2 =	vmov s8;
	v4 =	vbroadcast v4, $0xF  }
0x406: {  	s11 =	simm.s32 $0x0;
	v1 =	vsel vm10, v3, v1;
	vm11 =	veq.s32 v2, v0  }
0x407: {  	s2 =	sand.u32 $0x380, s11;
	s1 =	sand.u32 $0x1000, s11;
	v1 =	vsel vm11, v4, v1  }
0x408: {  	s1 =	sor.u32 s2, s1;
	[tilespmem:$0x8000] =	vst v1  }
0x409: {  	v1 =	vld [tilespmem:s1+$0x2000]  }
0x40a: {  	v2 =	vld [tilespmem:s1+$0x6000];
	_ =	sdelay $0x4  }
0x40b: {  	(xrf1) =	vsort.ascd.msk.f32 $0xffff, v1, v2;
	_ =	sdelay $0x9  }
0x40c: {  	v1 =	vld [tilespmem:s1+$0x2010]  }
0x40d: {  	v2 =	vld [tilespmem:s1+$0x6010];
	_ =	sdelay $0x2  }
0x40e: {  	v3, v4, _ =	vpop (xrf1)  }
0x40f: {  	vm12 =	vle.f32 v3, $-3.000000010e+38  }
0x410: {  	(xrf1) =	vsort.ascd.msk.f32 $0xffff, v1, v2;
	v1 =	vsel vm12, $0xFF61B1E6, v3;
	v2 =	vsel vm12, $0x0, v4  }
0x411: {  	(xrf1) =	vsort.dscd.msk.f32 $0xffff, v1, v2;
	_ =	sdelay $0x9  }
0x412: {  	v1 =	vld [tilespmem:s1+$0x2020]  }
0x413: {  	v2 =	vld [tilespmem:s1+$0x6020];
	_ =	sdelay $0x1  }
0x414: {  	v3, v4, _ =	vpop (xrf1)  }
0x415: {  	v5, v6, _ =	vpop (xrf1)  }
0x416: {  	vm13 =	vge.f32 v5, v3  }
0x417: {  	(xrf1) =	vsort.ascd.msk.f32 $0xffff, v1, v2;
	v1 =	vsel vm13, v5, v3;
	v2 =	vsel vm13, v6, v4  }
0x418: {  	(xrf1) =	vsort.dscd.msk.f32 $0xffff, v1, v2;
	_ =	sdelay $0x4  }
0x419: {  	s4 =	simm.s32 $0x200;
	s3 =	simm.s32 $0x80  }
0x41a: {  	s0 =	sand.u32 $0x380, s3;
	s8 =	sand.u32 $0x1000, s4  }
0x41b: {  	s0 =	sor.u32 s0, s8  }
0x41c: {  	v3 =	vld [tilespmem:s0+$0x2000]  }
0x41d: {  	v1 =	vld [tilespmem:s1+$0x2030]  }
0x41e: {  	v2 =	vld [tilespmem:s1+$0x6030]  }
0x41f: {  	v4 =	vld [tilespmem:s0+$0x6000];
	_ =	sdelay $0x1  }
0x420: {  	v5, v6, _ =	vpop (xrf1)  }
0x421: {  	v7, v8, _ =	vpop (xrf1)  }
0x422: {  	(xrf1) =	vsort.ascd.msk.f32 $0xffff, v1, v2;
	vm14 =	vge.f32 v7, v5  }
0x423: {  	(xrf1) =	vsort.ascd.msk.f32 $0xffff, v3, v4;
	v1 =	vsel vm14, v7, v5;
	v2 =	vsel vm14, v8, v6  }
0x424: {  	(xrf1) =	vsort.dscd.msk.f32 $0xffff, v1, v2;
	_ =	sdelay $0x7  }
0x425: {  	v3 =	vld [tilespmem:s0+$0x2010]  }
0x426: {  	v1 =	vld [tilespmem:s1+$0x2040]  }
0x427: {  	v2 =	vld [tilespmem:s1+$0x6040]  }
0x428: {  	v4 =	vld [tilespmem:s0+$0x6010]  }
0x429: {  	v5, v6, _ =	vpop (xrf1)  }
0x42a: {  	v7, v8, _ =	vpop (xrf1)  }
0x42b: {  	v9, v10, _ =	vpop (xrf1)  }
0x42c: {  	(xrf1) =	vsort.ascd.msk.f32 $0xffff, v1, v2;
	vm15 =	vge.f32 v9, v5  }
0x42d: {  	(xrf1) =	vsort.ascd.msk.f32 $0xffff, v3, v4;
	v1 =	vsel vm15, v9, v5;
	v2 =	vsel vm15, v10, v6  }
0x42e: {  	(xrf1) =	vsort.dscd.msk.f32 $0xffff, v1, v2;
	_ =	sdelay $0x4  }
0x42f: {  	vm4 =	vle.f32 v7, $-3.000000010e+38  }
0x430: {  	v1 =	vsel vm4, $0xFF61B1E6, v7;
	v2 =	vsel vm4, $0x0, v8  }
0x431: {  	(xrf1) =	vsort.dscd.msk.f32 $0xffff, v1, v2  }
0x432: {  	v3 =	vld [tilespmem:s0+$0x2020]  }
0x433: {  	v1 =	vld [tilespmem:s1+$0x2050]  }
0x434: {  	v2 =	vld [tilespmem:s1+$0x6050]  }
0x435: {  	v4 =	vld [tilespmem:s0+$0x6020]  }
0x436: {  	v5, v6, _ =	vpop (xrf1)  }
0x437: {  	v7, v8, _ =	vpop (xrf1)  }
0x438: {  	v9, v10, _ =	vpop (xrf1)  }
0x439: {  	(xrf1) =	vsort.ascd.msk.f32 $0xffff, v1, v2;
	vm5 =	vge.f32 v9, v5  }
0x43a: {  	(xrf1) =	vsort.ascd.msk.f32 $0xffff, v3, v4;
	v1 =	vsel vm5, v9, v5;
	v2 =	vsel vm5, v10, v6  }
0x43b: {  	(xrf1) =	vsort.dscd.msk.f32 $0xffff, v1, v2;
	_ =	sdelay $0x3  }
0x43c: {  	v1, v2, _ =	vpop (xrf1)  }
0x43d: {  	vm6 =	vge.f32 v1, v7  }
0x43e: {  	v1 =	vsel vm6, v1, v7;
	v2 =	vsel vm6, v2, v8  }
0x43f: {  	(xrf1) =	vsort.dscd.msk.f32 $0xffff, v1, v2;
	_ =	sdelay $0x2  }
0x440: {  	v1 =	vld [tilespmem:s1+$0x2060]  }
0x441: {  	v2 =	vld [tilespmem:s1+$0x6060]  }
0x442: {  	s10 =	simm.s32 $0x400;
	s9 =	simm.s32 $0x100;
	v3, v4, _ =	vpop (xrf1)  }
0x443: {  	s12 =	sand.u32 $0x1000, s10;
	s3 =	sand.u32 $0x380, s9;
	v6, v7, _ =	vpop (xrf1)  }
0x444: {  	s16 =	sor.u32 s3, s12;
	v9, v10, _ =	vpop (xrf1)  }
0x445: {  	v11 =	vld [tilespmem:s16+$0x2000];
	vm7 =	vge.f32 v9, v3  }
0x446: {  	v5 =	vld [tilespmem:s0+$0x2030];
	(xrf1) =	vsort.ascd.msk.f32 $0xffff, v1, v2;
	v2 =	vsel vm7, v9, v3;
	v3 =	vsel vm7, v10, v4  }
0x447: {  	v8 =	vld [tilespmem:s0+$0x6030];
	(xrf1) =	vsort.dscd.msk.f32 $0xffff, v2, v3  }
0x448: {  	v1 =	vld [tilespmem:s16+$0x6000];
	_ =	sdelay $0x2  }
0x449: {  	v2, v3, _ =	vpop (xrf1)  }
0x44a: {  	(xrf1) =	vsort.ascd.msk.f32 $0xffff, v5, v8;
	vm8 =	vge.f32 v2, v6  }
0x44b: {  	(xrf1) =	vsort.ascd.msk.f32 $0xffff, v11, v1;
	v1 =	vsel vm8, v2, v6;
	v2 =	vsel vm8, v3, v7  }
0x44c: {  	(xrf1) =	vsort.dscd.msk.f32 $0xffff, v1, v2;
	_ =	sdelay $0x2  }
0x44d: {  	v1 =	vld [tilespmem:s1+$0x2070]  }
0x44e: {  	v2 =	vld [tilespmem:s1+$0x6070];
	_ =	sdelay $0x1  }
0x44f: {  	v3, v4, _ =	vpop (xrf1)  }
0x450: {  	v7, v8, _ =	vpop (xrf1)  }
0x451: {  	v9 =	vld [tilespmem:s16+$0x2010];
	vm9 =	vge.f32 v7, v3  }
0x452: {  	v5 =	vld [tilespmem:s0+$0x2040];
	(xrf1) =	vsort.ascd.msk.f32 $0xffff, v1, v2;
	v2 =	vsel vm9, v7, v3;
	v3 =	vsel vm9, v8, v4  }
0x453: {  	v6 =	vld [tilespmem:s0+$0x6040];
	(xrf1) =	vsort.dscd.msk.f32 $0xffff, v2, v3  }
0x454: {  	v1 =	vld [tilespmem:s16+$0x6010]  }
0x455: {  	v4, v7, _ =	vpop (xrf1)  }
0x456: {  	v2, v3, _ =	vpop (xrf1)  }
0x457: {  	v8, v10, _ =	vpop (xrf1)  }
0x458: {  	(xrf1) =	vsort.ascd.msk.f32 $0xffff, v5, v6;
	vm10 =	vge.f32 v8, v4  }
0x459: {  	(xrf1) =	vsort.ascd.msk.f32 $0xffff, v9, v1;
	v1 =	vsel vm10, v8, v4;
	v4 =	vsel vm10, v10, v7  }
0x45a: {  	(xrf1) =	vsort.dscd.msk.f32 $0xffff, v1, v4  }
0x45b: {  	s13 =	sand.u32 $0xFFFFF000, s11  }
0x45c: {  	s3 =	sadd.s32 $0x0, s13;
	vm11 =	vle.f32 v2, $-3.000000010e+38  }
0x45d: {  	s14 =	sor.u32 $0x2400, s3;
	v1 =	vsel vm11, $0xFF61B1E6, v2;
	v2 =	vsel vm11, $0x0, v3  }
0x45e: {  	(xrf1) =	vsort.dscd.msk.f32 $0xffff, v1, v2;
	v1 =	vld [tilespmem:s14+$0x0]  }
0x45f: {  	v2 =	vld [tilespmem:s14+$0x4000]  }
0x460: {  	v3, v4, _ =	vpop (xrf1)  }
0x461: {  	v7, v8, _ =	vpop (xrf1)  }
0x462: {  	v5 =	vld [tilespmem:s0+$0x2050];
	vm12 =	vge.f32 v7, v3  }
0x463: {  	v6 =	vld [tilespmem:s0+$0x6050];
	v4 =	vsel vm12, v8, v4  }
0x464: {  	v9 =	vld [tilespmem:s16+$0x2020];
	(xrf1) =	vsort.ascd.msk.f32 $0xffff, v1, v2;
	v3 =	vsel vm12, v7, v3  }
0x465: {  	v10 =	vld [tilespmem:s16+$0x6020];
	(xrf1) =	vsort.dscd.msk.f32 $0xffff, v3, v4  }
0x466: {  	v1, v2, _ =	vpop (xrf1)  }
0x467: {  	v3, v4, _ =	vpop (xrf1)  }
0x468: {  	v7, v8, _ =	vpop (xrf1)  }
0x469: {  	(xrf1) =	vsort.ascd.msk.f32 $0xffff, v5, v6;
	vm13 =	vge.f32 v7, v1  }
0x46a: {  	(xrf1) =	vsort.ascd.msk.f32 $0xffff, v9, v10;
	v1 =	vsel vm13, v7, v1;
	v2 =	vsel vm13, v8, v2  }
0x46b: {  	(xrf1) =	vsort.dscd.msk.f32 $0xffff, v1, v2;
	_ =	sdelay $0x2  }
0x46c: {  	v1, v2, _ =	vpop (xrf1)  }
0x46d: {  	vm14 =	vge.f32 v1, v3  }
0x46e: {  	s15 =	sor.u32 $0x2410, s3;
	v1 =	vsel vm14, v1, v3;
	v2 =	vsel vm14, v2, v4  }
0x46f: {  	(xrf1) =	vsort.dscd.msk.f32 $0xffff, v1, v2;
	v1 =	vld [tilespmem:s15+$0x0]  }
0x470: {  	v3, v4, _ =	vpop (xrf1);
	v2 =	vld [tilespmem:s15+$0x4000]  }
0x471: {  	v5, v6, _ =	vpop (xrf1)  }
0x472: {  	vm15 =	vge.f32 v5, v3  }
0x473: {  	v4 =	vsel vm15, v6, v4  }
0x474: {  	s17 =	simm.s32 $0x180;
	s7 =	simm.s32 $0x600;
	v7 =	vld [tilespmem:s0+$0x2060]  }
0x475: {  	s18 =	sand.u32 $0x1000, s7;
	s5 =	sand.u32 $0x380, s17;
	v8 =	vld [tilespmem:s0+$0x6060];
	v3 =	vsel vm15, v5, v3;
	(xrf1) =	vsort.ascd.msk.f32 $0xffff, v1, v2;
	v1, v2, _ =	vpop (xrf1)  }
0x476: {  	s14 =	sor.u32 s5, s18;
	(xrf1) =	vsort.dscd.msk.f32 $0xffff, v3, v4;
	v4, v5, _ =	vpop (xrf1)  }
0x477: {  	v11 =	vld [tilespmem:s14+$0x2000];
	v9, v10, _ =	vpop (xrf1)  }
0x478: {  	v6 =	vld [tilespmem:s16+$0x6030];
	vm4 =	vge.f32 v9, v1  }
0x479: {  	v3 =	vld [tilespmem:s16+$0x2030];
	v2 =	vsel vm4, v10, v2  }
0x47a: {  	(xrf1) =	vsort.ascd.msk.f32 $0xffff, v7, v8;
	v7 =	vld [tilespmem:s14+$0x6000];
	v1 =	vsel vm4, v9, v1  }
0x47b: {  	(xrf1) =	vsort.dscd.msk.f32 $0xffff, v1, v2;
	_ =	sdelay $0x1  }
0x47c: {  	v1, v2, _ =	vpop (xrf1)  }
0x47d: {  	(xrf1) =	vsort.ascd.msk.f32 $0xffff, v3, v6;
	vm5 =	vge.f32 v1, v4  }
0x47e: {  	s19 =	sor.u32 $0x2420, s3;
	(xrf1) =	vsort.ascd.msk.f32 $0xffff, v11, v7;
	v1 =	vsel vm5, v1, v4;
	v2 =	vsel vm5, v2, v5  }
0x47f: {  	(xrf1) =	vsort.dscd.msk.f32 $0xffff, v1, v2;
	v1 =	vld [tilespmem:s19+$0x0]  }
0x480: {  	v2 =	vld [tilespmem:s19+$0x4000];
	_ =	sdelay $0x1  }
0x481: {  	v3, v4, _ =	vpop (xrf1)  }
0x482: {  	v5, v6, _ =	vpop (xrf1)  }
0x483: {  	vm6 =	vge.f32 v5, v3  }
0x484: {  	v3 =	vsel vm6, v5, v3;
	v4 =	vsel vm6, v6, v4;
	(xrf1) =	vsort.ascd.msk.f32 $0xffff, v1, v2  }
0x485: {  	v8 =	vld [tilespmem:s0+$0x6070];
	(xrf1) =	vsort.dscd.msk.f32 $0xffff, v3, v4  }
0x486: {  	v7 =	vld [tilespmem:s0+$0x2070];
	v1, v2, _ =	vpop (xrf1)  }
0x487: {  	v5, v6, _ =	vpop (xrf1)  }
0x488: {  	vm7 =	vge.f32 v5, v1  }
0x489: {  	v9 =	vld [tilespmem:s14+$0x2010];
	v2 =	vsel vm7, v6, v2  }
0x48a: {  	v3 =	vld [tilespmem:s16+$0x2040];
	v1 =	vsel vm7, v5, v1  }
0x48b: {  	v4 =	vld [tilespmem:s16+$0x6040];
	(xrf1) =	vsort.ascd.msk.f32 $0xffff, v7, v8  }
0x48c: {  	v7 =	vld [tilespmem:s14+$0x6010];
	v5, v6, _ =	vpop (xrf1);
	(xrf1) =	vsort.dscd.msk.f32 $0xffff, v1, v2  }
0x48d: {  	v1, v2, _ =	vpop (xrf1)  }
0x48e: {  	vm9 =	vle.f32 v1, $-3.000000010e+38  }
0x48f: {  	v8, v10, _ =	vpop (xrf1);
	v2 =	vsel vm9, $0x0, v2  }
0x490: {  	(xrf1) =	vsort.ascd.msk.f32 $0xffff, v3, v4;
	vm8 =	vge.f32 v8, v5;
	v1 =	vsel vm9, $0xFF61B1E6, v1  }
0x491: {  	s20 =	sor.u32 $0x2430, s3;
	(xrf1) =	vsort.ascd.msk.f32 $0xffff, v9, v7;
	v3 =	vsel vm8, v8, v5;
	v4 =	vsel vm8, v10, v6  }
0x492: {  	(xrf1) =	vsort.dscd.msk.f32 $0xffff, v3, v4;
	v3 =	vld [tilespmem:s20+$0x0];
	v5, v6, _ =	vpop (xrf1)  }
0x493: {  	v4 =	vld [tilespmem:s20+$0x4000];
	(xrf1) =	vsort.dscd.msk.f32 $0xffff, v1, v2;
	v1, v2, _ =	vpop (xrf1)  }
0x494: {  	vm10 =	vge.f32 v1, v5  }
0x495: {  	v2 =	vsel vm10, v2, v6  }
0x496: {  	s2 =	sand.u32 $0xFFFFF000, s4;
	v1 =	vsel vm10, v1, v5  }
0x497: {  	s2 =	sadd.s32 $0x80, s2  }
0x498: {  	s21 =	sor.u32 $0x2400, s2;
	(xrf1) =	vsort.ascd.msk.f32 $0xffff, v3, v4  }
0x499: {  	v7 =	vld [tilespmem:s21+$0x0];
	(xrf1) =	vsort.dscd.msk.f32 $0xffff, v1, v2;
	v1, v2, _ =	vpop (xrf1)  }
0x49a: {  	v8 =	vld [tilespmem:s21+$0x4000];
	v5, v6, _ =	vpop (xrf1)  }
0x49b: {  	vm11 =	vge.f32 v5, v1  }
0x49c: {  	v2 =	vsel vm11, v6, v2  }
0x49d: {  	v3 =	vld [tilespmem:s16+$0x2050];
	v1 =	vsel vm11, v5, v1  }
0x49e: {  	v4 =	vld [tilespmem:s16+$0x6050]  }
0x49f: {  	v9 =	vld [tilespmem:s14+$0x2020];
	(xrf1) =	vsort.ascd.msk.f32 $0xffff, v7, v8;
	v5, v6, _ =	vpop (xrf1)  }
0x4a0: {  	v10 =	vld [tilespmem:s14+$0x6020];
	(xrf1) =	vsort.dscd.msk.f32 $0xffff, v1, v2;
	v1, v2, _ =	vpop (xrf1)  }
0x4a1: {  	v7, v8, _ =	vpop (xrf1)  }
0x4a2: {  	vm12 =	vge.f32 v7, v5  }
0x4a3: {  	(xrf1) =	vsort.ascd.msk.f32 $0xffff, v3, v4;
	v4 =	vsel vm12, v8, v6;
	_ =	sdelay $0x1  }
0x4a4: {  	(xrf1) =	vsort.ascd.msk.f32 $0xffff, v9, v10;
	v3 =	vsel vm12, v7, v5  }
0x4a5: {  	(xrf1) =	vsort.dscd.msk.f32 $0xffff, v3, v4;
	v4, v5, _ =	vpop (xrf1)  }
0x4a6: {  	vm13 =	vge.f32 v4, v1  }
0x4a7: {  	v2 =	vsel vm13, v5, v2  }
0x4a8: {  	v1 =	vsel vm13, v4, v1  }
0x4a9: {  	s22 =	sor.u32 $0x2440, s3  }
0x4aa: {  	v6 =	vld [tilespmem:s22+$0x4000];
	v4, v5, _ =	vpop (xrf1)  }
0x4ab: {  	v3 =	vld [tilespmem:s22+$0x0];
	(xrf1) =	vsort.dscd.msk.f32 $0xffff, v1, v2;
	v1, v2, _ =	vpop (xrf1)  }
0x4ac: {  	vm14 =	vge.f32 v1, v4  }
0x4ad: {  	v2 =	vsel vm14, v2, v5  }
0x4ae: {  	v1 =	vsel vm14, v1, v4  }
0x4af: {  	s23 =	sor.u32 $0x2410, s2  }
0x4b0: {  	v7 =	vld [tilespmem:s23+$0x0];
	(xrf1) =	vsort.ascd.msk.f32 $0xffff, v3, v6  }
0x4b1: {  	v8 =	vld [tilespmem:s23+$0x4000];
	(xrf1) =	vsort.dscd.msk.f32 $0xffff, v1, v2;
	v1, v2, _ =	vpop (xrf1)  }
0x4b2: {  	v3, v4, _ =	vpop (xrf1)  }
0x4b3: {  	vm15 =	vge.f32 v3, v1  }
0x4b4: {  	v2 =	vsel vm15, v4, v2;
	_ =	sdelay $0x1  }
0x4b5: {  	v6 =	vld [tilespmem:s16+$0x6060];
	(xrf1) =	vsort.ascd.msk.f32 $0xffff, v7, v8;
	v1 =	vsel vm15, v3, v1;
	v3, v4, _ =	vpop (xrf1)  }
0x4b6: {  	v5 =	vld [tilespmem:s16+$0x2060];
	(xrf1) =	vsort.dscd.msk.f32 $0xffff, v1, v2;
	v2, v8, _ =	vpop (xrf1)  }
0x4b7: {  	s24 =	simm.s32 $0x200;
	s5 =	simm.s32 $0x800;
	v7 =	vld [tilespmem:s14+$0x2030];
	v9, v10, _ =	vpop (xrf1)  }
0x4b8: {  	s6 =	sand.u32 $0x380, s24;
	s25 =	sand.u32 $0x1000, s5;
	v1 =	vld [tilespmem:s14+$0x6030];
	vm4 =	vge.f32 v9, v3  }
0x4b9: {  	s12 =	sor.u32 s6, s25;
	v4 =	vsel vm4, v10, v4  }
0x4ba: {  	v12 =	vld [tilespmem:s12+$0x6000]  }
0x4bb: {  	s26 =	sor.u32 $0x2450, s3;
	v11 =	vld [tilespmem:s12+$0x2000];
	(xrf1) =	vsort.ascd.msk.f32 $0xffff, v5, v6;
	v3 =	vsel vm4, v9, v3  }
0x4bc: {  	v6 =	vld [tilespmem:s26+$0x4000];
	(xrf1) =	vsort.dscd.msk.f32 $0xffff, v3, v4;
	v4, v5, _ =	vpop (xrf1)  }
0x4bd: {  	v3 =	vld [tilespmem:s26+$0x0];
	(xrf1) =	vsort.ascd.msk.f32 $0xffff, v7, v1;
	vm5 =	vge.f32 v4, v2;
	v1, v7, _ =	vpop (xrf1)  }
0x4be: {  	v2 =	vsel vm5, v4, v2;
	v4 =	vsel vm5, v5, v8;
	v5, v8, _ =	vpop (xrf1)  }
0x4bf: {  	vm6 =	vge.f32 v5, v1  }
0x4c0: {  	s29 =	sor.u32 $0x2420, s2;
	(xrf1) =	vsort.ascd.msk.f32 $0xffff, v11, v12;
	v1 =	vsel vm6, v5, v1  }
0x4c1: {  	(xrf1) =	vsort.dscd.msk.f32 $0xffff, v2, v4;
	v2 =	vld [tilespmem:s29+$0x0];
	v5 =	vsel vm6, v8, v7  }
0x4c2: {  	v4 =	vld [tilespmem:s29+$0x4000];
	(xrf1) =	vsort.ascd.msk.f32 $0xffff, v3, v6  }
0x4c3: {  	(xrf1) =	vsort.dscd.msk.f32 $0xffff, v1, v5;
	v1, v3, _ =	vpop (xrf1)  }
0x4c4: {  	v5, v6, _ =	vpop (xrf1)  }
0x4c5: {  	vm7 =	vge.f32 v5, v1  }
0x4c6: {  	v3 =	vsel vm7, v6, v3;
	_ =	sdelay $0x2  }
0x4c7: {  	v7 =	vld [tilespmem:s16+$0x2070];
	(xrf1) =	vsort.ascd.msk.f32 $0xffff, v2, v4;
	v1 =	vsel vm7, v5, v1  }
0x4c8: {  	v8 =	vld [tilespmem:s16+$0x6070];
	(xrf1) =	vsort.dscd.msk.f32 $0xffff, v1, v3;
	v2, v3, _ =	vpop (xrf1)  }
0x4c9: {  	v9 =	vld [tilespmem:s12+$0x2010];
	v5, v6, _ =	vpop (xrf1)  }
0x4ca: {  	v4 =	vld [tilespmem:s14+$0x6040];
	vm8 =	vge.f32 v5, v2  }
0x4cb: {  	v1 =	vld [tilespmem:s14+$0x2040];
	v3 =	vsel vm8, v6, v3  }
0x4cc: {  	v10 =	vld [tilespmem:s12+$0x6010]  }
0x4cd: {  	s31 =	sor.u32 $0x2460, s3;
	(xrf1) =	vsort.ascd.msk.f32 $0xffff, v7, v8;
	v7, v8, _ =	vpop (xrf1);
	v2 =	vsel vm8, v5, v2  }
0x4ce: {  	v6 =	vld [tilespmem:s31+$0x4000];
	(xrf1) =	vsort.dscd.msk.f32 $0xffff, v2, v3;
	v3, v5, _ =	vpop (xrf1)  }
0x4cf: {  	v2 =	vld [tilespmem:s31+$0x0];
	v11, v12, _ =	vpop (xrf1)  }
0x4d0: {  	(xrf1) =	vsort.ascd.msk.f32 $0xffff, v1, v4;
	v1, v4, _ =	vpop (xrf1)  }
0x4d1: {  	(xrf1) =	vsort.ascd.msk.f32 $0xffff, v9, v10;
	vm9 =	vge.f32 v11, v7;
	v9, v10, _ =	vpop (xrf1)  }
0x4d2: {  	v7 =	vsel vm9, v11, v7;
	v8 =	vsel vm9, v12, v8;
	vm10 =	vge.f32 v9, v1  }
0x4d3: {  	vm11 =	vle.f32 v3, $-3.000000010e+38;
	(xrf1) =	vsort.dscd.msk.f32 $0xffff, v7, v8;
	v4 =	vsel vm10, v10, v4  }
0x4d4: {  	v1 =	vsel vm10, v9, v1;
	(xrf1) =	vsort.ascd.msk.f32 $0xffff, v2, v6;
	v2 =	vsel vm11, $0x0, v5  }
0x4d5: {  	s8 =	sor.u32 $0x2430, s2;
	(xrf1) =	vsort.dscd.msk.f32 $0xffff, v1, v4;
	v1 =	vsel vm11, $0xFF61B1E6, v3  }
0x4d6: {  	v7 =	vld [tilespmem:s8+$0x0]  }
0x4d7: {  	v8 =	vld [tilespmem:s8+$0x4000];
	v3, v4, _ =	vpop (xrf1)  }
0x4d8: {  	(xrf1) =	vsort.dscd.msk.f32 $0xffff, v1, v2;
	v1, v2, _ =	vpop (xrf1)  }
0x4d9: {  	s4 =	sand.u32 $0xFFFFF000, s10;
	vm12 =	vge.f32 v1, v3  }
0x4da: {  	s6 =	sadd.s32 $0x100, s4;
	v2 =	vsel vm12, v2, v4  }
0x4db: {  	s4 =	sor.u32 $0x2400, s6  }
0x4dc: {  	v5 =	vld [tilespmem:s4+$0x0];
	(xrf1) =	vsort.ascd.msk.f32 $0xffff, v7, v8;
	v1 =	vsel vm12, v1, v3  }
0x4dd: {  	v6 =	vld [tilespmem:s4+$0x4000];
	(xrf1) =	vsort.dscd.msk.f32 $0xffff, v1, v2;
	v2, v3, _ =	vpop (xrf1)  }
0x4de: {  	v7, v8, _ =	vpop (xrf1)  }
0x4df: {  	vm13 =	vge.f32 v7, v2  }
0x4e0: {  	v9 =	vld [tilespmem:s12+$0x2020];
	v3 =	vsel vm13, v8, v3  }
0x4e1: {  	v4 =	vld [tilespmem:s14+$0x6050]  }
0x4e2: {  	v1 =	vld [tilespmem:s14+$0x2050];
	(xrf1) =	vsort.ascd.msk.f32 $0xffff, v5, v6;
	v11, v12, _ =	vpop (xrf1);
	v2 =	vsel vm13, v7, v2  }
0x4e3: {  	v10 =	vld [tilespmem:s12+$0x6020];
	(xrf1) =	vsort.dscd.msk.f32 $0xffff, v2, v3;
	v3, v5, _ =	vpop (xrf1)  }
0x4e4: {  	s9 =	sor.u32 $0x2470, s3;
	v7, v8, _ =	vpop (xrf1)  }
0x4e5: {  	v6 =	vld [tilespmem:s9+$0x4000];
	vm14 =	vge.f32 v7, v11  }
0x4e6: {  	v2 =	vld [tilespmem:s9+$0x0];
	v8 =	vsel vm14, v8, v12  }
0x4e7: {  	(xrf1) =	vsort.ascd.msk.f32 $0xffff, v1, v4;
	v1, v4, _ =	vpop (xrf1)  }
0x4e8: {  	(xrf1) =	vsort.ascd.msk.f32 $0xffff, v9, v10;
	v7 =	vsel vm14, v7, v11;
	v9, v10, _ =	vpop (xrf1)  }
0x4e9: {  	(xrf1) =	vsort.dscd.msk.f32 $0xffff, v7, v8;
	vm15 =	vge.f32 v9, v1;
	v8, v11, _ =	vpop (xrf1)  }
0x4ea: {  	v4 =	vsel vm15, v10, v4;
	vm4 =	vge.f32 v8, v3  }
0x4eb: {  	v1 =	vsel vm15, v9, v1;
	(xrf1) =	vsort.ascd.msk.f32 $0xffff, v2, v6;
	v2 =	vsel vm4, v11, v5  }
0x4ec: {  	s10 =	sor.u32 $0x2440, s2;
	(xrf1) =	vsort.dscd.msk.f32 $0xffff, v1, v4;
	v1 =	vsel vm4, v8, v3  }
0x4ed: {  	v12 =	vld [tilespmem:s10+$0x4000]  }
0x4ee: {  	v7 =	vld [tilespmem:s10+$0x0];
	v3, v4, _ =	vpop (xrf1)  }
0x4ef: {  	(xrf1) =	vsort.dscd.msk.f32 $0xffff, v1, v2;
	v1, v2, _ =	vpop (xrf1)  }
0x4f0: {  	vm5 =	vge.f32 v1, v3  }
0x4f1: {  	v2 =	vsel vm5, v2, v4  }
0x4f2: {  	s13 =	sor.u32 $0x2410, s6  }
0x4f3: {  	v6 =	vld [tilespmem:s13+$0x4000];
	(xrf1) =	vsort.ascd.msk.f32 $0xffff, v7, v12;
	v1 =	vsel vm5, v1, v3  }
0x4f4: {  	v10 =	vld [tilespmem:s14+$0x6060];
	(xrf1) =	vsort.dscd.msk.f32 $0xffff, v1, v2;
	v2, v4, _ =	vpop (xrf1)  }
0x4f5: {  	v5 =	vld [tilespmem:s13+$0x0];
	v8, v9, _ =	vpop (xrf1)  }
0x4f6: {  	v3 =	vld [tilespmem:s1+$0x2800];
	vm6 =	vge.f32 v8, v2  }
0x4f7: {  	v1 =	vld [tilespmem:s1+$0x6800];
	v4 =	vsel vm6, v9, v4  }
0x4f8: {  	v7 =	vld [tilespmem:s14+$0x2060];
	v2 =	vsel vm6, v8, v2;
	_ =	sdelay $0x1  }
0x4f9: {  	(xrf1) =	vsort.ascd.msk.f32 $0xffff, v5, v6;
	v5 =	vld [tilespmem:s12+$0x2030];
	v11, v12, _ =	vpop (xrf1)  }
0x4fa: {  	v6 =	vld [tilespmem:s12+$0x6030];
	(xrf1) =	vsort.dscd.msk.f32 $0xffff, v2, v4;
	v2, v4, _ =	vpop (xrf1)  }
0x4fb: {  	s15 =	simm.s32 $0x280;
	s4 =	simm.s32 $0xA00;
	(xrf1) =	vsort.ascd.msk.f32 $0xffff, v3, v1;
	v8, v9, _ =	vpop (xrf1)  }
0x4fc: {  	s8 =	sand.u32 $0x380, s15;
	s17 =	sand.u32 $0x1000, s4;
	(xrf1) =	vsort.ascd.msk.f32 $0xffff, v7, v10;
	vm7 =	vge.f32 v8, v11;
	v3, v7, _ =	vpop (xrf1)  }
0x4fd: {  	s13 =	sor.u32 s8, s17;
	v8 =	vsel vm7, v8, v11;
	v9 =	vsel vm7, v9, v12;
	v11, v12, _ =	vpop (xrf1)  }
0x4fe: {  	v1 =	vld [tilespmem:s13+$0x2000];
	(xrf1) =	vsort.dscd.msk.f32 $0xffff, v8, v9;
	vm8 =	vge.f32 v11, v3  }
0x4ff: {  	v10 =	vld [tilespmem:s13+$0x6000];
	(xrf1) =	vsort.ascd.msk.f32 $0xffff, v5, v6;
	v6 =	vsel vm8, v12, v7  }
0x500: {  	v3 =	vsel vm8, v11, v3  }
0x501: {  	s18 =	sor.u32 $0x2450, s2  }
0x502: {  	v8 =	vld [tilespmem:s18+$0x0];
	v9, v13, _ =	vpop (xrf1)  }
0x503: {  	v5 =	vld [tilespmem:s18+$0x4000];
	(xrf1) =	vsort.dscd.msk.f32 $0xffff, v3, v6;
	vm9 =	vge.f32 v9, v2;
	v3, v6, _ =	vpop (xrf1)  }
0x504: {  	(xrf1) =	vsort.ascd.msk.f32 $0xffff, v1, v10;
	v1 =	vsel vm9, v9, v2;
	v2 =	vsel vm9, v13, v4;
	v4, v7, _ =	vpop (xrf1)  }
0x505: {  	s19 =	sor.u32 $0x2420, s6;
	vm10 =	vge.f32 v4, v3  }
0x506: {  	(xrf1) =	vsort.dscd.msk.f32 $0xffff, v1, v2;
	v1 =	vld [tilespmem:s19+$0x0];
	v3 =	vsel vm10, v4, v3;
	v4 =	vsel vm10, v7, v6  }
0x507: {  	v2 =	vld [tilespmem:s19+$0x4000]  }
0x508: {  	(xrf1) =	vsort.ascd.msk.f32 $0xffff, v8, v5  }
0x509: {  	v9 =	vld [tilespmem:s1+$0x2810];
	(xrf1) =	vsort.dscd.msk.f32 $0xffff, v3, v4;
	v4, v5, _ =	vpop (xrf1)  }
0x50a: {  	v6 =	vld [tilespmem:s14+$0x6070];
	v7, v8, _ =	vpop (xrf1)  }
0x50b: {  	v3 =	vld [tilespmem:s14+$0x2070];
	vm11 =	vge.f32 v7, v4  }
0x50c: {  	(xrf1) =	vsort.ascd.msk.f32 $0xffff, v1, v2;
	v1 =	vld [tilespmem:s1+$0x6810];
	v10, v11, _ =	vpop (xrf1);
	v4 =	vsel vm11, v7, v4;
	v5 =	vsel vm11, v8, v5  }
0x50d: {  	v2, v7, _ =	vpop (xrf1);
	(xrf1) =	vsort.dscd.msk.f32 $0xffff, v4, v5;
	v4 =	vld [tilespmem:s12+$0x2040]  }
0x50e: {  	v5 =	vld [tilespmem:s12+$0x6040];
	v8, v12, _ =	vpop (xrf1)  }
0x50f: {  	vm12 =	vge.f32 v8, v2  }
0x510: {  	(xrf1) =	vsort.ascd.msk.f32 $0xffff, v3, v6;
	v3, v6, _ =	vpop (xrf1);
	v2 =	vsel vm12, v8, v2;
	v7 =	vsel vm12, v12, v7  }
0x511: {  	v8, v12, _ =	vpop (xrf1);
	(xrf1) =	vsort.dscd.msk.f32 $0xffff, v2, v7  }
0x512: {  	vm13 =	vge.f32 v8, v10;
	(xrf1) =	vsort.ascd.msk.f32 $0xffff, v9, v1  }
0x513: {  	v14 =	vld [tilespmem:s13+$0x6010];
	(xrf1) =	vsort.ascd.msk.f32 $0xffff, v4, v5;
	v5 =	vsel vm13, v12, v11  }
0x514: {  	s20 =	sor.u32 $0x2460, s2;
	v13 =	vld [tilespmem:s13+$0x2010];
	v4 =	vsel vm13, v8, v10  }
0x515: {  	v2 =	vld [tilespmem:s20+$0x0];
	v7, v15, _ =	vpop (xrf1)  }
0x516: {  	v1 =	vld [tilespmem:s20+$0x4000];
	v9, v50, _ =	vpop (xrf1)  }
0x517: {  	(xrf1) =	vsort.dscd.msk.f32 $0xffff, v4, v5;
	vm14 =	vge.f32 v9, v3;
	v4, v5, _ =	vpop (xrf1)  }
0x518: {  	v3 =	vsel vm14, v9, v3;
	v8, v9, _ =	vpop (xrf1)  }
0x519: {  	(xrf1) =	vsort.ascd.msk.f32 $0xffff, v13, v14;
	v6 =	vsel vm14, v50, v6;
	vm15 =	vge.f32 v8, v4  }
0x51a: {  	vm4 =	vle.f32 v7, $-3.000000010e+38;
	(xrf1) =	vsort.dscd.msk.f32 $0xffff, v3, v6;
	v5 =	vsel vm15, v9, v5  }
0x51b: {  	s21 =	sor.u32 $0x2430, s6;
	(xrf1) =	vsort.ascd.msk.f32 $0xffff, v2, v1;
	v2 =	vsel vm4, $0x0, v15;
	v4 =	vsel vm15, v8, v4  }
0x51c: {  	v3 =	vld [tilespmem:s21+$0x0];
	v1 =	vsel vm4, $0xFF61B1E6, v7  }
0x51d: {  	v6 =	vld [tilespmem:s21+$0x4000]  }
0x51e: {  	s7 =	sand.u32 $0xFFFFF000, s7;
	(xrf1) =	vsort.dscd.msk.f32 $0xffff, v4, v5;
	v4, v5, _ =	vpop (xrf1)  }
0x51f: {  	s8 =	sadd.s32 $0x180, s7;
	(xrf1) =	vsort.dscd.msk.f32 $0xffff, v1, v2;
	v1, v2, _ =	vpop (xrf1)  }
0x520: {  	s7 =	sor.u32 $0x2400, s8;
	v7 =	vld [tilespmem:s1+$0x2820];
	vm5 =	vge.f32 v1, v4  }
0x521: {  	v8 =	vld [tilespmem:s7+$0x0];
	v1 =	vsel vm5, v1, v4;
	v2 =	vsel vm5, v2, v5;
	v4, v5, _ =	vpop (xrf1)  }
0x522: {  	v9 =	vld [tilespmem:s7+$0x4000];
	(xrf1) =	vsort.ascd.msk.f32 $0xffff, v3, v6;
	v6, v10, _ =	vpop (xrf1)  }
0x523: {  	v3 =	vld [tilespmem:s1+$0x6820];
	vm6 =	vge.f32 v6, v4  }
0x524: {  	(xrf1) =	vsort.dscd.msk.f32 $0xffff, v1, v2;
	v1 =	vld [tilespmem:s12+$0x2050];
	v5 =	vsel vm6, v10, v5  }
0x525: {  	v2 =	vld [tilespmem:s12+$0x6050];
	v4 =	vsel vm6, v6, v4  }
0x526: {  	v12, v13, _ =	vpop (xrf1)  }
0x527: {  	(xrf1) =	vsort.ascd.msk.f32 $0xffff, v8, v9;
	v15, v51, _ =	vpop (xrf1)  }
0x528: {  	(xrf1) =	vsort.dscd.msk.f32 $0xffff, v4, v5;
	v4, v5, _ =	vpop (xrf1)  }
0x529: {  	v11 =	vld [tilespmem:s13+$0x2020];
	(xrf1) =	vsort.ascd.msk.f32 $0xffff, v7, v3;
	vm7 =	vge.f32 v4, v12  }
0x52a: {  	s22 =	sor.u32 $0x2470, s2;
	v14 =	vld [tilespmem:s13+$0x6020];
	(xrf1) =	vsort.ascd.msk.f32 $0xffff, v1, v2;
	v2 =	vsel vm7, v5, v13  }
0x52b: {  	v6 =	vld [tilespmem:s22+$0x0];
	v1 =	vsel vm7, v4, v12  }
0x52c: {  	v3 =	vld [tilespmem:s22+$0x4000];
	v8, v9, _ =	vpop (xrf1)  }
0x52d: {  	v7, v10, _ =	vpop (xrf1)  }
0x52e: {  	vm8 =	vge.f32 v7, v15;
	(xrf1) =	vsort.dscd.msk.f32 $0xffff, v1, v2;
	v1, v2, _ =	vpop (xrf1)  }
0x52f: {  	(xrf1) =	vsort.ascd.msk.f32 $0xffff, v11, v14;
	v4 =	vsel vm8, v7, v15;
	v5 =	vsel vm8, v10, v51;
	v7, v10, _ =	vpop (xrf1)  }
0x530: {  	(xrf1) =	vsort.dscd.msk.f32 $0xffff, v4, v5;
	v11, v12, _ =	vpop (xrf1)  }
0x531: {  	(xrf1) =	vsort.ascd.msk.f32 $0xffff, v6, v3;
	vm9 =	vge.f32 v7, v1;
	vm10 =	vge.f32 v11, v8  }
0x532: {  	v1 =	vsel vm9, v7, v1;
	v2 =	vsel vm9, v10, v2;
	v6 =	vsel vm10, v12, v9  }
0x533: {  	(xrf1) =	vsort.dscd.msk.f32 $0xffff, v1, v2;
	v2 =	vsel vm10, v11, v8  }
0x534: {  	s23 =	sor.u32 $0x2440, s6  }
0x535: {  	v4 =	vld [tilespmem:s23+$0x0];
	v7, v8, _ =	vpop (xrf1)  }
0x536: {  	v5 =	vld [tilespmem:s23+$0x4000];
	(xrf1) =	vsort.dscd.msk.f32 $0xffff, v2, v6;
	v2, v6, _ =	vpop (xrf1)  }
0x537: {  	vm11 =	vge.f32 v2, v7  }
0x538: {  	v6 =	vsel vm11, v6, v8  }
0x539: {  	s24 =	sor.u32 $0x2410, s8;
	v3 =	vld [tilespmem:s1+$0x2830]  }
0x53a: {  	v10 =	vld [tilespmem:s24+$0x0]  }
0x53b: {  	v1 =	vld [tilespmem:s1+$0x6830];
	(xrf1) =	vsort.ascd.msk.f32 $0xffff, v4, v5;
	v2 =	vsel vm11, v2, v7  }
0x53c: {  	v9 =	vld [tilespmem:s0+$0x2800];
	(xrf1) =	vsort.dscd.msk.f32 $0xffff, v2, v6;
	v5, v6, _ =	vpop (xrf1)  }
0x53d: {  	v11 =	vld [tilespmem:s24+$0x4000];
	v8, v12, _ =	vpop (xrf1)  }
0x53e: {  	v4 =	vld [tilespmem:s0+$0x6800];
	vm12 =	vge.f32 v8, v5  }
0x53f: {  	v7 =	vld [tilespmem:s12+$0x6060];
	v6 =	vsel vm12, v12, v6  }
0x540: {  	v2 =	vld [tilespmem:s12+$0x2060];
	v5 =	vsel vm12, v8, v5  }
0x541: {  	(xrf1) =	vsort.ascd.msk.f32 $0xffff, v3, v1;
	v1, v3, _ =	vpop (xrf1)  }
0x542: {  	(xrf1) =	vsort.ascd.msk.f32 $0xffff, v10, v11;
	v13, v14, _ =	vpop (xrf1)  }
0x543: {  	(xrf1) =	vsort.dscd.msk.f32 $0xffff, v5, v6;
	v5, v6, _ =	vpop (xrf1)  }
0x544: {  	(xrf1) =	vsort.ascd.msk.f32 $0xffff, v9, v4;
	vm13 =	vge.f32 v5, v1  }
0x545: {  	(xrf1) =	vsort.ascd.msk.f32 $0xffff, v2, v7;
	v2 =	vsel vm13, v6, v3  }
0x546: {  	v1 =	vsel vm13, v5, v1  }
0x547: {  	v10, v11, _ =	vpop (xrf1)  }
0x548: {  	v9, v12, _ =	vpop (xrf1)  }
0x549: {  	s23 =	simm.s32 $0x300;
	s24 =	simm.s32 $0xC00;
	v8 =	vld [tilespmem:s13+$0x2030];
	vm14 =	vge.f32 v9, v13;
	(xrf1) =	vsort.dscd.msk.f32 $0xffff, v1, v2;
	v1, v2, _ =	vpop (xrf1)  }
0x54a: {  	s26 =	sand.u32 $0x380, s23;
	s25 =	sand.u32 $0x1000, s24;
	v4 =	vld [tilespmem:s13+$0x6030];
	v6 =	vsel vm14, v9, v13;
	v7 =	vsel vm14, v12, v14;
	v9, v12, _ =	vpop (xrf1)  }
0x54b: {  	s15 =	sor.u32 s26, s25;
	vm15 =	vge.f32 v9, v1  }
0x54c: {  	v3 =	vld [tilespmem:s15+$0x2000];
	v2 =	vsel vm15, v12, v2  }
0x54d: {  	v5 =	vld [tilespmem:s15+$0x6000];
	v1 =	vsel vm15, v9, v1  }
0x54e: {  	s29 =	sor.u32 $0x2450, s6;
	(xrf1) =	vsort.dscd.msk.f32 $0xffff, v6, v7  }
0x54f: {  	v6 =	vld [tilespmem:s29+$0x0];
	v7, v13, _ =	vpop (xrf1);
	(xrf1) =	vsort.ascd.msk.f32 $0xffff, v8, v4  }
0x550: {  	v4 =	vld [tilespmem:s29+$0x4000];
	(xrf1) =	vsort.dscd.msk.f32 $0xffff, v1, v2;
	v1, v2, _ =	vpop (xrf1)  }
0x551: {  	v8, v9, _ =	vpop (xrf1)  }
0x552: {  	vm4 =	vge.f32 v7, v10;
	(xrf1) =	vsort.ascd.msk.f32 $0xffff, v3, v5;
	vm5 =	vge.f32 v8, v1  }
0x553: {  	v3 =	vsel vm4, v7, v10;
	v5 =	vsel vm4, v13, v11;
	v2 =	vsel vm5, v9, v2  }
0x554: {  	(xrf1) =	vsort.dscd.msk.f32 $0xffff, v3, v5  }
0x555: {  	s31 =	sor.u32 $0x2420, s8;
	v7 =	vld [tilespmem:s1+$0x2840];
	(xrf1) =	vsort.ascd.msk.f32 $0xffff, v6, v4;
	v4, v6, _ =	vpop (xrf1);
	v1 =	vsel vm5, v8, v1  }
0x556: {  	v3 =	vld [tilespmem:s31+$0x0];
	(xrf1) =	vsort.dscd.msk.f32 $0xffff, v1, v2;
	v2, v9, _ =	vpop (xrf1)  }
0x557: {  	v5 =	vld [tilespmem:s31+$0x4000];
	v11, v12, _ =	vpop (xrf1)  }
0x558: {  	v10 =	vld [tilespmem:s12+$0x6070];
	vm6 =	vge.f32 v11, v2  }
0x559: {  	v8 =	vld [tilespmem:s1+$0x6840];
	v9 =	vsel vm6, v12, v9  }
0x55a: {  	v1 =	vld [tilespmem:s12+$0x2070]  }
0x55b: {  	v13, v14, _ =	vpop (xrf1)  }
0x55c: {  	(xrf1) =	vsort.ascd.msk.f32 $0xffff, v3, v5;
	v15, v52, _ =	vpop (xrf1);
	v2 =	vsel vm6, v11, v2  }
0x55d: {  	(xrf1) =	vsort.dscd.msk.f32 $0xffff, v2, v9;
	v5, v9, _ =	vpop (xrf1)  }
0x55e: {  	v3 =	vld [tilespmem:s0+$0x2810];
	(xrf1) =	vsort.ascd.msk.f32 $0xffff, v7, v8;
	vm7 =	vge.f32 v5, v4  }
0x55f: {  	v11 =	vld [tilespmem:s13+$0x2040];
	(xrf1) =	vsort.ascd.msk.f32 $0xffff, v1, v10;
	v1 =	vsel vm7, v5, v4;
	v4 =	vsel vm7, v9, v6  }
0x560: {  	v2 =	vld [tilespmem:s0+$0x6810]  }
0x561: {  	v7 =	vld [tilespmem:s13+$0x6040];
	v8, v12, _ =	vpop (xrf1)  }
0x562: {  	vm8 =	vge.f32 v8, v15  }
0x563: {  	(xrf1) =	vsort.dscd.msk.f32 $0xffff, v1, v4;
	v8 =	vsel vm8, v8, v15;
	v9 =	vsel vm8, v12, v52;
	v1, v4, _ =	vpop (xrf1)  }
0x564: {  	v10, v12, _ =	vpop (xrf1);
	(xrf1) =	vsort.dscd.msk.f32 $0xffff, v8, v9  }
0x565: {  	v5 =	vld [tilespmem:s15+$0x2010];
	vm9 =	vge.f32 v10, v13;
	(xrf1) =	vsort.ascd.msk.f32 $0xffff, v3, v2  }
0x566: {  	v6 =	vld [tilespmem:s15+$0x6010];
	(xrf1) =	vsort.ascd.msk.f32 $0xffff, v11, v7;
	v7 =	vsel vm9, v10, v13;
	v10 =	vsel vm9, v12, v14;
	_ =	sdelay $0x1  }
0x567: {  	v9, v15, _ =	vpop (xrf1)  }
0x568: {  	s9 =	sor.u32 $0x2460, s6;
	v3, v53, _ =	vpop (xrf1)  }
0x569: {  	v8 =	vld [tilespmem:s9+$0x0];
	vm10 =	vge.f32 v3, v1;
	(xrf1) =	vsort.dscd.msk.f32 $0xffff, v7, v10;
	v7, v10, _ =	vpop (xrf1)  }
0x56a: {  	v2 =	vld [tilespmem:s9+$0x4000];
	(xrf1) =	vsort.ascd.msk.f32 $0xffff, v5, v6;
	v1 =	vsel vm10, v3, v1;
	v3 =	vsel vm10, v53, v4;
	v4, v5, _ =	vpop (xrf1)  }
0x56b: {  	vm11 =	vge.f32 v4, v7  }
0x56c: {  	v5 =	vsel vm11, v5, v10  }
0x56d: {  	v4 =	vsel vm11, v4, v7  }
0x56e: {  	(xrf1) =	vsort.dscd.msk.f32 $0xffff, v1, v3  }
0x56f: {  	s10 =	sor.u32 $0x2430, s8;
	(xrf1) =	vsort.ascd.msk.f32 $0xffff, v8, v2  }
0x570: {  	vm12 =	vle.f32 v9, $-3.000000010e+38;
	v1 =	vld [tilespmem:s10+$0x0];
	(xrf1) =	vsort.dscd.msk.f32 $0xffff, v4, v5;
	v4, v5, _ =	vpop (xrf1)  }
0x571: {  	v3 =	vld [tilespmem:s10+$0x4000];
	v7 =	vsel vm12, $0xFF61B1E6, v9;
	v9, v10, _ =	vpop (xrf1)  }
0x572: {  	v8 =	vsel vm12, $0x0, v15;
	vm13 =	vge.f32 v9, v4  }
0x573: {  	v4 =	vsel vm13, v9, v4  }
0x574: {  	s5 =	sand.u32 $0xFFFFF000, s5;
	v11 =	vld [tilespmem:s0+$0x2820]  }
0x575: {  	s5 =	sadd.s32 $0x200, s5;
	v6 =	vld [tilespmem:s1+$0x6850];
	(xrf1) =	vsort.dscd.msk.f32 $0xffff, v7, v8;
	v8, v12, _ =	vpop (xrf1)  }
0x576: {  	s17 =	sor.u32 $0x2400, s5;
	v2 =	vld [tilespmem:s1+$0x2850];
	(xrf1) =	vsort.ascd.msk.f32 $0xffff, v1, v3;
	v14, v15, _ =	vpop (xrf1);
	v5 =	vsel vm13, v10, v5  }
0x577: {  	v13 =	vld [tilespmem:s17+$0x4000];
	(xrf1) =	vsort.dscd.msk.f32 $0xffff, v4, v5;
	v3, v4, _ =	vpop (xrf1)  }
0x578: {  	v7 =	vld [tilespmem:s17+$0x0];
	v10, v54, _ =	vpop (xrf1)  }
0x579: {  	v1 =	vld [tilespmem:s0+$0x6820];
	vm14 =	vge.f32 v3, v8;
	vm15 =	vge.f32 v10, v14  }
0x57a: {  	v9 =	vld [tilespmem:s13+$0x6050];
	v4 =	vsel vm14, v4, v12;
	v10 =	vsel vm15, v10, v14  }
0x57b: {  	v5 =	vld [tilespmem:s13+$0x2050];
	(xrf1) =	vsort.ascd.msk.f32 $0xffff, v2, v6;
	v3 =	vsel vm14, v3, v8  }
0x57c: {  	v6, v8, _ =	vpop (xrf1);
	(xrf1) =	vsort.dscd.msk.f32 $0xffff, v3, v4  }
0x57d: {  	v14 =	vsel vm15, v54, v15;
	(xrf1) =	vsort.ascd.msk.f32 $0xffff, v7, v13;
	v4, v12, _ =	vpop (xrf1)  }
0x57e: {  	(xrf1) =	vsort.dscd.msk.f32 $0xffff, v10, v14;
	v7, v10, _ =	vpop (xrf1)  }
0x57f: {  	(xrf1) =	vsort.ascd.msk.f32 $0xffff, v11, v1;
	vm4 =	vge.f32 v7, v6  }
0x580: {  	v2 =	vld [tilespmem:s15+$0x2020];
	(xrf1) =	vsort.ascd.msk.f32 $0xffff, v5, v9;
	v5 =	vsel vm4, v7, v6;
	v6 =	vsel vm4, v10, v8  }
0x581: {  	v3 =	vld [tilespmem:s15+$0x6020];
	v14, v15, _ =	vpop (xrf1)  }
0x582: {  	s18 =	sor.u32 $0x2470, s6;
	v11, v55, _ =	vpop (xrf1)  }
0x583: {  	v13 =	vld [tilespmem:s18+$0x0];
	(xrf1) =	vsort.dscd.msk.f32 $0xffff, v5, v6;
	v6, v7, _ =	vpop (xrf1)  }
0x584: {  	v1 =	vld [tilespmem:s18+$0x4000];
	v8, v9, _ =	vpop (xrf1)  }
0x585: {  	vm6 =	vge.f32 v8, v6  }
0x586: {  	vm5 =	vge.f32 v11, v4;
	(xrf1) =	vsort.ascd.msk.f32 $0xffff, v2, v3;
	v7 =	vsel vm6, v9, v7  }
0x587: {  	v2 =	vsel vm5, v11, v4;
	v3 =	vsel vm5, v55, v12;
	v6 =	vsel vm6, v8, v6  }
0x588: {  	s19 =	sor.u32 $0x2440, s8;
	v5 =	vld [tilespmem:s1+$0x2860];
	(xrf1) =	vsort.dscd.msk.f32 $0xffff, v2, v3  }
0x589: {  	v2 =	vld [tilespmem:s19+$0x0];
	(xrf1) =	vsort.ascd.msk.f32 $0xffff, v13, v1;
	v10, v11, _ =	vpop (xrf1)  }
0x58a: {  	v3 =	vld [tilespmem:s19+$0x4000];
	vm7 =	vge.f32 v10, v14;
	(xrf1) =	vsort.dscd.msk.f32 $0xffff, v6, v7;
	v6, v7, _ =	vpop (xrf1)  }
0x58b: {  	v4 =	vld [tilespmem:s1+$0x6860];
	v9 =	vsel vm7, v10, v14;
	v10 =	vsel vm7, v11, v15;
	v11, v12, _ =	vpop (xrf1)  }
0x58c: {  	v1 =	vld [tilespmem:s0+$0x2830];
	vm8 =	vge.f32 v11, v6  }
0x58d: {  	v8 =	vld [tilespmem:s0+$0x6830];
	v7 =	vsel vm8, v12, v7  }
0x58e: {  	(xrf1) =	vsort.dscd.msk.f32 $0xffff, v9, v10  }
0x58f: {  	(xrf1) =	vsort.ascd.msk.f32 $0xffff, v2, v3;
	v2, v3, _ =	vpop (xrf1);
	v6 =	vsel vm8, v11, v6  }
0x590: {  	s20 =	sor.u32 $0x2410, s5;
	v13 =	vld [tilespmem:s16+$0x2800];
	(xrf1) =	vsort.dscd.msk.f32 $0xffff, v6, v7;
	v7, v11, _ =	vpop (xrf1)  }
0x591: {  	v9 =	vld [tilespmem:s20+$0x0];
	v14, v15, _ =	vpop (xrf1);
	(xrf1) =	vsort.ascd.msk.f32 $0xffff, v5, v4  }
0x592: {  	v10 =	vld [tilespmem:s20+$0x4000];
	vm9 =	vge.f32 v7, v2;
	v5, v56, _ =	vpop (xrf1);
	(xrf1) =	vsort.ascd.msk.f32 $0xffff, v1, v8  }
0x593: {  	v12 =	vld [tilespmem:s13+$0x2060];
	v1 =	vsel vm9, v7, v2;
	v2 =	vsel vm9, v11, v3;
	vm10 =	vge.f32 v5, v14  }
0x594: {  	v6 =	vld [tilespmem:s16+$0x6800];
	v8 =	vsel vm10, v56, v15  }
0x595: {  	v4 =	vld [tilespmem:s13+$0x6060];
	v5 =	vsel vm10, v5, v14  }
0x596: {  	v3, v7, _ =	vpop (xrf1);
	(xrf1) =	vsort.dscd.msk.f32 $0xffff, v1, v2  }
0x597: {  	(xrf1) =	vsort.ascd.msk.f32 $0xffff, v9, v10;
	v1, v2, _ =	vpop (xrf1)  }
0x598: {  	(xrf1) =	vsort.dscd.msk.f32 $0xffff, v5, v8;
	v5, v8, _ =	vpop (xrf1)  }
0x599: {  	(xrf1) =	vsort.ascd.msk.f32 $0xffff, v13, v6;
	vm11 =	vge.f32 v5, v3  }
0x59a: {  	v10, v11, _ =	vpop (xrf1);
	(xrf1) =	vsort.ascd.msk.f32 $0xffff, v12, v4;
	v4 =	vsel vm11, v8, v7  }
0x59b: {  	v3 =	vsel vm11, v5, v3;
	_ =	sdelay $0x1  }
0x59c: {  	s22 =	simm.s32 $0xE00;
	s10 =	simm.s32 $0x380;
	v13, v14, _ =	vpop (xrf1)  }
0x59d: {  	s21 =	sand.u32 $0x1000, s22;
	s25 =	sand.u32 $0x380, s10;
	v9 =	vld [tilespmem:s15+$0x2030];
	(xrf1) =	vsort.dscd.msk.f32 $0xffff, v3, v4;
	v3, v4, _ =	vpop (xrf1)  }
0x59e: {  	s17 =	sor.u32 s25, s21;
	v6 =	vld [tilespmem:s15+$0x6030];
	v8, v12, _ =	vpop (xrf1)  }
0x59f: {  	v5 =	vld [tilespmem:s17+$0x2000];
	vm13 =	vge.f32 v8, v3  }
0x5a0: {  	v7 =	vld [tilespmem:s17+$0x6000];
	vm12 =	vge.f32 v13, v1;
	v4 =	vsel vm13, v12, v4  }
0x5a1: {  	v1 =	vsel vm12, v13, v1;
	v2 =	vsel vm12, v14, v2;
	v3 =	vsel vm13, v8, v3  }
0x5a2: {  	s26 =	sor.u32 $0x2450, s8;
	(xrf1) =	vsort.dscd.msk.f32 $0xffff, v1, v2  }
0x5a3: {  	v1 =	vld [tilespmem:s26+$0x0];
	v13, v14, _ =	vpop (xrf1);
	(xrf1) =	vsort.ascd.msk.f32 $0xffff, v9, v6  }
0x5a4: {  	v2 =	vld [tilespmem:s26+$0x4000];
	vm14 =	vge.f32 v13, v10;
	(xrf1) =	vsort.dscd.msk.f32 $0xffff, v3, v4;
	v3, v4, _ =	vpop (xrf1)  }
0x5a5: {  	(xrf1) =	vsort.ascd.msk.f32 $0xffff, v5, v7;
	v5 =	vsel vm14, v13, v10;
	v7 =	vsel vm14, v14, v11;
	v9, v10, _ =	vpop (xrf1)  }
0x5a6: {  	vm15 =	vge.f32 v9, v3  }
0x5a7: {  	v4 =	vsel vm15, v10, v4  }
0x5a8: {  	v6 =	vld [tilespmem:s1+$0x2870];
	(xrf1) =	vsort.dscd.msk.f32 $0xffff, v5, v7;
	v7, v12, _ =	vpop (xrf1)  }
0x5a9: {  	s29 =	sor.u32 $0x2420, s5;
	v8 =	vld [tilespmem:s1+$0x6870];
	v3 =	vsel vm15, v9, v3;
	(xrf1) =	vsort.ascd.msk.f32 $0xffff, v1, v2;
	v1, v2, _ =	vpop (xrf1)  }
0x5aa: {  	v13 =	vld [tilespmem:s29+$0x4000];
	(xrf1) =	vsort.dscd.msk.f32 $0xffff, v3, v4;
	v4, v9, _ =	vpop (xrf1)  }
0x5ab: {  	v5 =	vld [tilespmem:s29+$0x0];
	v14, v15, _ =	vpop (xrf1);
	vm4 =	vge.f32 v4, v7  }
0x5ac: {  	v58, v59, _ =	vpop (xrf1);
	v4 =	vsel vm4, v4, v7;
	v7 =	vsel vm4, v9, v12  }
0x5ad: {  	vm5 =	vge.f32 v58, v14  }
0x5ae: {  	v57 =	vld [tilespmem:s13+$0x6070];
	(xrf1) =	vsort.ascd.msk.f32 $0xffff, v6, v8;
	v12 =	vsel vm5, v59, v15  }
0x5af: {  	v11 =	vld [tilespmem:s0+$0x2840];
	v6, v8, _ =	vpop (xrf1);
	(xrf1) =	vsort.dscd.msk.f32 $0xffff, v4, v7  }
0x5b0: {  	v3 =	vld [tilespmem:s0+$0x6840];
	v9 =	vsel vm5, v58, v14;
	(xrf1) =	vsort.ascd.msk.f32 $0xffff, v5, v13;
	v4, v7, _ =	vpop (xrf1)  }
0x5b1: {  	v10 =	vld [tilespmem:s13+$0x2070];
	(xrf1) =	vsort.dscd.msk.f32 $0xffff, v9, v12;
	v12, v13, _ =	vpop (xrf1)  }
0x5b2: {  	v5 =	vld [tilespmem:s16+$0x2810];
	vm6 =	vge.f32 v12, v1  }
0x5b3: {  	v14 =	vld [tilespmem:s15+$0x2040];
	v2 =	vsel vm6, v13, v2  }
0x5b4: {  	v9 =	vld [tilespmem:s16+$0x6810];
	v1 =	vsel vm6, v12, v1  }
0x5b5: {  	(xrf1) =	vsort.ascd.msk.f32 $0xffff, v11, v3;
	v3 =	vld [tilespmem:s15+$0x6040];
	v11, v15, _ =	vpop (xrf1)  }
0x5b6: {  	(xrf1) =	vsort.ascd.msk.f32 $0xffff, v10, v57;
	vm7 =	vge.f32 v11, v4  }
0x5b7: {  	(xrf1) =	vsort.dscd.msk.f32 $0xffff, v1, v2;
	v4 =	vsel vm7, v11, v4;
	v7 =	vsel vm7, v15, v7;
	v1, v2, _ =	vpop (xrf1)  }
0x5b8: {  	(xrf1) =	vsort.dscd.msk.f32 $0xffff, v4, v7;
	v11, v13, _ =	vpop (xrf1)  }
0x5b9: {  	(xrf1) =	vsort.ascd.msk.f32 $0xffff, v5, v9;
	vm8 =	vge.f32 v11, v6  }
0x5ba: {  	v10 =	vld [tilespmem:s17+$0x2010];
	(xrf1) =	vsort.ascd.msk.f32 $0xffff, v14, v3;
	v3 =	vsel vm8, v11, v6;
	v6 =	vsel vm8, v13, v8  }
0x5bb: {  	s31 =	sor.u32 $0x2460, s8;
	v12 =	vld [tilespmem:s17+$0x6010];
	v7, v15, _ =	vpop (xrf1)  }
0x5bc: {  	v60 =	vld [tilespmem:s31+$0x4000];
	v5, v9, _ =	vpop (xrf1)  }
0x5bd: {  	s3 =	sor.u32 $0x2C00, s3;
	v4 =	vld [tilespmem:s31+$0x0];
	vm9 =	vge.f32 v5, v1;
	v11, v13, _ =	vpop (xrf1)  }
0x5be: {  	v8 =	vld [tilespmem:s3+$0x0];
	(xrf1) =	vsort.dscd.msk.f32 $0xffff, v3, v6;
	v1 =	vsel vm9, v5, v1;
	v5, v6, _ =	vpop (xrf1)  }
0x5bf: {  	v3 =	vld [tilespmem:s3+$0x4000];
	vm10 =	vge.f32 v5, v11  }
0x5c0: {  	vm11 =	vle.f32 v7, $-3.000000010e+38;
	(xrf1) =	vsort.ascd.msk.f32 $0xffff, v10, v12;
	v2 =	vsel vm9, v9, v2;
	v6 =	vsel vm10, v6, v13  }
0x5c1: {  	v7 =	vsel vm11, $0xFF61B1E6, v7;
	(xrf1) =	vsort.dscd.msk.f32 $0xffff, v1, v2  }
0x5c2: {  	(xrf1) =	vsort.ascd.msk.f32 $0xffff, v4, v60;
	v4, v9, _ =	vpop (xrf1);
	v5 =	vsel vm10, v5, v11  }
0x5c3: {  	s7 =	sor.u32 $0x2430, s5;
	(xrf1) =	vsort.dscd.msk.f32 $0xffff, v5, v6;
	v6, v10, _ =	vpop (xrf1)  }
0x5c4: {  	v1 =	vld [tilespmem:s7+$0x0];
	v11 =	vsel vm11, $0x0, v15;
	(xrf1) =	vsort.ascd.msk.f32 $0xffff, v8, v3;
	v12, v13, _ =	vpop (xrf1)  }
0x5c5: {  	v2 =	vld [tilespmem:s7+$0x4000];
	(xrf1) =	vsort.dscd.msk.f32 $0xffff, v7, v11;
	v3, v7, _ =	vpop (xrf1)  }
0x5c6: {  	vm12 =	vge.f32 v6, v4;
	vm13 =	vge.f32 v3, v12  }
0x5c7: {  	s9 =	sand.u32 $0xFFFFF000, s4;
	v14 =	vld [tilespmem:s0+$0x6850];
	v4 =	vsel vm12, v6, v4;
	v6 =	vsel vm12, v10, v9;
	v3 =	vsel vm13, v3, v12  }
0x5c8: {  	s7 =	sadd.s32 $0x280, s9;
	v5 =	vld [tilespmem:s0+$0x2850]  }
0x5c9: {  	s1 =	sor.u32 $0x2400, s7;
	v8 =	vld [tilespmem:s16+$0x2820];
	v10, v11, _ =	vpop (xrf1);
	(xrf1) =	vsort.dscd.msk.f32 $0xffff, v4, v6  }
0x5ca: {  	v9 =	vld [tilespmem:s1+$0x0];
	v7 =	vsel vm13, v7, v13;
	(xrf1) =	vsort.ascd.msk.f32 $0xffff, v1, v2;
	v6, v15, _ =	vpop (xrf1)  }
0x5cb: {  	v4 =	vld [tilespmem:s1+$0x4000];
	(xrf1) =	vsort.dscd.msk.f32 $0xffff, v3, v7;
	v2, v3, _ =	vpop (xrf1)  }
0x5cc: {  	v1 =	vld [tilespmem:s16+$0x6820];
	vm14 =	vge.f32 v2, v10;
	v13, v61, _ =	vpop (xrf1)  }
0x5cd: {  	v12 =	vld [tilespmem:s15+$0x6050];
	v3 =	vsel vm14, v3, v11;
	vm15 =	vge.f32 v13, v6  }
0x5ce: {  	v7 =	vld [tilespmem:s15+$0x2050];
	(xrf1) =	vsort.ascd.msk.f32 $0xffff, v5, v14;
	v2 =	vsel vm14, v2, v10;
	v6 =	vsel vm15, v13, v6  }
0x5cf: {  	v5 =	vld [tilespmem:s17+$0x2020];
	v10, v11, _ =	vpop (xrf1);
	(xrf1) =	vsort.dscd.msk.f32 $0xffff, v2, v3;
	v13 =	vsel vm15, v61, v15  }
0x5d0: {  	v2 =	vld [tilespmem:s17+$0x6020];
	v3, v14, _ =	vpop (xrf1);
	(xrf1) =	vsort.ascd.msk.f32 $0xffff, v9, v4  }
0x5d1: {  	(xrf1) =	vsort.dscd.msk.f32 $0xffff, v6, v13;
	v6, v9, _ =	vpop (xrf1)  }
0x5d2: {  	v13, v15, _ =	vpop (xrf1);
	vm4 =	vge.f32 v6, v10;
	(xrf1) =	vsort.ascd.msk.f32 $0xffff, v8, v1  }
0x5d3: {  	v1, v8, _ =	vpop (xrf1);
	(xrf1) =	vsort.ascd.msk.f32 $0xffff, v7, v12;
	v6 =	vsel vm4, v6, v10;
	v7 =	vsel vm4, v9, v11  }
0x5d4: {  	vm5 =	vge.f32 v1, v3;
	(xrf1) =	vsort.dscd.msk.f32 $0xffff, v6, v7  }
0x5d5: {  	s18 =	sor.u32 $0x2470, s8;
	v9, v10, _ =	vpop (xrf1);
	(xrf1) =	vsort.ascd.msk.f32 $0xffff, v5, v2;
	v2 =	vsel vm5, v8, v14  }
0x5d6: {  	v62 =	vld [tilespmem:s18+$0x4000]  }
0x5d7: {  	v4 =	vld [tilespmem:s18+$0x0];
	v1 =	vsel vm5, v1, v3;
	v3, v5, _ =	vpop (xrf1)  }
0x5d8: {  	(xrf1) =	vsort.dscd.msk.f32 $0xffff, v1, v2;
	vm6 =	vge.f32 v3, v9;
	v2, v8, _ =	vpop (xrf1)  }
0x5d9: {  	v5 =	vsel vm6, v5, v10;
	v11, v12, _ =	vpop (xrf1)  }
0x5da: {  	vm7 =	vge.f32 v11, v13  }
0x5db: {  	v10 =	vsel vm7, v12, v15  }
0x5dc: {  	s19 =	sor.u32 $0x2440, s5;
	v3 =	vsel vm6, v3, v9;
	(xrf1) =	vsort.ascd.msk.f32 $0xffff, v4, v62;
	v9 =	vsel vm7, v11, v13  }
0x5dd: {  	v14 =	vld [tilespmem:s19+$0x4000];
	(xrf1) =	vsort.dscd.msk.f32 $0xffff, v3, v5;
	v4, v5, _ =	vpop (xrf1)  }
0x5de: {  	v1 =	vld [tilespmem:s19+$0x0];
	v11, v12, _ =	vpop (xrf1)  }
0x5df: {  	v6 =	vld [tilespmem:s0+$0x2860];
	(xrf1) =	vsort.dscd.msk.f32 $0xffff, v9, v10;
	v9, v10, _ =	vpop (xrf1)  }
0x5e0: {  	v7 =	vld [tilespmem:s0+$0x6860];
	vm8 =	vge.f32 v4, v2;
	vm9 =	vge.f32 v9, v11  }
0x5e1: {  	v3 =	vld [tilespmem:s16+$0x2830];
	v2 =	vsel vm8, v4, v2;
	v4 =	vsel vm8, v5, v8;
	v8 =	vsel vm9, v10, v12  }
0x5e2: {  	v13 =	vld [tilespmem:s16+$0x6830];
	(xrf1) =	vsort.dscd.msk.f32 $0xffff, v2, v4  }
0x5e3: {  	(xrf1) =	vsort.ascd.msk.f32 $0xffff, v1, v14;
	v4 =	vsel vm9, v9, v11;
	v1, v9, _ =	vpop (xrf1)  }
0x5e4: {  	s20 =	sor.u32 $0x2410, s7;
	v15 =	vld [tilespmem:s14+$0x2800];
	(xrf1) =	vsort.dscd.msk.f32 $0xffff, v4, v8;
	v8, v10, _ =	vpop (xrf1)  }
0x5e5: {  	v5 =	vld [tilespmem:s20+$0x0];
	v12, v14, _ =	vpop (xrf1)  }
0x5e6: {  	v2 =	vld [tilespmem:s20+$0x4000];
	(xrf1) =	vsort.ascd.msk.f32 $0xffff, v6, v7;
	vm10 =	vge.f32 v8, v1;
	v7, v63, _ =	vpop (xrf1)  }
0x5e7: {  	v11 =	vld [tilespmem:s15+$0x2060];
	(xrf1) =	vsort.ascd.msk.f32 $0xffff, v3, v13;
	v3 =	vsel vm10, v10, v9;
	vm11 =	vge.f32 v7, v12  }
0x5e8: {  	v4 =	vld [tilespmem:s14+$0x6800];
	v1 =	vsel vm10, v8, v1;
	v7 =	vsel vm11, v7, v12  }
0x5e9: {  	v6 =	vld [tilespmem:s15+$0x6060]  }
0x5ea: {  	v8, v9, _ =	vpop (xrf1);
	(xrf1) =	vsort.dscd.msk.f32 $0xffff, v1, v3  }
0x5eb: {  	v10 =	vsel vm11, v63, v14;
	(xrf1) =	vsort.ascd.msk.f32 $0xffff, v5, v2;
	v1, v3, _ =	vpop (xrf1)  }
0x5ec: {  	(xrf1) =	vsort.dscd.msk.f32 $0xffff, v7, v10;
	v5, v7, _ =	vpop (xrf1)  }
0x5ed: {  	(xrf1) =	vsort.ascd.msk.f32 $0xffff, v15, v4;
	vm12 =	vge.f32 v5, v8  }
0x5ee: {  	(xrf1) =	vsort.ascd.msk.f32 $0xffff, v11, v6;
	v6 =	vsel vm12, v7, v9  }
0x5ef: {  	v2 =	vld [tilespmem:s17+$0x2030];
	v12, v13, _ =	vpop (xrf1)  }
0x5f0: {  	s25 =	simm.s32 $0x400;
	s26 =	simm.s32 $0x1000;
	v10 =	vld [tilespmem:s17+$0x6030];
	v4, v14, _ =	vpop (xrf1)  }
0x5f1: {  	s21 =	sand.u32 $0x1000, s26;
	s29 =	sand.u32 $0x380, s25;
	v5 =	vsel vm12, v5, v8;
	vm13 =	vge.f32 v4, v1;
	v8, v9, _ =	vpop (xrf1)  }
0x5f2: {  	s9 =	sor.u32 s29, s21;
	(xrf1) =	vsort.dscd.msk.f32 $0xffff, v5, v6;
	v1 =	vsel vm13, v4, v1;
	v4, v6, _ =	vpop (xrf1)  }
0x5f3: {  	v15 =	vld [tilespmem:s9+$0x6000];
	v3 =	vsel vm13, v14, v3;
	vm14 =	vge.f32 v4, v8  }
0x5f4: {  	v11 =	vld [tilespmem:s9+$0x2000];
	(xrf1) =	vsort.dscd.msk.f32 $0xffff, v1, v3;
	v1 =	vsel vm14, v4, v8  }
0x5f5: {  	s31 =	sor.u32 $0x2450, s5;
	(xrf1) =	vsort.ascd.msk.f32 $0xffff, v2, v10;
	v2 =	vsel vm14, v6, v9  }
0x5f6: {  	v7 =	vld [tilespmem:s31+$0x4000]  }
0x5f7: {  	s28 =	simm.s32 $0x9;
	v5 =	vld [tilespmem:s31+$0x0];
	v3, v14, _ =	vpop (xrf1)  }
0x5f8: {  	s4 =	simm.s32 $0x6;
	s3 =	simm.s32 $0x3;
	s21 =	simm.s32 $0x2;
	v4 =	vld [tilespmem:s0+$0x2870];
	(xrf1) =	vsort.dscd.msk.f32 $0xffff, v1, v2;
	v2, v1, _ =	vpop (xrf1)  }
0x5f9: {  	s30 =	sor.u32 $0x2420, s7;
	s1 =	simm.s32 $0x1;
	s18 =	simm.s32 $0x7;
	v6 =	vld [tilespmem:s0+$0x6870];
	vm15 =	vge.f32 v3, v12;
	(xrf1) =	vsort.ascd.msk.f32 $0xffff, v11, v15;
	v9, v8, _ =	vpop (xrf1)  }
0x5fa: {  	s19 =	simm.s32 $0x5;
	s20 =	simm.s32 $0x4;
	s0 =	simm.s32 $0x8;
	v12 =	vsel vm15, v3, v12;
	v13 =	vsel vm15, v14, v13;
	v3 =	vld [tilespmem:s16+$0x2840];
	(xrf2) =	vadd.scan.msk.f32 $0xffff, v1;
	v1 =	vimm.f32 $0.0e+00;
	v11, v10, _ =	vpop (xrf1)  }
.LBB2_4:
0x5fb: {  	p0 =	sne.s32 s28, $0xF;
	(xrf1) =	vsort.dscd.msk.f32 $0xffff, v12, v13;
	v12 =	vld [tilespmem:s30+$0x0];
	vm0 =	vge.f32 v11, v9;
	v13, v14, _ =	vpop (xrf1);
	s29 =	smov.u32 s15;
	s15 =	smov.u32 s17  }
0x5fc: {  	s17 =	smov.u32 s9;
	v15 =	vld [tilespmem:s30+$0x4000];
	v11 =	vsel vm0, v11, v9;
	v8 =	vsel vm0, v10, v8;
	(xrf1) =	vsort.ascd.msk.f32 $0xffff, v5, v7;
	v5, v7, _ =	vpop (xrf1)  }
0x5fd: {  	(xrf1) =	vsort.dscd.msk.f32 $0xffff, v11, v8;
	v8 =	vld [tilespmem:s16+$0x6840];
	v9, v10, _ =	vpop (xrf1)  }
0x5fe: {  	v11 =	vld [tilespmem:s29+$0x2070];
	v16, v17, _ =	vpop (xrf1);
	vm0 =	vge.f32 v9, v13  }
0x5ff: {  	v19, v20, _ =	vpop (xrf1)  }
0x600: {  	v9 =	vsel vm0, v9, v13;
	v13 =	vsel vm0, v10, v14;
	vm0 =	vge.f32 v19, v16  }
0x601: {  	v18 =	vld [tilespmem:s29+$0x6070];
	(xrf1) =	vsort.ascd.msk.f32 $0xffff, v4, v6;
	v14 =	vsel vm0, v20, v17  }
0x602: {  	v4, v6, _ =	vpop (xrf1);
	(xrf1) =	vsort.dscd.msk.f32 $0xffff, v9, v13  }
0x603: {  	v13 =	vsel vm0, v19, v16;
	v9, v10, _ =	vpop (xrf1);
	(xrf1) =	vsort.ascd.msk.f32 $0xffff, v12, v15;
	v12 =	vld [tilespmem:s14+$0x2810]  }
0x604: {  	(xrf1) =	vsort.dscd.msk.f32 $0xffff, v13, v14;
	v13 =	vld [tilespmem:s14+$0x6810];
	v14, v15, _ =	vpop (xrf1)  }
0x605: {  	v16 =	vld [tilespmem:s15+$0x2040];
	vm0 =	vge.f32 v14, v5;
	(xrf1) =	vsort.ascd.msk.f32 $0xffff, v3, v8;
	v3, _, _ =	vpop (xrf2)  }
0x606: {  	v8 =	vld [tilespmem:s15+$0x6040];
	v17, v19, _ =	vpop (xrf1);
	(xrf1) =	vsort.ascd.msk.f32 $0xffff, v11, v18;
	v5 =	vsel vm0, v14, v5;
	v7 =	vsel vm0, v15, v7;
	vm0 =	vge.f32 v3, $8.000000000e+00  }
0x607: {  	v3 =	vld [tilespmem:s17+$0x2010];
	v11, v14, _ =	vpop (xrf1);
	vm1 =	vge.f32 v17, v9;
	(xrf1) =	vsort.dscd.msk.f32 $0xffff, v5, v7;
	v2 =	vnsel vm0, $0xFF61B1E6, v2  }
0x608: {  	s9 =	sor.u32 $0x2460, s5;
	v5 =	vld [tilespmem:s17+$0x6010];
	v18 =	vsel vm1, v17, v9;
	v17 =	vsel vm1, v19, v10;
	v10, v15, _ =	vpop (xrf1);
	(xrf0) =	vmax.scan.msk.f32 $0xffff, v2  }
0x609: {  	(xrf1) =	vsort.dscd.msk.f32 $0xffff, v18, v17;
	v2 =	vld [tilespmem:s9+$0x0]  }
0x60a: {  	vm0 =	vge.f32 v10, v4;
	v7, v9, _ =	vpop (xrf1);
	v17 =	vld [tilespmem:s9+$0x4000];
	(xrf1) =	vsort.ascd.msk.f32 $0xffff, v12, v13;
	s9 =	sor.u32 $0x2C00, s2;
	s2 =	smov.u32 s6;
	s6 =	smov.u32 s8  }
0x60b: {  	v4 =	vsel vm0, v10, v4;
	s8 =	smov.u32 s5;
	s5 =	smov.u32 s7;
	v12, v13, _ =	vpop (xrf1);
	(xrf1) =	vsort.ascd.msk.f32 $0xffff, v16, v8;
	v16 =	vsel vm0, v15, v6;
	v8 =	vld [tilespmem:s9+$0x0]  }
0x60c: {  	vm0 =	vge.f32 v12, v11;
	v10, v15, _ =	vpop (xrf1);
	(xrf1) =	vsort.dscd.msk.f32 $0xffff, v4, v16;
	v4 =	vld [tilespmem:s9+$0x4000]  }
0x60d: {  	s7 =	sor.u32 $0x2430, s5;
	(xrf1) =	vsort.ascd.msk.f32 $0xffff, v3, v5;
	v3 =	vsel vm0, v12, v11;
	v5 =	vsel vm0, v13, v14;
	v6, v11, _ =	vpop (xrf1)  }
0x60e: {  	vm0 =	vle.f32 v7, $-3.000000010e+38;
	(xrf1) =	vsort.dscd.msk.f32 $0xffff, v3, v5;
	v3 =	vld [tilespmem:s7+$0x0];
	vm1 =	vge.f32 v6, v10;
	v5 =	vmov s11;
	v12, _, _ =	vpop (xrf0);
	s11 =	smov.u32 s1;
	s1 =	smov.u32 s21;
	s21 =	smov.u32 s3  }
0x60f: {  	s3 =	smov.u32 s20;
	s20 =	smov.u32 s19;
	s19 =	smov.u32 s4;
	v13 =	vld [tilespmem:s7+$0x4000];
	v6 =	vsel vm1, v6, v10;
	v16 =	vsel vm1, v11, v15;
	(xrf1) =	vsort.ascd.msk.f32 $0xffff, v2, v17;
	v2, v11, _ =	vpop (xrf1);
	v18 =	vbroadcast v12, $0xF  }
0x610: {  	v7 =	vsel vm0, $0xFF61B1E6, v7;
	s4 =	sand.u32 $0xFFFFF000, s24;
	s24 =	smov.u32 s22;
	s22 =	smov.u32 s26;
	vm1 =	veq.s32 v5, v0;
	(xrf1) =	vsort.dscd.msk.f32 $0xffff, v6, v16;
	v6 =	vld [tilespmem:s16+$0x2850];
	v10, v14, _ =	vpop (xrf1)  }
0x611: {  	v17 =	vsel vm0, $0x0, v9;
	s7 =	sadd.s32 s4, s23;
	s23 =	smov.u32 s10;
	s10 =	smov.u32 s25;
	v9, v15, _ =	vpop (xrf1);
	v16 =	vld [tilespmem:s16+$0x6850];
	vm0 =	vge.f32 v10, v2;
	(xrf1) =	vsort.ascd.msk.f32 $0xffff, v8, v4;
	v1 =	vsel vm1, v18, v1  }
0x612: {  	(xrf1) =	vsort.dscd.msk.f32 $0xffff, v7, v17;
	v4, v5, _ =	vpop (xrf1)  }
0x613: {  	s4 =	smov.u32 s18;
	s18 =	smov.u32 s0;
	s9 =	sor.u32 $0x2400, s7;
	v7 =	vld [tilespmem:s14+$0x2820];
	v2 =	vsel vm0, v10, v2;
	v17 =	vsel vm0, v14, v11;
	vm0 =	vge.f32 v4, v9  }
0x614: {  	s0 =	smov.u32 s28;
	v10 =	vld [tilespmem:s9+$0x0];
	v11, v12, _ =	vpop (xrf1);
	(xrf1) =	vsort.dscd.msk.f32 $0xffff, v2, v17;
	v17 =	vsel vm0, v4, v9  }
0x615: {  	v2 =	vld [tilespmem:s9+$0x4000];
	v8, v14, _ =	vpop (xrf1);
	v9 =	vsel vm0, v5, v15;
	(xrf1) =	vsort.ascd.msk.f32 $0xffff, v3, v13  }
0x616: {  	(xrf1) =	vsort.dscd.msk.f32 $0xffff, v17, v9;
	v3 =	vld [tilespmem:s14+$0x6820];
	v4, v5, _ =	vpop (xrf1)  }
0x617: {  	v9 =	vld [tilespmem:s15+$0x2050];
	vm0 =	vge.f32 v4, v11  }
0x618: {  	v13 =	vld [tilespmem:s15+$0x6050];
	v4 =	vsel vm0, v4, v11;
	v18 =	vsel vm0, v5, v12;
	v15, v17, _ =	vpop (xrf1);
	(xrf1) =	vsort.ascd.msk.f32 $0xffff, v6, v16  }
0x619: {  	v6 =	vld [tilespmem:s17+$0x2020];
	vm0 =	vge.f32 v15, v8;
	v11, v12, _ =	vpop (xrf1);
	(xrf1) =	vsort.dscd.msk.f32 $0xffff, v4, v18  }
0x61a: {  	s9 =	sor.u32 $0x2470, s8;
	v4 =	vld [tilespmem:s17+$0x6020];
	v5, v16, _ =	vpop (xrf1);
	v18 =	vsel vm0, v15, v8;
	v17 =	vsel vm0, v17, v14;
	(xrf1) =	vsort.ascd.msk.f32 $0xffff, v10, v2  }
0x61b: {  	(xrf1) =	vsort.dscd.msk.f32 $0xffff, v18, v17;
	v2 =	vld [tilespmem:s9+$0x0];
	v8, v10, _ =	vpop (xrf1)  }
0x61c: {  	v14, v15, _ =	vpop (xrf1);
	v17 =	vld [tilespmem:s9+$0x4000];
	vm0 =	vge.f32 v8, v11;
	(xrf1) =	vsort.ascd.msk.f32 $0xffff, v7, v3  }
0x61d: {  	v3, v7, _ =	vpop (xrf1);
	(xrf1) =	vsort.ascd.msk.f32 $0xffff, v9, v13;
	v8 =	vsel vm0, v8, v11;
	v13 =	vsel vm0, v10, v12  }
0x61e: {  	vm0 =	vge.f32 v3, v5;
	v10, v11, _ =	vpop (xrf1);
	(xrf1) =	vsort.dscd.msk.f32 $0xffff, v8, v13;
	v8 =	vld [tilespmem:s16+$0x2860]  }
0x61f: {  	s9 =	sor.u32 $0x2440, s5;
	(xrf1) =	vsort.ascd.msk.f32 $0xffff, v6, v4;
	v3 =	vsel vm0, v3, v5;
	v16 =	vsel vm0, v7, v16;
	v5, v6, _ =	vpop (xrf1);
	v7 =	vld [tilespmem:s16+$0x6860]  }
0x620: {  	(xrf1) =	vsort.dscd.msk.f32 $0xffff, v3, v16;
	v3 =	vld [tilespmem:s9+$0x0];
	vm0 =	vge.f32 v5, v10;
	v4, v9, _ =	vpop (xrf1)  }
0x621: {  	v12, v13, _ =	vpop (xrf1)  }
0x622: {  	v18 =	vsel vm0, v5, v10;
	v10 =	vsel vm0, v6, v11;
	vm0 =	vge.f32 v12, v14  }
0x623: {  	v16 =	vld [tilespmem:s9+$0x4000];
	(xrf1) =	vsort.ascd.msk.f32 $0xffff, v2, v17;
	v11 =	vsel vm0, v13, v15  }
0x624: {  	(xrf1) =	vsort.dscd.msk.f32 $0xffff, v18, v10;
	v10 =	vsel vm0, v12, v14  }
0x625: {  	v2 =	vld [tilespmem:s14+$0x2830];
	v5, v6, _ =	vpop (xrf1)  }
0x626: {  	v12, v13, _ =	vpop (xrf1);
	v14 =	vld [tilespmem:s14+$0x6830];
	vm0 =	vge.f32 v5, v4  }
0x627: {  	s9 =	sor.u32 $0x2410, s7;
	(xrf1) =	vsort.dscd.msk.f32 $0xffff, v10, v11;
	v15 =	vld [tilespmem:s12+$0x2800];
	v4 =	vsel vm0, v5, v4;
	v5 =	vsel vm0, v6, v9;
	v10, v11, _ =	vpop (xrf1)  }
0x628: {  	v6 =	vld [tilespmem:s9+$0x0];
	vm0 =	vge.f32 v10, v12;
	(xrf1) =	vsort.dscd.msk.f32 $0xffff, v4, v5  }
0x629: {  	v4 =	vld [tilespmem:s9+$0x4000];
	v5 =	vsel vm0, v10, v12;
	v12 =	vsel vm0, v11, v13;
	(xrf1) =	vsort.ascd.msk.f32 $0xffff, v3, v16;
	v3, v10, _ =	vpop (xrf1)  }
0x62a: {  	(xrf1) =	vsort.dscd.msk.f32 $0xffff, v5, v12;
	v5 =	vld [tilespmem:s12+$0x6800];
	v9, v11, _ =	vpop (xrf1)  }
0x62b: {  	v12 =	vld [tilespmem:s15+$0x2060];
	v13, v16, _ =	vpop (xrf1);
	vm0 =	vge.f32 v9, v3;
	(xrf1) =	vsort.ascd.msk.f32 $0xffff, v8, v7  }
0x62c: {  	v7 =	vld [tilespmem:s15+$0x6060];
	v8, v17, _ =	vpop (xrf1);
	(xrf1) =	vsort.ascd.msk.f32 $0xffff, v2, v14;
	v14 =	vsel vm0, v9, v3;
	v11 =	vsel vm0, v11, v10  }
0x62d: {  	vm0 =	vge.f32 v8, v13;
	v9, v10, _ =	vpop (xrf1);
	(xrf1) =	vsort.dscd.msk.f32 $0xffff, v14, v11  }
0x62e: {  	v2, v3, _ =	vpop (xrf1);
	v18 =	vsel vm0, v8, v13;
	v11 =	vsel vm0, v17, v16;
	(xrf1) =	vsort.ascd.msk.f32 $0xffff, v6, v4  }
0x62f: {  	s26 =	sadd.s32 $0x200, s26;
	s25 =	sadd.s32 $0x80, s25;
	v4 =	vld [tilespmem:s17+$0x2030];
	(xrf1) =	vsort.dscd.msk.f32 $0xffff, v18, v11;
	v6, v8, _ =	vpop (xrf1)  }
0x630: {  	s30 =	sand.u32 $0x380, s25;
	s9 =	sand.u32 $0x1000, s26;
	v11 =	vld [tilespmem:s17+$0x6030];
	v13, v14, _ =	vpop (xrf1);
	(xrf1) =	vsort.ascd.msk.f32 $0xffff, v15, v5;
	vm0 =	vge.f32 v6, v9  }
0x631: {  	s9 =	sor.u32 s30, s9;
	v5, v15, _ =	vpop (xrf1);
	(xrf1) =	vsort.ascd.msk.f32 $0xffff, v12, v7;
	v16 =	vsel vm0, v6, v9;
	v7 =	vsel vm0, v8, v10  }
0x632: {  	v10 =	vld [tilespmem:s9+$0x2000];
	vm0 =	vge.f32 v5, v2;
	v8, v9, _ =	vpop (xrf1);
	(xrf1) =	vsort.dscd.msk.f32 $0xffff, v16, v7  }
0x633: {  	s30 =	sor.u32 $0x2450, s5;
	v12 =	vld [tilespmem:s9+$0x6000];
	v2 =	vsel vm0, v5, v2;
	v7 =	vsel vm0, v15, v3;
	v6, v15, _ =	vpop (xrf1)  }
.Ltmp1:
0x634: {  	(xrf1) =	vsort.dscd.msk.f32 $0xffff, v2, v7;
	v5 =	vld [tilespmem:s30+$0x0];
	vm0 =	vge.f32 v6, v8;
	(pc) =	sbr.rel @p0 .LBB2_4-.Ltmp1, $4  }
0x635: {  	v3, v16, _ =	vpop (xrf1);
	(xrf1) =	vsort.ascd.msk.f32 $0xffff, v4, v11;
	v7 =	vld [tilespmem:s30+$0x4000];
	v6 =	vsel vm0, v6, v8;
	v4 =	vsel vm0, v15, v9  }
0x636: {  	(xrf1) =	vsort.dscd.msk.f32 $0xffff, v6, v4;
	v4 =	vld [tilespmem:s16+$0x2870];
	v2, v11, _ =	vpop (xrf1)  }
0x637: {  	vm0 =	vge.f32 v3, v13;
	v9, v8, _ =	vpop (xrf1);
	v6 =	vld [tilespmem:s16+$0x6870];
	(xrf2) =	vadd.scan.msk.f32 $0xffff, v11;
	s16 =	smov.u32 s14;
	s14 =	smov.u32 s12;
	s12 =	smov.u32 s13  }
0x638: {  	s28 =	sadd.s32 $0x1, s28;
	s30 =	sor.u32 $0x2420, s7;
	s13 =	smov.u32 s29;
	(xrf1) =	vsort.ascd.msk.f32 $0xffff, v10, v12;
	v12 =	vsel vm0, v3, v13;
	v13 =	vsel vm0, v16, v14;
	v11, v10, _ =	vpop (xrf1);
	v3 =	vld [tilespmem:s16+$0x2840]  }
0x639: {  	(xrf1) =	vsort.dscd.msk.f32 $0xffff, v12, v13;
	v59, v14, _ =	vpop (xrf1)  }
0x63a: {  	(xrf1) =	vsort.ascd.msk.f32 $0xffff, v5, v7;
	v5, v7, _ =	vpop (xrf1)  }
0x63b: {  	v62, v61, _ =	vpop (xrf1)  }
0x63c: {  	vm0 =	vge.f32 v11, v9;
	vm7 =	vge.f32 v62, v59  }
0x63d: {  	v58 =	vld [tilespmem:s30+$0x0];
	v9 =	vsel vm0, v11, v9;
	v8 =	vsel vm0, v10, v8;
	v10 =	vsel vm7, v61, v14  }
0x63e: {  	v15 =	vld [tilespmem:s30+$0x4000];
	(xrf1) =	vsort.dscd.msk.f32 $0xffff, v9, v8;
	v16, v17, _ =	vpop (xrf1);
	v9 =	vsel vm7, v62, v59  }
0x63f: {  	v60 =	vld [tilespmem:s16+$0x6840];
	v19, v20, _ =	vpop (xrf1)  }
0x640: {  	v63 =	vld [tilespmem:s15+$0x2070];
	(xrf1) =	vsort.ascd.msk.f32 $0xffff, v4, v6;
	v4, v6, _ =	vpop (xrf1)  }
0x641: {  	v18 =	vld [tilespmem:s15+$0x6070];
	vm8 =	vge.f32 v19, v16;
	(xrf1) =	vsort.dscd.msk.f32 $0xffff, v9, v10;
	v9, v10, _ =	vpop (xrf1)  }
0x642: {  	v19 =	vsel vm8, v19, v16;
	v25, v24, _ =	vpop (xrf1)  }
0x643: {  	v22 =	vld [tilespmem:s14+$0x2810];
	v21 =	vsel vm8, v20, v17;
	(xrf1) =	vsort.ascd.msk.f32 $0xffff, v58, v15;
	vm9 =	vge.f32 v25, v5  }
0x644: {  	v23 =	vld [tilespmem:s14+$0x6810];
	(xrf1) =	vsort.dscd.msk.f32 $0xffff, v19, v21;
	v7 =	vsel vm9, v24, v7  }
0x645: {  	v26 =	vld [tilespmem:s17+$0x2040];
	(xrf1) =	vsort.ascd.msk.f32 $0xffff, v3, v60;
	v5 =	vsel vm9, v25, v5  }
0x646: {  	v3 =	vld [tilespmem:s17+$0x6040];
	v28, v27, _ =	vpop (xrf1);
	(xrf1) =	vsort.ascd.msk.f32 $0xffff, v63, v18  }
0x647: {  	v29 =	vld [tilespmem:s9+$0x2010];
	vm10 =	vge.f32 v28, v9;
	(xrf1) =	vsort.dscd.msk.f32 $0xffff, v5, v7  }
0x648: {  	v30 =	vld [tilespmem:s9+$0x6010];
	s28 =	sor.u32 $0x2460, s5;
	v8 =	vsel vm10, v28, v9;
	v31 =	vsel vm10, v27, v10;
	v5, v7, _ =	vpop (xrf1)  }
0x649: {  	v34 =	vld [tilespmem:s28+$0x0];
	v33, v32, _ =	vpop (xrf1);
	(xrf1) =	vsort.dscd.msk.f32 $0xffff, v8, v31  }
0x64a: {  	s2 =	sor.u32 $0x2C00, s2;
	v35 =	vld [tilespmem:s28+$0x4000];
	v37, v36, _ =	vpop (xrf1);
	vm11 =	vge.f32 v33, v4;
	(xrf1) =	vsort.ascd.msk.f32 $0xffff, v22, v23  }
0x64b: {  	v39 =	vld [tilespmem:s2+$0x0];
	v12, v13, _ =	vpop (xrf1);
	(xrf1) =	vsort.ascd.msk.f32 $0xffff, v26, v3;
	v3 =	vsel vm11, v33, v4;
	v38 =	vsel vm11, v32, v6  }
0x64c: {  	v40 =	vld [tilespmem:s2+$0x4000];
	vm12 =	vge.f32 v12, v5;
	v42, v41, _ =	vpop (xrf1);
	(xrf1) =	vsort.dscd.msk.f32 $0xffff, v3, v38  }
0x64d: {  	(xrf1) =	vsort.ascd.msk.f32 $0xffff, v29, v30;
	v3 =	vsel vm12, v12, v5;
	v43 =	vsel vm12, v13, v7;
	v44, v45, _ =	vpop (xrf1)  }
0x64e: {  	s29 =	sor.u32 $0x2430, s7;
	v47 =	vld [tilespmem:s16+$0x2850];
	(xrf1) =	vsort.dscd.msk.f32 $0xffff, v3, v43;
	vm13 =	vge.f32 v44, v42  }
0x64f: {  	v46 =	vld [tilespmem:s29+$0x4000];
	v8, v9, _ =	vpop (xrf1);
	v5 =	vsel vm13, v44, v42;
	v7 =	vsel vm13, v45, v41;
	(xrf1) =	vsort.ascd.msk.f32 $0xffff, v34, v35  }
0x650: {  	s30 =	sand.u32 $0xFFFFF000, s24;
	vm14 =	vle.f32 v37, $-3.000000010e+38;
	v3 =	vld [tilespmem:s29+$0x0];
	v49, v48, _ =	vpop (xrf1);
	(xrf1) =	vsort.dscd.msk.f32 $0xffff, v5, v7  }
0x651: {  	v54 =	vld [tilespmem:s16+$0x6850];
	s2 =	sadd.s32 s30, s23;
	v50 =	vsel vm14, $0xFF61B1E6, v37;
	v51 =	vsel vm14, $0x0, v36;
	v52, v53, _ =	vpop (xrf1);
	vm15 =	vge.f32 v49, v8;
	(xrf1) =	vsort.ascd.msk.f32 $0xffff, v39, v40  }
0x652: {  	v55 =	vld [tilespmem:s14+$0x2820];
	s23 =	sor.u32 $0x2400, s2;
	v6, v10, _ =	vpop (xrf1);
	v7 =	vsel vm15, v49, v8;
	v56 =	vsel vm15, v48, v9;
	(xrf1) =	vsort.dscd.msk.f32 $0xffff, v50, v51  }
0x653: {  	v57 =	vld [tilespmem:s23+$0x0];
	v59, v58, _ =	vpop (xrf1);
	(xrf1) =	vsort.dscd.msk.f32 $0xffff, v7, v56  }
0x654: {  	v60 =	vld [tilespmem:s23+$0x4000];
	vm4 =	vge.f32 v6, v52;
	v62, v61, _ =	vpop (xrf1)  }
0x655: {  	v22 =	vld [tilespmem:s17+$0x2050];
	v6 =	vsel vm4, v6, v52;
	v10 =	vsel vm4, v10, v53;
	(xrf1) =	vsort.ascd.msk.f32 $0xffff, v3, v46;
	v63, v21, _ =	vpop (xrf1)  }
0x656: {  	v3 =	vld [tilespmem:s14+$0x6820];
	(xrf1) =	vsort.dscd.msk.f32 $0xffff, v6, v10;
	vm5 =	vge.f32 v63, v59  }
0x657: {  	v23 =	vld [tilespmem:s17+$0x6050];
	v4 =	vsel vm5, v63, v59;
	v6 =	vsel vm5, v21, v58;
	v25, v24, _ =	vpop (xrf1);
	(xrf1) =	vsort.ascd.msk.f32 $0xffff, v47, v54  }
0x658: {  	v26 =	vld [tilespmem:s9+$0x2020];
	vm6 =	vge.f32 v25, v62;
	v27, v28, _ =	vpop (xrf1);
	(xrf1) =	vsort.dscd.msk.f32 $0xffff, v4, v6  }
0x659: {  	s31 =	sor.u32 $0x2470, s5;
	v29 =	vld [tilespmem:s9+$0x6020];
	v31, v30, _ =	vpop (xrf1);
	v8 =	vsel vm6, v25, v62;
	v32 =	vsel vm6, v24, v61;
	(xrf1) =	vsort.ascd.msk.f32 $0xffff, v57, v60  }
0x65a: {  	v33 =	vld [tilespmem:s31+$0x0];
	(xrf1) =	vsort.dscd.msk.f32 $0xffff, v8, v32;
	v35, v34, _ =	vpop (xrf1)  }
0x65b: {  	v37 =	vld [tilespmem:s31+$0x4000];
	v36, v17, _ =	vpop (xrf1);
	vm7 =	vge.f32 v35, v27;
	(xrf1) =	vsort.ascd.msk.f32 $0xffff, v55, v3  }
0x65c: {  	v3, v12, _ =	vpop (xrf1);
	(xrf1) =	vsort.ascd.msk.f32 $0xffff, v22, v23;
	v8 =	vsel vm7, v35, v27;
	v9 =	vsel vm7, v34, v28  }
0x65d: {  	vm8 =	vge.f32 v3, v31;
	v38, v39, _ =	vpop (xrf1);
	(xrf1) =	vsort.dscd.msk.f32 $0xffff, v8, v9  }
0x65e: {  	s24 =	sor.u32 $0x2440, s7;
	(xrf1) =	vsort.ascd.msk.f32 $0xffff, v26, v29;
	v3 =	vsel vm8, v3, v31;
	v41 =	vsel vm8, v12, v30;
	v42, v43, _ =	vpop (xrf1)  }
0x65f: {  	v48 =	vld [tilespmem:s24+$0x4000];
	(xrf1) =	vsort.dscd.msk.f32 $0xffff, v3, v41;
	vm9 =	vge.f32 v42, v38;
	v45, v12, _ =	vpop (xrf1)  }
0x660: {  	v3 =	vld [tilespmem:s24+$0x0];
	v47, v46, _ =	vpop (xrf1);
	v5 =	vsel vm9, v42, v38;
	v6 =	vsel vm9, v43, v39;
	(xrf1) =	vsort.ascd.msk.f32 $0xffff, v33, v37  }
0x661: {  	v44 =	vld [tilespmem:s16+$0x6860];
	vm10 =	vge.f32 v47, v36;
	(xrf1) =	vsort.dscd.msk.f32 $0xffff, v5, v6;
	v51, v50, _ =	vpop (xrf1)  }
0x662: {  	v40 =	vld [tilespmem:s16+$0x2860];
	v52 =	vsel vm10, v47, v36;
	v53 =	vsel vm10, v46, v17;
	vm11 =	vge.f32 v51, v45  }
0x663: {  	v49 =	vld [tilespmem:s14+$0x2830];
	v54, v55, _ =	vpop (xrf1);
	(xrf1) =	vsort.dscd.msk.f32 $0xffff, v52, v53;
	v4 =	vsel vm11, v51, v45;
	v58 =	vsel vm11, v50, v12  }
0x664: {  	s28 =	sor.u32 $0x2410, s2;
	v56 =	vld [tilespmem:s14+$0x6830];
	v10, v11, _ =	vpop (xrf1);
	(xrf1) =	vsort.dscd.msk.f32 $0xffff, v4, v58  }
0x665: {  	v59 =	vld [tilespmem:s28+$0x0];
	(xrf1) =	vsort.ascd.msk.f32 $0xffff, v3, v48;
	v3, v63, _ =	vpop (xrf1)  }
0x666: {  	v21 =	vld [tilespmem:s12+$0x6800];
	vm12 =	vge.f32 v10, v54;
	v23, v22, _ =	vpop (xrf1)  }
0x667: {  	v60 =	vld [tilespmem:s28+$0x4000];
	v61 =	vsel vm12, v10, v54;
	v62 =	vsel vm12, v11, v55;
	vm13 =	vge.f32 v23, v3  }
0x668: {  	v57 =	vld [tilespmem:s12+$0x2800];
	(xrf1) =	vsort.dscd.msk.f32 $0xffff, v61, v62;
	v25, v26, _ =	vpop (xrf1);
	v3 =	vsel vm13, v23, v3  }
0x669: {  	v24 =	vld [tilespmem:s17+$0x2060];
	(xrf1) =	vsort.ascd.msk.f32 $0xffff, v40, v44;
	v29, v28, _ =	vpop (xrf1)  }
0x66a: {  	v27 =	vld [tilespmem:s17+$0x6060];
	(xrf1) =	vsort.ascd.msk.f32 $0xffff, v49, v56;
	v30 =	vsel vm13, v22, v63;
	v31, v32, _ =	vpop (xrf1)  }
0x66b: {  	vm14 =	vge.f32 v29, v25;
	(xrf1) =	vsort.dscd.msk.f32 $0xffff, v3, v30;
	v3, v5, _ =	vpop (xrf1)  }
0x66c: {  	v9 =	vsel vm14, v29, v25;
	v33 =	vsel vm14, v28, v26;
	(xrf1) =	vsort.ascd.msk.f32 $0xffff, v59, v60;
	v4, v7, _ =	vpop (xrf1)  }
0x66d: {  	(xrf1) =	vsort.dscd.msk.f32 $0xffff, v9, v33;
	v36, v35, _ =	vpop (xrf1)  }
0x66e: {  	v34 =	vld [tilespmem:s9+$0x2030];
	(xrf1) =	vsort.ascd.msk.f32 $0xffff, v57, v21;
	vm15 =	vge.f32 v4, v31;
	v38, v39, _ =	vpop (xrf1)  }
0x66f: {  	v37 =	vld [tilespmem:s9+$0x6030];
	(xrf1) =	vsort.ascd.msk.f32 $0xffff, v24, v27;
	v4 =	vsel vm15, v4, v31;
	v7 =	vsel vm15, v7, v32;
	v41, v42, _ =	vpop (xrf1)  }
0x670: {  	vm4 =	vge.f32 v38, v3;
	(xrf1) =	vsort.dscd.msk.f32 $0xffff, v4, v7;
	v45, v44, _ =	vpop (xrf1)  }
0x671: {  	s29 =	sor.u32 $0x2450, s7;
	v3 =	vsel vm4, v38, v3;
	v43 =	vsel vm4, v39, v5;
	vm5 =	vge.f32 v45, v41  }
0x672: {  	v46 =	vld [tilespmem:s29+$0x4000];
	v40, _, _ =	vpop (xrf2);
	(xrf1) =	vsort.dscd.msk.f32 $0xffff, v3, v43;
	v5 =	vsel vm5, v45, v41  }
0x673: {  	v3 =	vld [tilespmem:s29+$0x0];
	v47, v48, _ =	vpop (xrf1)  }
0x674: {  	v50 =	vld [tilespmem:s16+$0x2870];
	vm1 =	vge.f32 v40, $8.000000000e+00;
	(xrf1) =	vsort.ascd.msk.f32 $0xffff, v34, v37;
	v49 =	vsel vm5, v44, v42;
	v9, v51, _ =	vpop (xrf1)  }
0x675: {  	s30 =	sor.u32 $0x2420, s2;
	v52 =	vld [tilespmem:s16+$0x6870];
	v2 =	vnsel vm1, $0xFF61B1E6, v2;
	vm6 =	vge.f32 v47, v36;
	(xrf1) =	vsort.dscd.msk.f32 $0xffff, v5, v49;
	v5, v6, _ =	vpop (xrf1)  }
0x676: {  	v58 =	vld [tilespmem:s30+$0x0];
	(xrf0) =	vmax.scan.msk.f32 $0xffff, v2;
	v53 =	vsel vm6, v47, v36;
	v54 =	vsel vm6, v48, v35;
	v55, v56, _ =	vpop (xrf1)  }
0x677: {  	v61 =	vld [tilespmem:s30+$0x4000];
	(xrf1) =	vsort.dscd.msk.f32 $0xffff, v53, v54;
	v60, v59, _ =	vpop (xrf1)  }
0x678: {  	v62 =	vld [tilespmem:s14+$0x6840];
	vm7 =	vge.f32 v55, v5;
	(xrf1) =	vsort.ascd.msk.f32 $0xffff, v3, v46;
	v3, v4, _ =	vpop (xrf1)  }
0x679: {  	v2 =	vld [tilespmem:s17+$0x2070];
	(xrf2) =	vadd.scan.msk.f32 $0xffff, v51;
	v5 =	vsel vm7, v55, v5;
	v6 =	vsel vm7, v56, v6;
	v24, v63, _ =	vpop (xrf1)  }
0x67a: {  	v57 =	vld [tilespmem:s14+$0x2840];
	(xrf1) =	vsort.dscd.msk.f32 $0xffff, v5, v6;
	v26, v25, _ =	vpop (xrf1);
	vm8 =	vge.f32 v24, v60  }
0x67b: {  	v27 =	vld [tilespmem:s17+$0x6070];
	(xrf1) =	vsort.ascd.msk.f32 $0xffff, v50, v52;
	v28, v29, _ =	vpop (xrf1);
	v6 =	vsel vm8, v24, v60;
	v30 =	vsel vm8, v63, v59  }
0x67c: {  	vm9 =	vge.f32 v28, v26;
	(xrf1) =	vsort.dscd.msk.f32 $0xffff, v6, v30  }
0x67d: {  	v32, v31, _ =	vpop (xrf1);
	v33 =	vsel vm9, v28, v26;
	v34 =	vsel vm9, v29, v25;
	(xrf1) =	vsort.ascd.msk.f32 $0xffff, v58, v61  }
0x67e: {  	v37, v36, _ =	vpop (xrf1);
	(xrf1) =	vsort.dscd.msk.f32 $0xffff, v33, v34  }
0x67f: {  	v40, v39, _ =	vpop (xrf1);
	(xrf1) =	vsort.ascd.msk.f32 $0xffff, v57, v62  }
0x680: {  	v38 =	vld [tilespmem:s12+$0x6810];
	vm10 =	vge.f32 v40, v3;
	v44, v43, _ =	vpop (xrf1);
	(xrf1) =	vsort.ascd.msk.f32 $0xffff, v2, v27  }
0x681: {  	v41 =	vld [tilespmem:s9+$0x2040];
	v3 =	vsel vm10, v40, v3;
	v4 =	vsel vm10, v39, v4;
	vm11 =	vge.f32 v44, v37  }
0x682: {  	v35 =	vld [tilespmem:s12+$0x2810];
	(xrf1) =	vsort.dscd.msk.f32 $0xffff, v3, v4;
	v3 =	vsel vm11, v44, v37  }
0x683: {  	v42 =	vld [tilespmem:s9+$0x6040];
	v45, _, _ =	vpop (xrf2)  }
0x684: {  	v47, v48, _ =	vpop (xrf1);
	v46 =	vsel vm11, v43, v36  }
0x685: {  	(xrf1) =	vsort.dscd.msk.f32 $0xffff, v3, v46;
	v3, v4, _ =	vpop (xrf1)  }
0x686: {  	s31 =	sor.u32 $0x2460, s7;
	v52, v51, _ =	vpop (xrf1)  }
0x687: {  	v49 =	vld [tilespmem:s31+$0x0];
	(xrf1) =	vsort.ascd.msk.f32 $0xffff, v35, v38;
	vm13 =	vge.f32 v3, v32;
	v54, v55, _ =	vpop (xrf1)  }
0x688: {  	s6 =	sor.u32 $0x2C00, s6;
	v50 =	vld [tilespmem:s31+$0x4000];
	vm12 =	vge.f32 v45, $8.000000000e+00;
	(xrf1) =	vsort.ascd.msk.f32 $0xffff, v41, v42;
	v3 =	vsel vm13, v3, v32;
	v4 =	vsel vm13, v4, v31;
	v10, v11, _ =	vpop (xrf1)  }
0x689: {  	v53 =	vld [tilespmem:s6+$0x0];
	v9 =	vnsel vm12, $0xFF61B1E6, v9;
	vm14 =	vge.f32 v52, v47;
	(xrf1) =	vsort.dscd.msk.f32 $0xffff, v3, v4;
	vm15 =	vge.f32 v10, v54  }
0x68a: {  	s16 =	sor.u32 $0x2430, s2;
	v2, _, _ =	vpop (xrf0);
	(xrf0) =	vmax.scan.msk.f32 $0xffff, v9;
	v3 =	vld [tilespmem:s6+$0x4000];
	v56 =	vsel vm14, v52, v47;
	v57 =	vsel vm14, v51, v48;
	v7 =	vsel vm15, v11, v55  }
0x68b: {  	v59 =	vld [tilespmem:s16+$0x4000];
	(xrf1) =	vsort.dscd.msk.f32 $0xffff, v56, v57;
	v6 =	vsel vm15, v10, v54  }
0x68c: {  	v58 =	vld [tilespmem:s16+$0x0];
	v13, v14, _ =	vpop (xrf1)  }
0x68d: {  	(xrf1) =	vsort.ascd.msk.f32 $0xffff, v49, v50;
	v61, v62, _ =	vpop (xrf1)  }
0x68e: {  	(xrf1) =	vsort.dscd.msk.f32 $0xffff, v6, v7;
	v6, v7, _ =	vpop (xrf1)  }
0x68f: {  	s23 =	sand.u32 $0xFFFFF000, s22;
	v60 =	vld [tilespmem:s14+$0x2850];
	vm4 =	vge.f32 v61, v13;
	(xrf1) =	vsort.ascd.msk.f32 $0xffff, v53, v3;
	v3, v5, _ =	vpop (xrf1)  }
0x690: {  	s6 =	sadd.s32 s23, s10;
	v63 =	vld [tilespmem:s14+$0x6850];
	v10 =	vsel vm4, v61, v13;
	v11 =	vsel vm4, v62, v14;
	v24, v23, _ =	vpop (xrf1)  }
0x691: {  	s10 =	sor.u32 $0x2400, s6;
	v21 =	vld [tilespmem:s12+$0x2820];
	(xrf1) =	vsort.dscd.msk.f32 $0xffff, v10, v11;
	v27, v26, _ =	vpop (xrf1)  }
0x692: {  	v22 =	vld [tilespmem:s10+$0x0];
	vm5 =	vge.f32 v3, v6;
	(xrf1) =	vsort.ascd.msk.f32 $0xffff, v58, v59;
	v28, v29, _ =	vpop (xrf1)  }
0x693: {  	v25 =	vld [tilespmem:s10+$0x4000];
	v3 =	vsel vm5, v3, v6;
	v5 =	vsel vm5, v5, v7;
	vm6 =	vge.f32 v28, v24  }
0x694: {  	v30 =	vld [tilespmem:s9+$0x2050];
	(xrf1) =	vsort.dscd.msk.f32 $0xffff, v3, v5;
	v5 =	vsel vm6, v29, v23  }
0x695: {  	v3 =	vld [tilespmem:s12+$0x6820];
	v33, v32, _ =	vpop (xrf1);
	(xrf1) =	vsort.ascd.msk.f32 $0xffff, v60, v63;
	v4 =	vsel vm6, v28, v24  }
0x696: {  	v31 =	vld [tilespmem:s9+$0x6050];
	v8, v12, _ =	vpop (xrf1);
	(xrf1) =	vsort.dscd.msk.f32 $0xffff, v4, v5  }
0x697: {  	vm7 =	vge.f32 v33, v27  }
0x698: {  	v9 =	vsel vm7, v33, v27;
	v34 =	vsel vm7, v32, v26;
	v4, v5, _ =	vpop (xrf1);
	(xrf1) =	vsort.ascd.msk.f32 $0xffff, v22, v25  }
0x699: {  	(xrf1) =	vsort.dscd.msk.f32 $0xffff, v9, v34;
	v36, v35, _ =	vpop (xrf1)  }
0x69a: {  	s24 =	sor.u32 $0x2470, s7;
	vm8 =	vge.f32 v36, v8;
	(xrf1) =	vsort.ascd.msk.f32 $0xffff, v21, v3;
	v39, v38, _ =	vpop (xrf1)  }
0x69b: {  	v37 =	vld [tilespmem:s24+$0x0];
	(xrf1) =	vsort.ascd.msk.f32 $0xffff, v30, v31;
	v40 =	vsel vm8, v36, v8;
	v41 =	vsel vm8, v35, v12;
	v44, v43, _ =	vpop (xrf1)  }
0x69c: {  	v3 =	vld [tilespmem:s24+$0x4000];
	vm9 =	vge.f32 v39, v4;
	(xrf1) =	vsort.dscd.msk.f32 $0xffff, v40, v41;
	v10, v12, _ =	vpop (xrf1)  }
0x69d: {  	s28 =	sor.u32 $0x2440, s2;
	v42 =	vld [tilespmem:s14+$0x2860];
	v4 =	vsel vm9, v39, v4;
	v5 =	vsel vm9, v38, v5;
	vm10 =	vge.f32 v10, v44  }
0x69e: {  	v46 =	vld [tilespmem:s28+$0x0];
	(xrf1) =	vsort.dscd.msk.f32 $0xffff, v4, v5;
	v8 =	vsel vm10, v12, v43  }
0x69f: {  	v49 =	vld [tilespmem:s28+$0x4000];
	v48, v47, _ =	vpop (xrf1);
	v7 =	vsel vm10, v10, v44  }
0x6a0: {  	v45 =	vld [tilespmem:s14+$0x6860];
	v52, v51, _ =	vpop (xrf1)  }
0x6a1: {  	v50 =	vld [tilespmem:s12+$0x2830];
	(xrf1) =	vsort.ascd.msk.f32 $0xffff, v37, v3;
	v3, v11, _ =	vpop (xrf1);
	vm11 =	vge.f32 v52, v48  }
0x6a2: {  	v53 =	vld [tilespmem:s12+$0x6830];
	(xrf1) =	vsort.dscd.msk.f32 $0xffff, v7, v8;
	v5 =	vsel vm11, v52, v48;
	v13 =	vsel vm11, v51, v47;
	v7, v8, _ =	vpop (xrf1)  }
0x6a3: {  	s29 =	sor.u32 $0x2410, s6;
	v54 =	vld [tilespmem:s13+$0x2800];
	(xrf1) =	vsort.dscd.msk.f32 $0xffff, v5, v13;
	vm12 =	vge.f32 v7, v3;
	v59, v58, _ =	vpop (xrf1)  }
0x6a4: {  	v55 =	vld [tilespmem:s29+$0x0];
	(xrf1) =	vsort.ascd.msk.f32 $0xffff, v46, v49;
	v3 =	vsel vm12, v7, v3;
	v57 =	vsel vm12, v8, v11;
	v60, v11, _ =	vpop (xrf1)  }
0x6a5: {  	v56 =	vld [tilespmem:s29+$0x4000];
	(xrf1) =	vsort.dscd.msk.f32 $0xffff, v3, v57;
	vm13 =	vge.f32 v60, v59  }
0x6a6: {  	v61 =	vld [tilespmem:s9+$0x2060];
	v63, v62, _ =	vpop (xrf1);
	(xrf1) =	vsort.ascd.msk.f32 $0xffff, v42, v45;
	v4 =	vsel vm13, v60, v59  }
0x6a7: {  	v3 =	vld [tilespmem:s13+$0x6800];
	v24 =	vsel vm13, v11, v58;
	v23, v22, _ =	vpop (xrf1);
	(xrf1) =	vsort.ascd.msk.f32 $0xffff, v50, v53  }
0x6a8: {  	v21 =	vld [tilespmem:s9+$0x6060];
	v26, v25, _ =	vpop (xrf1);
	(xrf1) =	vsort.dscd.msk.f32 $0xffff, v4, v24  }
0x6a9: {  	vm14 =	vge.f32 v23, v63;
	v4, v7, _ =	vpop (xrf1)  }
0x6aa: {  	v9 =	vsel vm14, v23, v63;
	v27 =	vsel vm14, v22, v62;
	(xrf1) =	vsort.ascd.msk.f32 $0xffff, v55, v56;
	v28, v29, _ =	vpop (xrf1)  }
0x6ab: {  	(xrf1) =	vsort.dscd.msk.f32 $0xffff, v9, v27;
	vm15 =	vge.f32 v28, v26  }
0x6ac: {  	(xrf1) =	vsort.ascd.msk.f32 $0xffff, v54, v3;
	v3, v30, _ =	vpop (xrf1);
	v5 =	vsel vm15, v28, v26  }
0x6ad: {  	(xrf1) =	vsort.ascd.msk.f32 $0xffff, v61, v21;
	vm4 =	vge.f32 v3, v4  }
0x6ae: {  	v31 =	vsel vm15, v29, v25;
	v3 =	vsel vm4, v3, v4  }
0x6af: {  	s30 =	sor.u32 $0x2450, s2;
	(xrf1) =	vsort.dscd.msk.f32 $0xffff, v5, v31;
	v5, v6, _ =	vpop (xrf1)  }
0x6b0: {  	v33 =	vld [tilespmem:s30+$0x0];
	v32 =	vsel vm4, v30, v7;
	v9, v10, _ =	vpop (xrf1)  }
0x6b1: {  	v34 =	vld [tilespmem:s30+$0x4000];
	(xrf1) =	vsort.dscd.msk.f32 $0xffff, v3, v32;
	v3, v4, _ =	vpop (xrf1)  }
0x6b2: {  	v36, v37, _ =	vpop (xrf1)  }
0x6b3: {  	v35 =	vld [tilespmem:s14+$0x2870];
	vm5 =	vge.f32 v9, v5;
	v40, v39, _ =	vpop (xrf1)  }
0x6b4: {  	s31 =	sor.u32 $0x2420, s6;
	v38 =	vld [tilespmem:s14+$0x6870];
	v5 =	vsel vm5, v9, v5;
	v6 =	vsel vm5, v10, v6;
	v44, v43, _ =	vpop (xrf1)  }
0x6b5: {  	v42 =	vld [tilespmem:s31+$0x0];
	(xrf1) =	vsort.dscd.msk.f32 $0xffff, v5, v6;
	v47, v46, _ =	vpop (xrf1)  }
0x6b6: {  	v45 =	vld [tilespmem:s31+$0x4000];
	vm6 =	vge.f32 v40, v36;
	(xrf1) =	vsort.ascd.msk.f32 $0xffff, v33, v34;
	v50, v49, _ =	vpop (xrf1)  }
0x6b7: {  	v12 =	vsel vm6, v40, v36;
	v13 =	vsel vm6, v39, v37;
	vm7 =	vge.f32 v50, v44  }
0x6b8: {  	v41 =	vld [tilespmem:s12+$0x2840];
	(xrf1) =	vsort.dscd.msk.f32 $0xffff, v12, v13;
	v52, v16, _ =	vpop (xrf1);
	v8 =	vsel vm7, v50, v44  }
0x6b9: {  	v48 =	vld [tilespmem:s12+$0x6840];
	(xrf1) =	vsort.ascd.msk.f32 $0xffff, v35, v38;
	v21, v22, _ =	vpop (xrf1);
	v54 =	vsel vm7, v49, v43  }
0x6ba: {  	v51 =	vld [tilespmem:s9+$0x2070];
	vm8 =	vge.f32 v21, v52;
	v11, v14, _ =	vpop (xrf1);
	(xrf1) =	vsort.dscd.msk.f32 $0xffff, v8, v54  }
0x6bb: {  	v53 =	vld [tilespmem:s9+$0x6070];
	v13 =	vsel vm8, v21, v52;
	v55 =	vsel vm8, v22, v16;
	v8, v10, _ =	vpop (xrf1);
	(xrf1) =	vsort.ascd.msk.f32 $0xffff, v42, v45  }
0x6bc: {  	(xrf1) =	vsort.dscd.msk.f32 $0xffff, v13, v55;
	_ =	sdelay $0x1  }
0x6bd: {  	v5, v9, _ =	vpop (xrf1)  }
0x6be: {  	vm9 =	vge.f32 v5, v47;
	(xrf1) =	vsort.ascd.msk.f32 $0xffff, v41, v48  }
0x6bf: {  	v59 =	vld [tilespmem:s13+$0x2810];
	v57, v56, _ =	vpop (xrf1);
	(xrf1) =	vsort.ascd.msk.f32 $0xffff, v51, v53;
	v5 =	vsel vm9, v5, v47;
	v58 =	vsel vm9, v9, v46  }
0x6c0: {  	s14 =	sor.u32 $0x2460, s2;
	v62 =	vld [tilespmem:s13+$0x6810];
	vm10 =	vge.f32 v57, v8;
	(xrf1) =	vsort.dscd.msk.f32 $0xffff, v5, v58  }
0x6c1: {  	v20 =	vld [tilespmem:s14+$0x4000];
	v60 =	vsel vm10, v57, v8;
	v61 =	vsel vm10, v56, v10  }
0x6c2: {  	s8 =	sor.u32 $0x2C00, s8;
	v63 =	vld [tilespmem:s14+$0x0];
	(xrf1) =	vsort.dscd.msk.f32 $0xffff, v60, v61  }
0x6c3: {  	v23 =	vld [tilespmem:s8+$0x0];
	v21, v22, _ =	vpop (xrf1)  }
0x6c4: {  	s16 =	sor.u32 $0x2430, s6;
	v26 =	vld [tilespmem:s8+$0x4000];
	vm11 =	vge.f32 v21, v11;
	v25, v24, _ =	vpop (xrf1)  }
0x6c5: {  	v31 =	vld [tilespmem:s16+$0x0];
	(xrf1) =	vsort.ascd.msk.f32 $0xffff, v59, v62;
	v27 =	vsel vm11, v21, v11;
	v28 =	vsel vm11, v22, v14;
	v29, v30, _ =	vpop (xrf1)  }
0x6c6: {  	v32 =	vld [tilespmem:s16+$0x4000];
	(xrf1) =	vsort.dscd.msk.f32 $0xffff, v27, v28;
	vm12 =	vge.f32 v29, v25;
	v5, v8, _ =	vpop (xrf1)  }
0x6c7: {  	(xrf1) =	vsort.ascd.msk.f32 $0xffff, v63, v20;
	v9 =	vsel vm12, v29, v25;
	v10 =	vsel vm12, v30, v24;
	v6, v7, _ =	vpop (xrf1)  }
0x6c8: {  	(xrf1) =	vsort.dscd.msk.f32 $0xffff, v9, v10;
	vm13 =	vge.f32 v6, v5;
	v35, v34, _ =	vpop (xrf1)  }
0x6c9: {  	s22 =	sand.u32 $0xFFFFF000, s26;
	(xrf1) =	vsort.ascd.msk.f32 $0xffff, v23, v26;
	v5 =	vsel vm13, v6, v5;
	v37 =	vsel vm13, v7, v8;
	v12, v16, _ =	vpop (xrf1)  }
0x6ca: {  	s8 =	sadd.s32 s22, s25;
	v33 =	vld [tilespmem:s12+$0x2850];
	(xrf1) =	vsort.dscd.msk.f32 $0xffff, v5, v37;
	vm14 =	vge.f32 v12, v35  }
0x6cb: {  	s23 =	sor.u32 $0x2400, s8;
	v36 =	vld [tilespmem:s12+$0x6850];
	(xrf1) =	vsort.ascd.msk.f32 $0xffff, v31, v32;
	v10 =	vsel vm14, v12, v35;
	v43 =	vsel vm14, v16, v34  }
0x6cc: {  	v40 =	vld [tilespmem:s23+$0x4000];
	v39, v17, _ =	vpop (xrf1);
	(xrf1) =	vsort.dscd.msk.f32 $0xffff, v10, v43  }
0x6cd: {  	v38 =	vld [tilespmem:s23+$0x0];
	v42, v41, _ =	vpop (xrf1)  }
0x6ce: {  	v45, v44, _ =	vpop (xrf1)  }
0x6cf: {  	vm15 =	vge.f32 v45, v39  }
0x6d0: {  	v50 =	vld [tilespmem:s13+$0x6820];
	v46, v13, _ =	vpop (xrf1);
	(xrf1) =	vsort.ascd.msk.f32 $0xffff, v33, v36;
	v8 =	vsel vm15, v45, v39;
	v47 =	vsel vm15, v44, v17  }
0x6d1: {  	v48 =	vld [tilespmem:s13+$0x2820];
	vm4 =	vge.f32 v46, v42;
	(xrf1) =	vsort.dscd.msk.f32 $0xffff, v8, v47  }
0x6d2: {  	s24 =	sor.u32 $0x2470, s2;
	v6 =	vsel vm4, v46, v42;
	v49 =	vsel vm4, v13, v41;
	(xrf1) =	vsort.ascd.msk.f32 $0xffff, v38, v40  }
0x6d3: {  	v55 =	vld [tilespmem:s24+$0x4000];
	v52, v51, _ =	vpop (xrf1);
	(xrf1) =	vsort.dscd.msk.f32 $0xffff, v6, v49  }
0x6d4: {  	v53 =	vld [tilespmem:s24+$0x0];
	v54, v11, _ =	vpop (xrf1)  }
0x6d5: {  	s25 =	sor.u32 $0x2440, s6;
	v57, v56, _ =	vpop (xrf1)  }
0x6d6: {  	v59 =	vld [tilespmem:s25+$0x0];
	vm5 =	vge.f32 v54, v52;
	(xrf1) =	vsort.ascd.msk.f32 $0xffff, v48, v50;
	v5, v8, _ =	vpop (xrf1)  }
0x6d7: {  	v62 =	vld [tilespmem:s25+$0x4000];
	v6 =	vsel vm5, v54, v52;
	v7 =	vsel vm5, v11, v51;
	vm6 =	vge.f32 v5, v57;
	v60, v61, _ =	vpop (xrf1)  }
0x6d8: {  	(xrf1) =	vsort.dscd.msk.f32 $0xffff, v6, v7;
	v5 =	vsel vm6, v5, v57;
	v21, v22, _ =	vpop (xrf1)  }
0x6d9: {  	v58 =	vld [tilespmem:s12+$0x2860];
	v8 =	vsel vm6, v8, v56;
	(xrf1) =	vsort.ascd.msk.f32 $0xffff, v53, v55;
	v25, v24, _ =	vpop (xrf1);
	vm7 =	vge.f32 v21, v60  }
0x6da: {  	v63 =	vld [tilespmem:s12+$0x6860];
	(xrf1) =	vsort.dscd.msk.f32 $0xffff, v5, v8;
	v7 =	vsel vm7, v21, v60;
	v29 =	vsel vm7, v22, v61;
	v28, v27, _ =	vpop (xrf1)  }
0x6db: {  	v23 =	vld [tilespmem:s13+$0x2830];
	(xrf1) =	vsort.dscd.msk.f32 $0xffff, v7, v29;
	vm8 =	vge.f32 v28, v25  }
0x6dc: {  	s26 =	sor.u32 $0x2410, s8;
	v26 =	vld [tilespmem:s13+$0x6830];
	(xrf1) =	vsort.ascd.msk.f32 $0xffff, v59, v62;
	v8 =	vsel vm8, v28, v25;
	v32 =	vsel vm8, v27, v24  }
0x6dd: {  	v30 =	vld [tilespmem:s26+$0x0];
	(xrf1) =	vsort.dscd.msk.f32 $0xffff, v8, v32  }
0x6de: {  	v31 =	vld [tilespmem:s26+$0x4000];
	v34, v33, _ =	vpop (xrf1)  }
0x6df: {  	v8, v10, _ =	vpop (xrf1)  }
0x6e0: {  	(xrf1) =	vsort.ascd.msk.f32 $0xffff, v58, v63;
	v35, v36, _ =	vpop (xrf1);
	vm9 =	vge.f32 v8, v34  }
0x6e1: {  	(xrf1) =	vsort.ascd.msk.f32 $0xffff, v23, v26;
	v6, v15, _ =	vpop (xrf1);
	v37 =	vsel vm9, v8, v34;
	v38 =	vsel vm9, v10, v33  }
0x6e2: {  	vm10 =	vge.f32 v6, v35;
	(xrf1) =	vsort.dscd.msk.f32 $0xffff, v37, v38  }
0x6e3: {  	v41 =	vld [tilespmem:s15+$0x2800];
	v39 =	vsel vm10, v6, v35;
	v40 =	vsel vm10, v15, v36;
	(xrf1) =	vsort.ascd.msk.f32 $0xffff, v30, v31  }
0x6e4: {  	v42 =	vld [tilespmem:s15+$0x6800];
	(xrf1) =	vsort.dscd.msk.f32 $0xffff, v39, v40  }
0x6e5: {  	v43, v44, _ =	vpop (xrf1)  }
0x6e6: {  	s28 =	sor.u32 $0x2450, s6;
	v46, v45, _ =	vpop (xrf1)  }
0x6e7: {  	v49 =	vld [tilespmem:s28+$0x0];
	v47, v48, _ =	vpop (xrf1)  }
0x6e8: {  	v50 =	vld [tilespmem:s28+$0x4000];
	vm11 =	vge.f32 v46, v43;
	v15, v16, _ =	vpop (xrf1)  }
0x6e9: {  	(xrf1) =	vsort.ascd.msk.f32 $0xffff, v41, v42;
	v51 =	vsel vm11, v46, v43;
	v52 =	vsel vm11, v45, v44;
	v5, v6, _ =	vpop (xrf1)  }
0x6ea: {  	(xrf1) =	vsort.dscd.msk.f32 $0xffff, v51, v52;
	vm12 =	vge.f32 v15, v47;
	v55, v54, _ =	vpop (xrf1)  }
0x6eb: {  	v13 =	vsel vm12, v15, v47;
	v14 =	vsel vm12, v16, v48;
	v57, v12, _ =	vpop (xrf1)  }
0x6ec: {  	v56 =	vld [tilespmem:s12+$0x6870];
	(xrf1) =	vsort.dscd.msk.f32 $0xffff, v13, v14;
	vm13 =	vge.f32 v57, v55  }
0x6ed: {  	s29 =	sor.u32 $0x2420, s8;
	v53 =	vld [tilespmem:s12+$0x2870];
	(xrf1) =	vsort.ascd.msk.f32 $0xffff, v49, v50;
	v8 =	vsel vm13, v57, v55;
	v23 =	vsel vm13, v12, v54  }
0x6ee: {  	v61 =	vld [tilespmem:s29+$0x4000];
	v60, v59, _ =	vpop (xrf1);
	(xrf1) =	vsort.dscd.msk.f32 $0xffff, v8, v23  }
0x6ef: {  	v58 =	vld [tilespmem:s29+$0x0];
	v63, v62, _ =	vpop (xrf1)  }
0x6f0: {  	v11, v12, _ =	vpop (xrf1)  }
0x6f1: {  	v8, v10, _ =	vpop (xrf1);
	vm14 =	vge.f32 v11, v60  }
0x6f2: {  	(xrf1) =	vsort.ascd.msk.f32 $0xffff, v53, v56;
	v17, v18, _ =	vpop (xrf1);
	v11 =	vsel vm14, v11, v60;
	v12 =	vsel vm14, v12, v59  }
0x6f3: {  	vm15 =	vge.f32 v17, v8;
	(xrf1) =	vsort.dscd.msk.f32 $0xffff, v11, v12  }
0x6f4: {  	v27 =	vld [tilespmem:s13+$0x6840];
	v24 =	vsel vm15, v17, v8;
	v25 =	vsel vm15, v18, v10;
	(xrf1) =	vsort.ascd.msk.f32 $0xffff, v58, v61  }
0x6f5: {  	v26 =	vld [tilespmem:s13+$0x2840];
	(xrf1) =	vsort.dscd.msk.f32 $0xffff, v24, v25  }
0x6f6: {  	v28 =	vld [tilespmem:s15+$0x2810]  }
0x6f7: {  	v31 =	vld [tilespmem:s15+$0x6810];
	v30, v29, _ =	vpop (xrf1)  }
0x6f8: {  	v13, v15, _ =	vpop (xrf1)  }
0x6f9: {  	vm4 =	vge.f32 v13, v63  }
0x6fa: {  	s30 =	sor.u32 $0x2460, s6;
	(xrf1) =	vsort.ascd.msk.f32 $0xffff, v26, v27;
	v34 =	vsel vm4, v13, v63;
	v35 =	vsel vm4, v15, v62;
	v13, v14, _ =	vpop (xrf1)  }
0x6fb: {  	v32 =	vld [tilespmem:s30+$0x0];
	(xrf1) =	vsort.dscd.msk.f32 $0xffff, v34, v35;
	v7, v8, _ =	vpop (xrf1)  }
0x6fc: {  	s31 =	sor.u32 $0x2C00, s5;
	v33 =	vld [tilespmem:s30+$0x4000];
	vm5 =	vge.f32 v13, v30;
	(xrf1) =	vsort.ascd.msk.f32 $0xffff, v28, v31;
	v41, v40, _ =	vpop (xrf1)  }
0x6fd: {  	v37 =	vld [tilespmem:s31+$0x4000];
	v38 =	vsel vm5, v13, v30;
	v39 =	vsel vm5, v14, v29;
	vm6 =	vge.f32 v41, v7  }
0x6fe: {  	s10 =	sor.u32 $0x2430, s8;
	v36 =	vld [tilespmem:s31+$0x0];
	(xrf1) =	vsort.dscd.msk.f32 $0xffff, v38, v39;
	v8 =	vsel vm6, v40, v8  }
0x6ff: {  	v42 =	vld [tilespmem:s10+$0x0];
	v7 =	vsel vm6, v41, v7  }
0x700: {  	v43 =	vld [tilespmem:s10+$0x4000];
	v44, v14, _ =	vpop (xrf1)  }
0x701: {  	(xrf1) =	vsort.ascd.msk.f32 $0xffff, v32, v33;
	v45, v46, _ =	vpop (xrf1)  }
0x702: {  	(xrf1) =	vsort.dscd.msk.f32 $0xffff, v7, v8;
	v7, v8, _ =	vpop (xrf1);
	vm7 =	vge.f32 v45, v44  }
0x703: {  	(xrf1) =	vsort.ascd.msk.f32 $0xffff, v36, v37;
	v48, v47, _ =	vpop (xrf1);
	v10 =	vsel vm7, v45, v44;
	v49 =	vsel vm7, v46, v14  }
0x704: {  	vm8 =	vge.f32 v48, v7;
	(xrf1) =	vsort.dscd.msk.f32 $0xffff, v10, v49  }
0x705: {  	v51 =	vld [tilespmem:s13+$0x6850];
	v7 =	vsel vm8, v48, v7;
	v8 =	vsel vm8, v47, v8;
	(xrf1) =	vsort.ascd.msk.f32 $0xffff, v42, v43  }
0x706: {  	v50 =	vld [tilespmem:s13+$0x2850];
	(xrf1) =	vsort.dscd.msk.f32 $0xffff, v7, v8;
	_ =	sdelay $0x1  }
0x707: {  	v52 =	vld [tilespmem:s15+$0x2820];
	v10, v11, _ =	vpop (xrf1)  }
0x708: {  	v53 =	vld [tilespmem:s15+$0x6820];
	v55, v54, _ =	vpop (xrf1)  }
0x709: {  	vm9 =	vge.f32 v55, v10  }
0x70a: {  	s12 =	sor.u32 $0x2470, s6;
	(xrf1) =	vsort.ascd.msk.f32 $0xffff, v50, v51;
	v56, v57, _ =	vpop (xrf1);
	v10 =	vsel vm9, v55, v10;
	v11 =	vsel vm9, v54, v11  }
0x70b: {  	v59 =	vld [tilespmem:s12+$0x4000];
	v7, v8, _ =	vpop (xrf1);
	(xrf1) =	vsort.dscd.msk.f32 $0xffff, v10, v11  }
0x70c: {  	v58 =	vld [tilespmem:s12+$0x0];
	vm10 =	vge.f32 v7, v56  }
0x70d: {  	(xrf1) =	vsort.ascd.msk.f32 $0xffff, v52, v53;
	v7 =	vsel vm10, v7, v56;
	v8 =	vsel vm10, v8, v57  }
0x70e: {  	s14 =	sor.u32 $0x2440, s8;
	(xrf1) =	vsort.dscd.msk.f32 $0xffff, v7, v8;
	v10, v11, _ =	vpop (xrf1)  }
0x70f: {  	v60 =	vld [tilespmem:s14+$0x0];
	v9, v12, _ =	vpop (xrf1)  }
0x710: {  	v63 =	vld [tilespmem:s14+$0x4000];
	v61, v62, _ =	vpop (xrf1)  }
0x711: {  	(xrf1) =	vsort.ascd.msk.f32 $0xffff, v58, v59;
	vm11 =	vge.f32 v9, v10;
	v21, v22, _ =	vpop (xrf1)  }
0x712: {  	v20 =	vsel vm11, v9, v10;
	v23 =	vsel vm11, v12, v11;
	v11, v12, _ =	vpop (xrf1);
	vm12 =	vge.f32 v21, v61  }
0x713: {  	v25 =	vld [tilespmem:s13+$0x2860];
	(xrf1) =	vsort.dscd.msk.f32 $0xffff, v20, v23;
	v7, v10, _ =	vpop (xrf1);
	v8 =	vsel vm12, v21, v61;
	v9 =	vsel vm12, v22, v62  }
0x714: {  	v26 =	vld [tilespmem:s13+$0x6860];
	vm13 =	vge.f32 v7, v11;
	(xrf1) =	vsort.dscd.msk.f32 $0xffff, v8, v9  }
0x715: {  	v27 =	vld [tilespmem:s15+$0x2830];
	v7 =	vsel vm13, v7, v11;
	v24 =	vsel vm13, v10, v12;
	(xrf1) =	vsort.ascd.msk.f32 $0xffff, v60, v63  }
0x716: {  	v28 =	vld [tilespmem:s15+$0x6830];
	(xrf1) =	vsort.dscd.msk.f32 $0xffff, v7, v24;
	_ =	sdelay $0x1  }
0x717: {  	v29 =	vld [tilespmem:s17+$0x2800];
	v31, v30, _ =	vpop (xrf1)  }
0x718: {  	v32 =	vld [tilespmem:s17+$0x6800];
	v33, v34, _ =	vpop (xrf1)  }
0x719: {  	(xrf1) =	vsort.ascd.msk.f32 $0xffff, v25, v26;
	vm14 =	vge.f32 v33, v31  }
0x71a: {  	(xrf1) =	vsort.ascd.msk.f32 $0xffff, v27, v28;
	v37, v38, _ =	vpop (xrf1);
	v35 =	vsel vm14, v33, v31;
	v36 =	vsel vm14, v34, v30  }
0x71b: {  	v7, v8, _ =	vpop (xrf1);
	(xrf1) =	vsort.dscd.msk.f32 $0xffff, v35, v36  }
0x71c: {  	vm15 =	vge.f32 v7, v37  }
0x71d: {  	(xrf1) =	vsort.ascd.msk.f32 $0xffff, v29, v32;
	v7 =	vsel vm15, v7, v37;
	v8 =	vsel vm15, v8, v38  }
0x71e: {  	s16 =	sor.u32 $0x2450, s8;
	v39, v40, _ =	vpop (xrf1);
	(xrf1) =	vsort.dscd.msk.f32 $0xffff, v7, v8  }
0x71f: {  	v41 =	vld [tilespmem:s16+$0x0]  }
0x720: {  	v42 =	vld [tilespmem:s16+$0x4000];
	v43, v44, _ =	vpop (xrf1)  }
0x721: {  	v7, v8, _ =	vpop (xrf1)  }
0x722: {  	vm4 =	vge.f32 v43, v39;
	v11, v14, _ =	vpop (xrf1)  }
0x723: {  	v9 =	vsel vm4, v43, v39;
	v10 =	vsel vm4, v44, v40;
	v45, v46, _ =	vpop (xrf1)  }
0x724: {  	(xrf1) =	vsort.dscd.msk.f32 $0xffff, v9, v10;
	vm5 =	vge.f32 v45, v11  }
0x725: {  	v49 =	vld [tilespmem:s13+$0x2870];
	(xrf1) =	vsort.ascd.msk.f32 $0xffff, v41, v42;
	v47 =	vsel vm5, v45, v11;
	v48 =	vsel vm5, v46, v14  }
0x726: {  	v50 =	vld [tilespmem:s13+$0x6870];
	(xrf1) =	vsort.dscd.msk.f32 $0xffff, v47, v48  }
0x727: {  	v11, v12, _ =	vpop (xrf1)  }
0x728: {  	v51 =	vld [tilespmem:s15+$0x2840];
	v52, v53, _ =	vpop (xrf1)  }
0x729: {  	v54 =	vld [tilespmem:s15+$0x6840];
	v55, v56, _ =	vpop (xrf1)  }
0x72a: {  	vm6 =	vge.f32 v55, v11  }
0x72b: {  	(xrf1) =	vsort.ascd.msk.f32 $0xffff, v49, v50;
	v9, v10, _ =	vpop (xrf1);
	v11 =	vsel vm6, v55, v11;
	v12 =	vsel vm6, v56, v12  }
0x72c: {  	v59, v18, _ =	vpop (xrf1);
	(xrf1) =	vsort.dscd.msk.f32 $0xffff, v11, v12  }
0x72d: {  	vm7 =	vge.f32 v59, v52  }
0x72e: {  	v57 =	vld [tilespmem:s17+$0x2810];
	(xrf1) =	vsort.ascd.msk.f32 $0xffff, v51, v54;
	v12 =	vsel vm7, v59, v52;
	v62 =	vsel vm7, v18, v53  }
0x72f: {  	s22 =	sor.u32 $0x2460, s8;
	v58 =	vld [tilespmem:s17+$0x6810];
	(xrf1) =	vsort.dscd.msk.f32 $0xffff, v12, v62  }
0x730: {  	v61 =	vld [tilespmem:s22+$0x4000]  }
0x731: {  	v60 =	vld [tilespmem:s22+$0x0]  }
0x732: {  	v12, v13, _ =	vpop (xrf1)  }
0x733: {  	vm8 =	vge.f32 v12, v9;
	v63, v18, _ =	vpop (xrf1)  }
0x734: {  	(xrf1) =	vsort.ascd.msk.f32 $0xffff, v57, v58;
	v9 =	vsel vm8, v12, v9;
	v10 =	vsel vm8, v13, v10;
	v21, v22, _ =	vpop (xrf1)  }
0x735: {  	s23 =	sor.u32 $0x2C00, s7;
	(xrf1) =	vsort.dscd.msk.f32 $0xffff, v9, v10;
	vm9 =	vge.f32 v21, v63  }
0x736: {  	v25 =	vld [tilespmem:s23+$0x0];
	(xrf1) =	vsort.ascd.msk.f32 $0xffff, v60, v61;
	v23 =	vsel vm9, v21, v63;
	v24 =	vsel vm9, v22, v18  }
0x737: {  	v26 =	vld [tilespmem:s23+$0x4000];
	(xrf1) =	vsort.dscd.msk.f32 $0xffff, v23, v24;
	_ =	sdelay $0x1  }
0x738: {  	v29 =	vld [tilespmem:s15+$0x2850];
	v27, v28, _ =	vpop (xrf1)  }
0x739: {  	v32 =	vld [tilespmem:s15+$0x6850];
	v30, v31, _ =	vpop (xrf1)  }
0x73a: {  	vm10 =	vge.f32 v30, v27  }
0x73b: {  	(xrf1) =	vsort.ascd.msk.f32 $0xffff, v25, v26;
	v37, v36, _ =	vpop (xrf1);
	v34 =	vsel vm10, v30, v27;
	v35 =	vsel vm10, v31, v28  }
0x73c: {  	v39, v15, _ =	vpop (xrf1);
	(xrf1) =	vsort.dscd.msk.f32 $0xffff, v34, v35  }
0x73d: {  	vm11 =	vge.f32 v39, v37  }
0x73e: {  	v33 =	vld [tilespmem:s17+$0x2820];
	v11 =	vsel vm11, v39, v37;
	v42 =	vsel vm11, v15, v36;
	(xrf1) =	vsort.ascd.msk.f32 $0xffff, v29, v32  }
0x73f: {  	s24 =	sor.u32 $0x2470, s8;
	v38 =	vld [tilespmem:s17+$0x6820];
	(xrf1) =	vsort.dscd.msk.f32 $0xffff, v11, v42  }
0x740: {  	v40 =	vld [tilespmem:s24+$0x0]  }
0x741: {  	v41 =	vld [tilespmem:s24+$0x4000];
	v44, v43, _ =	vpop (xrf1)  }
0x742: {  	v11, v12, _ =	vpop (xrf1)  }
0x743: {  	vm12 =	vge.f32 v11, v44;
	v45, v46, _ =	vpop (xrf1)  }
0x744: {  	(xrf1) =	vsort.ascd.msk.f32 $0xffff, v33, v38;
	v47 =	vsel vm12, v11, v44;
	v48 =	vsel vm12, v12, v43;
	v49, v50, _ =	vpop (xrf1)  }
0x745: {  	(xrf1) =	vsort.dscd.msk.f32 $0xffff, v47, v48;
	vm13 =	vge.f32 v49, v45  }
0x746: {  	(xrf1) =	vsort.ascd.msk.f32 $0xffff, v40, v41;
	v51 =	vsel vm13, v49, v45;
	v52 =	vsel vm13, v50, v46  }
0x747: {  	v53 =	vld [tilespmem:s15+$0x2860];
	(xrf1) =	vsort.dscd.msk.f32 $0xffff, v51, v52  }
0x748: {  	v54 =	vld [tilespmem:s15+$0x6860]  }
0x749: {  	v57 =	vld [tilespmem:s17+$0x2830];
	v55, v56, _ =	vpop (xrf1)  }
0x74a: {  	v60 =	vld [tilespmem:s17+$0x6830];
	v58, v59, _ =	vpop (xrf1)  }
0x74b: {  	vm14 =	vge.f32 v58, v55  }
0x74c: {  	v62, v63, _ =	vpop (xrf1);
	v11 =	vsel vm14, v58, v55;
	v12 =	vsel vm14, v59, v56  }
0x74d: {  	v23, v22, _ =	vpop (xrf1);
	(xrf1) =	vsort.dscd.msk.f32 $0xffff, v11, v12  }
0x74e: {  	vm15 =	vge.f32 v23, v62;
	(xrf1) =	vsort.ascd.msk.f32 $0xffff, v53, v54  }
0x74f: {  	v61 =	vld [tilespmem:s9+$0x2800];
	v24 =	vsel vm15, v23, v62;
	v25 =	vsel vm15, v22, v63;
	(xrf1) =	vsort.ascd.msk.f32 $0xffff, v57, v60  }
0x750: {  	v21 =	vld [tilespmem:s9+$0x6800];
	(xrf1) =	vsort.dscd.msk.f32 $0xffff, v24, v25;
	_ =	sdelay $0x1  }
0x751: {  	v27, v26, _ =	vpop (xrf1)  }
0x752: {  	v9, v10, _ =	vpop (xrf1)  }
0x753: {  	vm4 =	vge.f32 v9, v27;
	v28, v29, _ =	vpop (xrf1)  }
0x754: {  	(xrf1) =	vsort.ascd.msk.f32 $0xffff, v61, v21;
	v9 =	vsel vm4, v9, v27;
	v10 =	vsel vm4, v10, v26;
	v30, v31, _ =	vpop (xrf1)  }
0x755: {  	(xrf1) =	vsort.dscd.msk.f32 $0xffff, v9, v10;
	vm5 =	vge.f32 v30, v28  }
0x756: {  	v32 =	vsel vm5, v30, v28;
	v33 =	vsel vm5, v31, v29  }
0x757: {  	(xrf1) =	vsort.dscd.msk.f32 $0xffff, v32, v33;
	_ =	sdelay $0x1  }
0x758: {  	v34 =	vld [tilespmem:s15+$0x2870]  }
0x759: {  	v35 =	vld [tilespmem:s15+$0x6870];
	v9, v10, _ =	vpop (xrf1)  }
0x75a: {  	v36, v37, _ =	vpop (xrf1)  }
0x75b: {  	v16, v39, _ =	vpop (xrf1)  }
0x75c: {  	v19, v20, _ =	vpop (xrf1)  }
0x75d: {  	vm6 =	vge.f32 v19, v36  }
0x75e: {  	v38 =	vld [tilespmem:s17+$0x2840];
	(xrf1) =	vsort.ascd.msk.f32 $0xffff, v34, v35;
	v13 =	vsel vm6, v19, v36;
	v14 =	vsel vm6, v20, v37  }
0x75f: {  	v40 =	vld [tilespmem:s17+$0x6840];
	(xrf1) =	vsort.dscd.msk.f32 $0xffff, v13, v14  }
0x760: {  	v42 =	vld [tilespmem:s9+$0x6810]  }
0x761: {  	v41 =	vld [tilespmem:s9+$0x2810];
	v11, v12, _ =	vpop (xrf1)  }
0x762: {  	v13, v14, _ =	vpop (xrf1)  }
0x763: {  	vm7 =	vge.f32 v13, v16  }
0x764: {  	(xrf1) =	vsort.ascd.msk.f32 $0xffff, v38, v40;
	v13 =	vsel vm7, v13, v16;
	v14 =	vsel vm7, v14, v39;
	v43, v44, _ =	vpop (xrf1)  }
0x765: {  	(xrf1) =	vsort.dscd.msk.f32 $0xffff, v13, v14;
	vm8 =	vge.f32 v43, v11  }
0x766: {  	(xrf1) =	vsort.ascd.msk.f32 $0xffff, v41, v42;
	v11 =	vsel vm8, v43, v11;
	v12 =	vsel vm8, v44, v12  }
0x767: {  	(xrf1) =	vsort.dscd.msk.f32 $0xffff, v11, v12  }
0x768: {  	s2 =	sor.u32 $0x2C00, s2  }
0x769: {  	v45 =	vld [tilespmem:s2+$0x0]  }
0x76a: {  	v46 =	vld [tilespmem:s2+$0x4000];
	_ =	sdelay $0x1  }
0x76b: {  	v13, v14, _ =	vpop (xrf1)  }
0x76c: {  	v49, v48, _ =	vpop (xrf1)  }
0x76d: {  	vm9 =	vge.f32 v49, v13  }
0x76e: {  	v47 =	vld [tilespmem:s17+$0x2850];
	(xrf1) =	vsort.ascd.msk.f32 $0xffff, v45, v46;
	v52 =	vsel vm9, v49, v13;
	v53 =	vsel vm9, v48, v14  }
0x76f: {  	v50 =	vld [tilespmem:s17+$0x6850];
	(xrf1) =	vsort.dscd.msk.f32 $0xffff, v52, v53  }
0x770: {  	v51 =	vld [tilespmem:s9+$0x2820]  }
0x771: {  	v56 =	vld [tilespmem:s9+$0x6820];
	v54, v55, _ =	vpop (xrf1)  }
0x772: {  	v11, v12, _ =	vpop (xrf1)  }
0x773: {  	vm10 =	vge.f32 v11, v54;
	v58, v57, _ =	vpop (xrf1)  }
0x774: {  	(xrf1) =	vsort.ascd.msk.f32 $0xffff, v47, v50;
	v11 =	vsel vm10, v11, v54;
	v12 =	vsel vm10, v12, v55;
	v59, v60, _ =	vpop (xrf1)  }
0x775: {  	(xrf1) =	vsort.dscd.msk.f32 $0xffff, v11, v12;
	vm11 =	vge.f32 v59, v58  }
0x776: {  	(xrf1) =	vsort.ascd.msk.f32 $0xffff, v51, v56;
	v61 =	vsel vm11, v59, v58;
	v62 =	vsel vm11, v60, v57  }
0x777: {  	(xrf1) =	vsort.dscd.msk.f32 $0xffff, v61, v62;
	_ =	sdelay $0x4  }
0x778: {  	v22, v23, _ =	vpop (xrf1)  }
0x779: {  	v63 =	vld [tilespmem:s17+$0x2860];
	v25, v26, _ =	vpop (xrf1)  }
0x77a: {  	v24 =	vld [tilespmem:s9+$0x2830];
	vm12 =	vge.f32 v25, v22  }
0x77b: {  	v21 =	vld [tilespmem:s17+$0x6860];
	v14 =	vsel vm12, v26, v23  }
0x77c: {  	v27 =	vld [tilespmem:s9+$0x6830];
	v13 =	vsel vm12, v25, v22;
	_ =	sdelay $0x1  }
0x77d: {  	v28, v29, _ =	vpop (xrf1)  }
0x77e: {  	(xrf1) =	vsort.dscd.msk.f32 $0xffff, v13, v14;
	v13, v14, _ =	vpop (xrf1)  }
0x77f: {  	(xrf1) =	vsort.ascd.msk.f32 $0xffff, v63, v21;
	vm13 =	vge.f32 v13, v28;
	v11, v12, _ =	vpop (xrf1)  }
0x780: {  	(xrf1) =	vsort.ascd.msk.f32 $0xffff, v24, v27;
	v13 =	vsel vm13, v13, v28;
	v14 =	vsel vm13, v14, v29;
	v30, v31, _ =	vpop (xrf1)  }
0x781: {  	(xrf1) =	vsort.dscd.msk.f32 $0xffff, v13, v14;
	vm14 =	vge.f32 v30, v11  }
0x782: {  	v11 =	vsel vm14, v30, v11;
	v12 =	vsel vm14, v31, v12  }
0x783: {  	(xrf1) =	vsort.dscd.msk.f32 $0xffff, v11, v12;
	_ =	sdelay $0x7  }
0x784: {  	v32 =	vld [tilespmem:s17+$0x2870]  }
0x785: {  	v33 =	vld [tilespmem:s17+$0x6870];
	v13, v14, _ =	vpop (xrf1)  }
0x786: {  	v34 =	vld [tilespmem:s9+$0x2840];
	v36, v35, _ =	vpop (xrf1)  }
0x787: {  	v38 =	vld [tilespmem:s9+$0x6840];
	v18, v37, _ =	vpop (xrf1)  }
0x788: {  	v40, v39, _ =	vpop (xrf1)  }
0x789: {  	vm15 =	vge.f32 v40, v36  }
0x78a: {  	(xrf1) =	vsort.ascd.msk.f32 $0xffff, v32, v33;
	v16 =	vsel vm15, v40, v36;
	v17 =	vsel vm15, v39, v35;
	v11, v12, _ =	vpop (xrf1)  }
0x78b: {  	(xrf1) =	vsort.dscd.msk.f32 $0xffff, v16, v17;
	vm4 =	vge.f32 v11, v18  }
0x78c: {  	(xrf1) =	vsort.ascd.msk.f32 $0xffff, v34, v38;
	v11 =	vsel vm4, v11, v18;
	v12 =	vsel vm4, v12, v37  }
0x78d: {  	(xrf1) =	vsort.dscd.msk.f32 $0xffff, v11, v12;
	_ =	sdelay $0x6  }
0x78e: {  	s25 =	sor.u32 $0x2C00, s6  }
0x78f: {  	v41 =	vld [tilespmem:s25+$0x0]  }
0x790: {  	v42 =	vld [tilespmem:s25+$0x4000]  }
0x791: {  	v43 =	vld [tilespmem:s9+$0x2850]  }
0x792: {  	v44 =	vld [tilespmem:s9+$0x6850];
	v16, v17, _ =	vpop (xrf1)  }
0x793: {  	v46, v45, _ =	vpop (xrf1)  }
0x794: {  	vm5 =	vge.f32 v46, v16;
	v47, v48, _ =	vpop (xrf1)  }
0x795: {  	(xrf1) =	vsort.ascd.msk.f32 $0xffff, v41, v42;
	v49 =	vsel vm5, v46, v16;
	v50 =	vsel vm5, v45, v17;
	v51, v52, _ =	vpop (xrf1)  }
0x796: {  	(xrf1) =	vsort.dscd.msk.f32 $0xffff, v49, v50;
	vm6 =	vge.f32 v51, v47  }
0x797: {  	(xrf1) =	vsort.ascd.msk.f32 $0xffff, v43, v44;
	v53 =	vsel vm6, v51, v47;
	v54 =	vsel vm6, v52, v48  }
0x798: {  	(xrf1) =	vsort.dscd.msk.f32 $0xffff, v53, v54;
	_ =	sdelay $0x9  }
0x799: {  	v55 =	vld [tilespmem:s9+$0x2860]  }
0x79a: {  	v56 =	vld [tilespmem:s9+$0x6860];
	v58, v57, _ =	vpop (xrf1)  }
0x79b: {  	v59, v60, _ =	vpop (xrf1)  }
0x79c: {  	vm7 =	vge.f32 v59, v58;
	v61, v62, _ =	vpop (xrf1)  }
0x79d: {  	v15 =	vsel vm7, v59, v58;
	v16 =	vsel vm7, v60, v57;
	v63, v21, _ =	vpop (xrf1)  }
0x79e: {  	(xrf1) =	vsort.dscd.msk.f32 $0xffff, v15, v16;
	vm8 =	vge.f32 v63, v61  }
0x79f: {  	(xrf1) =	vsort.ascd.msk.f32 $0xffff, v55, v56;
	v22 =	vsel vm8, v63, v61;
	v23 =	vsel vm8, v21, v62  }
0x7a0: {  	(xrf1) =	vsort.dscd.msk.f32 $0xffff, v22, v23;
	_ =	sdelay $0x9  }
0x7a1: {  	v25 =	vld [tilespmem:s9+$0x6870]  }
0x7a2: {  	v24 =	vld [tilespmem:s9+$0x2870]  }
0x7a3: {  	v15, v16, _ =	vpop (xrf1)  }
0x7a4: {  	v26, v27, _ =	vpop (xrf1)  }
0x7a5: {  	v28, v29, _ =	vpop (xrf1)  }
0x7a6: {  	vm9 =	vge.f32 v28, v26  }
0x7a7: {  	(xrf1) =	vsort.ascd.msk.f32 $0xffff, v24, v25;
	v17 =	vsel vm9, v28, v26;
	v18 =	vsel vm9, v29, v27  }
0x7a8: {  	(xrf1) =	vsort.dscd.msk.f32 $0xffff, v17, v18;
	_ =	sdelay $0x8  }
0x7a9: {  	s26 =	sor.u32 $0x2C00, s8  }
0x7aa: {  	v30 =	vld [tilespmem:s26+$0x0]  }
0x7ab: {  	v31 =	vld [tilespmem:s26+$0x4000];
	_ =	sdelay $0x1  }
0x7ac: {  	v17, v18, _ =	vpop (xrf1)  }
0x7ad: {  	v32, v33, _ =	vpop (xrf1)  }
0x7ae: {  	vm10 =	vge.f32 v32, v17  }
0x7af: {  	(xrf1) =	vsort.ascd.msk.f32 $0xffff, v30, v31;
	v34 =	vsel vm10, v32, v17;
	v35 =	vsel vm10, v33, v18  }
0x7b0: {  	(xrf1) =	vsort.dscd.msk.f32 $0xffff, v34, v35;
	_ =	sdelay $0xc  }
0x7b1: {  	v11, v12, _ =	vpop (xrf1)  }
0x7b2: {  	v36, v37, _ =	vpop (xrf1)  }
0x7b3: {  	vm11 =	vge.f32 v36, v11  }
0x7b4: {  	v11 =	vsel vm11, v36, v11;
	v12 =	vsel vm11, v37, v12  }
0x7b5: {  	(xrf1) =	vsort.dscd.msk.f32 $0xffff, v11, v12;
	_ =	sdelay $0x8  }
0x7b6: {  	(xrf2) =	vadd.scan.msk.f32 $0xffff, v4  }
0x7b7: {  	(xrf2) =	vadd.scan.msk.f32 $0xffff, v6  }
0x7b8: {  	(xrf2) =	vadd.scan.msk.f32 $0xffff, v8  }
0x7b9: {  	(xrf2) =	vadd.scan.msk.f32 $0xffff, v10  }
0x7ba: {  	(xrf2) =	vadd.scan.msk.f32 $0xffff, v14  }
0x7bb: {  	(xrf2) =	vadd.scan.msk.f32 $0xffff, v16;
	v38, v39, _ =	vpop (xrf1)  }
0x7bc: {  	(xrf2) =	vadd.scan.msk.f32 $0xffff, v39;
	_ =	sdelay $0x3  }
0x7bd: {  	v40, _, _ =	vpop (xrf2)  }
0x7be: {  	vm12 =	vge.f32 v40, $8.000000000e+00;
	v42, _, _ =	vpop (xrf2)  }
0x7bf: {  	v3 =	vnsel vm12, $0xFF61B1E6, v3;
	vm13 =	vge.f32 v42, $8.000000000e+00;
	v44, _, _ =	vpop (xrf2)  }
0x7c0: {  	(xrf0) =	vmax.scan.msk.f32 $0xffff, v3;
	v3 =	vnsel vm13, $0xFF61B1E6, v5;
	v46, _, _ =	vpop (xrf2);
	vm14 =	vge.f32 v44, $8.000000000e+00  }
0x7c1: {  	v2 =	vbroadcast v2, $0xF;
	(xrf0) =	vmax.scan.msk.f32 $0xffff, v3;
	v48, _, _ =	vpop (xrf2);
	v3 =	vnsel vm14, $0xFF61B1E6, v7;
	vm15 =	vge.f32 v46, $8.000000000e+00  }
0x7c2: {  	v41 =	vmov s11;
	(xrf0) =	vmax.scan.msk.f32 $0xffff, v3;
	v3 =	vnsel vm15, $0xFF61B1E6, v9;
	vm4 =	vge.f32 v48, $8.000000000e+00;
	v50, _, _ =	vpop (xrf2)  }
0x7c3: {  	v45 =	vmov s21;
	(xrf0) =	vmax.scan.msk.f32 $0xffff, v3;
	v3 =	vnsel vm4, $0xFF61B1E6, v13;
	vm5 =	vge.f32 v50, $8.000000000e+00;
	v52, _, _ =	vpop (xrf2)  }
0x7c4: {  	v49 =	vmov s20;
	(xrf0) =	vmax.scan.msk.f32 $0xffff, v3;
	v3 =	vnsel vm5, $0xFF61B1E6, v15;
	vm6 =	vge.f32 v52, $8.000000000e+00  }
0x7c5: {  	v43 =	vmov s1;
	v47 =	vmov s3;
	v55, _, _ =	vpop (xrf0);
	(xrf0) =	vmax.scan.msk.f32 $0xffff, v3;
	v3 =	vnsel vm6, $0xFF61B1E6, v38  }
0x7c6: {  	v51 =	vmov s19;
	v53 =	vmov s4;
	v54 =	vmov s18  }
0x7c7: {  	vm12 =	veq.s32 v51, v0;
	vm7 =	veq.s32 v41, v0;
	v57 =	vbroadcast v55, $0xF;
	v58, _, _ =	vpop (xrf0);
	(xrf0) =	vmax.scan.msk.f32 $0xffff, v3  }
0x7c8: {  	v1 =	vsel vm7, v2, v1;
	vm8 =	veq.s32 v43, v0;
	v2 =	vbroadcast v58, $0xF;
	v3, _, _ =	vpop (xrf0)  }
0x7c9: {  	v1 =	vsel vm8, v57, v1;
	vm9 =	veq.s32 v45, v0;
	v59, _, _ =	vpop (xrf0);
	v3 =	vbroadcast v3, $0xF  }
0x7ca: {  	v1 =	vsel vm9, v2, v1;
	vm10 =	veq.s32 v47, v0;
	v60, _, _ =	vpop (xrf0);
	v2 =	vbroadcast v59, $0xF  }
0x7cb: {  	vm11 =	veq.s32 v49, v0;
	v61, _, _ =	vpop (xrf0);
	v1 =	vsel vm10, v3, v1;
	v3 =	vbroadcast v60, $0xF  }
0x7cc: {  	vm13 =	veq.s32 v53, v0;
	v62, _, _ =	vpop (xrf0);
	v1 =	vsel vm11, v2, v1;
	v2 =	vbroadcast v61, $0xF  }
0x7cd: {  	vm14 =	veq.s32 v54, v0;
	v1 =	vsel vm12, v3, v1;
	v3 =	vbroadcast v62, $0xF;
	v63, _, _ =	vpop (xrf0)  }
0x7ce: {  	v56 =	vmov s0;
	v1 =	vsel vm13, v2, v1;
	v2 =	vbroadcast v63, $0xF  }
0x7cf: {  	vm15 =	veq.s32 v56, v0;
	v1 =	vsel vm14, v3, v1  }
0x7d0: {  	s28 =	rddreg [dreg:$0xa];
	v1 =	vsel vm15, v2, v1  }
0x7d1: {  	s6 =	simm.s32 $0x0;
	s29 =	simm.s32 $0x8000;
	s2 =	simm.s32 $0x1;
	[tilespmem:$0x8010] =	vst v1  }
0x7d2: {  	[hbm4b:s28+s6] =	stream.linear.scatter [tilespmem:s29], [sflag:$0x1], $0x20, $0x38;
	[tilespmem:$0x8080] =	vst v63  }
0x7d3: {  	_ =	swait.ge [sflag:s2], $0x20  }
0x7d4: {  	s30 =	rddreg [dreg:$0xc]  }
0x7d5: {  	s31 =	rddreg [dreg:$0xb];
	s1 =	sadd.s32 $0x1, s30  }
0x7d6: {  	p0 =	sne.s32 s1, s31  }
.Ltmp2:
0x7d7: {  	_ = 	snop;
	(pc) =	sbr.rel @p0 .LBB2_1-.Ltmp2, $3  }
0x7d8: {  	_ =	sdelay $0x1  }
0x7d9: {  	[sflag:s2] =	ssyncset.done $0x0  }
0x7da: {  	[sflag:s2] =	ssyncadd.s32 $0xFFFFFFE0  }
0x7db: {  	_ =	sfence.sel $0x180000  }
0x7dc: {  	[bflag:$0x0] =	sbarrier.arrive $0xFFFF  }
0x7dd: {  	_ =	strace $0x90000047  }
0x7de: {  	s0 =	stileid.u32;
	[bflag:$0x2] =	sbarrier.arrive $0xFFFF  }
0x7df: {  	p0 =	sne.s32 s0, $0x0;
	s0 =	rddreg [dreg:$0x2]  }
0x7e0: {  	s0 =	sadd.s32 @!p0 $0x100000, s0  }
0x7e1: {  	[sflag:s0] =	ssyncadd.tile.s32 @!p0 $0x1;
	_ =	shalt  }
.Lfunc_end2:
_tile_overlayer_lowered:
.L_overlay_start_2:
0x7e2: {  	(tag) =	ssettag $0x2  }
0x7e3: {  	s0 =	rddreg [dreg:$0x0];
	s2 =	stileid.u32  }
0x7e4: {  	s1 =	rddreg [dreg:$0x1];
	p0 =	sne.s32 s2, $0x0  }
0x7e5: {  	s3 =	rddreg [dreg:$0x2];
	[bflag:$0x3] =	sbarrier.arrive $0xFFFF;
	s2 =	simm.s32 @!p0 $0x1C01  }
0x7e6: {  	[timem:s3], [sflag:s2] =	dma.local @!p0 [hbm:s0], s1  }
0x7e7: {  	s0 =	simm.s32 @!p0 $0x1  }
0x7e8: {  	_ =	swait.ge @!p0 [sflag:s0], s1  }
0x7e9: {  	s1 =	ssub.s32 @!p0 $0x0, s1;
	[sflag:s0] =	ssyncset.done @!p0 $0x0  }
0x7ea: {  	[sflag:s0] =	ssyncadd.s32 @!p0 s1  }
0x7eb: {  	[bflag:$0x3] =	sbarrier.arrive $0xFFFF  }
0x7ec: {  	_ =	shalt  }

</sc_bundles>
